<compile_context>
chip_gen: v7x
topology: tpu7x:2x2x1
jax: 0.10.2.dev20260603
libtpu: 0.0.44.dev20260713+nightly
codegen_flags: <defaults>
</compile_context>

<pallas_src>
import functools

import jax
import jax.numpy as jnp
from jax import lax
from jax.experimental import pallas as pl
from jax.experimental.pallas import tpu as pltpu
from jax.experimental.pallas import tpu_sc as plsc

NC = 2
NS = 16
LANES = 16
NW = NC * NS
CHUNK = 128


def _leaky(v):
    return jnp.where(v >= 0, v, 0.01 * v)


def _sc_mesh():
    return plsc.VectorSubcoreMesh(core_axis_name="c", subcore_axis_name="s")


def _deg_call(col3, ew3, npad, nch):

    @functools.partial(
        pl.kernel,
        out_type=jax.ShapeDtypeStruct((NW, npad), jnp.float32),
        mesh=_sc_mesh(),
        compiler_params=pltpu.CompilerParams(needs_layout_passes=False),
        scratch_types=[
            pltpu.VMEM((nch, CHUNK), jnp.int32),
            pltpu.VMEM((nch, CHUNK), jnp.float32),
            pltpu.VMEM((npad,), jnp.float32),
        ],
    )
    def deg_k(col3_hbm, ew3_hbm, degp_hbm, colv, ewv, acc):
        cid = lax.axis_index("c")
        sid = lax.axis_index("s")
        wid = sid * NC + cid
        pltpu.sync_copy(col3_hbm.at[wid], colv)
        pltpu.sync_copy(ew3_hbm.at[wid], ewv)

        zv16 = jnp.zeros((LANES,), jnp.float32)

        def zero(i, carry):
            acc[pl.ds(i * LANES, LANES)] = zv16
            return carry

        lax.fori_loop(0, npad // LANES, zero, 0)

        def chunk(j, carry):
            for t in range(CHUNK // LANES):
                sl = pl.ds(t * LANES, LANES)
                plsc.addupdate_scatter(acc, [colv[j, sl]], ewv[j, sl])
            return carry

        lax.fori_loop(0, nch, chunk, 0)
        pltpu.sync_copy(acc, degp_hbm.at[wid])

    return deg_k(col3, ew3)


def _prop1_call(row3, col3, ew3, xls, zrow, npad, nch, h, hreal):
    rpt = npad // NS
    SUB = CHUNK // 2

    @functools.partial(
        pl.kernel,
        out_type=jax.ShapeDtypeStruct((NC, npad, h), jnp.float32),
        mesh=_sc_mesh(),
        scratch_types=[
            pltpu.VMEM((nch, CHUNK), jnp.int32),
            pltpu.VMEM((nch, CHUNK), jnp.int32),
            pltpu.VMEM((nch, CHUNK), jnp.float32),
            pltpu.VMEM((SUB, h), jnp.float32),
            pltpu.VMEM((SUB, h), jnp.float32),
            pltpu.SemaphoreType.DMA,
            pltpu.SemaphoreType.DMA,
            pltpu.VMEM_SHARED((npad, h), jnp.float32),
        ],
    )
    def prop1_k(row3_hbm, col3_hbm, ew3_hbm, xls_hbm, zrow_hbm, hacc_hbm,
                rowv, colv, ewv, buf0, buf1, sem0, sem1, acc):
        cid = lax.axis_index("c")
        sid = lax.axis_index("s")
        wid = sid * NC + cid
        pltpu.sync_copy(row3_hbm.at[wid], rowv)
        pltpu.sync_copy(col3_hbm.at[wid], colv)
        pltpu.sync_copy(ew3_hbm.at[wid], ewv)
        for q in range(rpt // CHUNK):
            pltpu.sync_copy(
                zrow_hbm, acc.at[pl.ds(sid * rpt + q * CHUNK, CHUNK)])
        plsc.subcore_barrier()

        def scale_scatter(j, half, buf):
            def scale(t, c2):
                w16 = ewv[j, pl.ds(half * SUB + t * LANES, LANES)]
                for i in range(LANES):
                    e = t * LANES + i
                    s = w16[i]
                    for q in range(hreal // LANES):
                        sl = pl.ds(q * LANES, LANES)
                        buf[e, sl] = buf[e, sl] * s
                return c2

            lax.fori_loop(0, SUB // LANES, scale, 0)
            pltpu.sync_copy(
                buf, acc.at[colv.at[j, pl.ds(half * SUB, SUB)]], add=True)

        pltpu.async_copy(
            xls_hbm.at[rowv.at[0, pl.ds(0, SUB)]], buf0, sem0)

        def step(j, carry):
            pltpu.make_async_copy(
                xls_hbm.at[rowv.at[j, pl.ds(0, SUB)]], buf0, sem0).wait()
            pltpu.async_copy(
                xls_hbm.at[rowv.at[j, pl.ds(SUB, SUB)]], buf1, sem1)
            scale_scatter(j, 0, buf0)
            pltpu.make_async_copy(
                xls_hbm.at[rowv.at[j, pl.ds(SUB, SUB)]], buf1, sem1).wait()
            jn = jnp.where(j + 1 < nch, j + 1, 0)
            pltpu.async_copy(
                xls_hbm.at[rowv.at[jn, pl.ds(0, SUB)]], buf0, sem0)
            scale_scatter(j, 1, buf1)
            return carry

        lax.fori_loop(0, nch, step, 0)
        pltpu.make_async_copy(
            xls_hbm.at[rowv.at[0, pl.ds(0, SUB)]], buf0, sem0).wait()
        plsc.subcore_barrier()
        for q in range(rpt // SUB):
            off = sid * rpt + q * SUB
            pltpu.sync_copy(acc.at[pl.ds(off, SUB)], buf0)
            pltpu.sync_copy(buf0, hacc_hbm.at[cid, pl.ds(off, SUB)])

    return prop1_k(row3, col3, ew3, xls, zrow)


def _prop2_call(row3, col3, ew3, x2s, npad, nch):

    @functools.partial(
        pl.kernel,
        out_type=jax.ShapeDtypeStruct((NW, npad), jnp.float32),
        mesh=_sc_mesh(),
        compiler_params=pltpu.CompilerParams(needs_layout_passes=False),
        scratch_types=[
            pltpu.VMEM((nch, CHUNK), jnp.int32),
            pltpu.VMEM((nch, CHUNK), jnp.int32),
            pltpu.VMEM((nch, CHUNK), jnp.float32),
            pltpu.VMEM((npad,), jnp.float32),
            pltpu.VMEM((npad,), jnp.float32),
        ],
    )
    def prop2_k(row3_hbm, col3_hbm, ew3_hbm, x2s_hbm, aacc_hbm,
                rowv, colv, ewv, x2v, acc):
        cid = lax.axis_index("c")
        sid = lax.axis_index("s")
        wid = sid * NC + cid
        pltpu.sync_copy(row3_hbm.at[wid], rowv)
        pltpu.sync_copy(col3_hbm.at[wid], colv)
        pltpu.sync_copy(ew3_hbm.at[wid], ewv)
        pltpu.sync_copy(x2s_hbm, x2v)

        zv16 = jnp.zeros((LANES,), jnp.float32)

        def zero(i, carry):
            acc[pl.ds(i * LANES, LANES)] = zv16
            return carry

        lax.fori_loop(0, npad // LANES, zero, 0)

        def chunk(j, carry):
            for t in range(CHUNK // LANES):
                sl = pl.ds(t * LANES, LANES)
                vals = plsc.load_gather(x2v, [rowv[j, sl]])
                plsc.addupdate_scatter(
                    acc, [colv[j, sl]], vals * ewv[j, sl])
            return carry

        lax.fori_loop(0, nch, chunk, 0)
        pltpu.sync_copy(acc, aacc_hbm.at[wid])

    return prop2_k(row3, col3, ew3, x2s)


def _lin1_call(xp, w1, degp, npad, d, h):
    blk = 256
    grid = (npad // blk,)

    def body(x_ref, w1_ref, degp_ref, xls_ref, dinv_ref):
        deg = jnp.sum(degp_ref[...], axis=0) + 1.0
        dinv = jnp.where(deg > 0, lax.rsqrt(deg), 0.0)
        xl = jnp.dot(x_ref[...], w1_ref[...], preferred_element_type=jnp.float32)
        xls_ref[...] = xl * dinv[:, None]
        dinv_ref[...] = dinv[None, :]

    return pl.pallas_call(
        body,
        grid=grid,
        in_specs=[
            pl.BlockSpec((blk, d), lambda i: (i, 0)),
            pl.BlockSpec((d, h), lambda i: (0, 0)),
            pl.BlockSpec((NW, blk), lambda i: (0, i)),
        ],
        out_specs=[
            pl.BlockSpec((blk, h), lambda i: (i, 0)),
            pl.BlockSpec((1, blk), lambda i: (0, i)),
        ],
        out_shape=[
            jax.ShapeDtypeStruct((npad, h), jnp.float32),
            jax.ShapeDtypeStruct((1, npad), jnp.float32),
        ],
    )(xp, w1, degp)


def _lin2_call(hacc, xls, dinv, b1r, w2r, npad, h):
    blk = 256
    grid = (npad // blk,)

    def body(accp_ref, xls_ref, dinv_ref, b1_ref, w2_ref, x2s_ref):
        ea = accp_ref[0] + accp_ref[1]
        dinv = dinv_ref[0, :]
        pre = dinv[:, None] * (ea + xls_ref[...]) + b1_ref[0, :][None, :]
        h1 = _leaky(pre)
        xl2 = jnp.sum(h1 * w2_ref[0, :][None, :], axis=1)
        x2s_ref[...] = (dinv * xl2)[None, :]

    return pl.pallas_call(
        body,
        grid=grid,
        in_specs=[
            pl.BlockSpec((NC, blk, h), lambda i: (0, i, 0)),
            pl.BlockSpec((blk, h), lambda i: (i, 0)),
            pl.BlockSpec((1, blk), lambda i: (0, i)),
            pl.BlockSpec((1, h), lambda i: (0, 0)),
            pl.BlockSpec((1, h), lambda i: (0, 0)),
        ],
        out_specs=pl.BlockSpec((1, blk), lambda i: (0, i)),
        out_shape=jax.ShapeDtypeStruct((1, npad), jnp.float32),
    )(hacc, xls, dinv, b1r, w2r)


def _head_call(ap, x2, dv, b2r, wf1, bf1r, wf2, bf2r, n, d2, out):
    nchk = ap.shape[0]
    nw = ap.shape[1]
    ch = ap.shape[2]

    def body(ap_ref, x2_ref, dv_ref, b2_ref, wf1_ref, bf1_ref,
             wf2_ref, bf2_ref, out_ref, z1):
        i = pl.program_id(0)
        asum = jnp.sum(ap_ref[0], axis=0)
        pre = dv_ref[0, 0, :] * (asum + x2_ref[0, 0, :]) + b2_ref[0, 0]
        h2 = _leaky(pre)
        part = jnp.dot(h2[None, :], wf1_ref[...],
                       preferred_element_type=jnp.float32)

        @pl.when(i == 0)
        def _():
            z1[0:1, :] = part

        @pl.when(i > 0)
        def _():
            z1[0:1, :] = z1[0:1, :] + part

        @pl.when(i == pl.num_programs(0) - 1)
        def _():
            zz = z1[0:1, :] + bf1_ref[...]
            aa = _leaky(zz)
            z2 = jnp.dot(aa, wf2_ref[...],
                         preferred_element_type=jnp.float32) + bf2_ref[...]
            a2 = _leaky(z2)
            m = jnp.max(a2, axis=1, keepdims=True)
            ex = jnp.exp(a2 - m)
            out_ref[...] = ex / jnp.sum(ex, axis=1, keepdims=True)

    return pl.pallas_call(
        body,
        grid=(nchk,),
        in_specs=[
            pl.BlockSpec((1, nw, ch), lambda i: (i, 0, 0)),
            pl.BlockSpec((1, 1, ch), lambda i: (i, 0, 0)),
            pl.BlockSpec((1, 1, ch), lambda i: (i, 0, 0)),
            pl.BlockSpec((1, 1), lambda i: (0, 0)),
            pl.BlockSpec((ch, d2), lambda i: (i, 0)),
            pl.BlockSpec((1, d2), lambda i: (0, 0)),
            pl.BlockSpec(wf2.shape, lambda i: (0, 0)),
            pl.BlockSpec((1, out), lambda i: (0, 0)),
        ],
        out_specs=pl.BlockSpec((1, out), lambda i: (0, 0)),
        out_shape=jax.ShapeDtypeStruct((1, out), jnp.float32),
        scratch_shapes=[pltpu.VMEM((8, d2), jnp.float32)],
    )(ap, x2, dv, b2r, wf1, bf1r, wf2, bf2r)


def kernel(x, edge_index, edge_attr, batch, W1, b1, W2, b2, Wf1, bf1, Wf2, bf2):
    n, d = x.shape
    h = W1.shape[1]
    d2 = Wf1.shape[1]
    out = Wf2.shape[1]
    edges = edge_index.shape[1]

    npad = -(-n // (NS * CHUNK)) * (NS * CHUNK)
    nch = -(-edges // (NW * CHUNK))
    nch = nch + (nch % 2)
    epad = NW * nch * CHUNK - edges

    row = edge_index[0]
    col = edge_index[1]
    pidx = jnp.arange(epad, dtype=jnp.int32) % n
    rowp = jnp.concatenate([row, pidx]).reshape(NW, nch, CHUNK)
    colp = jnp.concatenate([col, pidx]).reshape(NW, nch, CHUNK)
    ewp = jnp.concatenate(
        [edge_attr, jnp.zeros((epad,), jnp.float32)]).reshape(NW, nch, CHUNK)

    hpad = 128
    W1p = jnp.pad(W1, ((0, 0), (0, hpad - h)))
    b1p = jnp.pad(b1, (0, hpad - h))
    W2p = jnp.pad(W2.reshape(-1), (0, hpad - h))

    zrow = jnp.zeros((CHUNK, hpad), jnp.float32)
    xp = jnp.pad(x, ((0, npad - n), (0, 0)))

    degp = _deg_call(colp, ewp, npad, nch)
    xls, dinv = _lin1_call(xp, W1p, degp, npad, d, hpad)

    hacc = _prop1_call(rowp, colp, ewp, xls, zrow, npad, nch, hpad, h)
    x2s = _lin2_call(hacc, xls, dinv, b1p.reshape(1, hpad),
                     W2p.reshape(1, hpad), npad, hpad)

    aacc = _prop2_call(rowp, colp, ewp, x2s.reshape(npad), npad, nch)

    ch = 2000
    ng = n // ch
    ap = aacc[:, :n].reshape(NW, ng, ch).transpose(1, 0, 2)
    x2r = x2s[0, :n].reshape(ng, 1, ch)
    dvr = dinv[0, :n].reshape(ng, 1, ch)
    return _head_call(ap, x2r, dvr, b2.reshape(1, 1), Wf1,
                      bf1.reshape(1, d2), Wf2, bf2.reshape(1, out),
                      n, d2, out)

# --- scband reference (transcript-rebuilt; emitter-appended) ---
"""Pipeline reference for scband-gcn-net-23914377904223 (READ-ONLY COPY).

The authoritative reference and input builder live on the scoring server;
editing this copy changes nothing except your own understanding.
"""

import jax, jax.numpy as jnp
import numpy as np

N = 10000
E = 320000
D = 128
H = 64
NG = 1
OUT = 10


def leaky_relu(x, slope=0.01):
    return jnp.where(x >= 0, x, slope * x)


def gcn_conv(x, edge_index, edge_weight, W, b, num_nodes):
    # PyG GCNConv: lin(x) -> symmetric-normalized propagation with self-loops -> + bias
    row = edge_index[0]
    col = edge_index[1]
    loop = jnp.arange(num_nodes, dtype=edge_index.dtype)
    row = jnp.concatenate([row, loop])
    col = jnp.concatenate([col, loop])
    ew = jnp.concatenate([edge_weight, jnp.ones((num_nodes,), dtype=edge_weight.dtype)])
    deg = jnp.zeros((num_nodes,), dtype=x.dtype).at[col].add(ew)
    dinv = jnp.where(deg > 0, deg ** -0.5, 0.0)
    norm = dinv[row] * ew * dinv[col]
    xl = x @ W  # linear without bias
    msg = xl[row] * norm[:, None]
    out = jnp.zeros((num_nodes, W.shape[1]), dtype=x.dtype).at[col].add(msg)
    return out + b


def setup_inputs(seed: int = 0):
    key = jax.random.key(seed)
    ks = jax.random.split(key, 12)
    x = jax.random.normal(ks[0], (N, D), dtype=jnp.float32)
    edge_index = jax.random.randint(ks[1], (2, E), 0, N, dtype=jnp.int32)
    edge_attr = jax.random.uniform(ks[2], (E,), dtype=jnp.float32)
    batch = jnp.zeros((N,), dtype=jnp.int32)
    W1 = jax.random.normal(ks[3], (D, H), dtype=jnp.float32) * (1.0 / np.sqrt(D))
    b1 = jnp.zeros((H,), dtype=jnp.float32)
    W2 = jax.random.normal(ks[4], (H, 1), dtype=jnp.float32) * (1.0 / np.sqrt(H))
    b2 = jnp.zeros((1,), dtype=jnp.float32)
    Wf1 = jax.random.normal(ks[5], (N, 128), dtype=jnp.float32) * (1.0 / np.sqrt(N))
    bf1 = jnp.zeros((128,), dtype=jnp.float32)
    Wf2 = jax.random.normal(ks[6], (128, OUT), dtype=jnp.float32) * (1.0 / np.sqrt(128))
    bf2 = jnp.zeros((OUT,), dtype=jnp.float32)
    return {"x": x, "edge_index": edge_index, "edge_attr": edge_attr, "batch": batch,
            "W1": W1, "b1": b1, "W2": W2, "b2": b2,
            "Wf1": Wf1, "bf1": bf1, "Wf2": Wf2, "bf2": bf2}


def reference(x, edge_index, edge_attr, batch, W1, b1, W2, b2, Wf1, bf1, Wf2, bf2):
    h = gcn_conv(x, edge_index, edge_attr, W1, b1, N)
    h = leaky_relu(h)
    # dropout is identity in eval mode
    h = gcn_conv(h, edge_index, edge_attr, W2, b2, N)
    h = leaky_relu(h)
    h = h.reshape(NG, -1)
    h = h @ Wf1 + bf1
    h = leaky_relu(h)
    h = h @ Wf2 + bf2
    h = leaky_relu(h)
    return jax.nn.softmax(h, axis=1)

if __name__ == "__main__":
    import jax
    _d = setup_inputs()
    print(jax.jit(kernel)(*tuple(_d.values())))

</pallas_src>

<mosaic_0001>
#map = affine_map<(d0, d1) -> (0, 0, 0)>
#map1 = affine_map<(d0, d1) -> (0)>
#map2 = affine_map<(d0, d1) -> (0, 0)>
module attributes {stable_mosaic.version = 14 : i64} {
  func.func @prop2_k(%arg0: i32, %arg1: i32, %arg2: memref<32x80x128xi32, #tpu.memory_space<hbm>>, %arg3: memref<32x80x128xi32, #tpu.memory_space<hbm>>, %arg4: memref<32x80x128xf32, #tpu.memory_space<hbm>>, %arg5: memref<10240xf32, #tpu.memory_space<hbm>>, %arg6: memref<32x10240xf32, #tpu.memory_space<hbm>>, %arg7: memref<80x128xi32, #tpu.memory_space<vmem>>, %arg8: memref<80x128xi32, #tpu.memory_space<vmem>>, %arg9: memref<80x128xf32, #tpu.memory_space<vmem>>, %arg10: memref<10240xf32, #tpu.memory_space<vmem>>, %arg11: memref<10240xf32, #tpu.memory_space<vmem>>) attributes {dimension_semantics = [#tpu.dimension_semantics<core_parallel>, #tpu.dimension_semantics<subcore_parallel>], iteration_bounds = array<i64: 2, 16>, scalar_prefetch = 0 : i64, scratch_operands = 5 : i64, tpu.core_type = #tpu.core_type<sc_vector_subcore>, window_params = [{transform_indices = #map}, {transform_indices = #map}, {transform_indices = #map}, {transform_indices = #map1}, {transform_indices = #map2}]} {
    %mul3A = arith.constant 2 : i32
    %mul3A_0 = arith.muli %arg1, %mul3A : i32
    %add3A = arith.addi %mul3A_0, %arg0 : i32
    "tpu.region"() ({
      %run_scoped3A = tpu.sem_alloc : memref<!tpu.dma_semaphore, #tpu.memory_space<semaphore_mem>>
      %dma_start3A = arith.constant 0 : i32
      %dma_start3A_13 = arith.constant 0 : i32
      %dma_start3A_14 = tpu.memref_slice %arg2[%add3A, %dma_start3A, %dma_start3A_13] : memref<32x80x128xi32, #tpu.memory_space<hbm>> -> memref<1x80x128xi32, #tpu.memory_space<hbm>>
      %dma_start3A_15 = tpu.memref_squeeze %dma_start3A_14 : memref<1x80x128xi32, #tpu.memory_space<hbm>> -> memref<80x128xi32, #tpu.memory_space<hbm>>
      %dma_start3A_16 = arith.constant 0 : i32
      %dma_start3A_17 = arith.constant 0 : i32
      %dma_start3A_18 = tpu.memref_slice %arg2[%add3A, %dma_start3A_16, %dma_start3A_17] : memref<32x80x128xi32, #tpu.memory_space<hbm>> -> memref<1x80x128xi32, #tpu.memory_space<hbm>>
      %dma_start3A_19 = tpu.memref_squeeze %dma_start3A_18 : memref<1x80x128xi32, #tpu.memory_space<hbm>> -> memref<80x128xi32, #tpu.memory_space<hbm>>
      tpu.enqueue_dma source(%dma_start3A_19 : memref<80x128xi32, #tpu.memory_space<hbm>>) target(%arg7 : memref<80x128xi32, #tpu.memory_space<vmem>>) target_semaphore(%run_scoped3A : memref<!tpu.dma_semaphore, #tpu.memory_space<semaphore_mem>>)
      %dma_wait3A = arith.constant 0 : i32
      %dma_wait3A_20 = arith.constant 0 : i32
      %dma_wait3A_21 = tpu.memref_slice %arg2[%add3A, %dma_wait3A, %dma_wait3A_20] : memref<32x80x128xi32, #tpu.memory_space<hbm>> -> memref<1x80x128xi32, #tpu.memory_space<hbm>>
      %dma_wait3A_22 = tpu.memref_squeeze %dma_wait3A_21 : memref<1x80x128xi32, #tpu.memory_space<hbm>> -> memref<80x128xi32, #tpu.memory_space<hbm>>
      %dma_wait3A_23 = arith.constant 0 : i32
      %dma_wait3A_24 = arith.constant 0 : i32
      %dma_wait3A_25 = tpu.memref_slice %arg2[%add3A, %dma_wait3A_23, %dma_wait3A_24] : memref<32x80x128xi32, #tpu.memory_space<hbm>> -> memref<1x80x128xi32, #tpu.memory_space<hbm>>
      %dma_wait3A_26 = tpu.memref_squeeze %dma_wait3A_25 : memref<1x80x128xi32, #tpu.memory_space<hbm>> -> memref<80x128xi32, #tpu.memory_space<hbm>>
      tpu.wait_dma2 semaphore(%run_scoped3A : memref<!tpu.dma_semaphore, #tpu.memory_space<semaphore_mem>>) src(%dma_wait3A_26 : memref<80x128xi32, #tpu.memory_space<hbm>>) dst(%arg7 : memref<80x128xi32, #tpu.memory_space<vmem>>)
      tpu.yield
    }) : () -> ()
    "tpu.region"() ({
      %run_scoped3A = tpu.sem_alloc : memref<!tpu.dma_semaphore, #tpu.memory_space<semaphore_mem>>
      %dma_start3A = arith.constant 0 : i32
      %dma_start3A_13 = arith.constant 0 : i32
      %dma_start3A_14 = tpu.memref_slice %arg3[%add3A, %dma_start3A, %dma_start3A_13] : memref<32x80x128xi32, #tpu.memory_space<hbm>> -> memref<1x80x128xi32, #tpu.memory_space<hbm>>
      %dma_start3A_15 = tpu.memref_squeeze %dma_start3A_14 : memref<1x80x128xi32, #tpu.memory_space<hbm>> -> memref<80x128xi32, #tpu.memory_space<hbm>>
      %dma_start3A_16 = arith.constant 0 : i32
      %dma_start3A_17 = arith.constant 0 : i32
      %dma_start3A_18 = tpu.memref_slice %arg3[%add3A, %dma_start3A_16, %dma_start3A_17] : memref<32x80x128xi32, #tpu.memory_space<hbm>> -> memref<1x80x128xi32, #tpu.memory_space<hbm>>
      %dma_start3A_19 = tpu.memref_squeeze %dma_start3A_18 : memref<1x80x128xi32, #tpu.memory_space<hbm>> -> memref<80x128xi32, #tpu.memory_space<hbm>>
      tpu.enqueue_dma source(%dma_start3A_19 : memref<80x128xi32, #tpu.memory_space<hbm>>) target(%arg8 : memref<80x128xi32, #tpu.memory_space<vmem>>) target_semaphore(%run_scoped3A : memref<!tpu.dma_semaphore, #tpu.memory_space<semaphore_mem>>)
      %dma_wait3A = arith.constant 0 : i32
      %dma_wait3A_20 = arith.constant 0 : i32
      %dma_wait3A_21 = tpu.memref_slice %arg3[%add3A, %dma_wait3A, %dma_wait3A_20] : memref<32x80x128xi32, #tpu.memory_space<hbm>> -> memref<1x80x128xi32, #tpu.memory_space<hbm>>
      %dma_wait3A_22 = tpu.memref_squeeze %dma_wait3A_21 : memref<1x80x128xi32, #tpu.memory_space<hbm>> -> memref<80x128xi32, #tpu.memory_space<hbm>>
      %dma_wait3A_23 = arith.constant 0 : i32
      %dma_wait3A_24 = arith.constant 0 : i32
      %dma_wait3A_25 = tpu.memref_slice %arg3[%add3A, %dma_wait3A_23, %dma_wait3A_24] : memref<32x80x128xi32, #tpu.memory_space<hbm>> -> memref<1x80x128xi32, #tpu.memory_space<hbm>>
      %dma_wait3A_26 = tpu.memref_squeeze %dma_wait3A_25 : memref<1x80x128xi32, #tpu.memory_space<hbm>> -> memref<80x128xi32, #tpu.memory_space<hbm>>
      tpu.wait_dma2 semaphore(%run_scoped3A : memref<!tpu.dma_semaphore, #tpu.memory_space<semaphore_mem>>) src(%dma_wait3A_26 : memref<80x128xi32, #tpu.memory_space<hbm>>) dst(%arg8 : memref<80x128xi32, #tpu.memory_space<vmem>>)
      tpu.yield
    }) : () -> ()
    "tpu.region"() ({
      %run_scoped3A = tpu.sem_alloc : memref<!tpu.dma_semaphore, #tpu.memory_space<semaphore_mem>>
      %dma_start3A = arith.constant 0 : i32
      %dma_start3A_13 = arith.constant 0 : i32
      %dma_start3A_14 = tpu.memref_slice %arg4[%add3A, %dma_start3A, %dma_start3A_13] : memref<32x80x128xf32, #tpu.memory_space<hbm>> -> memref<1x80x128xf32, #tpu.memory_space<hbm>>
      %dma_start3A_15 = tpu.memref_squeeze %dma_start3A_14 : memref<1x80x128xf32, #tpu.memory_space<hbm>> -> memref<80x128xf32, #tpu.memory_space<hbm>>
      %dma_start3A_16 = arith.constant 0 : i32
      %dma_start3A_17 = arith.constant 0 : i32
      %dma_start3A_18 = tpu.memref_slice %arg4[%add3A, %dma_start3A_16, %dma_start3A_17] : memref<32x80x128xf32, #tpu.memory_space<hbm>> -> memref<1x80x128xf32, #tpu.memory_space<hbm>>
      %dma_start3A_19 = tpu.memref_squeeze %dma_start3A_18 : memref<1x80x128xf32, #tpu.memory_space<hbm>> -> memref<80x128xf32, #tpu.memory_space<hbm>>
      tpu.enqueue_dma source(%dma_start3A_19 : memref<80x128xf32, #tpu.memory_space<hbm>>) target(%arg9 : memref<80x128xf32, #tpu.memory_space<vmem>>) target_semaphore(%run_scoped3A : memref<!tpu.dma_semaphore, #tpu.memory_space<semaphore_mem>>)
      %dma_wait3A = arith.constant 0 : i32
      %dma_wait3A_20 = arith.constant 0 : i32
      %dma_wait3A_21 = tpu.memref_slice %arg4[%add3A, %dma_wait3A, %dma_wait3A_20] : memref<32x80x128xf32, #tpu.memory_space<hbm>> -> memref<1x80x128xf32, #tpu.memory_space<hbm>>
      %dma_wait3A_22 = tpu.memref_squeeze %dma_wait3A_21 : memref<1x80x128xf32, #tpu.memory_space<hbm>> -> memref<80x128xf32, #tpu.memory_space<hbm>>
      %dma_wait3A_23 = arith.constant 0 : i32
      %dma_wait3A_24 = arith.constant 0 : i32
      %dma_wait3A_25 = tpu.memref_slice %arg4[%add3A, %dma_wait3A_23, %dma_wait3A_24] : memref<32x80x128xf32, #tpu.memory_space<hbm>> -> memref<1x80x128xf32, #tpu.memory_space<hbm>>
      %dma_wait3A_26 = tpu.memref_squeeze %dma_wait3A_25 : memref<1x80x128xf32, #tpu.memory_space<hbm>> -> memref<80x128xf32, #tpu.memory_space<hbm>>
      tpu.wait_dma2 semaphore(%run_scoped3A : memref<!tpu.dma_semaphore, #tpu.memory_space<semaphore_mem>>) src(%dma_wait3A_26 : memref<80x128xf32, #tpu.memory_space<hbm>>) dst(%arg9 : memref<80x128xf32, #tpu.memory_space<vmem>>)
      tpu.yield
    }) : () -> ()
    "tpu.region"() ({
      %run_scoped3A = tpu.sem_alloc : memref<!tpu.dma_semaphore, #tpu.memory_space<semaphore_mem>>
      tpu.enqueue_dma source(%arg5 : memref<10240xf32, #tpu.memory_space<hbm>>) target(%arg10 : memref<10240xf32, #tpu.memory_space<vmem>>) target_semaphore(%run_scoped3A : memref<!tpu.dma_semaphore, #tpu.memory_space<semaphore_mem>>)
      tpu.wait_dma2 semaphore(%run_scoped3A : memref<!tpu.dma_semaphore, #tpu.memory_space<semaphore_mem>>) src(%arg5 : memref<10240xf32, #tpu.memory_space<hbm>>) dst(%arg10 : memref<10240xf32, #tpu.memory_space<vmem>>)
      tpu.yield
    }) : () -> ()
    %broadcast_in_dim3A = arith.constant 0.000000e+00 : f32
    %broadcast_in_dim3A_1 = vector.broadcast %broadcast_in_dim3A : f32 to vector<16xf32>
    %scan3A = arith.constant 0 : i32
    %scan3A_2 = arith.constant 0 : i32
    %scan3A_3 = arith.constant 640 : i32
    %scan3A_4 = arith.addi %scan3A_2, %scan3A_3 : i32
    %scan3A_5 = arith.constant 1 : i32
    scf.for %scan3A_13 = %scan3A_2 to %scan3A_4 step %scan3A_5  : i32 {
      %mul3A_14 = arith.constant 16 : i32
      %mul3A_15 = arith.muli %scan3A_13, %mul3A_14 : i32
      %swap3A = arith.index_cast %mul3A_15 : i32 to index
      %swap3A_16 = tpu.vector_load %arg11[%swap3A] {strides = array<i32>} : memref<10240xf32, #tpu.memory_space<vmem>>, vector<16xf32>,
      tpu.vector_store %arg11[%swap3A], %broadcast_in_dim3A_1 {strides = array<i32>} : memref<10240xf32, #tpu.memory_space<vmem>>, vector<16xf32>,
    }
    %scan3A_6 = arith.constant 640 : i32
    %scan3A_7 = arith.constant 0 : i32
    %scan3A_8 = arith.constant 0 : i32
    %scan3A_9 = arith.constant 80 : i32
    %scan3A_10 = arith.addi %scan3A_8, %scan3A_9 : i32
    %scan3A_11 = arith.constant 1 : i32
    scf.for %scan3A_13 = %scan3A_8 to %scan3A_10 step %scan3A_11  : i32 {
      %get3A = arith.index_cast %scan3A_13 : i32 to index
      %get3A_14 = arith.constant 0 : index
      %get3A_15 = tpu.vector_load %arg7[%get3A, %get3A_14] {strides = array<i32>} : memref<80x128xi32, #tpu.memory_space<vmem>>, vector<16xi32>,
      %gather3A = tpu.vector_load_idx %arg10[%get3A_15] : memref<10240xf32, #tpu.memory_space<vmem>>[vector<16xi32>], vector<16xf32>,
      %get3A_16 = arith.index_cast %scan3A_13 : i32 to index
      %get3A_17 = arith.constant 0 : index
      %get3A_18 = tpu.vector_load %arg8[%get3A_16, %get3A_17] {strides = array<i32>} : memref<80x128xi32, #tpu.memory_space<vmem>>, vector<16xi32>,
      %get3A_19 = arith.index_cast %scan3A_13 : i32 to index
      %get3A_20 = arith.constant 0 : index
      %get3A_21 = tpu.vector_load %arg9[%get3A_19, %get3A_20] {strides = array<i32>} : memref<80x128xf32, #tpu.memory_space<vmem>>, vector<16xf32>,
      %mul3A_22 = arith.mulf %gather3A, %get3A_21 : vector<16xf32>
      tpu.vector_store_idx %arg11[%get3A_18], %mul3A_22 {add = true} : memref<10240xf32, #tpu.memory_space<vmem>>[vector<16xi32>], vector<16xf32>,
      %get3A_23 = arith.index_cast %scan3A_13 : i32 to index
      %get3A_24 = arith.constant 16 : index
      %get3A_25 = tpu.vector_load %arg7[%get3A_23, %get3A_24] {strides = array<i32>} : memref<80x128xi32, #tpu.memory_space<vmem>>, vector<16xi32>,
      %gather3A_26 = tpu.vector_load_idx %arg10[%get3A_25] : memref<10240xf32, #tpu.memory_space<vmem>>[vector<16xi32>], vector<16xf32>,
      %get3A_27 = arith.index_cast %scan3A_13 : i32 to index
      %get3A_28 = arith.constant 16 : index
      %get3A_29 = tpu.vector_load %arg8[%get3A_27, %get3A_28] {strides = array<i32>} : memref<80x128xi32, #tpu.memory_space<vmem>>, vector<16xi32>,
      %get3A_30 = arith.index_cast %scan3A_13 : i32 to index
      %get3A_31 = arith.constant 16 : index
      %get3A_32 = tpu.vector_load %arg9[%get3A_30, %get3A_31] {strides = array<i32>} : memref<80x128xf32, #tpu.memory_space<vmem>>, vector<16xf32>,
      %mul3A_33 = arith.mulf %gather3A_26, %get3A_32 : vector<16xf32>
      tpu.vector_store_idx %arg11[%get3A_29], %mul3A_33 {add = true} : memref<10240xf32, #tpu.memory_space<vmem>>[vector<16xi32>], vector<16xf32>,
      %get3A_34 = arith.index_cast %scan3A_13 : i32 to index
      %get3A_35 = arith.constant 32 : index
      %get3A_36 = tpu.vector_load %arg7[%get3A_34, %get3A_35] {strides = array<i32>} : memref<80x128xi32, #tpu.memory_space<vmem>>, vector<16xi32>,
      %gather3A_37 = tpu.vector_load_idx %arg10[%get3A_36] : memref<10240xf32, #tpu.memory_space<vmem>>[vector<16xi32>], vector<16xf32>,
      %get3A_38 = arith.index_cast %scan3A_13 : i32 to index
      %get3A_39 = arith.constant 32 : index
      %get3A_40 = tpu.vector_load %arg8[%get3A_38, %get3A_39] {strides = array<i32>} : memref<80x128xi32, #tpu.memory_space<vmem>>, vector<16xi32>,
      %get3A_41 = arith.index_cast %scan3A_13 : i32 to index
      %get3A_42 = arith.constant 32 : index
      %get3A_43 = tpu.vector_load %arg9[%get3A_41, %get3A_42] {strides = array<i32>} : memref<80x128xf32, #tpu.memory_space<vmem>>, vector<16xf32>,
      %mul3A_44 = arith.mulf %gather3A_37, %get3A_43 : vector<16xf32>
      tpu.vector_store_idx %arg11[%get3A_40], %mul3A_44 {add = true} : memref<10240xf32, #tpu.memory_space<vmem>>[vector<16xi32>], vector<16xf32>,
      %get3A_45 = arith.index_cast %scan3A_13 : i32 to index
      %get3A_46 = arith.constant 48 : index
      %get3A_47 = tpu.vector_load %arg7[%get3A_45, %get3A_46] {strides = array<i32>} : memref<80x128xi32, #tpu.memory_space<vmem>>, vector<16xi32>,
      %gather3A_48 = tpu.vector_load_idx %arg10[%get3A_47] : memref<10240xf32, #tpu.memory_space<vmem>>[vector<16xi32>], vector<16xf32>,
      %get3A_49 = arith.index_cast %scan3A_13 : i32 to index
      %get3A_50 = arith.constant 48 : index
      %get3A_51 = tpu.vector_load %arg8[%get3A_49, %get3A_50] {strides = array<i32>} : memref<80x128xi32, #tpu.memory_space<vmem>>, vector<16xi32>,
      %get3A_52 = arith.index_cast %scan3A_13 : i32 to index
      %get3A_53 = arith.constant 48 : index
      %get3A_54 = tpu.vector_load %arg9[%get3A_52, %get3A_53] {strides = array<i32>} : memref<80x128xf32, #tpu.memory_space<vmem>>, vector<16xf32>,
      %mul3A_55 = arith.mulf %gather3A_48, %get3A_54 : vector<16xf32>
      tpu.vector_store_idx %arg11[%get3A_51], %mul3A_55 {add = true} : memref<10240xf32, #tpu.memory_space<vmem>>[vector<16xi32>], vector<16xf32>,
      %get3A_56 = arith.index_cast %scan3A_13 : i32 to index
      %get3A_57 = arith.constant 64 : index
      %get3A_58 = tpu.vector_load %arg7[%get3A_56, %get3A_57] {strides = array<i32>} : memref<80x128xi32, #tpu.memory_space<vmem>>, vector<16xi32>,
      %gather3A_59 = tpu.vector_load_idx %arg10[%get3A_58] : memref<10240xf32, #tpu.memory_space<vmem>>[vector<16xi32>], vector<16xf32>,
      %get3A_60 = arith.index_cast %scan3A_13 : i32 to index
      %get3A_61 = arith.constant 64 : index
      %get3A_62 = tpu.vector_load %arg8[%get3A_60, %get3A_61] {strides = array<i32>} : memref<80x128xi32, #tpu.memory_space<vmem>>, vector<16xi32>,
      %get3A_63 = arith.index_cast %scan3A_13 : i32 to index
      %get3A_64 = arith.constant 64 : index
      %get3A_65 = tpu.vector_load %arg9[%get3A_63, %get3A_64] {strides = array<i32>} : memref<80x128xf32, #tpu.memory_space<vmem>>, vector<16xf32>,
      %mul3A_66 = arith.mulf %gather3A_59, %get3A_65 : vector<16xf32>
      tpu.vector_store_idx %arg11[%get3A_62], %mul3A_66 {add = true} : memref<10240xf32, #tpu.memory_space<vmem>>[vector<16xi32>], vector<16xf32>,
      %get3A_67 = arith.index_cast %scan3A_13 : i32 to index
      %get3A_68 = arith.constant 80 : index
      %get3A_69 = tpu.vector_load %arg7[%get3A_67, %get3A_68] {strides = array<i32>} : memref<80x128xi32, #tpu.memory_space<vmem>>, vector<16xi32>,
      %gather3A_70 = tpu.vector_load_idx %arg10[%get3A_69] : memref<10240xf32, #tpu.memory_space<vmem>>[vector<16xi32>], vector<16xf32>,
      %get3A_71 = arith.index_cast %scan3A_13 : i32 to index
      %get3A_72 = arith.constant 80 : index
      %get3A_73 = tpu.vector_load %arg8[%get3A_71, %get3A_72] {strides = array<i32>} : memref<80x128xi32, #tpu.memory_space<vmem>>, vector<16xi32>,
      %get3A_74 = arith.index_cast %scan3A_13 : i32 to index
      %get3A_75 = arith.constant 80 : index
      %get3A_76 = tpu.vector_load %arg9[%get3A_74, %get3A_75] {strides = array<i32>} : memref<80x128xf32, #tpu.memory_space<vmem>>, vector<16xf32>,
      %mul3A_77 = arith.mulf %gather3A_70, %get3A_76 : vector<16xf32>
      tpu.vector_store_idx %arg11[%get3A_73], %mul3A_77 {add = true} : memref<10240xf32, #tpu.memory_space<vmem>>[vector<16xi32>], vector<16xf32>,
      %get3A_78 = arith.index_cast %scan3A_13 : i32 to index
      %get3A_79 = arith.constant 96 : index
      %get3A_80 = tpu.vector_load %arg7[%get3A_78, %get3A_79] {strides = array<i32>} : memref<80x128xi32, #tpu.memory_space<vmem>>, vector<16xi32>,
      %gather3A_81 = tpu.vector_load_idx %arg10[%get3A_80] : memref<10240xf32, #tpu.memory_space<vmem>>[vector<16xi32>], vector<16xf32>,
      %get3A_82 = arith.index_cast %scan3A_13 : i32 to index
      %get3A_83 = arith.constant 96 : index
      %get3A_84 = tpu.vector_load %arg8[%get3A_82, %get3A_83] {strides = array<i32>} : memref<80x128xi32, #tpu.memory_space<vmem>>, vector<16xi32>,
      %get3A_85 = arith.index_cast %scan3A_13 : i32 to index
      %get3A_86 = arith.constant 96 : index
      %get3A_87 = tpu.vector_load %arg9[%get3A_85, %get3A_86] {strides = array<i32>} : memref<80x128xf32, #tpu.memory_space<vmem>>, vector<16xf32>,
      %mul3A_88 = arith.mulf %gather3A_81, %get3A_87 : vector<16xf32>
      tpu.vector_store_idx %arg11[%get3A_84], %mul3A_88 {add = true} : memref<10240xf32, #tpu.memory_space<vmem>>[vector<16xi32>], vector<16xf32>,
      %get3A_89 = arith.index_cast %scan3A_13 : i32 to index
      %get3A_90 = arith.constant 112 : index
      %get3A_91 = tpu.vector_load %arg7[%get3A_89, %get3A_90] {strides = array<i32>} : memref<80x128xi32, #tpu.memory_space<vmem>>, vector<16xi32>,
      %gather3A_92 = tpu.vector_load_idx %arg10[%get3A_91] : memref<10240xf32, #tpu.memory_space<vmem>>[vector<16xi32>], vector<16xf32>,
      %get3A_93 = arith.index_cast %scan3A_13 : i32 to index
      %get3A_94 = arith.constant 112 : index
      %get3A_95 = tpu.vector_load %arg8[%get3A_93, %get3A_94] {strides = array<i32>} : memref<80x128xi32, #tpu.memory_space<vmem>>, vector<16xi32>,
      %get3A_96 = arith.index_cast %scan3A_13 : i32 to index
      %get3A_97 = arith.constant 112 : index
      %get3A_98 = tpu.vector_load %arg9[%get3A_96, %get3A_97] {strides = array<i32>} : memref<80x128xf32, #tpu.memory_space<vmem>>, vector<16xf32>,
      %mul3A_99 = arith.mulf %gather3A_92, %get3A_98 : vector<16xf32>
      tpu.vector_store_idx %arg11[%get3A_95], %mul3A_99 {add = true} : memref<10240xf32, #tpu.memory_space<vmem>>[vector<16xi32>], vector<16xf32>,
    }
    %scan3A_12 = arith.constant 80 : i32
    "tpu.region"() ({
      %run_scoped3A = tpu.sem_alloc : memref<!tpu.dma_semaphore, #tpu.memory_space<semaphore_mem>>
      %dma_start3A = arith.constant 0 : i32
      %dma_start3A_13 = tpu.memref_slice %arg6[%add3A, %dma_start3A] : memref<32x10240xf32, #tpu.memory_space<hbm>> -> memref<1x10240xf32, #tpu.memory_space<hbm>>
      %dma_start3A_14 = tpu.memref_squeeze %dma_start3A_13 : memref<1x10240xf32, #tpu.memory_space<hbm>> -> memref<10240xf32, #tpu.memory_space<hbm>>
      %dma_start3A_15 = arith.constant 0 : i32
      %dma_start3A_16 = tpu.memref_slice %arg6[%add3A, %dma_start3A_15] : memref<32x10240xf32, #tpu.memory_space<hbm>> -> memref<1x10240xf32, #tpu.memory_space<hbm>>
      %dma_start3A_17 = tpu.memref_squeeze %dma_start3A_16 : memref<1x10240xf32, #tpu.memory_space<hbm>> -> memref<10240xf32, #tpu.memory_space<hbm>>
      tpu.enqueue_dma source(%arg11 : memref<10240xf32, #tpu.memory_space<vmem>>) target(%dma_start3A_17 : memref<10240xf32, #tpu.memory_space<hbm>>) target_semaphore(%run_scoped3A : memref<!tpu.dma_semaphore, #tpu.memory_space<semaphore_mem>>)
      %dma_wait3A = arith.constant 0 : i32
      %dma_wait3A_18 = tpu.memref_slice %arg6[%add3A, %dma_wait3A] : memref<32x10240xf32, #tpu.memory_space<hbm>> -> memref<1x10240xf32, #tpu.memory_space<hbm>>
      %dma_wait3A_19 = tpu.memref_squeeze %dma_wait3A_18 : memref<1x10240xf32, #tpu.memory_space<hbm>> -> memref<10240xf32, #tpu.memory_space<hbm>>
      %dma_wait3A_20 = arith.constant 0 : i32
      %dma_wait3A_21 = tpu.memref_slice %arg6[%add3A, %dma_wait3A_20] : memref<32x10240xf32, #tpu.memory_space<hbm>> -> memref<1x10240xf32, #tpu.memory_space<hbm>>
      %dma_wait3A_22 = tpu.memref_squeeze %dma_wait3A_21 : memref<1x10240xf32, #tpu.memory_space<hbm>> -> memref<10240xf32, #tpu.memory_space<hbm>>
      tpu.wait_dma2 semaphore(%run_scoped3A : memref<!tpu.dma_semaphore, #tpu.memory_space<semaphore_mem>>) src(%arg11 : memref<10240xf32, #tpu.memory_space<vmem>>) dst(%dma_wait3A_22 : memref<10240xf32, #tpu.memory_space<hbm>>)
      tpu.yield
    }) : () -> ()
    return
  }
}

#map = affine_map<(d0, d1) -> (0, 0, 0)>
#map1 = affine_map<(d0, d1) -> (0, 0)>
module attributes {stable_mosaic.version = 14 : i64} {
  func.func @deg_k(%arg0: i32, %arg1: i32, %arg2: memref<32x80x128xi32, #tpu.memory_space<hbm>>, %arg3: memref<32x80x128xf32, #tpu.memory_space<hbm>>, %arg4: memref<32x10240xf32, #tpu.memory_space<hbm>>, %arg5: memref<80x128xi32, #tpu.memory_space<vmem>>, %arg6: memref<80x128xf32, #tpu.memory_space<vmem>>, %arg7: memref<10240xf32, #tpu.memory_space<vmem>>) attributes {dimension_semantics = [#tpu.dimension_semantics<core_parallel>, #tpu.dimension_semantics<subcore_parallel>], iteration_bounds = array<i64: 2, 16>, scalar_prefetch = 0 : i64, scratch_operands = 3 : i64, tpu.core_type = #tpu.core_type<sc_vector_subcore>, window_params = [{transform_indices = #map}, {transform_indices = #map}, {transform_indices = #map1}]} {
    %mul3A = arith.constant 2 : i32
    %mul3A_0 = arith.muli %arg1, %mul3A : i32
    %add3A = arith.addi %mul3A_0, %arg0 : i32
    "tpu.region"() ({
      %run_scoped3A = tpu.sem_alloc : memref<!tpu.dma_semaphore, #tpu.memory_space<semaphore_mem>>
      %dma_start3A = arith.constant 0 : i32
      %dma_start3A_13 = arith.constant 0 : i32
      %dma_start3A_14 = tpu.memref_slice %arg2[%add3A, %dma_start3A, %dma_start3A_13] : memref<32x80x128xi32, #tpu.memory_space<hbm>> -> memref<1x80x128xi32, #tpu.memory_space<hbm>>
      %dma_start3A_15 = tpu.memref_squeeze %dma_start3A_14 : memref<1x80x128xi32, #tpu.memory_space<hbm>> -> memref<80x128xi32, #tpu.memory_space<hbm>>
      %dma_start3A_16 = arith.constant 0 : i32
      %dma_start3A_17 = arith.constant 0 : i32
      %dma_start3A_18 = tpu.memref_slice %arg2[%add3A, %dma_start3A_16, %dma_start3A_17] : memref<32x80x128xi32, #tpu.memory_space<hbm>> -> memref<1x80x128xi32, #tpu.memory_space<hbm>>
      %dma_start3A_19 = tpu.memref_squeeze %dma_start3A_18 : memref<1x80x128xi32, #tpu.memory_space<hbm>> -> memref<80x128xi32, #tpu.memory_space<hbm>>
      tpu.enqueue_dma source(%dma_start3A_19 : memref<80x128xi32, #tpu.memory_space<hbm>>) target(%arg5 : memref<80x128xi32, #tpu.memory_space<vmem>>) target_semaphore(%run_scoped3A : memref<!tpu.dma_semaphore, #tpu.memory_space<semaphore_mem>>)
      %dma_wait3A = arith.constant 0 : i32
      %dma_wait3A_20 = arith.constant 0 : i32
      %dma_wait3A_21 = tpu.memref_slice %arg2[%add3A, %dma_wait3A, %dma_wait3A_20] : memref<32x80x128xi32, #tpu.memory_space<hbm>> -> memref<1x80x128xi32, #tpu.memory_space<hbm>>
      %dma_wait3A_22 = tpu.memref_squeeze %dma_wait3A_21 : memref<1x80x128xi32, #tpu.memory_space<hbm>> -> memref<80x128xi32, #tpu.memory_space<hbm>>
      %dma_wait3A_23 = arith.constant 0 : i32
      %dma_wait3A_24 = arith.constant 0 : i32
      %dma_wait3A_25 = tpu.memref_slice %arg2[%add3A, %dma_wait3A_23, %dma_wait3A_24] : memref<32x80x128xi32, #tpu.memory_space<hbm>> -> memref<1x80x128xi32, #tpu.memory_space<hbm>>
      %dma_wait3A_26 = tpu.memref_squeeze %dma_wait3A_25 : memref<1x80x128xi32, #tpu.memory_space<hbm>> -> memref<80x128xi32, #tpu.memory_space<hbm>>
      tpu.wait_dma2 semaphore(%run_scoped3A : memref<!tpu.dma_semaphore, #tpu.memory_space<semaphore_mem>>) src(%dma_wait3A_26 : memref<80x128xi32, #tpu.memory_space<hbm>>) dst(%arg5 : memref<80x128xi32, #tpu.memory_space<vmem>>)
      tpu.yield
    }) : () -> ()
    "tpu.region"() ({
      %run_scoped3A = tpu.sem_alloc : memref<!tpu.dma_semaphore, #tpu.memory_space<semaphore_mem>>
      %dma_start3A = arith.constant 0 : i32
      %dma_start3A_13 = arith.constant 0 : i32
      %dma_start3A_14 = tpu.memref_slice %arg3[%add3A, %dma_start3A, %dma_start3A_13] : memref<32x80x128xf32, #tpu.memory_space<hbm>> -> memref<1x80x128xf32, #tpu.memory_space<hbm>>
      %dma_start3A_15 = tpu.memref_squeeze %dma_start3A_14 : memref<1x80x128xf32, #tpu.memory_space<hbm>> -> memref<80x128xf32, #tpu.memory_space<hbm>>
      %dma_start3A_16 = arith.constant 0 : i32
      %dma_start3A_17 = arith.constant 0 : i32
      %dma_start3A_18 = tpu.memref_slice %arg3[%add3A, %dma_start3A_16, %dma_start3A_17] : memref<32x80x128xf32, #tpu.memory_space<hbm>> -> memref<1x80x128xf32, #tpu.memory_space<hbm>>
      %dma_start3A_19 = tpu.memref_squeeze %dma_start3A_18 : memref<1x80x128xf32, #tpu.memory_space<hbm>> -> memref<80x128xf32, #tpu.memory_space<hbm>>
      tpu.enqueue_dma source(%dma_start3A_19 : memref<80x128xf32, #tpu.memory_space<hbm>>) target(%arg6 : memref<80x128xf32, #tpu.memory_space<vmem>>) target_semaphore(%run_scoped3A : memref<!tpu.dma_semaphore, #tpu.memory_space<semaphore_mem>>)
      %dma_wait3A = arith.constant 0 : i32
      %dma_wait3A_20 = arith.constant 0 : i32
      %dma_wait3A_21 = tpu.memref_slice %arg3[%add3A, %dma_wait3A, %dma_wait3A_20] : memref<32x80x128xf32, #tpu.memory_space<hbm>> -> memref<1x80x128xf32, #tpu.memory_space<hbm>>
      %dma_wait3A_22 = tpu.memref_squeeze %dma_wait3A_21 : memref<1x80x128xf32, #tpu.memory_space<hbm>> -> memref<80x128xf32, #tpu.memory_space<hbm>>
      %dma_wait3A_23 = arith.constant 0 : i32
      %dma_wait3A_24 = arith.constant 0 : i32
      %dma_wait3A_25 = tpu.memref_slice %arg3[%add3A, %dma_wait3A_23, %dma_wait3A_24] : memref<32x80x128xf32, #tpu.memory_space<hbm>> -> memref<1x80x128xf32, #tpu.memory_space<hbm>>
      %dma_wait3A_26 = tpu.memref_squeeze %dma_wait3A_25 : memref<1x80x128xf32, #tpu.memory_space<hbm>> -> memref<80x128xf32, #tpu.memory_space<hbm>>
      tpu.wait_dma2 semaphore(%run_scoped3A : memref<!tpu.dma_semaphore, #tpu.memory_space<semaphore_mem>>) src(%dma_wait3A_26 : memref<80x128xf32, #tpu.memory_space<hbm>>) dst(%arg6 : memref<80x128xf32, #tpu.memory_space<vmem>>)
      tpu.yield
    }) : () -> ()
    %broadcast_in_dim3A = arith.constant 0.000000e+00 : f32
    %broadcast_in_dim3A_1 = vector.broadcast %broadcast_in_dim3A : f32 to vector<16xf32>
    %scan3A = arith.constant 0 : i32
    %scan3A_2 = arith.constant 0 : i32
    %scan3A_3 = arith.constant 640 : i32
    %scan3A_4 = arith.addi %scan3A_2, %scan3A_3 : i32
    %scan3A_5 = arith.constant 1 : i32
    scf.for %scan3A_13 = %scan3A_2 to %scan3A_4 step %scan3A_5  : i32 {
      %mul3A_14 = arith.constant 16 : i32
      %mul3A_15 = arith.muli %scan3A_13, %mul3A_14 : i32
      %swap3A = arith.index_cast %mul3A_15 : i32 to index
      %swap3A_16 = tpu.vector_load %arg7[%swap3A] {strides = array<i32>} : memref<10240xf32, #tpu.memory_space<vmem>>, vector<16xf32>,
      tpu.vector_store %arg7[%swap3A], %broadcast_in_dim3A_1 {strides = array<i32>} : memref<10240xf32, #tpu.memory_space<vmem>>, vector<16xf32>,
    }
    %scan3A_6 = arith.constant 640 : i32
    %scan3A_7 = arith.constant 0 : i32
    %scan3A_8 = arith.constant 0 : i32
    %scan3A_9 = arith.constant 80 : i32
    %scan3A_10 = arith.addi %scan3A_8, %scan3A_9 : i32
    %scan3A_11 = arith.constant 1 : i32
    scf.for %scan3A_13 = %scan3A_8 to %scan3A_10 step %scan3A_11  : i32 {
      %get3A = arith.index_cast %scan3A_13 : i32 to index
      %get3A_14 = arith.constant 0 : index
      %get3A_15 = tpu.vector_load %arg5[%get3A, %get3A_14] {strides = array<i32>} : memref<80x128xi32, #tpu.memory_space<vmem>>, vector<16xi32>,
      %get3A_16 = arith.index_cast %scan3A_13 : i32 to index
      %get3A_17 = arith.constant 0 : index
      %get3A_18 = tpu.vector_load %arg6[%get3A_16, %get3A_17] {strides = array<i32>} : memref<80x128xf32, #tpu.memory_space<vmem>>, vector<16xf32>,
      tpu.vector_store_idx %arg7[%get3A_15], %get3A_18 {add = true} : memref<10240xf32, #tpu.memory_space<vmem>>[vector<16xi32>], vector<16xf32>,
      %get3A_19 = arith.index_cast %scan3A_13 : i32 to index
      %get3A_20 = arith.constant 16 : index
      %get3A_21 = tpu.vector_load %arg5[%get3A_19, %get3A_20] {strides = array<i32>} : memref<80x128xi32, #tpu.memory_space<vmem>>, vector<16xi32>,
      %get3A_22 = arith.index_cast %scan3A_13 : i32 to index
      %get3A_23 = arith.constant 16 : index
      %get3A_24 = tpu.vector_load %arg6[%get3A_22, %get3A_23] {strides = array<i32>} : memref<80x128xf32, #tpu.memory_space<vmem>>, vector<16xf32>,
      tpu.vector_store_idx %arg7[%get3A_21], %get3A_24 {add = true} : memref<10240xf32, #tpu.memory_space<vmem>>[vector<16xi32>], vector<16xf32>,
      %get3A_25 = arith.index_cast %scan3A_13 : i32 to index
      %get3A_26 = arith.constant 32 : index
      %get3A_27 = tpu.vector_load %arg5[%get3A_25, %get3A_26] {strides = array<i32>} : memref<80x128xi32, #tpu.memory_space<vmem>>, vector<16xi32>,
      %get3A_28 = arith.index_cast %scan3A_13 : i32 to index
      %get3A_29 = arith.constant 32 : index
      %get3A_30 = tpu.vector_load %arg6[%get3A_28, %get3A_29] {strides = array<i32>} : memref<80x128xf32, #tpu.memory_space<vmem>>, vector<16xf32>,
      tpu.vector_store_idx %arg7[%get3A_27], %get3A_30 {add = true} : memref<10240xf32, #tpu.memory_space<vmem>>[vector<16xi32>], vector<16xf32>,
      %get3A_31 = arith.index_cast %scan3A_13 : i32 to index
      %get3A_32 = arith.constant 48 : index
      %get3A_33 = tpu.vector_load %arg5[%get3A_31, %get3A_32] {strides = array<i32>} : memref<80x128xi32, #tpu.memory_space<vmem>>, vector<16xi32>,
      %get3A_34 = arith.index_cast %scan3A_13 : i32 to index
      %get3A_35 = arith.constant 48 : index
      %get3A_36 = tpu.vector_load %arg6[%get3A_34, %get3A_35] {strides = array<i32>} : memref<80x128xf32, #tpu.memory_space<vmem>>, vector<16xf32>,
      tpu.vector_store_idx %arg7[%get3A_33], %get3A_36 {add = true} : memref<10240xf32, #tpu.memory_space<vmem>>[vector<16xi32>], vector<16xf32>,
      %get3A_37 = arith.index_cast %scan3A_13 : i32 to index
      %get3A_38 = arith.constant 64 : index
      %get3A_39 = tpu.vector_load %arg5[%get3A_37, %get3A_38] {strides = array<i32>} : memref<80x128xi32, #tpu.memory_space<vmem>>, vector<16xi32>,
      %get3A_40 = arith.index_cast %scan3A_13 : i32 to index
      %get3A_41 = arith.constant 64 : index
      %get3A_42 = tpu.vector_load %arg6[%get3A_40, %get3A_41] {strides = array<i32>} : memref<80x128xf32, #tpu.memory_space<vmem>>, vector<16xf32>,
      tpu.vector_store_idx %arg7[%get3A_39], %get3A_42 {add = true} : memref<10240xf32, #tpu.memory_space<vmem>>[vector<16xi32>], vector<16xf32>,
      %get3A_43 = arith.index_cast %scan3A_13 : i32 to index
      %get3A_44 = arith.constant 80 : index
      %get3A_45 = tpu.vector_load %arg5[%get3A_43, %get3A_44] {strides = array<i32>} : memref<80x128xi32, #tpu.memory_space<vmem>>, vector<16xi32>,
      %get3A_46 = arith.index_cast %scan3A_13 : i32 to index
      %get3A_47 = arith.constant 80 : index
      %get3A_48 = tpu.vector_load %arg6[%get3A_46, %get3A_47] {strides = array<i32>} : memref<80x128xf32, #tpu.memory_space<vmem>>, vector<16xf32>,
      tpu.vector_store_idx %arg7[%get3A_45], %get3A_48 {add = true} : memref<10240xf32, #tpu.memory_space<vmem>>[vector<16xi32>], vector<16xf32>,
      %get3A_49 = arith.index_cast %scan3A_13 : i32 to index
      %get3A_50 = arith.constant 96 : index
      %get3A_51 = tpu.vector_load %arg5[%get3A_49, %get3A_50] {strides = array<i32>} : memref<80x128xi32, #tpu.memory_space<vmem>>, vector<16xi32>,
      %get3A_52 = arith.index_cast %scan3A_13 : i32 to index
      %get3A_53 = arith.constant 96 : index
      %get3A_54 = tpu.vector_load %arg6[%get3A_52, %get3A_53] {strides = array<i32>} : memref<80x128xf32, #tpu.memory_space<vmem>>, vector<16xf32>,
      tpu.vector_store_idx %arg7[%get3A_51], %get3A_54 {add = true} : memref<10240xf32, #tpu.memory_space<vmem>>[vector<16xi32>], vector<16xf32>,
      %get3A_55 = arith.index_cast %scan3A_13 : i32 to index
      %get3A_56 = arith.constant 112 : index
      %get3A_57 = tpu.vector_load %arg5[%get3A_55, %get3A_56] {strides = array<i32>} : memref<80x128xi32, #tpu.memory_space<vmem>>, vector<16xi32>,
      %get3A_58 = arith.index_cast %scan3A_13 : i32 to index
      %get3A_59 = arith.constant 112 : index
      %get3A_60 = tpu.vector_load %arg6[%get3A_58, %get3A_59] {strides = array<i32>} : memref<80x128xf32, #tpu.memory_space<vmem>>, vector<16xf32>,
      tpu.vector_store_idx %arg7[%get3A_57], %get3A_60 {add = true} : memref<10240xf32, #tpu.memory_space<vmem>>[vector<16xi32>], vector<16xf32>,
    }
    %scan3A_12 = arith.constant 80 : i32
    "tpu.region"() ({
      %run_scoped3A = tpu.sem_alloc : memref<!tpu.dma_semaphore, #tpu.memory_space<semaphore_mem>>
      %dma_start3A = arith.constant 0 : i32
      %dma_start3A_13 = tpu.memref_slice %arg4[%add3A, %dma_start3A] : memref<32x10240xf32, #tpu.memory_space<hbm>> -> memref<1x10240xf32, #tpu.memory_space<hbm>>
      %dma_start3A_14 = tpu.memref_squeeze %dma_start3A_13 : memref<1x10240xf32, #tpu.memory_space<hbm>> -> memref<10240xf32, #tpu.memory_space<hbm>>
      %dma_start3A_15 = arith.constant 0 : i32
      %dma_start3A_16 = tpu.memref_slice %arg4[%add3A, %dma_start3A_15] : memref<32x10240xf32, #tpu.memory_space<hbm>> -> memref<1x10240xf32, #tpu.memory_space<hbm>>
      %dma_start3A_17 = tpu.memref_squeeze %dma_start3A_16 : memref<1x10240xf32, #tpu.memory_space<hbm>> -> memref<10240xf32, #tpu.memory_space<hbm>>
      tpu.enqueue_dma source(%arg7 : memref<10240xf32, #tpu.memory_space<vmem>>) target(%dma_start3A_17 : memref<10240xf32, #tpu.memory_space<hbm>>) target_semaphore(%run_scoped3A : memref<!tpu.dma_semaphore, #tpu.memory_space<semaphore_mem>>)
      %dma_wait3A = arith.constant 0 : i32
      %dma_wait3A_18 = tpu.memref_slice %arg4[%add3A, %dma_wait3A] : memref<32x10240xf32, #tpu.memory_space<hbm>> -> memref<1x10240xf32, #tpu.memory_space<hbm>>
      %dma_wait3A_19 = tpu.memref_squeeze %dma_wait3A_18 : memref<1x10240xf32, #tpu.memory_space<hbm>> -> memref<10240xf32, #tpu.memory_space<hbm>>
      %dma_wait3A_20 = arith.constant 0 : i32
      %dma_wait3A_21 = tpu.memref_slice %arg4[%add3A, %dma_wait3A_20] : memref<32x10240xf32, #tpu.memory_space<hbm>> -> memref<1x10240xf32, #tpu.memory_space<hbm>>
      %dma_wait3A_22 = tpu.memref_squeeze %dma_wait3A_21 : memref<1x10240xf32, #tpu.memory_space<hbm>> -> memref<10240xf32, #tpu.memory_space<hbm>>
      tpu.wait_dma2 semaphore(%run_scoped3A : memref<!tpu.dma_semaphore, #tpu.memory_space<semaphore_mem>>) src(%arg7 : memref<10240xf32, #tpu.memory_space<vmem>>) dst(%dma_wait3A_22 : memref<10240xf32, #tpu.memory_space<hbm>>)
      tpu.yield
    }) : () -> ()
    return
  }
}

#map = affine_map<(d0, d1) -> (0, 0, 0)>
#map1 = affine_map<(d0, d1) -> (0, 0)>
module attributes {stable_mosaic.version = 14 : i64} {
  func.func @prop1_k(%arg0: i32, %arg1: i32, %arg2: memref<32x80x128xi32, #tpu.memory_space<hbm>>, %arg3: memref<32x80x128xi32, #tpu.memory_space<hbm>>, %arg4: memref<32x80x128xf32, #tpu.memory_space<hbm>>, %arg5: memref<10240x128xf32, #tpu.memory_space<hbm>>, %arg6: memref<128x128xf32, #tpu.memory_space<hbm>>, %arg7: memref<2x10240x128xf32, #tpu.memory_space<hbm>>, %arg8: memref<80x128xi32, #tpu.memory_space<vmem>>, %arg9: memref<80x128xi32, #tpu.memory_space<vmem>>, %arg10: memref<80x128xf32, #tpu.memory_space<vmem>>, %arg11: memref<64x128xf32, #tpu.memory_space<vmem>>, %arg12: memref<64x128xf32, #tpu.memory_space<vmem>>, %arg13: memref<!tpu.dma_semaphore, #tpu.memory_space<semaphore_mem>>, %arg14: memref<!tpu.dma_semaphore, #tpu.memory_space<semaphore_mem>>, %arg15: memref<10240x128xf32, #tpu.memory_space<vmem_shared>>) attributes {dimension_semantics = [#tpu.dimension_semantics<core_parallel>, #tpu.dimension_semantics<subcore_parallel>], iteration_bounds = array<i64: 2, 16>, scalar_prefetch = 0 : i64, scratch_operands = 8 : i64, tpu.core_type = #tpu.core_type<sc_vector_subcore>, window_params = [{transform_indices = #map}, {transform_indices = #map}, {transform_indices = #map}, {transform_indices = #map1}, {transform_indices = #map1}, {transform_indices = #map}]} {
    %mul3A = arith.constant 2 : i32
    %mul3A_0 = arith.muli %arg1, %mul3A : i32
    %add3A = arith.addi %mul3A_0, %arg0 : i32
    "tpu.region"() ({
      %run_scoped3A = tpu.sem_alloc : memref<!tpu.dma_semaphore, #tpu.memory_space<semaphore_mem>>
      %dma_start3A_79 = arith.constant 0 : i32
      %dma_start3A_80 = arith.constant 0 : i32
      %dma_start3A_81 = tpu.memref_slice %arg2[%add3A, %dma_start3A_79, %dma_start3A_80] : memref<32x80x128xi32, #tpu.memory_space<hbm>> -> memref<1x80x128xi32, #tpu.memory_space<hbm>>
      %dma_start3A_82 = tpu.memref_squeeze %dma_start3A_81 : memref<1x80x128xi32, #tpu.memory_space<hbm>> -> memref<80x128xi32, #tpu.memory_space<hbm>>
      %dma_start3A_83 = arith.constant 0 : i32
      %dma_start3A_84 = arith.constant 0 : i32
      %dma_start3A_85 = tpu.memref_slice %arg2[%add3A, %dma_start3A_83, %dma_start3A_84] : memref<32x80x128xi32, #tpu.memory_space<hbm>> -> memref<1x80x128xi32, #tpu.memory_space<hbm>>
      %dma_start3A_86 = tpu.memref_squeeze %dma_start3A_85 : memref<1x80x128xi32, #tpu.memory_space<hbm>> -> memref<80x128xi32, #tpu.memory_space<hbm>>
      tpu.enqueue_dma source(%dma_start3A_86 : memref<80x128xi32, #tpu.memory_space<hbm>>) target(%arg8 : memref<80x128xi32, #tpu.memory_space<vmem>>) target_semaphore(%run_scoped3A : memref<!tpu.dma_semaphore, #tpu.memory_space<semaphore_mem>>)
      %dma_wait3A_87 = arith.constant 0 : i32
      %dma_wait3A_88 = arith.constant 0 : i32
      %dma_wait3A_89 = tpu.memref_slice %arg2[%add3A, %dma_wait3A_87, %dma_wait3A_88] : memref<32x80x128xi32, #tpu.memory_space<hbm>> -> memref<1x80x128xi32, #tpu.memory_space<hbm>>
      %dma_wait3A_90 = tpu.memref_squeeze %dma_wait3A_89 : memref<1x80x128xi32, #tpu.memory_space<hbm>> -> memref<80x128xi32, #tpu.memory_space<hbm>>
      %dma_wait3A_91 = arith.constant 0 : i32
      %dma_wait3A_92 = arith.constant 0 : i32
      %dma_wait3A_93 = tpu.memref_slice %arg2[%add3A, %dma_wait3A_91, %dma_wait3A_92] : memref<32x80x128xi32, #tpu.memory_space<hbm>> -> memref<1x80x128xi32, #tpu.memory_space<hbm>>
      %dma_wait3A_94 = tpu.memref_squeeze %dma_wait3A_93 : memref<1x80x128xi32, #tpu.memory_space<hbm>> -> memref<80x128xi32, #tpu.memory_space<hbm>>
      tpu.wait_dma2 semaphore(%run_scoped3A : memref<!tpu.dma_semaphore, #tpu.memory_space<semaphore_mem>>) src(%dma_wait3A_94 : memref<80x128xi32, #tpu.memory_space<hbm>>) dst(%arg8 : memref<80x128xi32, #tpu.memory_space<vmem>>)
      tpu.yield
    }) : () -> ()
    "tpu.region"() ({
      %run_scoped3A = tpu.sem_alloc : memref<!tpu.dma_semaphore, #tpu.memory_space<semaphore_mem>>
      %dma_start3A_79 = arith.constant 0 : i32
      %dma_start3A_80 = arith.constant 0 : i32
      %dma_start3A_81 = tpu.memref_slice %arg3[%add3A, %dma_start3A_79, %dma_start3A_80] : memref<32x80x128xi32, #tpu.memory_space<hbm>> -> memref<1x80x128xi32, #tpu.memory_space<hbm>>
      %dma_start3A_82 = tpu.memref_squeeze %dma_start3A_81 : memref<1x80x128xi32, #tpu.memory_space<hbm>> -> memref<80x128xi32, #tpu.memory_space<hbm>>
      %dma_start3A_83 = arith.constant 0 : i32
      %dma_start3A_84 = arith.constant 0 : i32
      %dma_start3A_85 = tpu.memref_slice %arg3[%add3A, %dma_start3A_83, %dma_start3A_84] : memref<32x80x128xi32, #tpu.memory_space<hbm>> -> memref<1x80x128xi32, #tpu.memory_space<hbm>>
      %dma_start3A_86 = tpu.memref_squeeze %dma_start3A_85 : memref<1x80x128xi32, #tpu.memory_space<hbm>> -> memref<80x128xi32, #tpu.memory_space<hbm>>
      tpu.enqueue_dma source(%dma_start3A_86 : memref<80x128xi32, #tpu.memory_space<hbm>>) target(%arg9 : memref<80x128xi32, #tpu.memory_space<vmem>>) target_semaphore(%run_scoped3A : memref<!tpu.dma_semaphore, #tpu.memory_space<semaphore_mem>>)
      %dma_wait3A_87 = arith.constant 0 : i32
      %dma_wait3A_88 = arith.constant 0 : i32
      %dma_wait3A_89 = tpu.memref_slice %arg3[%add3A, %dma_wait3A_87, %dma_wait3A_88] : memref<32x80x128xi32, #tpu.memory_space<hbm>> -> memref<1x80x128xi32, #tpu.memory_space<hbm>>
      %dma_wait3A_90 = tpu.memref_squeeze %dma_wait3A_89 : memref<1x80x128xi32, #tpu.memory_space<hbm>> -> memref<80x128xi32, #tpu.memory_space<hbm>>
      %dma_wait3A_91 = arith.constant 0 : i32
      %dma_wait3A_92 = arith.constant 0 : i32
      %dma_wait3A_93 = tpu.memref_slice %arg3[%add3A, %dma_wait3A_91, %dma_wait3A_92] : memref<32x80x128xi32, #tpu.memory_space<hbm>> -> memref<1x80x128xi32, #tpu.memory_space<hbm>>
      %dma_wait3A_94 = tpu.memref_squeeze %dma_wait3A_93 : memref<1x80x128xi32, #tpu.memory_space<hbm>> -> memref<80x128xi32, #tpu.memory_space<hbm>>
      tpu.wait_dma2 semaphore(%run_scoped3A : memref<!tpu.dma_semaphore, #tpu.memory_space<semaphore_mem>>) src(%dma_wait3A_94 : memref<80x128xi32, #tpu.memory_space<hbm>>) dst(%arg9 : memref<80x128xi32, #tpu.memory_space<vmem>>)
      tpu.yield
    }) : () -> ()
    "tpu.region"() ({
      %run_scoped3A = tpu.sem_alloc : memref<!tpu.dma_semaphore, #tpu.memory_space<semaphore_mem>>
      %dma_start3A_79 = arith.constant 0 : i32
      %dma_start3A_80 = arith.constant 0 : i32
      %dma_start3A_81 = tpu.memref_slice %arg4[%add3A, %dma_start3A_79, %dma_start3A_80] : memref<32x80x128xf32, #tpu.memory_space<hbm>> -> memref<1x80x128xf32, #tpu.memory_space<hbm>>
      %dma_start3A_82 = tpu.memref_squeeze %dma_start3A_81 : memref<1x80x128xf32, #tpu.memory_space<hbm>> -> memref<80x128xf32, #tpu.memory_space<hbm>>
      %dma_start3A_83 = arith.constant 0 : i32
      %dma_start3A_84 = arith.constant 0 : i32
      %dma_start3A_85 = tpu.memref_slice %arg4[%add3A, %dma_start3A_83, %dma_start3A_84] : memref<32x80x128xf32, #tpu.memory_space<hbm>> -> memref<1x80x128xf32, #tpu.memory_space<hbm>>
      %dma_start3A_86 = tpu.memref_squeeze %dma_start3A_85 : memref<1x80x128xf32, #tpu.memory_space<hbm>> -> memref<80x128xf32, #tpu.memory_space<hbm>>
      tpu.enqueue_dma source(%dma_start3A_86 : memref<80x128xf32, #tpu.memory_space<hbm>>) target(%arg10 : memref<80x128xf32, #tpu.memory_space<vmem>>) target_semaphore(%run_scoped3A : memref<!tpu.dma_semaphore, #tpu.memory_space<semaphore_mem>>)
      %dma_wait3A_87 = arith.constant 0 : i32
      %dma_wait3A_88 = arith.constant 0 : i32
      %dma_wait3A_89 = tpu.memref_slice %arg4[%add3A, %dma_wait3A_87, %dma_wait3A_88] : memref<32x80x128xf32, #tpu.memory_space<hbm>> -> memref<1x80x128xf32, #tpu.memory_space<hbm>>
      %dma_wait3A_90 = tpu.memref_squeeze %dma_wait3A_89 : memref<1x80x128xf32, #tpu.memory_space<hbm>> -> memref<80x128xf32, #tpu.memory_space<hbm>>
      %dma_wait3A_91 = arith.constant 0 : i32
      %dma_wait3A_92 = arith.constant 0 : i32
      %dma_wait3A_93 = tpu.memref_slice %arg4[%add3A, %dma_wait3A_91, %dma_wait3A_92] : memref<32x80x128xf32, #tpu.memory_space<hbm>> -> memref<1x80x128xf32, #tpu.memory_space<hbm>>
      %dma_wait3A_94 = tpu.memref_squeeze %dma_wait3A_93 : memref<1x80x128xf32, #tpu.memory_space<hbm>> -> memref<80x128xf32, #tpu.memory_space<hbm>>
      tpu.wait_dma2 semaphore(%run_scoped3A : memref<!tpu.dma_semaphore, #tpu.memory_space<semaphore_mem>>) src(%dma_wait3A_94 : memref<80x128xf32, #tpu.memory_space<hbm>>) dst(%arg10 : memref<80x128xf32, #tpu.memory_space<vmem>>)
      tpu.yield
    }) : () -> ()
    %mul3A_1 = arith.constant 640 : i32
    %mul3A_2 = arith.muli %arg1, %mul3A_1 : i32
    %add3A_3 = arith.constant 0 : i32
    %add3A_4 = arith.addi %mul3A_2, %add3A_3 : i32
    "tpu.region"() ({
      %run_scoped3A = tpu.sem_alloc : memref<!tpu.dma_semaphore, #tpu.memory_space<semaphore_mem>>
      %dma_start3A_79 = arith.constant 0 : i32
      %dma_start3A_80 = tpu.memref_slice %arg15[%add3A_4, %dma_start3A_79] : memref<10240x128xf32, #tpu.memory_space<vmem_shared>> -> memref<128x128xf32, #tpu.memory_space<vmem_shared>>
      tpu.enqueue_dma source(%arg6 : memref<128x128xf32, #tpu.memory_space<hbm>>) target(%dma_start3A_80 : memref<128x128xf32, #tpu.memory_space<vmem_shared>>) target_semaphore(%run_scoped3A : memref<!tpu.dma_semaphore, #tpu.memory_space<semaphore_mem>>)
      %dma_wait3A_81 = arith.constant 0 : i32
      %dma_wait3A_82 = tpu.memref_slice %arg15[%add3A_4, %dma_wait3A_81] : memref<10240x128xf32, #tpu.memory_space<vmem_shared>> -> memref<128x128xf32, #tpu.memory_space<vmem_shared>>
      tpu.wait_dma2 semaphore(%run_scoped3A : memref<!tpu.dma_semaphore, #tpu.memory_space<semaphore_mem>>) src(%arg6 : memref<128x128xf32, #tpu.memory_space<hbm>>) dst(%dma_wait3A_82 : memref<128x128xf32, #tpu.memory_space<vmem_shared>>)
      tpu.yield
    }) : () -> ()
    %mul3A_5 = arith.constant 640 : i32
    %mul3A_6 = arith.muli %arg1, %mul3A_5 : i32
    %add3A_7 = arith.constant 128 : i32
    %add3A_8 = arith.addi %mul3A_6, %add3A_7 : i32
    "tpu.region"() ({
      %run_scoped3A = tpu.sem_alloc : memref<!tpu.dma_semaphore, #tpu.memory_space<semaphore_mem>>
      %dma_start3A_79 = arith.constant 0 : i32
      %dma_start3A_80 = tpu.memref_slice %arg15[%add3A_8, %dma_start3A_79] : memref<10240x128xf32, #tpu.memory_space<vmem_shared>> -> memref<128x128xf32, #tpu.memory_space<vmem_shared>>
      tpu.enqueue_dma source(%arg6 : memref<128x128xf32, #tpu.memory_space<hbm>>) target(%dma_start3A_80 : memref<128x128xf32, #tpu.memory_space<vmem_shared>>) target_semaphore(%run_scoped3A : memref<!tpu.dma_semaphore, #tpu.memory_space<semaphore_mem>>)
      %dma_wait3A_81 = arith.constant 0 : i32
      %dma_wait3A_82 = tpu.memref_slice %arg15[%add3A_8, %dma_wait3A_81] : memref<10240x128xf32, #tpu.memory_space<vmem_shared>> -> memref<128x128xf32, #tpu.memory_space<vmem_shared>>
      tpu.wait_dma2 semaphore(%run_scoped3A : memref<!tpu.dma_semaphore, #tpu.memory_space<semaphore_mem>>) src(%arg6 : memref<128x128xf32, #tpu.memory_space<hbm>>) dst(%dma_wait3A_82 : memref<128x128xf32, #tpu.memory_space<vmem_shared>>)
      tpu.yield
    }) : () -> ()
    %mul3A_9 = arith.constant 640 : i32
    %mul3A_10 = arith.muli %arg1, %mul3A_9 : i32
    %add3A_11 = arith.constant 256 : i32
    %add3A_12 = arith.addi %mul3A_10, %add3A_11 : i32
    "tpu.region"() ({
      %run_scoped3A = tpu.sem_alloc : memref<!tpu.dma_semaphore, #tpu.memory_space<semaphore_mem>>
      %dma_start3A_79 = arith.constant 0 : i32
      %dma_start3A_80 = tpu.memref_slice %arg15[%add3A_12, %dma_start3A_79] : memref<10240x128xf32, #tpu.memory_space<vmem_shared>> -> memref<128x128xf32, #tpu.memory_space<vmem_shared>>
      tpu.enqueue_dma source(%arg6 : memref<128x128xf32, #tpu.memory_space<hbm>>) target(%dma_start3A_80 : memref<128x128xf32, #tpu.memory_space<vmem_shared>>) target_semaphore(%run_scoped3A : memref<!tpu.dma_semaphore, #tpu.memory_space<semaphore_mem>>)
      %dma_wait3A_81 = arith.constant 0 : i32
      %dma_wait3A_82 = tpu.memref_slice %arg15[%add3A_12, %dma_wait3A_81] : memref<10240x128xf32, #tpu.memory_space<vmem_shared>> -> memref<128x128xf32, #tpu.memory_space<vmem_shared>>
      tpu.wait_dma2 semaphore(%run_scoped3A : memref<!tpu.dma_semaphore, #tpu.memory_space<semaphore_mem>>) src(%arg6 : memref<128x128xf32, #tpu.memory_space<hbm>>) dst(%dma_wait3A_82 : memref<128x128xf32, #tpu.memory_space<vmem_shared>>)
      tpu.yield
    }) : () -> ()
    %mul3A_13 = arith.constant 640 : i32
    %mul3A_14 = arith.muli %arg1, %mul3A_13 : i32
    %add3A_15 = arith.constant 384 : i32
    %add3A_16 = arith.addi %mul3A_14, %add3A_15 : i32
    "tpu.region"() ({
      %run_scoped3A = tpu.sem_alloc : memref<!tpu.dma_semaphore, #tpu.memory_space<semaphore_mem>>
      %dma_start3A_79 = arith.constant 0 : i32
      %dma_start3A_80 = tpu.memref_slice %arg15[%add3A_16, %dma_start3A_79] : memref<10240x128xf32, #tpu.memory_space<vmem_shared>> -> memref<128x128xf32, #tpu.memory_space<vmem_shared>>
      tpu.enqueue_dma source(%arg6 : memref<128x128xf32, #tpu.memory_space<hbm>>) target(%dma_start3A_80 : memref<128x128xf32, #tpu.memory_space<vmem_shared>>) target_semaphore(%run_scoped3A : memref<!tpu.dma_semaphore, #tpu.memory_space<semaphore_mem>>)
      %dma_wait3A_81 = arith.constant 0 : i32
      %dma_wait3A_82 = tpu.memref_slice %arg15[%add3A_16, %dma_wait3A_81] : memref<10240x128xf32, #tpu.memory_space<vmem_shared>> -> memref<128x128xf32, #tpu.memory_space<vmem_shared>>
      tpu.wait_dma2 semaphore(%run_scoped3A : memref<!tpu.dma_semaphore, #tpu.memory_space<semaphore_mem>>) src(%arg6 : memref<128x128xf32, #tpu.memory_space<hbm>>) dst(%dma_wait3A_82 : memref<128x128xf32, #tpu.memory_space<vmem_shared>>)
      tpu.yield
    }) : () -> ()
    %mul3A_17 = arith.constant 640 : i32
    %mul3A_18 = arith.muli %arg1, %mul3A_17 : i32
    %add3A_19 = arith.constant 512 : i32
    %add3A_20 = arith.addi %mul3A_18, %add3A_19 : i32
    "tpu.region"() ({
      %run_scoped3A = tpu.sem_alloc : memref<!tpu.dma_semaphore, #tpu.memory_space<semaphore_mem>>
      %dma_start3A_79 = arith.constant 0 : i32
      %dma_start3A_80 = tpu.memref_slice %arg15[%add3A_20, %dma_start3A_79] : memref<10240x128xf32, #tpu.memory_space<vmem_shared>> -> memref<128x128xf32, #tpu.memory_space<vmem_shared>>
      tpu.enqueue_dma source(%arg6 : memref<128x128xf32, #tpu.memory_space<hbm>>) target(%dma_start3A_80 : memref<128x128xf32, #tpu.memory_space<vmem_shared>>) target_semaphore(%run_scoped3A : memref<!tpu.dma_semaphore, #tpu.memory_space<semaphore_mem>>)
      %dma_wait3A_81 = arith.constant 0 : i32
      %dma_wait3A_82 = tpu.memref_slice %arg15[%add3A_20, %dma_wait3A_81] : memref<10240x128xf32, #tpu.memory_space<vmem_shared>> -> memref<128x128xf32, #tpu.memory_space<vmem_shared>>
      tpu.wait_dma2 semaphore(%run_scoped3A : memref<!tpu.dma_semaphore, #tpu.memory_space<semaphore_mem>>) src(%arg6 : memref<128x128xf32, #tpu.memory_space<hbm>>) dst(%dma_wait3A_82 : memref<128x128xf32, #tpu.memory_space<vmem_shared>>)
      tpu.yield
    }) : () -> ()
    %barrier3A = arith.constant 0 : index
    tpu.barrier barrier_id(%barrier3A)
    %dma_start3A = arith.constant 0 : i32
    %dma_start3A_21 = arith.constant 0 : i32
    %dma_start3A_22 = tpu.memref_slice %arg8[%dma_start3A, %dma_start3A_21] : memref<80x128xi32, #tpu.memory_space<vmem>> -> memref<1x64xi32, #tpu.memory_space<vmem>>
    %dma_start3A_23 = tpu.memref_squeeze %dma_start3A_22 : memref<1x64xi32, #tpu.memory_space<vmem>> -> memref<64xi32, #tpu.memory_space<vmem>>
    %dma_start3A_24 = arith.constant 0 : i32
    %dma_start3A_25 = arith.constant 0 : i32
    %dma_start3A_26 = tpu.memref_slice %arg5[%dma_start3A_24, %dma_start3A_25] : memref<10240x128xf32, #tpu.memory_space<hbm>> -> memref<10240x128xf32, #tpu.memory_space<hbm>>
    tpu.enqueue_indirect_dma source(%dma_start3A_26 : memref<10240x128xf32, #tpu.memory_space<hbm>>) target(%arg11 : memref<64x128xf32, #tpu.memory_space<vmem>>) offsets(%dma_start3A_23 : memref<64xi32, #tpu.memory_space<vmem>>) semaphore(%arg13 : memref<!tpu.dma_semaphore, #tpu.memory_space<semaphore_mem>>)
    %scan3A = arith.constant 0 : i32
    %scan3A_27 = arith.constant 0 : i32
    %scan3A_28 = arith.constant 80 : i32
    %scan3A_29 = arith.addi %scan3A_27, %scan3A_28 : i32
    %scan3A_30 = arith.constant 1 : i32
    scf.for %scan3A_79 = %scan3A_27 to %scan3A_29 step %scan3A_30  : i32 {
      %dma_wait3A_80 = arith.constant 0 : i32
      %dma_wait3A_81 = tpu.memref_slice %arg8[%scan3A_79, %dma_wait3A_80] : memref<80x128xi32, #tpu.memory_space<vmem>> -> memref<1x64xi32, #tpu.memory_space<vmem>>
      %dma_wait3A_82 = tpu.memref_squeeze %dma_wait3A_81 : memref<1x64xi32, #tpu.memory_space<vmem>> -> memref<64xi32, #tpu.memory_space<vmem>>
      %dma_wait3A_83 = arith.constant 0 : i32
      %dma_wait3A_84 = arith.constant 0 : i32
      %dma_wait3A_85 = tpu.memref_slice %arg5[%dma_wait3A_83, %dma_wait3A_84] : memref<10240x128xf32, #tpu.memory_space<hbm>> -> memref<10240x128xf32, #tpu.memory_space<hbm>>
      tpu.wait_indirect_dma semaphore(%arg13 : memref<!tpu.dma_semaphore, #tpu.memory_space<semaphore_mem>>) src(%dma_wait3A_85 : memref<10240x128xf32, #tpu.memory_space<hbm>>) dst(%arg11 : memref<64x128xf32, #tpu.memory_space<vmem>>)
      %dma_start3A_86 = arith.constant 64 : i32
      %dma_start3A_87 = tpu.memref_slice %arg8[%scan3A_79, %dma_start3A_86] : memref<80x128xi32, #tpu.memory_space<vmem>> -> memref<1x64xi32, #tpu.memory_space<vmem>>
      %dma_start3A_88 = tpu.memref_squeeze %dma_start3A_87 : memref<1x64xi32, #tpu.memory_space<vmem>> -> memref<64xi32, #tpu.memory_space<vmem>>
      %dma_start3A_89 = arith.constant 0 : i32
      %dma_start3A_90 = arith.constant 0 : i32
      %dma_start3A_91 = tpu.memref_slice %arg5[%dma_start3A_89, %dma_start3A_90] : memref<10240x128xf32, #tpu.memory_space<hbm>> -> memref<10240x128xf32, #tpu.memory_space<hbm>>
      tpu.enqueue_indirect_dma source(%dma_start3A_91 : memref<10240x128xf32, #tpu.memory_space<hbm>>) target(%arg12 : memref<64x128xf32, #tpu.memory_space<vmem>>) offsets(%dma_start3A_88 : memref<64xi32, #tpu.memory_space<vmem>>) semaphore(%arg14 : memref<!tpu.dma_semaphore, #tpu.memory_space<semaphore_mem>>)
      %scan3A_92 = arith.constant 0 : i32
      %scan3A_93 = arith.constant 0 : i32
      %scan3A_94 = arith.constant 4 : i32
      %scan3A_95 = arith.addi %scan3A_93, %scan3A_94 : i32
      %scan3A_96 = arith.constant 1 : i32
      scf.for %scan3A_121 = %scan3A_93 to %scan3A_95 step %scan3A_96  : i32 {
        %mul3A_122 = arith.constant 16 : i32
        %mul3A_123 = arith.muli %scan3A_121, %mul3A_122 : i32
        %add3A_124 = arith.constant 0 : i32
        %add3A_125 = arith.addi %add3A_124, %mul3A_123 : i32
        %get3A = arith.index_cast %scan3A_79 : i32 to index
        %get3A_126 = arith.index_cast %add3A_125 : i32 to index
        %get3A_127 = tpu.vector_load %arg10[%get3A, %get3A_126] {strides = array<i32>} : memref<80x128xf32, #tpu.memory_space<vmem>>, vector<1x16xf32>,
        %get3A_128 = vector.shape_cast %get3A_127 : vector<1x16xf32> to vector<16xf32>
        %mul3A_129 = arith.constant 16 : i32
        %mul3A_130 = arith.muli %scan3A_121, %mul3A_129 : i32
        %add3A_131 = arith.constant 0 : i32
        %add3A_132 = arith.addi %mul3A_130, %add3A_131 : i32
        %slice3A = vector.extract_strided_slice %get3A_128 {offsets = [0], sizes = [1], strides = [1]} : vector<16xf32> to vector<1xf32>
        %squeeze3A = vector.extract %slice3A[0] : f32 from vector<1xf32>
        %get3A_133 = arith.index_cast %add3A_132 : i32 to index
        %get3A_134 = arith.constant 0 : index
        %get3A_135 = tpu.vector_load %arg11[%get3A_133, %get3A_134] {strides = array<i32>} : memref<64x128xf32, #tpu.memory_space<vmem>>, vector<1x16xf32>,
        %get3A_136 = vector.shape_cast %get3A_135 : vector<1x16xf32> to vector<16xf32>
        %mul3A_137 = vector.broadcast %squeeze3A : f32 to vector<16xf32>
        %mul3A_138 = arith.mulf %get3A_136, %mul3A_137 : vector<16xf32>
        %swap3A = arith.index_cast %add3A_132 : i32 to index
        %swap3A_139 = arith.constant 0 : index
        %swap3A_140 = tpu.vector_load %arg11[%swap3A, %swap3A_139] {strides = array<i32>} : memref<64x128xf32, #tpu.memory_space<vmem>>, vector<1x16xf32>,
        %swap3A_141 = vector.shape_cast %swap3A_140 : vector<1x16xf32> to vector<16xf32>
        %swap3A_142 = vector.shape_cast %mul3A_138 : vector<16xf32> to vector<1x16xf32>
        tpu.vector_store %arg11[%swap3A, %swap3A_139], %swap3A_142 {strides = array<i32>} : memref<64x128xf32, #tpu.memory_space<vmem>>, vector<1x16xf32>,
        %get3A_143 = arith.index_cast %add3A_132 : i32 to index
        %get3A_144 = arith.constant 16 : index
        %get3A_145 = tpu.vector_load %arg11[%get3A_143, %get3A_144] {strides = array<i32>} : memref<64x128xf32, #tpu.memory_space<vmem>>, vector<1x16xf32>,
        %get3A_146 = vector.shape_cast %get3A_145 : vector<1x16xf32> to vector<16xf32>
        %mul3A_147 = vector.broadcast %squeeze3A : f32 to vector<16xf32>
        %mul3A_148 = arith.mulf %get3A_146, %mul3A_147 : vector<16xf32>
        %swap3A_149 = arith.index_cast %add3A_132 : i32 to index
        %swap3A_150 = arith.constant 16 : index
        %swap3A_151 = tpu.vector_load %arg11[%swap3A_149, %swap3A_150] {strides = array<i32>} : memref<64x128xf32, #tpu.memory_space<vmem>>, vector<1x16xf32>,
        %swap3A_152 = vector.shape_cast %swap3A_151 : vector<1x16xf32> to vector<16xf32>
        %swap3A_153 = vector.shape_cast %mul3A_148 : vector<16xf32> to vector<1x16xf32>
        tpu.vector_store %arg11[%swap3A_149, %swap3A_150], %swap3A_153 {strides = array<i32>} : memref<64x128xf32, #tpu.memory_space<vmem>>, vector<1x16xf32>,
        %get3A_154 = arith.index_cast %add3A_132 : i32 to index
        %get3A_155 = arith.constant 32 : index
        %get3A_156 = tpu.vector_load %arg11[%get3A_154, %get3A_155] {strides = array<i32>} : memref<64x128xf32, #tpu.memory_space<vmem>>, vector<1x16xf32>,
        %get3A_157 = vector.shape_cast %get3A_156 : vector<1x16xf32> to vector<16xf32>
        %mul3A_158 = vector.broadcast %squeeze3A : f32 to vector<16xf32>
        %mul3A_159 = arith.mulf %get3A_157, %mul3A_158 : vector<16xf32>
        %swap3A_160 = arith.index_cast %add3A_132 : i32 to index
        %swap3A_161 = arith.constant 32 : index
        %swap3A_162 = tpu.vector_load %arg11[%swap3A_160, %swap3A_161] {strides = array<i32>} : memref<64x128xf32, #tpu.memory_space<vmem>>, vector<1x16xf32>,
        %swap3A_163 = vector.shape_cast %swap3A_162 : vector<1x16xf32> to vector<16xf32>
        %swap3A_164 = vector.shape_cast %mul3A_159 : vector<16xf32> to vector<1x16xf32>
        tpu.vector_store %arg11[%swap3A_160, %swap3A_161], %swap3A_164 {strides = array<i32>} : memref<64x128xf32, #tpu.memory_space<vmem>>, vector<1x16xf32>,
        %get3A_165 = arith.index_cast %add3A_132 : i32 to index
        %get3A_166 = arith.constant 48 : index
        %get3A_167 = tpu.vector_load %arg11[%get3A_165, %get3A_166] {strides = array<i32>} : memref<64x128xf32, #tpu.memory_space<vmem>>, vector<1x16xf32>,
        %get3A_168 = vector.shape_cast %get3A_167 : vector<1x16xf32> to vector<16xf32>
        %mul3A_169 = vector.broadcast %squeeze3A : f32 to vector<16xf32>
        %mul3A_170 = arith.mulf %get3A_168, %mul3A_169 : vector<16xf32>
        %swap3A_171 = arith.index_cast %add3A_132 : i32 to index
        %swap3A_172 = arith.constant 48 : index
        %swap3A_173 = tpu.vector_load %arg11[%swap3A_171, %swap3A_172] {strides = array<i32>} : memref<64x128xf32, #tpu.memory_space<vmem>>, vector<1x16xf32>,
        %swap3A_174 = vector.shape_cast %swap3A_173 : vector<1x16xf32> to vector<16xf32>
        %swap3A_175 = vector.shape_cast %mul3A_170 : vector<16xf32> to vector<1x16xf32>
        tpu.vector_store %arg11[%swap3A_171, %swap3A_172], %swap3A_175 {strides = array<i32>} : memref<64x128xf32, #tpu.memory_space<vmem>>, vector<1x16xf32>,
        %mul3A_176 = arith.constant 16 : i32
        %mul3A_177 = arith.muli %scan3A_121, %mul3A_176 : i32
        %add3A_178 = arith.constant 1 : i32
        %add3A_179 = arith.addi %mul3A_177, %add3A_178 : i32
        %slice3A_180 = vector.extract_strided_slice %get3A_128 {offsets = [1], sizes = [1], strides = [1]} : vector<16xf32> to vector<1xf32>
        %squeeze3A_181 = vector.extract %slice3A_180[0] : f32 from vector<1xf32>
        %get3A_182 = arith.index_cast %add3A_179 : i32 to index
        %get3A_183 = arith.constant 0 : index
        %get3A_184 = tpu.vector_load %arg11[%get3A_182, %get3A_183] {strides = array<i32>} : memref<64x128xf32, #tpu.memory_space<vmem>>, vector<1x16xf32>,
        %get3A_185 = vector.shape_cast %get3A_184 : vector<1x16xf32> to vector<16xf32>
        %mul3A_186 = vector.broadcast %squeeze3A_181 : f32 to vector<16xf32>
        %mul3A_187 = arith.mulf %get3A_185, %mul3A_186 : vector<16xf32>
        %swap3A_188 = arith.index_cast %add3A_179 : i32 to index
        %swap3A_189 = arith.constant 0 : index
        %swap3A_190 = tpu.vector_load %arg11[%swap3A_188, %swap3A_189] {strides = array<i32>} : memref<64x128xf32, #tpu.memory_space<vmem>>, vector<1x16xf32>,
        %swap3A_191 = vector.shape_cast %swap3A_190 : vector<1x16xf32> to vector<16xf32>
        %swap3A_192 = vector.shape_cast %mul3A_187 : vector<16xf32> to vector<1x16xf32>
        tpu.vector_store %arg11[%swap3A_188, %swap3A_189], %swap3A_192 {strides = array<i32>} : memref<64x128xf32, #tpu.memory_space<vmem>>, vector<1x16xf32>,
        %get3A_193 = arith.index_cast %add3A_179 : i32 to index
        %get3A_194 = arith.constant 16 : index
        %get3A_195 = tpu.vector_load %arg11[%get3A_193, %get3A_194] {strides = array<i32>} : memref<64x128xf32, #tpu.memory_space<vmem>>, vector<1x16xf32>,
        %get3A_196 = vector.shape_cast %get3A_195 : vector<1x16xf32> to vector<16xf32>
        %mul3A_197 = vector.broadcast %squeeze3A_181 : f32 to vector<16xf32>
        %mul3A_198 = arith.mulf %get3A_196, %mul3A_197 : vector<16xf32>
        %swap3A_199 = arith.index_cast %add3A_179 : i32 to index
        %swap3A_200 = arith.constant 16 : index
        %swap3A_201 = tpu.vector_load %arg11[%swap3A_199, %swap3A_200] {strides = array<i32>} : memref<64x128xf32, #tpu.memory_space<vmem>>, vector<1x16xf32>,
        %swap3A_202 = vector.shape_cast %swap3A_201 : vector<1x16xf32> to vector<16xf32>
        %swap3A_203 = vector.shape_cast %mul3A_198 : vector<16xf32> to vector<1x16xf32>
        tpu.vector_store %arg11[%swap3A_199, %swap3A_200], %swap3A_203 {strides = array<i32>} : memref<64x128xf32, #tpu.memory_space<vmem>>, vector<1x16xf32>,
        %get3A_204 = arith.index_cast %add3A_179 : i32 to index
        %get3A_205 = arith.constant 32 : index
        %get3A_206 = tpu.vector_load %arg11[%get3A_204, %get3A_205] {strides = array<i32>} : memref<64x128xf32, #tpu.memory_space<vmem>>, vector<1x16xf32>,
        %get3A_207 = vector.shape_cast %get3A_206 : vector<1x16xf32> to vector<16xf32>
        %mul3A_208 = vector.broadcast %squeeze3A_181 : f32 to vector<16xf32>
        %mul3A_209 = arith.mulf %get3A_207, %mul3A_208 : vector<16xf32>
        %swap3A_210 = arith.index_cast %add3A_179 : i32 to index
        %swap3A_211 = arith.constant 32 : index
        %swap3A_212 = tpu.vector_load %arg11[%swap3A_210, %swap3A_211] {strides = array<i32>} : memref<64x128xf32, #tpu.memory_space<vmem>>, vector<1x16xf32>,
        %swap3A_213 = vector.shape_cast %swap3A_212 : vector<1x16xf32> to vector<16xf32>
        %swap3A_214 = vector.shape_cast %mul3A_209 : vector<16xf32> to vector<1x16xf32>
        tpu.vector_store %arg11[%swap3A_210, %swap3A_211], %swap3A_214 {strides = array<i32>} : memref<64x128xf32, #tpu.memory_space<vmem>>, vector<1x16xf32>,
        %get3A_215 = arith.index_cast %add3A_179 : i32 to index
        %get3A_216 = arith.constant 48 : index
        %get3A_217 = tpu.vector_load %arg11[%get3A_215, %get3A_216] {strides = array<i32>} : memref<64x128xf32, #tpu.memory_space<vmem>>, vector<1x16xf32>,
        %get3A_218 = vector.shape_cast %get3A_217 : vector<1x16xf32> to vector<16xf32>
        %mul3A_219 = vector.broadcast %squeeze3A_181 : f32 to vector<16xf32>
        %mul3A_220 = arith.mulf %get3A_218, %mul3A_219 : vector<16xf32>
        %swap3A_221 = arith.index_cast %add3A_179 : i32 to index
        %swap3A_222 = arith.constant 48 : index
        %swap3A_223 = tpu.vector_load %arg11[%swap3A_221, %swap3A_222] {strides = array<i32>} : memref<64x128xf32, #tpu.memory_space<vmem>>, vector<1x16xf32>,
        %swap3A_224 = vector.shape_cast %swap3A_223 : vector<1x16xf32> to vector<16xf32>
        %swap3A_225 = vector.shape_cast %mul3A_220 : vector<16xf32> to vector<1x16xf32>
        tpu.vector_store %arg11[%swap3A_221, %swap3A_222], %swap3A_225 {strides = array<i32>} : memref<64x128xf32, #tpu.memory_space<vmem>>, vector<1x16xf32>,
        %mul3A_226 = arith.constant 16 : i32
        %mul3A_227 = arith.muli %scan3A_121, %mul3A_226 : i32
        %add3A_228 = arith.constant 2 : i32
        %add3A_229 = arith.addi %mul3A_227, %add3A_228 : i32
        %slice3A_230 = vector.extract_strided_slice %get3A_128 {offsets = [2], sizes = [1], strides = [1]} : vector<16xf32> to vector<1xf32>
        %squeeze3A_231 = vector.extract %slice3A_230[0] : f32 from vector<1xf32>
        %get3A_232 = arith.index_cast %add3A_229 : i32 to index
        %get3A_233 = arith.constant 0 : index
        %get3A_234 = tpu.vector_load %arg11[%get3A_232, %get3A_233] {strides = array<i32>} : memref<64x128xf32, #tpu.memory_space<vmem>>, vector<1x16xf32>,
        %get3A_235 = vector.shape_cast %get3A_234 : vector<1x16xf32> to vector<16xf32>
        %mul3A_236 = vector.broadcast %squeeze3A_231 : f32 to vector<16xf32>
        %mul3A_237 = arith.mulf %get3A_235, %mul3A_236 : vector<16xf32>
        %swap3A_238 = arith.index_cast %add3A_229 : i32 to index
        %swap3A_239 = arith.constant 0 : index
        %swap3A_240 = tpu.vector_load %arg11[%swap3A_238, %swap3A_239] {strides = array<i32>} : memref<64x128xf32, #tpu.memory_space<vmem>>, vector<1x16xf32>,
        %swap3A_241 = vector.shape_cast %swap3A_240 : vector<1x16xf32> to vector<16xf32>
        %swap3A_242 = vector.shape_cast %mul3A_237 : vector<16xf32> to vector<1x16xf32>
        tpu.vector_store %arg11[%swap3A_238, %swap3A_239], %swap3A_242 {strides = array<i32>} : memref<64x128xf32, #tpu.memory_space<vmem>>, vector<1x16xf32>,
        %get3A_243 = arith.index_cast %add3A_229 : i32 to index
        %get3A_244 = arith.constant 16 : index
        %get3A_245 = tpu.vector_load %arg11[%get3A_243, %get3A_244] {strides = array<i32>} : memref<64x128xf32, #tpu.memory_space<vmem>>, vector<1x16xf32>,
        %get3A_246 = vector.shape_cast %get3A_245 : vector<1x16xf32> to vector<16xf32>
        %mul3A_247 = vector.broadcast %squeeze3A_231 : f32 to vector<16xf32>
        %mul3A_248 = arith.mulf %get3A_246, %mul3A_247 : vector<16xf32>
        %swap3A_249 = arith.index_cast %add3A_229 : i32 to index
        %swap3A_250 = arith.constant 16 : index
        %swap3A_251 = tpu.vector_load %arg11[%swap3A_249, %swap3A_250] {strides = array<i32>} : memref<64x128xf32, #tpu.memory_space<vmem>>, vector<1x16xf32>,
        %swap3A_252 = vector.shape_cast %swap3A_251 : vector<1x16xf32> to vector<16xf32>
        %swap3A_253 = vector.shape_cast %mul3A_248 : vector<16xf32> to vector<1x16xf32>
        tpu.vector_store %arg11[%swap3A_249, %swap3A_250], %swap3A_253 {strides = array<i32>} : memref<64x128xf32, #tpu.memory_space<vmem>>, vector<1x16xf32>,
        %get3A_254 = arith.index_cast %add3A_229 : i32 to index
        %get3A_255 = arith.constant 32 : index
        %get3A_256 = tpu.vector_load %arg11[%get3A_254, %get3A_255] {strides = array<i32>} : memref<64x128xf32, #tpu.memory_space<vmem>>, vector<1x16xf32>,
        %get3A_257 = vector.shape_cast %get3A_256 : vector<1x16xf32> to vector<16xf32>
        %mul3A_258 = vector.broadcast %squeeze3A_231 : f32 to vector<16xf32>
        %mul3A_259 = arith.mulf %get3A_257, %mul3A_258 : vector<16xf32>
        %swap3A_260 = arith.index_cast %add3A_229 : i32 to index
        %swap3A_261 = arith.constant 32 : index
        %swap3A_262 = tpu.vector_load %arg11[%swap3A_260, %swap3A_261] {strides = array<i32>} : memref<64x128xf32, #tpu.memory_space<vmem>>, vector<1x16xf32>,
        %swap3A_263 = vector.shape_cast %swap3A_262 : vector<1x16xf32> to vector<16xf32>
        %swap3A_264 = vector.shape_cast %mul3A_259 : vector<16xf32> to vector<1x16xf32>
        tpu.vector_store %arg11[%swap3A_260, %swap3A_261], %swap3A_264 {strides = array<i32>} : memref<64x128xf32, #tpu.memory_space<vmem>>, vector<1x16xf32>,
        %get3A_265 = arith.index_cast %add3A_229 : i32 to index
        %get3A_266 = arith.constant 48 : index
        %get3A_267 = tpu.vector_load %arg11[%get3A_265, %get3A_266] {strides = array<i32>} : memref<64x128xf32, #tpu.memory_space<vmem>>, vector<1x16xf32>,
        %get3A_268 = vector.shape_cast %get3A_267 : vector<1x16xf32> to vector<16xf32>
        %mul3A_269 = vector.broadcast %squeeze3A_231 : f32 to vector<16xf32>
        %mul3A_270 = arith.mulf %get3A_268, %mul3A_269 : vector<16xf32>
        %swap3A_271 = arith.index_cast %add3A_229 : i32 to index
        %swap3A_272 = arith.constant 48 : index
        %swap3A_273 = tpu.vector_load %arg11[%swap3A_271, %swap3A_272] {strides = array<i32>} : memref<64x128xf32, #tpu.memory_space<vmem>>, vector<1x16xf32>,
        %swap3A_274 = vector.shape_cast %swap3A_273 : vector<1x16xf32> to vector<16xf32>
        %swap3A_275 = vector.shape_cast %mul3A_270 : vector<16xf32> to vector<1x16xf32>
        tpu.vector_store %arg11[%swap3A_271, %swap3A_272], %swap3A_275 {strides = array<i32>} : memref<64x128xf32, #tpu.memory_space<vmem>>, vector<1x16xf32>,
        %mul3A_276 = arith.constant 16 : i32
        %mul3A_277 = arith.muli %scan3A_121, %mul3A_276 : i32
        %add3A_278 = arith.constant 3 : i32
        %add3A_279 = arith.addi %mul3A_277, %add3A_278 : i32
        %slice3A_280 = vector.extract_strided_slice %get3A_128 {offsets = [3], sizes = [1], strides = [1]} : vector<16xf32> to vector<1xf32>
        %squeeze3A_281 = vector.extract %slice3A_280[0] : f32 from vector<1xf32>
        %get3A_282 = arith.index_cast %add3A_279 : i32 to index
        %get3A_283 = arith.constant 0 : index
        %get3A_284 = tpu.vector_load %arg11[%get3A_282, %get3A_283] {strides = array<i32>} : memref<64x128xf32, #tpu.memory_space<vmem>>, vector<1x16xf32>,
        %get3A_285 = vector.shape_cast %get3A_284 : vector<1x16xf32> to vector<16xf32>
        %mul3A_286 = vector.broadcast %squeeze3A_281 : f32 to vector<16xf32>
        %mul3A_287 = arith.mulf %get3A_285, %mul3A_286 : vector<16xf32>
        %swap3A_288 = arith.index_cast %add3A_279 : i32 to index
        %swap3A_289 = arith.constant 0 : index
        %swap3A_290 = tpu.vector_load %arg11[%swap3A_288, %swap3A_289] {strides = array<i32>} : memref<64x128xf32, #tpu.memory_space<vmem>>, vector<1x16xf32>,
        %swap3A_291 = vector.shape_cast %swap3A_290 : vector<1x16xf32> to vector<16xf32>
        %swap3A_292 = vector.shape_cast %mul3A_287 : vector<16xf32> to vector<1x16xf32>
        tpu.vector_store %arg11[%swap3A_288, %swap3A_289], %swap3A_292 {strides = array<i32>} : memref<64x128xf32, #tpu.memory_space<vmem>>, vector<1x16xf32>,
        %get3A_293 = arith.index_cast %add3A_279 : i32 to index
        %get3A_294 = arith.constant 16 : index
        %get3A_295 = tpu.vector_load %arg11[%get3A_293, %get3A_294] {strides = array<i32>} : memref<64x128xf32, #tpu.memory_space<vmem>>, vector<1x16xf32>,
        %get3A_296 = vector.shape_cast %get3A_295 : vector<1x16xf32> to vector<16xf32>
        %mul3A_297 = vector.broadcast %squeeze3A_281 : f32 to vector<16xf32>
        %mul3A_298 = arith.mulf %get3A_296, %mul3A_297 : vector<16xf32>
        %swap3A_299 = arith.index_cast %add3A_279 : i32 to index
        %swap3A_300 = arith.constant 16 : index
        %swap3A_301 = tpu.vector_load %arg11[%swap3A_299, %swap3A_300] {strides = array<i32>} : memref<64x128xf32, #tpu.memory_space<vmem>>, vector<1x16xf32>,
        %swap3A_302 = vector.shape_cast %swap3A_301 : vector<1x16xf32> to vector<16xf32>
        %swap3A_303 = vector.shape_cast %mul3A_298 : vector<16xf32> to vector<1x16xf32>
        tpu.vector_store %arg11[%swap3A_299, %swap3A_300], %swap3A_303 {strides = array<i32>} : memref<64x128xf32, #tpu.memory_space<vmem>>, vector<1x16xf32>,
        %get3A_304 = arith.index_cast %add3A_279 : i32 to index
        %get3A_305 = arith.constant 32 : index
        %get3A_306 = tpu.vector_load %arg11[%get3A_304, %get3A_305] {strides = array<i32>} : memref<64x128xf32, #tpu.memory_space<vmem>>, vector<1x16xf32>,
        %get3A_307 = vector.shape_cast %get3A_306 : vector<1x16xf32> to vector<16xf32>
        %mul3A_308 = vector.broadcast %squeeze3A_281 : f32 to vector<16xf32>
        %mul3A_309 = arith.mulf %get3A_307, %mul3A_308 : vector<16xf32>
        %swap3A_310 = arith.index_cast %add3A_279 : i32 to index
        %swap3A_311 = arith.constant 32 : index
        %swap3A_312 = tpu.vector_load %arg11[%swap3A_310, %swap3A_311] {strides = array<i32>} : memref<64x128xf32, #tpu.memory_space<vmem>>, vector<1x16xf32>,
        %swap3A_313 = vector.shape_cast %swap3A_312 : vector<1x16xf32> to vector<16xf32>
        %swap3A_314 = vector.shape_cast %mul3A_309 : vector<16xf32> to vector<1x16xf32>
        tpu.vector_store %arg11[%swap3A_310, %swap3A_311], %swap3A_314 {strides = array<i32>} : memref<64x128xf32, #tpu.memory_space<vmem>>, vector<1x16xf32>,
        %get3A_315 = arith.index_cast %add3A_279 : i32 to index
        %get3A_316 = arith.constant 48 : index
        %get3A_317 = tpu.vector_load %arg11[%get3A_315, %get3A_316] {strides = array<i32>} : memref<64x128xf32, #tpu.memory_space<vmem>>, vector<1x16xf32>,
        %get3A_318 = vector.shape_cast %get3A_317 : vector<1x16xf32> to vector<16xf32>
        %mul3A_319 = vector.broadcast %squeeze3A_281 : f32 to vector<16xf32>
        %mul3A_320 = arith.mulf %get3A_318, %mul3A_319 : vector<16xf32>
        %swap3A_321 = arith.index_cast %add3A_279 : i32 to index
        %swap3A_322 = arith.constant 48 : index
        %swap3A_323 = tpu.vector_load %arg11[%swap3A_321, %swap3A_322] {strides = array<i32>} : memref<64x128xf32, #tpu.memory_space<vmem>>, vector<1x16xf32>,
        %swap3A_324 = vector.shape_cast %swap3A_323 : vector<1x16xf32> to vector<16xf32>
        %swap3A_325 = vector.shape_cast %mul3A_320 : vector<16xf32> to vector<1x16xf32>
        tpu.vector_store %arg11[%swap3A_321, %swap3A_322], %swap3A_325 {strides = array<i32>} : memref<64x128xf32, #tpu.memory_space<vmem>>, vector<1x16xf32>,
        %mul3A_326 = arith.constant 16 : i32
        %mul3A_327 = arith.muli %scan3A_121, %mul3A_326 : i32
        %add3A_328 = arith.constant 4 : i32
        %add3A_329 = arith.addi %mul3A_327, %add3A_328 : i32
        %slice3A_330 = vector.extract_strided_slice %get3A_128 {offsets = [4], sizes = [1], strides = [1]} : vector<16xf32> to vector<1xf32>
        %squeeze3A_331 = vector.extract %slice3A_330[0] : f32 from vector<1xf32>
        %get3A_332 = arith.index_cast %add3A_329 : i32 to index
        %get3A_333 = arith.constant 0 : index
        %get3A_334 = tpu.vector_load %arg11[%get3A_332, %get3A_333] {strides = array<i32>} : memref<64x128xf32, #tpu.memory_space<vmem>>, vector<1x16xf32>,
        %get3A_335 = vector.shape_cast %get3A_334 : vector<1x16xf32> to vector<16xf32>
        %mul3A_336 = vector.broadcast %squeeze3A_331 : f32 to vector<16xf32>
        %mul3A_337 = arith.mulf %get3A_335, %mul3A_336 : vector<16xf32>
        %swap3A_338 = arith.index_cast %add3A_329 : i32 to index
        %swap3A_339 = arith.constant 0 : index
        %swap3A_340 = tpu.vector_load %arg11[%swap3A_338, %swap3A_339] {strides = array<i32>} : memref<64x128xf32, #tpu.memory_space<vmem>>, vector<1x16xf32>,
        %swap3A_341 = vector.shape_cast %swap3A_340 : vector<1x16xf32> to vector<16xf32>
        %swap3A_342 = vector.shape_cast %mul3A_337 : vector<16xf32> to vector<1x16xf32>
        tpu.vector_store %arg11[%swap3A_338, %swap3A_339], %swap3A_342 {strides = array<i32>} : memref<64x128xf32, #tpu.memory_space<vmem>>, vector<1x16xf32>,
        %get3A_343 = arith.index_cast %add3A_329 : i32 to index
        %get3A_344 = arith.constant 16 : index
        %get3A_345 = tpu.vector_load %arg11[%get3A_343, %get3A_344] {strides = array<i32>} : memref<64x128xf32, #tpu.memory_space<vmem>>, vector<1x16xf32>,
        %get3A_346 = vector.shape_cast %get3A_345 : vector<1x16xf32> to vector<16xf32>
        %mul3A_347 = vector.broadcast %squeeze3A_331 : f32 to vector<16xf32>
        %mul3A_348 = arith.mulf %get3A_346, %mul3A_347 : vector<16xf32>
        %swap3A_349 = arith.index_cast %add3A_329 : i32 to index
        %swap3A_350 = arith.constant 16 : index
        %swap3A_351 = tpu.vector_load %arg11[%swap3A_349, %swap3A_350] {strides = array<i32>} : memref<64x128xf32, #tpu.memory_space<vmem>>, vector<1x16xf32>,
        %swap3A_352 = vector.shape_cast %swap3A_351 : vector<1x16xf32> to vector<16xf32>
        %swap3A_353 = vector.shape_cast %mul3A_348 : vector<16xf32> to vector<1x16xf32>
        tpu.vector_store %arg11[%swap3A_349, %swap3A_350], %swap3A_353 {strides = array<i32>} : memref<64x128xf32, #tpu.memory_space<vmem>>, vector<1x16xf32>,
        %get3A_354 = arith.index_cast %add3A_329 : i32 to index
        %get3A_355 = arith.constant 32 : index
        %get3A_356 = tpu.vector_load %arg11[%get3A_354, %get3A_355] {strides = array<i32>} : memref<64x128xf32, #tpu.memory_space<vmem>>, vector<1x16xf32>,
        %get3A_357 = vector.shape_cast %get3A_356 : vector<1x16xf32> to vector<16xf32>
        %mul3A_358 = vector.broadcast %squeeze3A_331 : f32 to vector<16xf32>
        %mul3A_359 = arith.mulf %get3A_357, %mul3A_358 : vector<16xf32>
        %swap3A_360 = arith.index_cast %add3A_329 : i32 to index
        %swap3A_361 = arith.constant 32 : index
        %swap3A_362 = tpu.vector_load %arg11[%swap3A_360, %swap3A_361] {strides = array<i32>} : memref<64x128xf32, #tpu.memory_space<vmem>>, vector<1x16xf32>,
        %swap3A_363 = vector.shape_cast %swap3A_362 : vector<1x16xf32> to vector<16xf32>
        %swap3A_364 = vector.shape_cast %mul3A_359 : vector<16xf32> to vector<1x16xf32>
        tpu.vector_store %arg11[%swap3A_360, %swap3A_361], %swap3A_364 {strides = array<i32>} : memref<64x128xf32, #tpu.memory_space<vmem>>, vector<1x16xf32>,
        %get3A_365 = arith.index_cast %add3A_329 : i32 to index
        %get3A_366 = arith.constant 48 : index
        %get3A_367 = tpu.vector_load %arg11[%get3A_365, %get3A_366] {strides = array<i32>} : memref<64x128xf32, #tpu.memory_space<vmem>>, vector<1x16xf32>,
        %get3A_368 = vector.shape_cast %get3A_367 : vector<1x16xf32> to vector<16xf32>
        %mul3A_369 = vector.broadcast %squeeze3A_331 : f32 to vector<16xf32>
        %mul3A_370 = arith.mulf %get3A_368, %mul3A_369 : vector<16xf32>
        %swap3A_371 = arith.index_cast %add3A_329 : i32 to index
        %swap3A_372 = arith.constant 48 : index
        %swap3A_373 = tpu.vector_load %arg11[%swap3A_371, %swap3A_372] {strides = array<i32>} : memref<64x128xf32, #tpu.memory_space<vmem>>, vector<1x16xf32>,
        %swap3A_374 = vector.shape_cast %swap3A_373 : vector<1x16xf32> to vector<16xf32>
        %swap3A_375 = vector.shape_cast %mul3A_370 : vector<16xf32> to vector<1x16xf32>
        tpu.vector_store %arg11[%swap3A_371, %swap3A_372], %swap3A_375 {strides = array<i32>} : memref<64x128xf32, #tpu.memory_space<vmem>>, vector<1x16xf32>,
        %mul3A_376 = arith.constant 16 : i32
        %mul3A_377 = arith.muli %scan3A_121, %mul3A_376 : i32
        %add3A_378 = arith.constant 5 : i32
        %add3A_379 = arith.addi %mul3A_377, %add3A_378 : i32
        %slice3A_380 = vector.extract_strided_slice %get3A_128 {offsets = [5], sizes = [1], strides = [1]} : vector<16xf32> to vector<1xf32>
        %squeeze3A_381 = vector.extract %slice3A_380[0] : f32 from vector<1xf32>
        %get3A_382 = arith.index_cast %add3A_379 : i32 to index
        %get3A_383 = arith.constant 0 : index
        %get3A_384 = tpu.vector_load %arg11[%get3A_382, %get3A_383] {strides = array<i32>} : memref<64x128xf32, #tpu.memory_space<vmem>>, vector<1x16xf32>,
        %get3A_385 = vector.shape_cast %get3A_384 : vector<1x16xf32> to vector<16xf32>
        %mul3A_386 = vector.broadcast %squeeze3A_381 : f32 to vector<16xf32>
        %mul3A_387 = arith.mulf %get3A_385, %mul3A_386 : vector<16xf32>
        %swap3A_388 = arith.index_cast %add3A_379 : i32 to index
        %swap3A_389 = arith.constant 0 : index
        %swap3A_390 = tpu.vector_load %arg11[%swap3A_388, %swap3A_389] {strides = array<i32>} : memref<64x128xf32, #tpu.memory_space<vmem>>, vector<1x16xf32>,
        %swap3A_391 = vector.shape_cast %swap3A_390 : vector<1x16xf32> to vector<16xf32>
        %swap3A_392 = vector.shape_cast %mul3A_387 : vector<16xf32> to vector<1x16xf32>
        tpu.vector_store %arg11[%swap3A_388, %swap3A_389], %swap3A_392 {strides = array<i32>} : memref<64x128xf32, #tpu.memory_space<vmem>>, vector<1x16xf32>,
        %get3A_393 = arith.index_cast %add3A_379 : i32 to index
        %get3A_394 = arith.constant 16 : index
        %get3A_395 = tpu.vector_load %arg11[%get3A_393, %get3A_394] {strides = array<i32>} : memref<64x128xf32, #tpu.memory_space<vmem>>, vector<1x16xf32>,
        %get3A_396 = vector.shape_cast %get3A_395 : vector<1x16xf32> to vector<16xf32>
        %mul3A_397 = vector.broadcast %squeeze3A_381 : f32 to vector<16xf32>
        %mul3A_398 = arith.mulf %get3A_396, %mul3A_397 : vector<16xf32>
        %swap3A_399 = arith.index_cast %add3A_379 : i32 to index
        %swap3A_400 = arith.constant 16 : index
        %swap3A_401 = tpu.vector_load %arg11[%swap3A_399, %swap3A_400] {strides = array<i32>} : memref<64x128xf32, #tpu.memory_space<vmem>>, vector<1x16xf32>,
        %swap3A_402 = vector.shape_cast %swap3A_401 : vector<1x16xf32> to vector<16xf32>
        %swap3A_403 = vector.shape_cast %mul3A_398 : vector<16xf32> to vector<1x16xf32>
        tpu.vector_store %arg11[%swap3A_399, %swap3A_400], %swap3A_403 {strides = array<i32>} : memref<64x128xf32, #tpu.memory_space<vmem>>, vector<1x16xf32>,
        %get3A_404 = arith.index_cast %add3A_379 : i32 to index
        %get3A_405 = arith.constant 32 : index
        %get3A_406 = tpu.vector_load %arg11[%get3A_404, %get3A_405] {strides = array<i32>} : memref<64x128xf32, #tpu.memory_space<vmem>>, vector<1x16xf32>,
        %get3A_407 = vector.shape_cast %get3A_406 : vector<1x16xf32> to vector<16xf32>
        %mul3A_408 = vector.broadcast %squeeze3A_381 : f32 to vector<16xf32>
        %mul3A_409 = arith.mulf %get3A_407, %mul3A_408 : vector<16xf32>
        %swap3A_410 = arith.index_cast %add3A_379 : i32 to index
        %swap3A_411 = arith.constant 32 : index
        %swap3A_412 = tpu.vector_load %arg11[%swap3A_410, %swap3A_411] {strides = array<i32>} : memref<64x128xf32, #tpu.memory_space<vmem>>, vector<1x16xf32>,
        %swap3A_413 = vector.shape_cast %swap3A_412 : vector<1x16xf32> to vector<16xf32>
        %swap3A_414 = vector.shape_cast %mul3A_409 : vector<16xf32> to vector<1x16xf32>
        tpu.vector_store %arg11[%swap3A_410, %swap3A_411], %swap3A_414 {strides = array<i32>} : memref<64x128xf32, #tpu.memory_space<vmem>>, vector<1x16xf32>,
        %get3A_415 = arith.index_cast %add3A_379 : i32 to index
        %get3A_416 = arith.constant 48 : index
        %get3A_417 = tpu.vector_load %arg11[%get3A_415, %get3A_416] {strides = array<i32>} : memref<64x128xf32, #tpu.memory_space<vmem>>, vector<1x16xf32>,
        %get3A_418 = vector.shape_cast %get3A_417 : vector<1x16xf32> to vector<16xf32>
        %mul3A_419 = vector.broadcast %squeeze3A_381 : f32 to vector<16xf32>
        %mul3A_420 = arith.mulf %get3A_418, %mul3A_419 : vector<16xf32>
        %swap3A_421 = arith.index_cast %add3A_379 : i32 to index
        %swap3A_422 = arith.constant 48 : index
        %swap3A_423 = tpu.vector_load %arg11[%swap3A_421, %swap3A_422] {strides = array<i32>} : memref<64x128xf32, #tpu.memory_space<vmem>>, vector<1x16xf32>,
        %swap3A_424 = vector.shape_cast %swap3A_423 : vector<1x16xf32> to vector<16xf32>
        %swap3A_425 = vector.shape_cast %mul3A_420 : vector<16xf32> to vector<1x16xf32>
        tpu.vector_store %arg11[%swap3A_421, %swap3A_422], %swap3A_425 {strides = array<i32>} : memref<64x128xf32, #tpu.memory_space<vmem>>, vector<1x16xf32>,
        %mul3A_426 = arith.constant 16 : i32
        %mul3A_427 = arith.muli %scan3A_121, %mul3A_426 : i32
        %add3A_428 = arith.constant 6 : i32
        %add3A_429 = arith.addi %mul3A_427, %add3A_428 : i32
        %slice3A_430 = vector.extract_strided_slice %get3A_128 {offsets = [6], sizes = [1], strides = [1]} : vector<16xf32> to vector<1xf32>
        %squeeze3A_431 = vector.extract %slice3A_430[0] : f32 from vector<1xf32>
        %get3A_432 = arith.index_cast %add3A_429 : i32 to index
        %get3A_433 = arith.constant 0 : index
        %get3A_434 = tpu.vector_load %arg11[%get3A_432, %get3A_433] {strides = array<i32>} : memref<64x128xf32, #tpu.memory_space<vmem>>, vector<1x16xf32>,
        %get3A_435 = vector.shape_cast %get3A_434 : vector<1x16xf32> to vector<16xf32>
        %mul3A_436 = vector.broadcast %squeeze3A_431 : f32 to vector<16xf32>
        %mul3A_437 = arith.mulf %get3A_435, %mul3A_436 : vector<16xf32>
        %swap3A_438 = arith.index_cast %add3A_429 : i32 to index
        %swap3A_439 = arith.constant 0 : index
        %swap3A_440 = tpu.vector_load %arg11[%swap3A_438, %swap3A_439] {strides = array<i32>} : memref<64x128xf32, #tpu.memory_space<vmem>>, vector<1x16xf32>,
        %swap3A_441 = vector.shape_cast %swap3A_440 : vector<1x16xf32> to vector<16xf32>
        %swap3A_442 = vector.shape_cast %mul3A_437 : vector<16xf32> to vector<1x16xf32>
        tpu.vector_store %arg11[%swap3A_438, %swap3A_439], %swap3A_442 {strides = array<i32>} : memref<64x128xf32, #tpu.memory_space<vmem>>, vector<1x16xf32>,
        %get3A_443 = arith.index_cast %add3A_429 : i32 to index
        %get3A_444 = arith.constant 16 : index
        %get3A_445 = tpu.vector_load %arg11[%get3A_443, %get3A_444] {strides = array<i32>} : memref<64x128xf32, #tpu.memory_space<vmem>>, vector<1x16xf32>,
        %get3A_446 = vector.shape_cast %get3A_445 : vector<1x16xf32> to vector<16xf32>
        %mul3A_447 = vector.broadcast %squeeze3A_431 : f32 to vector<16xf32>
        %mul3A_448 = arith.mulf %get3A_446, %mul3A_447 : vector<16xf32>
        %swap3A_449 = arith.index_cast %add3A_429 : i32 to index
        %swap3A_450 = arith.constant 16 : index
        %swap3A_451 = tpu.vector_load %arg11[%swap3A_449, %swap3A_450] {strides = array<i32>} : memref<64x128xf32, #tpu.memory_space<vmem>>, vector<1x16xf32>,
        %swap3A_452 = vector.shape_cast %swap3A_451 : vector<1x16xf32> to vector<16xf32>
        %swap3A_453 = vector.shape_cast %mul3A_448 : vector<16xf32> to vector<1x16xf32>
        tpu.vector_store %arg11[%swap3A_449, %swap3A_450], %swap3A_453 {strides = array<i32>} : memref<64x128xf32, #tpu.memory_space<vmem>>, vector<1x16xf32>,
        %get3A_454 = arith.index_cast %add3A_429 : i32 to index
        %get3A_455 = arith.constant 32 : index
        %get3A_456 = tpu.vector_load %arg11[%get3A_454, %get3A_455] {strides = array<i32>} : memref<64x128xf32, #tpu.memory_space<vmem>>, vector<1x16xf32>,
        %get3A_457 = vector.shape_cast %get3A_456 : vector<1x16xf32> to vector<16xf32>
        %mul3A_458 = vector.broadcast %squeeze3A_431 : f32 to vector<16xf32>
        %mul3A_459 = arith.mulf %get3A_457, %mul3A_458 : vector<16xf32>
        %swap3A_460 = arith.index_cast %add3A_429 : i32 to index
        %swap3A_461 = arith.constant 32 : index
        %swap3A_462 = tpu.vector_load %arg11[%swap3A_460, %swap3A_461] {strides = array<i32>} : memref<64x128xf32, #tpu.memory_space<vmem>>, vector<1x16xf32>,
        %swap3A_463 = vector.shape_cast %swap3A_462 : vector<1x16xf32> to vector<16xf32>
        %swap3A_464 = vector.shape_cast %mul3A_459 : vector<16xf32> to vector<1x16xf32>
        tpu.vector_store %arg11[%swap3A_460, %swap3A_461], %swap3A_464 {strides = array<i32>} : memref<64x128xf32, #tpu.memory_space<vmem>>, vector<1x16xf32>,
        %get3A_465 = arith.index_cast %add3A_429 : i32 to index
        %get3A_466 = arith.constant 48 : index
        %get3A_467 = tpu.vector_load %arg11[%get3A_465, %get3A_466] {strides = array<i32>} : memref<64x128xf32, #tpu.memory_space<vmem>>, vector<1x16xf32>,
        %get3A_468 = vector.shape_cast %get3A_467 : vector<1x16xf32> to vector<16xf32>
        %mul3A_469 = vector.broadcast %squeeze3A_431 : f32 to vector<16xf32>
        %mul3A_470 = arith.mulf %get3A_468, %mul3A_469 : vector<16xf32>
        %swap3A_471 = arith.index_cast %add3A_429 : i32 to index
        %swap3A_472 = arith.constant 48 : index
        %swap3A_473 = tpu.vector_load %arg11[%swap3A_471, %swap3A_472] {strides = array<i32>} : memref<64x128xf32, #tpu.memory_space<vmem>>, vector<1x16xf32>,
        %swap3A_474 = vector.shape_cast %swap3A_473 : vector<1x16xf32> to vector<16xf32>
        %swap3A_475 = vector.shape_cast %mul3A_470 : vector<16xf32> to vector<1x16xf32>
        tpu.vector_store %arg11[%swap3A_471, %swap3A_472], %swap3A_475 {strides = array<i32>} : memref<64x128xf32, #tpu.memory_space<vmem>>, vector<1x16xf32>,
        %mul3A_476 = arith.constant 16 : i32
        %mul3A_477 = arith.muli %scan3A_121, %mul3A_476 : i32
        %add3A_478 = arith.constant 7 : i32
        %add3A_479 = arith.addi %mul3A_477, %add3A_478 : i32
        %slice3A_480 = vector.extract_strided_slice %get3A_128 {offsets = [7], sizes = [1], strides = [1]} : vector<16xf32> to vector<1xf32>
        %squeeze3A_481 = vector.extract %slice3A_480[0] : f32 from vector<1xf32>
        %get3A_482 = arith.index_cast %add3A_479 : i32 to index
        %get3A_483 = arith.constant 0 : index
        %get3A_484 = tpu.vector_load %arg11[%get3A_482, %get3A_483] {strides = array<i32>} : memref<64x128xf32, #tpu.memory_space<vmem>>, vector<1x16xf32>,
        %get3A_485 = vector.shape_cast %get3A_484 : vector<1x16xf32> to vector<16xf32>
        %mul3A_486 = vector.broadcast %squeeze3A_481 : f32 to vector<16xf32>
        %mul3A_487 = arith.mulf %get3A_485, %mul3A_486 : vector<16xf32>
        %swap3A_488 = arith.index_cast %add3A_479 : i32 to index
        %swap3A_489 = arith.constant 0 : index
        %swap3A_490 = tpu.vector_load %arg11[%swap3A_488, %swap3A_489] {strides = array<i32>} : memref<64x128xf32, #tpu.memory_space<vmem>>, vector<1x16xf32>,
        %swap3A_491 = vector.shape_cast %swap3A_490 : vector<1x16xf32> to vector<16xf32>
        %swap3A_492 = vector.shape_cast %mul3A_487 : vector<16xf32> to vector<1x16xf32>
        tpu.vector_store %arg11[%swap3A_488, %swap3A_489], %swap3A_492 {strides = array<i32>} : memref<64x128xf32, #tpu.memory_space<vmem>>, vector<1x16xf32>,
        %get3A_493 = arith.index_cast %add3A_479 : i32 to index
        %get3A_494 = arith.constant 16 : index
        %get3A_495 = tpu.vector_load %arg11[%get3A_493, %get3A_494] {strides = array<i32>} : memref<64x128xf32, #tpu.memory_space<vmem>>, vector<1x16xf32>,
        %get3A_496 = vector.shape_cast %get3A_495 : vector<1x16xf32> to vector<16xf32>
        %mul3A_497 = vector.broadcast %squeeze3A_481 : f32 to vector<16xf32>
        %mul3A_498 = arith.mulf %get3A_496, %mul3A_497 : vector<16xf32>
        %swap3A_499 = arith.index_cast %add3A_479 : i32 to index
        %swap3A_500 = arith.constant 16 : index
        %swap3A_501 = tpu.vector_load %arg11[%swap3A_499, %swap3A_500] {strides = array<i32>} : memref<64x128xf32, #tpu.memory_space<vmem>>, vector<1x16xf32>,
        %swap3A_502 = vector.shape_cast %swap3A_501 : vector<1x16xf32> to vector<16xf32>
        %swap3A_503 = vector.shape_cast %mul3A_498 : vector<16xf32> to vector<1x16xf32>
        tpu.vector_store %arg11[%swap3A_499, %swap3A_500], %swap3A_503 {strides = array<i32>} : memref<64x128xf32, #tpu.memory_space<vmem>>, vector<1x16xf32>,
        %get3A_504 = arith.index_cast %add3A_479 : i32 to index
        %get3A_505 = arith.constant 32 : index
        %get3A_506 = tpu.vector_load %arg11[%get3A_504, %get3A_505] {strides = array<i32>} : memref<64x128xf32, #tpu.memory_space<vmem>>, vector<1x16xf32>,
        %get3A_507 = vector.shape_cast %get3A_506 : vector<1x16xf32> to vector<16xf32>
        %mul3A_508 = vector.broadcast %squeeze3A_481 : f32 to vector<16xf32>
        %mul3A_509 = arith.mulf %get3A_507, %mul3A_508 : vector<16xf32>
        %swap3A_510 = arith.index_cast %add3A_479 : i32 to index
        %swap3A_511 = arith.constant 32 : index
        %swap3A_512 = tpu.vector_load %arg11[%swap3A_510, %swap3A_511] {strides = array<i32>} : memref<64x128xf32, #tpu.memory_space<vmem>>, vector<1x16xf32>,
        %swap3A_513 = vector.shape_cast %swap3A_512 : vector<1x16xf32> to vector<16xf32>
        %swap3A_514 = vector.shape_cast %mul3A_509 : vector<16xf32> to vector<1x16xf32>
        tpu.vector_store %arg11[%swap3A_510, %swap3A_511], %swap3A_514 {strides = array<i32>} : memref<64x128xf32, #tpu.memory_space<vmem>>, vector<1x16xf32>,
        %get3A_515 = arith.index_cast %add3A_479 : i32 to index
        %get3A_516 = arith.constant 48 : index
        %get3A_517 = tpu.vector_load %arg11[%get3A_515, %get3A_516] {strides = array<i32>} : memref<64x128xf32, #tpu.memory_space<vmem>>, vector<1x16xf32>,
        %get3A_518 = vector.shape_cast %get3A_517 : vector<1x16xf32> to vector<16xf32>
        %mul3A_519 = vector.broadcast %squeeze3A_481 : f32 to vector<16xf32>
        %mul3A_520 = arith.mulf %get3A_518, %mul3A_519 : vector<16xf32>
        %swap3A_521 = arith.index_cast %add3A_479 : i32 to index
        %swap3A_522 = arith.constant 48 : index
        %swap3A_523 = tpu.vector_load %arg11[%swap3A_521, %swap3A_522] {strides = array<i32>} : memref<64x128xf32, #tpu.memory_space<vmem>>, vector<1x16xf32>,
        %swap3A_524 = vector.shape_cast %swap3A_523 : vector<1x16xf32> to vector<16xf32>
        %swap3A_525 = vector.shape_cast %mul3A_520 : vector<16xf32> to vector<1x16xf32>
        tpu.vector_store %arg11[%swap3A_521, %swap3A_522], %swap3A_525 {strides = array<i32>} : memref<64x128xf32, #tpu.memory_space<vmem>>, vector<1x16xf32>,
        %mul3A_526 = arith.constant 16 : i32
        %mul3A_527 = arith.muli %scan3A_121, %mul3A_526 : i32
        %add3A_528 = arith.constant 8 : i32
        %add3A_529 = arith.addi %mul3A_527, %add3A_528 : i32
        %slice3A_530 = vector.extract_strided_slice %get3A_128 {offsets = [8], sizes = [1], strides = [1]} : vector<16xf32> to vector<1xf32>
        %squeeze3A_531 = vector.extract %slice3A_530[0] : f32 from vector<1xf32>
        %get3A_532 = arith.index_cast %add3A_529 : i32 to index
        %get3A_533 = arith.constant 0 : index
        %get3A_534 = tpu.vector_load %arg11[%get3A_532, %get3A_533] {strides = array<i32>} : memref<64x128xf32, #tpu.memory_space<vmem>>, vector<1x16xf32>,
        %get3A_535 = vector.shape_cast %get3A_534 : vector<1x16xf32> to vector<16xf32>
        %mul3A_536 = vector.broadcast %squeeze3A_531 : f32 to vector<16xf32>
        %mul3A_537 = arith.mulf %get3A_535, %mul3A_536 : vector<16xf32>
        %swap3A_538 = arith.index_cast %add3A_529 : i32 to index
        %swap3A_539 = arith.constant 0 : index
        %swap3A_540 = tpu.vector_load %arg11[%swap3A_538, %swap3A_539] {strides = array<i32>} : memref<64x128xf32, #tpu.memory_space<vmem>>, vector<1x16xf32>,
        %swap3A_541 = vector.shape_cast %swap3A_540 : vector<1x16xf32> to vector<16xf32>
        %swap3A_542 = vector.shape_cast %mul3A_537 : vector<16xf32> to vector<1x16xf32>
        tpu.vector_store %arg11[%swap3A_538, %swap3A_539], %swap3A_542 {strides = array<i32>} : memref<64x128xf32, #tpu.memory_space<vmem>>, vector<1x16xf32>,
        %get3A_543 = arith.index_cast %add3A_529 : i32 to index
        %get3A_544 = arith.constant 16 : index
        %get3A_545 = tpu.vector_load %arg11[%get3A_543, %get3A_544] {strides = array<i32>} : memref<64x128xf32, #tpu.memory_space<vmem>>, vector<1x16xf32>,
        %get3A_546 = vector.shape_cast %get3A_545 : vector<1x16xf32> to vector<16xf32>
        %mul3A_547 = vector.broadcast %squeeze3A_531 : f32 to vector<16xf32>
        %mul3A_548 = arith.mulf %get3A_546, %mul3A_547 : vector<16xf32>
        %swap3A_549 = arith.index_cast %add3A_529 : i32 to index
        %swap3A_550 = arith.constant 16 : index
        %swap3A_551 = tpu.vector_load %arg11[%swap3A_549, %swap3A_550] {strides = array<i32>} : memref<64x128xf32, #tpu.memory_space<vmem>>, vector<1x16xf32>,
        %swap3A_552 = vector.shape_cast %swap3A_551 : vector<1x16xf32> to vector<16xf32>
        %swap3A_553 = vector.shape_cast %mul3A_548 : vector<16xf32> to vector<1x16xf32>
        tpu.vector_store %arg11[%swap3A_549, %swap3A_550], %swap3A_553 {strides = array<i32>} : memref<64x128xf32, #tpu.memory_space<vmem>>, vector<1x16xf32>,
        %get3A_554 = arith.index_cast %add3A_529 : i32 to index
        %get3A_555 = arith.constant 32 : index
        %get3A_556 = tpu.vector_load %arg11[%get3A_554, %get3A_555] {strides = array<i32>} : memref<64x128xf32, #tpu.memory_space<vmem>>, vector<1x16xf32>,
        %get3A_557 = vector.shape_cast %get3A_556 : vector<1x16xf32> to vector<16xf32>
        %mul3A_558 = vector.broadcast %squeeze3A_531 : f32 to vector<16xf32>
        %mul3A_559 = arith.mulf %get3A_557, %mul3A_558 : vector<16xf32>
        %swap3A_560 = arith.index_cast %add3A_529 : i32 to index
        %swap3A_561 = arith.constant 32 : index
        %swap3A_562 = tpu.vector_load %arg11[%swap3A_560, %swap3A_561] {strides = array<i32>} : memref<64x128xf32, #tpu.memory_space<vmem>>, vector<1x16xf32>,
        %swap3A_563 = vector.shape_cast %swap3A_562 : vector<1x16xf32> to vector<16xf32>
        %swap3A_564 = vector.shape_cast %mul3A_559 : vector<16xf32> to vector<1x16xf32>
        tpu.vector_store %arg11[%swap3A_560, %swap3A_561], %swap3A_564 {strides = array<i32>} : memref<64x128xf32, #tpu.memory_space<vmem>>, vector<1x16xf32>,
        %get3A_565 = arith.index_cast %add3A_529 : i32 to index
        %get3A_566 = arith.constant 48 : index
        %get3A_567 = tpu.vector_load %arg11[%get3A_565, %get3A_566] {strides = array<i32>} : memref<64x128xf32, #tpu.memory_space<vmem>>, vector<1x16xf32>,
        %get3A_568 = vector.shape_cast %get3A_567 : vector<1x16xf32> to vector<16xf32>
        %mul3A_569 = vector.broadcast %squeeze3A_531 : f32 to vector<16xf32>
        %mul3A_570 = arith.mulf %get3A_568, %mul3A_569 : vector<16xf32>
        %swap3A_571 = arith.index_cast %add3A_529 : i32 to index
        %swap3A_572 = arith.constant 48 : index
        %swap3A_573 = tpu.vector_load %arg11[%swap3A_571, %swap3A_572] {strides = array<i32>} : memref<64x128xf32, #tpu.memory_space<vmem>>, vector<1x16xf32>,
        %swap3A_574 = vector.shape_cast %swap3A_573 : vector<1x16xf32> to vector<16xf32>
        %swap3A_575 = vector.shape_cast %mul3A_570 : vector<16xf32> to vector<1x16xf32>
        tpu.vector_store %arg11[%swap3A_571, %swap3A_572], %swap3A_575 {strides = array<i32>} : memref<64x128xf32, #tpu.memory_space<vmem>>, vector<1x16xf32>,
        %mul3A_576 = arith.constant 16 : i32
        %mul3A_577 = arith.muli %scan3A_121, %mul3A_576 : i32
        %add3A_578 = arith.constant 9 : i32
        %add3A_579 = arith.addi %mul3A_577, %add3A_578 : i32
        %slice3A_580 = vector.extract_strided_slice %get3A_128 {offsets = [9], sizes = [1], strides = [1]} : vector<16xf32> to vector<1xf32>
        %squeeze3A_581 = vector.extract %slice3A_580[0] : f32 from vector<1xf32>
        %get3A_582 = arith.index_cast %add3A_579 : i32 to index
        %get3A_583 = arith.constant 0 : index
        %get3A_584 = tpu.vector_load %arg11[%get3A_582, %get3A_583] {strides = array<i32>} : memref<64x128xf32, #tpu.memory_space<vmem>>, vector<1x16xf32>,
        %get3A_585 = vector.shape_cast %get3A_584 : vector<1x16xf32> to vector<16xf32>
        %mul3A_586 = vector.broadcast %squeeze3A_581 : f32 to vector<16xf32>
        %mul3A_587 = arith.mulf %get3A_585, %mul3A_586 : vector<16xf32>
        %swap3A_588 = arith.index_cast %add3A_579 : i32 to index
        %swap3A_589 = arith.constant 0 : index
        %swap3A_590 = tpu.vector_load %arg11[%swap3A_588, %swap3A_589] {strides = array<i32>} : memref<64x128xf32, #tpu.memory_space<vmem>>, vector<1x16xf32>,
        %swap3A_591 = vector.shape_cast %swap3A_590 : vector<1x16xf32> to vector<16xf32>
        %swap3A_592 = vector.shape_cast %mul3A_587 : vector<16xf32> to vector<1x16xf32>
        tpu.vector_store %arg11[%swap3A_588, %swap3A_589], %swap3A_592 {strides = array<i32>} : memref<64x128xf32, #tpu.memory_space<vmem>>, vector<1x16xf32>,
        %get3A_593 = arith.index_cast %add3A_579 : i32 to index
        %get3A_594 = arith.constant 16 : index
        %get3A_595 = tpu.vector_load %arg11[%get3A_593, %get3A_594] {strides = array<i32>} : memref<64x128xf32, #tpu.memory_space<vmem>>, vector<1x16xf32>,
        %get3A_596 = vector.shape_cast %get3A_595 : vector<1x16xf32> to vector<16xf32>
        %mul3A_597 = vector.broadcast %squeeze3A_581 : f32 to vector<16xf32>
        %mul3A_598 = arith.mulf %get3A_596, %mul3A_597 : vector<16xf32>
        %swap3A_599 = arith.index_cast %add3A_579 : i32 to index
        %swap3A_600 = arith.constant 16 : index
        %swap3A_601 = tpu.vector_load %arg11[%swap3A_599, %swap3A_600] {strides = array<i32>} : memref<64x128xf32, #tpu.memory_space<vmem>>, vector<1x16xf32>,
        %swap3A_602 = vector.shape_cast %swap3A_601 : vector<1x16xf32> to vector<16xf32>
        %swap3A_603 = vector.shape_cast %mul3A_598 : vector<16xf32> to vector<1x16xf32>
        tpu.vector_store %arg11[%swap3A_599, %swap3A_600], %swap3A_603 {strides = array<i32>} : memref<64x128xf32, #tpu.memory_space<vmem>>, vector<1x16xf32>,
        %get3A_604 = arith.index_cast %add3A_579 : i32 to index
        %get3A_605 = arith.constant 32 : index
        %get3A_606 = tpu.vector_load %arg11[%get3A_604, %get3A_605] {strides = array<i32>} : memref<64x128xf32, #tpu.memory_space<vmem>>, vector<1x16xf32>,
        %get3A_607 = vector.shape_cast %get3A_606 : vector<1x16xf32> to vector<16xf32>
        %mul3A_608 = vector.broadcast %squeeze3A_581 : f32 to vector<16xf32>
        %mul3A_609 = arith.mulf %get3A_607, %mul3A_608 : vector<16xf32>
        %swap3A_610 = arith.index_cast %add3A_579 : i32 to index
        %swap3A_611 = arith.constant 32 : index
        %swap3A_612 = tpu.vector_load %arg11[%swap3A_610, %swap3A_611] {strides = array<i32>} : memref<64x128xf32, #tpu.memory_space<vmem>>, vector<1x16xf32>,
        %swap3A_613 = vector.shape_cast %swap3A_612 : vector<1x16xf32> to vector<16xf32>
        %swap3A_614 = vector.shape_cast %mul3A_609 : vector<16xf32> to vector<1x16xf32>
        tpu.vector_store %arg11[%swap3A_610, %swap3A_611], %swap3A_614 {strides = array<i32>} : memref<64x128xf32, #tpu.memory_space<vmem>>, vector<1x16xf32>,
        %get3A_615 = arith.index_cast %add3A_579 : i32 to index
        %get3A_616 = arith.constant 48 : index
        %get3A_617 = tpu.vector_load %arg11[%get3A_615, %get3A_616] {strides = array<i32>} : memref<64x128xf32, #tpu.memory_space<vmem>>, vector<1x16xf32>,
        %get3A_618 = vector.shape_cast %get3A_617 : vector<1x16xf32> to vector<16xf32>
        %mul3A_619 = vector.broadcast %squeeze3A_581 : f32 to vector<16xf32>
        %mul3A_620 = arith.mulf %get3A_618, %mul3A_619 : vector<16xf32>
        %swap3A_621 = arith.index_cast %add3A_579 : i32 to index
        %swap3A_622 = arith.constant 48 : index
        %swap3A_623 = tpu.vector_load %arg11[%swap3A_621, %swap3A_622] {strides = array<i32>} : memref<64x128xf32, #tpu.memory_space<vmem>>, vector<1x16xf32>,
        %swap3A_624 = vector.shape_cast %swap3A_623 : vector<1x16xf32> to vector<16xf32>
        %swap3A_625 = vector.shape_cast %mul3A_620 : vector<16xf32> to vector<1x16xf32>
        tpu.vector_store %arg11[%swap3A_621, %swap3A_622], %swap3A_625 {strides = array<i32>} : memref<64x128xf32, #tpu.memory_space<vmem>>, vector<1x16xf32>,
        %mul3A_626 = arith.constant 16 : i32
        %mul3A_627 = arith.muli %scan3A_121, %mul3A_626 : i32
        %add3A_628 = arith.constant 10 : i32
        %add3A_629 = arith.addi %mul3A_627, %add3A_628 : i32
        %slice3A_630 = vector.extract_strided_slice %get3A_128 {offsets = [10], sizes = [1], strides = [1]} : vector<16xf32> to vector<1xf32>
        %squeeze3A_631 = vector.extract %slice3A_630[0] : f32 from vector<1xf32>
        %get3A_632 = arith.index_cast %add3A_629 : i32 to index
        %get3A_633 = arith.constant 0 : index
        %get3A_634 = tpu.vector_load %arg11[%get3A_632, %get3A_633] {strides = array<i32>} : memref<64x128xf32, #tpu.memory_space<vmem>>, vector<1x16xf32>,
        %get3A_635 = vector.shape_cast %get3A_634 : vector<1x16xf32> to vector<16xf32>
        %mul3A_636 = vector.broadcast %squeeze3A_631 : f32 to vector<16xf32>
        %mul3A_637 = arith.mulf %get3A_635, %mul3A_636 : vector<16xf32>
        %swap3A_638 = arith.index_cast %add3A_629 : i32 to index
        %swap3A_639 = arith.constant 0 : index
        %swap3A_640 = tpu.vector_load %arg11[%swap3A_638, %swap3A_639] {strides = array<i32>} : memref<64x128xf32, #tpu.memory_space<vmem>>, vector<1x16xf32>,
        %swap3A_641 = vector.shape_cast %swap3A_640 : vector<1x16xf32> to vector<16xf32>
        %swap3A_642 = vector.shape_cast %mul3A_637 : vector<16xf32> to vector<1x16xf32>
        tpu.vector_store %arg11[%swap3A_638, %swap3A_639], %swap3A_642 {strides = array<i32>} : memref<64x128xf32, #tpu.memory_space<vmem>>, vector<1x16xf32>,
        %get3A_643 = arith.index_cast %add3A_629 : i32 to index
        %get3A_644 = arith.constant 16 : index
        %get3A_645 = tpu.vector_load %arg11[%get3A_643, %get3A_644] {strides = array<i32>} : memref<64x128xf32, #tpu.memory_space<vmem>>, vector<1x16xf32>,
        %get3A_646 = vector.shape_cast %get3A_645 : vector<1x16xf32> to vector<16xf32>
        %mul3A_647 = vector.broadcast %squeeze3A_631 : f32 to vector<16xf32>
        %mul3A_648 = arith.mulf %get3A_646, %mul3A_647 : vector<16xf32>
        %swap3A_649 = arith.index_cast %add3A_629 : i32 to index
        %swap3A_650 = arith.constant 16 : index
        %swap3A_651 = tpu.vector_load %arg11[%swap3A_649, %swap3A_650] {strides = array<i32>} : memref<64x128xf32, #tpu.memory_space<vmem>>, vector<1x16xf32>,
        %swap3A_652 = vector.shape_cast %swap3A_651 : vector<1x16xf32> to vector<16xf32>
        %swap3A_653 = vector.shape_cast %mul3A_648 : vector<16xf32> to vector<1x16xf32>
        tpu.vector_store %arg11[%swap3A_649, %swap3A_650], %swap3A_653 {strides = array<i32>} : memref<64x128xf32, #tpu.memory_space<vmem>>, vector<1x16xf32>,
        %get3A_654 = arith.index_cast %add3A_629 : i32 to index
        %get3A_655 = arith.constant 32 : index
        %get3A_656 = tpu.vector_load %arg11[%get3A_654, %get3A_655] {strides = array<i32>} : memref<64x128xf32, #tpu.memory_space<vmem>>, vector<1x16xf32>,
        %get3A_657 = vector.shape_cast %get3A_656 : vector<1x16xf32> to vector<16xf32>
        %mul3A_658 = vector.broadcast %squeeze3A_631 : f32 to vector<16xf32>
        %mul3A_659 = arith.mulf %get3A_657, %mul3A_658 : vector<16xf32>
        %swap3A_660 = arith.index_cast %add3A_629 : i32 to index
        %swap3A_661 = arith.constant 32 : index
        %swap3A_662 = tpu.vector_load %arg11[%swap3A_660, %swap3A_661] {strides = array<i32>} : memref<64x128xf32, #tpu.memory_space<vmem>>, vector<1x16xf32>,
        %swap3A_663 = vector.shape_cast %swap3A_662 : vector<1x16xf32> to vector<16xf32>
        %swap3A_664 = vector.shape_cast %mul3A_659 : vector<16xf32> to vector<1x16xf32>
        tpu.vector_store %arg11[%swap3A_660, %swap3A_661], %swap3A_664 {strides = array<i32>} : memref<64x128xf32, #tpu.memory_space<vmem>>, vector<1x16xf32>,
        %get3A_665 = arith.index_cast %add3A_629 : i32 to index
        %get3A_666 = arith.constant 48 : index
        %get3A_667 = tpu.vector_load %arg11[%get3A_665, %get3A_666] {strides = array<i32>} : memref<64x128xf32, #tpu.memory_space<vmem>>, vector<1x16xf32>,
        %get3A_668 = vector.shape_cast %get3A_667 : vector<1x16xf32> to vector<16xf32>
        %mul3A_669 = vector.broadcast %squeeze3A_631 : f32 to vector<16xf32>
        %mul3A_670 = arith.mulf %get3A_668, %mul3A_669 : vector<16xf32>
        %swap3A_671 = arith.index_cast %add3A_629 : i32 to index
        %swap3A_672 = arith.constant 48 : index
        %swap3A_673 = tpu.vector_load %arg11[%swap3A_671, %swap3A_672] {strides = array<i32>} : memref<64x128xf32, #tpu.memory_space<vmem>>, vector<1x16xf32>,
        %swap3A_674 = vector.shape_cast %swap3A_673 : vector<1x16xf32> to vector<16xf32>
        %swap3A_675 = vector.shape_cast %mul3A_670 : vector<16xf32> to vector<1x16xf32>
        tpu.vector_store %arg11[%swap3A_671, %swap3A_672], %swap3A_675 {strides = array<i32>} : memref<64x128xf32, #tpu.memory_space<vmem>>, vector<1x16xf32>,
        %mul3A_676 = arith.constant 16 : i32
        %mul3A_677 = arith.muli %scan3A_121, %mul3A_676 : i32
        %add3A_678 = arith.constant 11 : i32
        %add3A_679 = arith.addi %mul3A_677, %add3A_678 : i32
        %slice3A_680 = vector.extract_strided_slice %get3A_128 {offsets = [11], sizes = [1], strides = [1]} : vector<16xf32> to vector<1xf32>
        %squeeze3A_681 = vector.extract %slice3A_680[0] : f32 from vector<1xf32>
        %get3A_682 = arith.index_cast %add3A_679 : i32 to index
        %get3A_683 = arith.constant 0 : index
        %get3A_684 = tpu.vector_load %arg11[%get3A_682, %get3A_683] {strides = array<i32>} : memref<64x128xf32, #tpu.memory_space<vmem>>, vector<1x16xf32>,
        %get3A_685 = vector.shape_cast %get3A_684 : vector<1x16xf32> to vector<16xf32>
        %mul3A_686 = vector.broadcast %squeeze3A_681 : f32 to vector<16xf32>
        %mul3A_687 = arith.mulf %get3A_685, %mul3A_686 : vector<16xf32>
        %swap3A_688 = arith.index_cast %add3A_679 : i32 to index
        %swap3A_689 = arith.constant 0 : index
        %swap3A_690 = tpu.vector_load %arg11[%swap3A_688, %swap3A_689] {strides = array<i32>} : memref<64x128xf32, #tpu.memory_space<vmem>>, vector<1x16xf32>,
        %swap3A_691 = vector.shape_cast %swap3A_690 : vector<1x16xf32> to vector<16xf32>
        %swap3A_692 = vector.shape_cast %mul3A_687 : vector<16xf32> to vector<1x16xf32>
        tpu.vector_store %arg11[%swap3A_688, %swap3A_689], %swap3A_692 {strides = array<i32>} : memref<64x128xf32, #tpu.memory_space<vmem>>, vector<1x16xf32>,
        %get3A_693 = arith.index_cast %add3A_679 : i32 to index
        %get3A_694 = arith.constant 16 : index
        %get3A_695 = tpu.vector_load %arg11[%get3A_693, %get3A_694] {strides = array<i32>} : memref<64x128xf32, #tpu.memory_space<vmem>>, vector<1x16xf32>,
        %get3A_696 = vector.shape_cast %get3A_695 : vector<1x16xf32> to vector<16xf32>
        %mul3A_697 = vector.broadcast %squeeze3A_681 : f32 to vector<16xf32>
        %mul3A_698 = arith.mulf %get3A_696, %mul3A_697 : vector<16xf32>
        %swap3A_699 = arith.index_cast %add3A_679 : i32 to index
        %swap3A_700 = arith.constant 16 : index
        %swap3A_701 = tpu.vector_load %arg11[%swap3A_699, %swap3A_700] {strides = array<i32>} : memref<64x128xf32, #tpu.memory_space<vmem>>, vector<1x16xf32>,
        %swap3A_702 = vector.shape_cast %swap3A_701 : vector<1x16xf32> to vector<16xf32>
        %swap3A_703 = vector.shape_cast %mul3A_698 : vector<16xf32> to vector<1x16xf32>
        tpu.vector_store %arg11[%swap3A_699, %swap3A_700], %swap3A_703 {strides = array<i32>} : memref<64x128xf32, #tpu.memory_space<vmem>>, vector<1x16xf32>,
        %get3A_704 = arith.index_cast %add3A_679 : i32 to index
        %get3A_705 = arith.constant 32 : index
        %get3A_706 = tpu.vector_load %arg11[%get3A_704, %get3A_705] {strides = array<i32>} : memref<64x128xf32, #tpu.memory_space<vmem>>, vector<1x16xf32>,
        %get3A_707 = vector.shape_cast %get3A_706 : vector<1x16xf32> to vector<16xf32>
        %mul3A_708 = vector.broadcast %squeeze3A_681 : f32 to vector<16xf32>
        %mul3A_709 = arith.mulf %get3A_707, %mul3A_708 : vector<16xf32>
        %swap3A_710 = arith.index_cast %add3A_679 : i32 to index
        %swap3A_711 = arith.constant 32 : index
        %swap3A_712 = tpu.vector_load %arg11[%swap3A_710, %swap3A_711] {strides = array<i32>} : memref<64x128xf32, #tpu.memory_space<vmem>>, vector<1x16xf32>,
        %swap3A_713 = vector.shape_cast %swap3A_712 : vector<1x16xf32> to vector<16xf32>
        %swap3A_714 = vector.shape_cast %mul3A_709 : vector<16xf32> to vector<1x16xf32>
        tpu.vector_store %arg11[%swap3A_710, %swap3A_711], %swap3A_714 {strides = array<i32>} : memref<64x128xf32, #tpu.memory_space<vmem>>, vector<1x16xf32>,
        %get3A_715 = arith.index_cast %add3A_679 : i32 to index
        %get3A_716 = arith.constant 48 : index
        %get3A_717 = tpu.vector_load %arg11[%get3A_715, %get3A_716] {strides = array<i32>} : memref<64x128xf32, #tpu.memory_space<vmem>>, vector<1x16xf32>,
        %get3A_718 = vector.shape_cast %get3A_717 : vector<1x16xf32> to vector<16xf32>
        %mul3A_719 = vector.broadcast %squeeze3A_681 : f32 to vector<16xf32>
        %mul3A_720 = arith.mulf %get3A_718, %mul3A_719 : vector<16xf32>
        %swap3A_721 = arith.index_cast %add3A_679 : i32 to index
        %swap3A_722 = arith.constant 48 : index
        %swap3A_723 = tpu.vector_load %arg11[%swap3A_721, %swap3A_722] {strides = array<i32>} : memref<64x128xf32, #tpu.memory_space<vmem>>, vector<1x16xf32>,
        %swap3A_724 = vector.shape_cast %swap3A_723 : vector<1x16xf32> to vector<16xf32>
        %swap3A_725 = vector.shape_cast %mul3A_720 : vector<16xf32> to vector<1x16xf32>
        tpu.vector_store %arg11[%swap3A_721, %swap3A_722], %swap3A_725 {strides = array<i32>} : memref<64x128xf32, #tpu.memory_space<vmem>>, vector<1x16xf32>,
        %mul3A_726 = arith.constant 16 : i32
        %mul3A_727 = arith.muli %scan3A_121, %mul3A_726 : i32
        %add3A_728 = arith.constant 12 : i32
        %add3A_729 = arith.addi %mul3A_727, %add3A_728 : i32
        %slice3A_730 = vector.extract_strided_slice %get3A_128 {offsets = [12], sizes = [1], strides = [1]} : vector<16xf32> to vector<1xf32>
        %squeeze3A_731 = vector.extract %slice3A_730[0] : f32 from vector<1xf32>
        %get3A_732 = arith.index_cast %add3A_729 : i32 to index
        %get3A_733 = arith.constant 0 : index
        %get3A_734 = tpu.vector_load %arg11[%get3A_732, %get3A_733] {strides = array<i32>} : memref<64x128xf32, #tpu.memory_space<vmem>>, vector<1x16xf32>,
        %get3A_735 = vector.shape_cast %get3A_734 : vector<1x16xf32> to vector<16xf32>
        %mul3A_736 = vector.broadcast %squeeze3A_731 : f32 to vector<16xf32>
        %mul3A_737 = arith.mulf %get3A_735, %mul3A_736 : vector<16xf32>
        %swap3A_738 = arith.index_cast %add3A_729 : i32 to index
        %swap3A_739 = arith.constant 0 : index
        %swap3A_740 = tpu.vector_load %arg11[%swap3A_738, %swap3A_739] {strides = array<i32>} : memref<64x128xf32, #tpu.memory_space<vmem>>, vector<1x16xf32>,
        %swap3A_741 = vector.shape_cast %swap3A_740 : vector<1x16xf32> to vector<16xf32>
        %swap3A_742 = vector.shape_cast %mul3A_737 : vector<16xf32> to vector<1x16xf32>
        tpu.vector_store %arg11[%swap3A_738, %swap3A_739], %swap3A_742 {strides = array<i32>} : memref<64x128xf32, #tpu.memory_space<vmem>>, vector<1x16xf32>,
        %get3A_743 = arith.index_cast %add3A_729 : i32 to index
        %get3A_744 = arith.constant 16 : index
        %get3A_745 = tpu.vector_load %arg11[%get3A_743, %get3A_744] {strides = array<i32>} : memref<64x128xf32, #tpu.memory_space<vmem>>, vector<1x16xf32>,
        %get3A_746 = vector.shape_cast %get3A_745 : vector<1x16xf32> to vector<16xf32>
        %mul3A_747 = vector.broadcast %squeeze3A_731 : f32 to vector<16xf32>
        %mul3A_748 = arith.mulf %get3A_746, %mul3A_747 : vector<16xf32>
        %swap3A_749 = arith.index_cast %add3A_729 : i32 to index
        %swap3A_750 = arith.constant 16 : index
        %swap3A_751 = tpu.vector_load %arg11[%swap3A_749, %swap3A_750] {strides = array<i32>} : memref<64x128xf32, #tpu.memory_space<vmem>>, vector<1x16xf32>,
        %swap3A_752 = vector.shape_cast %swap3A_751 : vector<1x16xf32> to vector<16xf32>
        %swap3A_753 = vector.shape_cast %mul3A_748 : vector<16xf32> to vector<1x16xf32>
        tpu.vector_store %arg11[%swap3A_749, %swap3A_750], %swap3A_753 {strides = array<i32>} : memref<64x128xf32, #tpu.memory_space<vmem>>, vector<1x16xf32>,
        %get3A_754 = arith.index_cast %add3A_729 : i32 to index
        %get3A_755 = arith.constant 32 : index
        %get3A_756 = tpu.vector_load %arg11[%get3A_754, %get3A_755] {strides = array<i32>} : memref<64x128xf32, #tpu.memory_space<vmem>>, vector<1x16xf32>,
        %get3A_757 = vector.shape_cast %get3A_756 : vector<1x16xf32> to vector<16xf32>
        %mul3A_758 = vector.broadcast %squeeze3A_731 : f32 to vector<16xf32>
        %mul3A_759 = arith.mulf %get3A_757, %mul3A_758 : vector<16xf32>
        %swap3A_760 = arith.index_cast %add3A_729 : i32 to index
        %swap3A_761 = arith.constant 32 : index
        %swap3A_762 = tpu.vector_load %arg11[%swap3A_760, %swap3A_761] {strides = array<i32>} : memref<64x128xf32, #tpu.memory_space<vmem>>, vector<1x16xf32>,
        %swap3A_763 = vector.shape_cast %swap3A_762 : vector<1x16xf32> to vector<16xf32>
        %swap3A_764 = vector.shape_cast %mul3A_759 : vector<16xf32> to vector<1x16xf32>
        tpu.vector_store %arg11[%swap3A_760, %swap3A_761], %swap3A_764 {strides = array<i32>} : memref<64x128xf32, #tpu.memory_space<vmem>>, vector<1x16xf32>,
        %get3A_765 = arith.index_cast %add3A_729 : i32 to index
        %get3A_766 = arith.constant 48 : index
        %get3A_767 = tpu.vector_load %arg11[%get3A_765, %get3A_766] {strides = array<i32>} : memref<64x128xf32, #tpu.memory_space<vmem>>, vector<1x16xf32>,
        %get3A_768 = vector.shape_cast %get3A_767 : vector<1x16xf32> to vector<16xf32>
        %mul3A_769 = vector.broadcast %squeeze3A_731 : f32 to vector<16xf32>
        %mul3A_770 = arith.mulf %get3A_768, %mul3A_769 : vector<16xf32>
        %swap3A_771 = arith.index_cast %add3A_729 : i32 to index
        %swap3A_772 = arith.constant 48 : index
        %swap3A_773 = tpu.vector_load %arg11[%swap3A_771, %swap3A_772] {strides = array<i32>} : memref<64x128xf32, #tpu.memory_space<vmem>>, vector<1x16xf32>,
        %swap3A_774 = vector.shape_cast %swap3A_773 : vector<1x16xf32> to vector<16xf32>
        %swap3A_775 = vector.shape_cast %mul3A_770 : vector<16xf32> to vector<1x16xf32>
        tpu.vector_store %arg11[%swap3A_771, %swap3A_772], %swap3A_775 {strides = array<i32>} : memref<64x128xf32, #tpu.memory_space<vmem>>, vector<1x16xf32>,
        %mul3A_776 = arith.constant 16 : i32
        %mul3A_777 = arith.muli %scan3A_121, %mul3A_776 : i32
        %add3A_778 = arith.constant 13 : i32
        %add3A_779 = arith.addi %mul3A_777, %add3A_778 : i32
        %slice3A_780 = vector.extract_strided_slice %get3A_128 {offsets = [13], sizes = [1], strides = [1]} : vector<16xf32> to vector<1xf32>
        %squeeze3A_781 = vector.extract %slice3A_780[0] : f32 from vector<1xf32>
        %get3A_782 = arith.index_cast %add3A_779 : i32 to index
        %get3A_783 = arith.constant 0 : index
        %get3A_784 = tpu.vector_load %arg11[%get3A_782, %get3A_783] {strides = array<i32>} : memref<64x128xf32, #tpu.memory_space<vmem>>, vector<1x16xf32>,
        %get3A_785 = vector.shape_cast %get3A_784 : vector<1x16xf32> to vector<16xf32>
        %mul3A_786 = vector.broadcast %squeeze3A_781 : f32 to vector<16xf32>
        %mul3A_787 = arith.mulf %get3A_785, %mul3A_786 : vector<16xf32>
        %swap3A_788 = arith.index_cast %add3A_779 : i32 to index
        %swap3A_789 = arith.constant 0 : index
        %swap3A_790 = tpu.vector_load %arg11[%swap3A_788, %swap3A_789] {strides = array<i32>} : memref<64x128xf32, #tpu.memory_space<vmem>>, vector<1x16xf32>,
        %swap3A_791 = vector.shape_cast %swap3A_790 : vector<1x16xf32> to vector<16xf32>
        %swap3A_792 = vector.shape_cast %mul3A_787 : vector<16xf32> to vector<1x16xf32>
        tpu.vector_store %arg11[%swap3A_788, %swap3A_789], %swap3A_792 {strides = array<i32>} : memref<64x128xf32, #tpu.memory_space<vmem>>, vector<1x16xf32>,
        %get3A_793 = arith.index_cast %add3A_779 : i32 to index
        %get3A_794 = arith.constant 16 : index
        %get3A_795 = tpu.vector_load %arg11[%get3A_793, %get3A_794] {strides = array<i32>} : memref<64x128xf32, #tpu.memory_space<vmem>>, vector<1x16xf32>,
        %get3A_796 = vector.shape_cast %get3A_795 : vector<1x16xf32> to vector<16xf32>
        %mul3A_797 = vector.broadcast %squeeze3A_781 : f32 to vector<16xf32>
        %mul3A_798 = arith.mulf %get3A_796, %mul3A_797 : vector<16xf32>
        %swap3A_799 = arith.index_cast %add3A_779 : i32 to index
        %swap3A_800 = arith.constant 16 : index
        %swap3A_801 = tpu.vector_load %arg11[%swap3A_799, %swap3A_800] {strides = array<i32>} : memref<64x128xf32, #tpu.memory_space<vmem>>, vector<1x16xf32>,
        %swap3A_802 = vector.shape_cast %swap3A_801 : vector<1x16xf32> to vector<16xf32>
        %swap3A_803 = vector.shape_cast %mul3A_798 : vector<16xf32> to vector<1x16xf32>
        tpu.vector_store %arg11[%swap3A_799, %swap3A_800], %swap3A_803 {strides = array<i32>} : memref<64x128xf32, #tpu.memory_space<vmem>>, vector<1x16xf32>,
        %get3A_804 = arith.index_cast %add3A_779 : i32 to index
        %get3A_805 = arith.constant 32 : index
        %get3A_806 = tpu.vector_load %arg11[%get3A_804, %get3A_805] {strides = array<i32>} : memref<64x128xf32, #tpu.memory_space<vmem>>, vector<1x16xf32>,
        %get3A_807 = vector.shape_cast %get3A_806 : vector<1x16xf32> to vector<16xf32>
        %mul3A_808 = vector.broadcast %squeeze3A_781 : f32 to vector<16xf32>
        %mul3A_809 = arith.mulf %get3A_807, %mul3A_808 : vector<16xf32>
        %swap3A_810 = arith.index_cast %add3A_779 : i32 to index
        %swap3A_811 = arith.constant 32 : index
        %swap3A_812 = tpu.vector_load %arg11[%swap3A_810, %swap3A_811] {strides = array<i32>} : memref<64x128xf32, #tpu.memory_space<vmem>>, vector<1x16xf32>,
        %swap3A_813 = vector.shape_cast %swap3A_812 : vector<1x16xf32> to vector<16xf32>
        %swap3A_814 = vector.shape_cast %mul3A_809 : vector<16xf32> to vector<1x16xf32>
        tpu.vector_store %arg11[%swap3A_810, %swap3A_811], %swap3A_814 {strides = array<i32>} : memref<64x128xf32, #tpu.memory_space<vmem>>, vector<1x16xf32>,
        %get3A_815 = arith.index_cast %add3A_779 : i32 to index
        %get3A_816 = arith.constant 48 : index
        %get3A_817 = tpu.vector_load %arg11[%get3A_815, %get3A_816] {strides = array<i32>} : memref<64x128xf32, #tpu.memory_space<vmem>>, vector<1x16xf32>,
        %get3A_818 = vector.shape_cast %get3A_817 : vector<1x16xf32> to vector<16xf32>
        %mul3A_819 = vector.broadcast %squeeze3A_781 : f32 to vector<16xf32>
        %mul3A_820 = arith.mulf %get3A_818, %mul3A_819 : vector<16xf32>
        %swap3A_821 = arith.index_cast %add3A_779 : i32 to index
        %swap3A_822 = arith.constant 48 : index
        %swap3A_823 = tpu.vector_load %arg11[%swap3A_821, %swap3A_822] {strides = array<i32>} : memref<64x128xf32, #tpu.memory_space<vmem>>, vector<1x16xf32>,
        %swap3A_824 = vector.shape_cast %swap3A_823 : vector<1x16xf32> to vector<16xf32>
        %swap3A_825 = vector.shape_cast %mul3A_820 : vector<16xf32> to vector<1x16xf32>
        tpu.vector_store %arg11[%swap3A_821, %swap3A_822], %swap3A_825 {strides = array<i32>} : memref<64x128xf32, #tpu.memory_space<vmem>>, vector<1x16xf32>,
        %mul3A_826 = arith.constant 16 : i32
        %mul3A_827 = arith.muli %scan3A_121, %mul3A_826 : i32
        %add3A_828 = arith.constant 14 : i32
        %add3A_829 = arith.addi %mul3A_827, %add3A_828 : i32
        %slice3A_830 = vector.extract_strided_slice %get3A_128 {offsets = [14], sizes = [1], strides = [1]} : vector<16xf32> to vector<1xf32>
        %squeeze3A_831 = vector.extract %slice3A_830[0] : f32 from vector<1xf32>
        %get3A_832 = arith.index_cast %add3A_829 : i32 to index
        %get3A_833 = arith.constant 0 : index
        %get3A_834 = tpu.vector_load %arg11[%get3A_832, %get3A_833] {strides = array<i32>} : memref<64x128xf32, #tpu.memory_space<vmem>>, vector<1x16xf32>,
        %get3A_835 = vector.shape_cast %get3A_834 : vector<1x16xf32> to vector<16xf32>
        %mul3A_836 = vector.broadcast %squeeze3A_831 : f32 to vector<16xf32>
        %mul3A_837 = arith.mulf %get3A_835, %mul3A_836 : vector<16xf32>
        %swap3A_838 = arith.index_cast %add3A_829 : i32 to index
        %swap3A_839 = arith.constant 0 : index
        %swap3A_840 = tpu.vector_load %arg11[%swap3A_838, %swap3A_839] {strides = array<i32>} : memref<64x128xf32, #tpu.memory_space<vmem>>, vector<1x16xf32>,
        %swap3A_841 = vector.shape_cast %swap3A_840 : vector<1x16xf32> to vector<16xf32>
        %swap3A_842 = vector.shape_cast %mul3A_837 : vector<16xf32> to vector<1x16xf32>
        tpu.vector_store %arg11[%swap3A_838, %swap3A_839], %swap3A_842 {strides = array<i32>} : memref<64x128xf32, #tpu.memory_space<vmem>>, vector<1x16xf32>,
        %get3A_843 = arith.index_cast %add3A_829 : i32 to index
        %get3A_844 = arith.constant 16 : index
        %get3A_845 = tpu.vector_load %arg11[%get3A_843, %get3A_844] {strides = array<i32>} : memref<64x128xf32, #tpu.memory_space<vmem>>, vector<1x16xf32>,
        %get3A_846 = vector.shape_cast %get3A_845 : vector<1x16xf32> to vector<16xf32>
        %mul3A_847 = vector.broadcast %squeeze3A_831 : f32 to vector<16xf32>
        %mul3A_848 = arith.mulf %get3A_846, %mul3A_847 : vector<16xf32>
        %swap3A_849 = arith.index_cast %add3A_829 : i32 to index
        %swap3A_850 = arith.constant 16 : index
        %swap3A_851 = tpu.vector_load %arg11[%swap3A_849, %swap3A_850] {strides = array<i32>} : memref<64x128xf32, #tpu.memory_space<vmem>>, vector<1x16xf32>,
        %swap3A_852 = vector.shape_cast %swap3A_851 : vector<1x16xf32> to vector<16xf32>
        %swap3A_853 = vector.shape_cast %mul3A_848 : vector<16xf32> to vector<1x16xf32>
        tpu.vector_store %arg11[%swap3A_849, %swap3A_850], %swap3A_853 {strides = array<i32>} : memref<64x128xf32, #tpu.memory_space<vmem>>, vector<1x16xf32>,
        %get3A_854 = arith.index_cast %add3A_829 : i32 to index
        %get3A_855 = arith.constant 32 : index
        %get3A_856 = tpu.vector_load %arg11[%get3A_854, %get3A_855] {strides = array<i32>} : memref<64x128xf32, #tpu.memory_space<vmem>>, vector<1x16xf32>,
        %get3A_857 = vector.shape_cast %get3A_856 : vector<1x16xf32> to vector<16xf32>
        %mul3A_858 = vector.broadcast %squeeze3A_831 : f32 to vector<16xf32>
        %mul3A_859 = arith.mulf %get3A_857, %mul3A_858 : vector<16xf32>
        %swap3A_860 = arith.index_cast %add3A_829 : i32 to index
        %swap3A_861 = arith.constant 32 : index
        %swap3A_862 = tpu.vector_load %arg11[%swap3A_860, %swap3A_861] {strides = array<i32>} : memref<64x128xf32, #tpu.memory_space<vmem>>, vector<1x16xf32>,
        %swap3A_863 = vector.shape_cast %swap3A_862 : vector<1x16xf32> to vector<16xf32>
        %swap3A_864 = vector.shape_cast %mul3A_859 : vector<16xf32> to vector<1x16xf32>
        tpu.vector_store %arg11[%swap3A_860, %swap3A_861], %swap3A_864 {strides = array<i32>} : memref<64x128xf32, #tpu.memory_space<vmem>>, vector<1x16xf32>,
        %get3A_865 = arith.index_cast %add3A_829 : i32 to index
        %get3A_866 = arith.constant 48 : index
        %get3A_867 = tpu.vector_load %arg11[%get3A_865, %get3A_866] {strides = array<i32>} : memref<64x128xf32, #tpu.memory_space<vmem>>, vector<1x16xf32>,
        %get3A_868 = vector.shape_cast %get3A_867 : vector<1x16xf32> to vector<16xf32>
        %mul3A_869 = vector.broadcast %squeeze3A_831 : f32 to vector<16xf32>
        %mul3A_870 = arith.mulf %get3A_868, %mul3A_869 : vector<16xf32>
        %swap3A_871 = arith.index_cast %add3A_829 : i32 to index
        %swap3A_872 = arith.constant 48 : index
        %swap3A_873 = tpu.vector_load %arg11[%swap3A_871, %swap3A_872] {strides = array<i32>} : memref<64x128xf32, #tpu.memory_space<vmem>>, vector<1x16xf32>,
        %swap3A_874 = vector.shape_cast %swap3A_873 : vector<1x16xf32> to vector<16xf32>
        %swap3A_875 = vector.shape_cast %mul3A_870 : vector<16xf32> to vector<1x16xf32>
        tpu.vector_store %arg11[%swap3A_871, %swap3A_872], %swap3A_875 {strides = array<i32>} : memref<64x128xf32, #tpu.memory_space<vmem>>, vector<1x16xf32>,
        %mul3A_876 = arith.constant 16 : i32
        %mul3A_877 = arith.muli %scan3A_121, %mul3A_876 : i32
        %add3A_878 = arith.constant 15 : i32
        %add3A_879 = arith.addi %mul3A_877, %add3A_878 : i32
        %slice3A_880 = vector.extract_strided_slice %get3A_128 {offsets = [15], sizes = [1], strides = [1]} : vector<16xf32> to vector<1xf32>
        %squeeze3A_881 = vector.extract %slice3A_880[0] : f32 from vector<1xf32>
        %get3A_882 = arith.index_cast %add3A_879 : i32 to index
        %get3A_883 = arith.constant 0 : index
        %get3A_884 = tpu.vector_load %arg11[%get3A_882, %get3A_883] {strides = array<i32>} : memref<64x128xf32, #tpu.memory_space<vmem>>, vector<1x16xf32>,
        %get3A_885 = vector.shape_cast %get3A_884 : vector<1x16xf32> to vector<16xf32>
        %mul3A_886 = vector.broadcast %squeeze3A_881 : f32 to vector<16xf32>
        %mul3A_887 = arith.mulf %get3A_885, %mul3A_886 : vector<16xf32>
        %swap3A_888 = arith.index_cast %add3A_879 : i32 to index
        %swap3A_889 = arith.constant 0 : index
        %swap3A_890 = tpu.vector_load %arg11[%swap3A_888, %swap3A_889] {strides = array<i32>} : memref<64x128xf32, #tpu.memory_space<vmem>>, vector<1x16xf32>,
        %swap3A_891 = vector.shape_cast %swap3A_890 : vector<1x16xf32> to vector<16xf32>
        %swap3A_892 = vector.shape_cast %mul3A_887 : vector<16xf32> to vector<1x16xf32>
        tpu.vector_store %arg11[%swap3A_888, %swap3A_889], %swap3A_892 {strides = array<i32>} : memref<64x128xf32, #tpu.memory_space<vmem>>, vector<1x16xf32>,
        %get3A_893 = arith.index_cast %add3A_879 : i32 to index
        %get3A_894 = arith.constant 16 : index
        %get3A_895 = tpu.vector_load %arg11[%get3A_893, %get3A_894] {strides = array<i32>} : memref<64x128xf32, #tpu.memory_space<vmem>>, vector<1x16xf32>,
        %get3A_896 = vector.shape_cast %get3A_895 : vector<1x16xf32> to vector<16xf32>
        %mul3A_897 = vector.broadcast %squeeze3A_881 : f32 to vector<16xf32>
        %mul3A_898 = arith.mulf %get3A_896, %mul3A_897 : vector<16xf32>
        %swap3A_899 = arith.index_cast %add3A_879 : i32 to index
        %swap3A_900 = arith.constant 16 : index
        %swap3A_901 = tpu.vector_load %arg11[%swap3A_899, %swap3A_900] {strides = array<i32>} : memref<64x128xf32, #tpu.memory_space<vmem>>, vector<1x16xf32>,
        %swap3A_902 = vector.shape_cast %swap3A_901 : vector<1x16xf32> to vector<16xf32>
        %swap3A_903 = vector.shape_cast %mul3A_898 : vector<16xf32> to vector<1x16xf32>
        tpu.vector_store %arg11[%swap3A_899, %swap3A_900], %swap3A_903 {strides = array<i32>} : memref<64x128xf32, #tpu.memory_space<vmem>>, vector<1x16xf32>,
        %get3A_904 = arith.index_cast %add3A_879 : i32 to index
        %get3A_905 = arith.constant 32 : index
        %get3A_906 = tpu.vector_load %arg11[%get3A_904, %get3A_905] {strides = array<i32>} : memref<64x128xf32, #tpu.memory_space<vmem>>, vector<1x16xf32>,
        %get3A_907 = vector.shape_cast %get3A_906 : vector<1x16xf32> to vector<16xf32>
        %mul3A_908 = vector.broadcast %squeeze3A_881 : f32 to vector<16xf32>
        %mul3A_909 = arith.mulf %get3A_907, %mul3A_908 : vector<16xf32>
        %swap3A_910 = arith.index_cast %add3A_879 : i32 to index
        %swap3A_911 = arith.constant 32 : index
        %swap3A_912 = tpu.vector_load %arg11[%swap3A_910, %swap3A_911] {strides = array<i32>} : memref<64x128xf32, #tpu.memory_space<vmem>>, vector<1x16xf32>,
        %swap3A_913 = vector.shape_cast %swap3A_912 : vector<1x16xf32> to vector<16xf32>
        %swap3A_914 = vector.shape_cast %mul3A_909 : vector<16xf32> to vector<1x16xf32>
        tpu.vector_store %arg11[%swap3A_910, %swap3A_911], %swap3A_914 {strides = array<i32>} : memref<64x128xf32, #tpu.memory_space<vmem>>, vector<1x16xf32>,
        %get3A_915 = arith.index_cast %add3A_879 : i32 to index
        %get3A_916 = arith.constant 48 : index
        %get3A_917 = tpu.vector_load %arg11[%get3A_915, %get3A_916] {strides = array<i32>} : memref<64x128xf32, #tpu.memory_space<vmem>>, vector<1x16xf32>,
        %get3A_918 = vector.shape_cast %get3A_917 : vector<1x16xf32> to vector<16xf32>
        %mul3A_919 = vector.broadcast %squeeze3A_881 : f32 to vector<16xf32>
        %mul3A_920 = arith.mulf %get3A_918, %mul3A_919 : vector<16xf32>
        %swap3A_921 = arith.index_cast %add3A_879 : i32 to index
        %swap3A_922 = arith.constant 48 : index
        %swap3A_923 = tpu.vector_load %arg11[%swap3A_921, %swap3A_922] {strides = array<i32>} : memref<64x128xf32, #tpu.memory_space<vmem>>, vector<1x16xf32>,
        %swap3A_924 = vector.shape_cast %swap3A_923 : vector<1x16xf32> to vector<16xf32>
        %swap3A_925 = vector.shape_cast %mul3A_920 : vector<16xf32> to vector<1x16xf32>
        tpu.vector_store %arg11[%swap3A_921, %swap3A_922], %swap3A_925 {strides = array<i32>} : memref<64x128xf32, #tpu.memory_space<vmem>>, vector<1x16xf32>,
      }
      %scan3A_97 = arith.constant 4 : i32
      "tpu.region"() ({
        %run_scoped3A = tpu.sem_alloc : memref<!tpu.dma_semaphore, #tpu.memory_space<semaphore_mem>>
        %dma_start3A_121 = arith.constant 0 : i32
        %dma_start3A_122 = tpu.memref_slice %arg9[%scan3A_79, %dma_start3A_121] : memref<80x128xi32, #tpu.memory_space<vmem>> -> memref<1x64xi32, #tpu.memory_space<vmem>>
        %dma_start3A_123 = tpu.memref_squeeze %dma_start3A_122 : memref<1x64xi32, #tpu.memory_space<vmem>> -> memref<64xi32, #tpu.memory_space<vmem>>
        %dma_start3A_124 = arith.constant 0 : i32
        %dma_start3A_125 = arith.constant 0 : i32
        %dma_start3A_126 = tpu.memref_slice %arg15[%dma_start3A_124, %dma_start3A_125] : memref<10240x128xf32, #tpu.memory_space<vmem_shared>> -> memref<10240x128xf32, #tpu.memory_space<vmem_shared>>
        tpu.enqueue_indirect_dma source(%arg11 : memref<64x128xf32, #tpu.memory_space<vmem>>) target(%dma_start3A_126 : memref<10240x128xf32, #tpu.memory_space<vmem_shared>>) offsets(%dma_start3A_123 : memref<64xi32, #tpu.memory_space<vmem>>) semaphore(%run_scoped3A : memref<!tpu.dma_semaphore, #tpu.memory_space<semaphore_mem>>) {add = true}
        %dma_wait3A_127 = arith.constant 0 : i32
        %dma_wait3A_128 = tpu.memref_slice %arg9[%scan3A_79, %dma_wait3A_127] : memref<80x128xi32, #tpu.memory_space<vmem>> -> memref<1x64xi32, #tpu.memory_space<vmem>>
        %dma_wait3A_129 = tpu.memref_squeeze %dma_wait3A_128 : memref<1x64xi32, #tpu.memory_space<vmem>> -> memref<64xi32, #tpu.memory_space<vmem>>
        %dma_wait3A_130 = arith.constant 0 : i32
        %dma_wait3A_131 = arith.constant 0 : i32
        %dma_wait3A_132 = tpu.memref_slice %arg15[%dma_wait3A_130, %dma_wait3A_131] : memref<10240x128xf32, #tpu.memory_space<vmem_shared>> -> memref<10240x128xf32, #tpu.memory_space<vmem_shared>>
        tpu.wait_indirect_dma semaphore(%run_scoped3A : memref<!tpu.dma_semaphore, #tpu.memory_space<semaphore_mem>>) src(%arg11 : memref<64x128xf32, #tpu.memory_space<vmem>>) dst(%dma_wait3A_132 : memref<10240x128xf32, #tpu.memory_space<vmem_shared>>)
        tpu.yield
      }) : () -> ()
      %dma_wait3A_98 = arith.constant 64 : i32
      %dma_wait3A_99 = tpu.memref_slice %arg8[%scan3A_79, %dma_wait3A_98] : memref<80x128xi32, #tpu.memory_space<vmem>> -> memref<1x64xi32, #tpu.memory_space<vmem>>
      %dma_wait3A_100 = tpu.memref_squeeze %dma_wait3A_99 : memref<1x64xi32, #tpu.memory_space<vmem>> -> memref<64xi32, #tpu.memory_space<vmem>>
      %dma_wait3A_101 = arith.constant 0 : i32
      %dma_wait3A_102 = arith.constant 0 : i32
      %dma_wait3A_103 = tpu.memref_slice %arg5[%dma_wait3A_101, %dma_wait3A_102] : memref<10240x128xf32, #tpu.memory_space<hbm>> -> memref<10240x128xf32, #tpu.memory_space<hbm>>
      tpu.wait_indirect_dma semaphore(%arg14 : memref<!tpu.dma_semaphore, #tpu.memory_space<semaphore_mem>>) src(%dma_wait3A_103 : memref<10240x128xf32, #tpu.memory_space<hbm>>) dst(%arg12 : memref<64x128xf32, #tpu.memory_space<vmem>>)
      %add3A_104 = arith.constant 1 : i32
      %add3A_105 = arith.addi %scan3A_79, %add3A_104 : i32
      %lt3A = arith.constant 80 : i32
      %lt3A_106 = arith.cmpi slt, %add3A_105, %lt3A : i32
      %add3A_107 = arith.constant 1 : i32
      %add3A_108 = arith.addi %scan3A_79, %add3A_107 : i32
      %jit3A = arith.constant 0 : i32
      %select_n3A = arith.select %lt3A_106, %add3A_108, %jit3A : i32
      %dma_start3A_109 = arith.constant 0 : i32
      %dma_start3A_110 = tpu.memref_slice %arg8[%select_n3A, %dma_start3A_109] : memref<80x128xi32, #tpu.memory_space<vmem>> -> memref<1x64xi32, #tpu.memory_space<vmem>>
      %dma_start3A_111 = tpu.memref_squeeze %dma_start3A_110 : memref<1x64xi32, #tpu.memory_space<vmem>> -> memref<64xi32, #tpu.memory_space<vmem>>
      %dma_start3A_112 = arith.constant 0 : i32
      %dma_start3A_113 = arith.constant 0 : i32
      %dma_start3A_114 = tpu.memref_slice %arg5[%dma_start3A_112, %dma_start3A_113] : memref<10240x128xf32, #tpu.memory_space<hbm>> -> memref<10240x128xf32, #tpu.memory_space<hbm>>
      tpu.enqueue_indirect_dma source(%dma_start3A_114 : memref<10240x128xf32, #tpu.memory_space<hbm>>) target(%arg11 : memref<64x128xf32, #tpu.memory_space<vmem>>) offsets(%dma_start3A_111 : memref<64xi32, #tpu.memory_space<vmem>>) semaphore(%arg13 : memref<!tpu.dma_semaphore, #tpu.memory_space<semaphore_mem>>)
      %scan3A_115 = arith.constant 0 : i32
      %scan3A_116 = arith.constant 0 : i32
      %scan3A_117 = arith.constant 4 : i32
      %scan3A_118 = arith.addi %scan3A_116, %scan3A_117 : i32
      %scan3A_119 = arith.constant 1 : i32
      scf.for %scan3A_121 = %scan3A_116 to %scan3A_118 step %scan3A_119  : i32 {
        %mul3A_122 = arith.constant 16 : i32
        %mul3A_123 = arith.muli %scan3A_121, %mul3A_122 : i32
        %add3A_124 = arith.constant 64 : i32
        %add3A_125 = arith.addi %add3A_124, %mul3A_123 : i32
        %get3A = arith.index_cast %scan3A_79 : i32 to index
        %get3A_126 = arith.index_cast %add3A_125 : i32 to index
        %get3A_127 = tpu.vector_load %arg10[%get3A, %get3A_126] {strides = array<i32>} : memref<80x128xf32, #tpu.memory_space<vmem>>, vector<1x16xf32>,
        %get3A_128 = vector.shape_cast %get3A_127 : vector<1x16xf32> to vector<16xf32>
        %mul3A_129 = arith.constant 16 : i32
        %mul3A_130 = arith.muli %scan3A_121, %mul3A_129 : i32
        %add3A_131 = arith.constant 0 : i32
        %add3A_132 = arith.addi %mul3A_130, %add3A_131 : i32
        %slice3A = vector.extract_strided_slice %get3A_128 {offsets = [0], sizes = [1], strides = [1]} : vector<16xf32> to vector<1xf32>
        %squeeze3A = vector.extract %slice3A[0] : f32 from vector<1xf32>
        %get3A_133 = arith.index_cast %add3A_132 : i32 to index
        %get3A_134 = arith.constant 0 : index
        %get3A_135 = tpu.vector_load %arg12[%get3A_133, %get3A_134] {strides = array<i32>} : memref<64x128xf32, #tpu.memory_space<vmem>>, vector<1x16xf32>,
        %get3A_136 = vector.shape_cast %get3A_135 : vector<1x16xf32> to vector<16xf32>
        %mul3A_137 = vector.broadcast %squeeze3A : f32 to vector<16xf32>
        %mul3A_138 = arith.mulf %get3A_136, %mul3A_137 : vector<16xf32>
        %swap3A = arith.index_cast %add3A_132 : i32 to index
        %swap3A_139 = arith.constant 0 : index
        %swap3A_140 = tpu.vector_load %arg12[%swap3A, %swap3A_139] {strides = array<i32>} : memref<64x128xf32, #tpu.memory_space<vmem>>, vector<1x16xf32>,
        %swap3A_141 = vector.shape_cast %swap3A_140 : vector<1x16xf32> to vector<16xf32>
        %swap3A_142 = vector.shape_cast %mul3A_138 : vector<16xf32> to vector<1x16xf32>
        tpu.vector_store %arg12[%swap3A, %swap3A_139], %swap3A_142 {strides = array<i32>} : memref<64x128xf32, #tpu.memory_space<vmem>>, vector<1x16xf32>,
        %get3A_143 = arith.index_cast %add3A_132 : i32 to index
        %get3A_144 = arith.constant 16 : index
        %get3A_145 = tpu.vector_load %arg12[%get3A_143, %get3A_144] {strides = array<i32>} : memref<64x128xf32, #tpu.memory_space<vmem>>, vector<1x16xf32>,
        %get3A_146 = vector.shape_cast %get3A_145 : vector<1x16xf32> to vector<16xf32>
        %mul3A_147 = vector.broadcast %squeeze3A : f32 to vector<16xf32>
        %mul3A_148 = arith.mulf %get3A_146, %mul3A_147 : vector<16xf32>
        %swap3A_149 = arith.index_cast %add3A_132 : i32 to index
        %swap3A_150 = arith.constant 16 : index
        %swap3A_151 = tpu.vector_load %arg12[%swap3A_149, %swap3A_150] {strides = array<i32>} : memref<64x128xf32, #tpu.memory_space<vmem>>, vector<1x16xf32>,
        %swap3A_152 = vector.shape_cast %swap3A_151 : vector<1x16xf32> to vector<16xf32>
        %swap3A_153 = vector.shape_cast %mul3A_148 : vector<16xf32> to vector<1x16xf32>
        tpu.vector_store %arg12[%swap3A_149, %swap3A_150], %swap3A_153 {strides = array<i32>} : memref<64x128xf32, #tpu.memory_space<vmem>>, vector<1x16xf32>,
        %get3A_154 = arith.index_cast %add3A_132 : i32 to index
        %get3A_155 = arith.constant 32 : index
        %get3A_156 = tpu.vector_load %arg12[%get3A_154, %get3A_155] {strides = array<i32>} : memref<64x128xf32, #tpu.memory_space<vmem>>, vector<1x16xf32>,
        %get3A_157 = vector.shape_cast %get3A_156 : vector<1x16xf32> to vector<16xf32>
        %mul3A_158 = vector.broadcast %squeeze3A : f32 to vector<16xf32>
        %mul3A_159 = arith.mulf %get3A_157, %mul3A_158 : vector<16xf32>
        %swap3A_160 = arith.index_cast %add3A_132 : i32 to index
        %swap3A_161 = arith.constant 32 : index
        %swap3A_162 = tpu.vector_load %arg12[%swap3A_160, %swap3A_161] {strides = array<i32>} : memref<64x128xf32, #tpu.memory_space<vmem>>, vector<1x16xf32>,
        %swap3A_163 = vector.shape_cast %swap3A_162 : vector<1x16xf32> to vector<16xf32>
        %swap3A_164 = vector.shape_cast %mul3A_159 : vector<16xf32> to vector<1x16xf32>
        tpu.vector_store %arg12[%swap3A_160, %swap3A_161], %swap3A_164 {strides = array<i32>} : memref<64x128xf32, #tpu.memory_space<vmem>>, vector<1x16xf32>,
        %get3A_165 = arith.index_cast %add3A_132 : i32 to index
        %get3A_166 = arith.constant 48 : index
        %get3A_167 = tpu.vector_load %arg12[%get3A_165, %get3A_166] {strides = array<i32>} : memref<64x128xf32, #tpu.memory_space<vmem>>, vector<1x16xf32>,
        %get3A_168 = vector.shape_cast %get3A_167 : vector<1x16xf32> to vector<16xf32>
        %mul3A_169 = vector.broadcast %squeeze3A : f32 to vector<16xf32>
        %mul3A_170 = arith.mulf %get3A_168, %mul3A_169 : vector<16xf32>
        %swap3A_171 = arith.index_cast %add3A_132 : i32 to index
        %swap3A_172 = arith.constant 48 : index
        %swap3A_173 = tpu.vector_load %arg12[%swap3A_171, %swap3A_172] {strides = array<i32>} : memref<64x128xf32, #tpu.memory_space<vmem>>, vector<1x16xf32>,
        %swap3A_174 = vector.shape_cast %swap3A_173 : vector<1x16xf32> to vector<16xf32>
        %swap3A_175 = vector.shape_cast %mul3A_170 : vector<16xf32> to vector<1x16xf32>
        tpu.vector_store %arg12[%swap3A_171, %swap3A_172], %swap3A_175 {strides = array<i32>} : memref<64x128xf32, #tpu.memory_space<vmem>>, vector<1x16xf32>,
        %mul3A_176 = arith.constant 16 : i32
        %mul3A_177 = arith.muli %scan3A_121, %mul3A_176 : i32
        %add3A_178 = arith.constant 1 : i32
        %add3A_179 = arith.addi %mul3A_177, %add3A_178 : i32
        %slice3A_180 = vector.extract_strided_slice %get3A_128 {offsets = [1], sizes = [1], strides = [1]} : vector<16xf32> to vector<1xf32>
        %squeeze3A_181 = vector.extract %slice3A_180[0] : f32 from vector<1xf32>
        %get3A_182 = arith.index_cast %add3A_179 : i32 to index
        %get3A_183 = arith.constant 0 : index
        %get3A_184 = tpu.vector_load %arg12[%get3A_182, %get3A_183] {strides = array<i32>} : memref<64x128xf32, #tpu.memory_space<vmem>>, vector<1x16xf32>,
        %get3A_185 = vector.shape_cast %get3A_184 : vector<1x16xf32> to vector<16xf32>
        %mul3A_186 = vector.broadcast %squeeze3A_181 : f32 to vector<16xf32>
        %mul3A_187 = arith.mulf %get3A_185, %mul3A_186 : vector<16xf32>
        %swap3A_188 = arith.index_cast %add3A_179 : i32 to index
        %swap3A_189 = arith.constant 0 : index
        %swap3A_190 = tpu.vector_load %arg12[%swap3A_188, %swap3A_189] {strides = array<i32>} : memref<64x128xf32, #tpu.memory_space<vmem>>, vector<1x16xf32>,
        %swap3A_191 = vector.shape_cast %swap3A_190 : vector<1x16xf32> to vector<16xf32>
        %swap3A_192 = vector.shape_cast %mul3A_187 : vector<16xf32> to vector<1x16xf32>
        tpu.vector_store %arg12[%swap3A_188, %swap3A_189], %swap3A_192 {strides = array<i32>} : memref<64x128xf32, #tpu.memory_space<vmem>>, vector<1x16xf32>,
        %get3A_193 = arith.index_cast %add3A_179 : i32 to index
        %get3A_194 = arith.constant 16 : index
        %get3A_195 = tpu.vector_load %arg12[%get3A_193, %get3A_194] {strides = array<i32>} : memref<64x128xf32, #tpu.memory_space<vmem>>, vector<1x16xf32>,
        %get3A_196 = vector.shape_cast %get3A_195 : vector<1x16xf32> to vector<16xf32>
        %mul3A_197 = vector.broadcast %squeeze3A_181 : f32 to vector<16xf32>
        %mul3A_198 = arith.mulf %get3A_196, %mul3A_197 : vector<16xf32>
        %swap3A_199 = arith.index_cast %add3A_179 : i32 to index
        %swap3A_200 = arith.constant 16 : index
        %swap3A_201 = tpu.vector_load %arg12[%swap3A_199, %swap3A_200] {strides = array<i32>} : memref<64x128xf32, #tpu.memory_space<vmem>>, vector<1x16xf32>,
        %swap3A_202 = vector.shape_cast %swap3A_201 : vector<1x16xf32> to vector<16xf32>
        %swap3A_203 = vector.shape_cast %mul3A_198 : vector<16xf32> to vector<1x16xf32>
        tpu.vector_store %arg12[%swap3A_199, %swap3A_200], %swap3A_203 {strides = array<i32>} : memref<64x128xf32, #tpu.memory_space<vmem>>, vector<1x16xf32>,
        %get3A_204 = arith.index_cast %add3A_179 : i32 to index
        %get3A_205 = arith.constant 32 : index
        %get3A_206 = tpu.vector_load %arg12[%get3A_204, %get3A_205] {strides = array<i32>} : memref<64x128xf32, #tpu.memory_space<vmem>>, vector<1x16xf32>,
        %get3A_207 = vector.shape_cast %get3A_206 : vector<1x16xf32> to vector<16xf32>
        %mul3A_208 = vector.broadcast %squeeze3A_181 : f32 to vector<16xf32>
        %mul3A_209 = arith.mulf %get3A_207, %mul3A_208 : vector<16xf32>
        %swap3A_210 = arith.index_cast %add3A_179 : i32 to index
        %swap3A_211 = arith.constant 32 : index
        %swap3A_212 = tpu.vector_load %arg12[%swap3A_210, %swap3A_211] {strides = array<i32>} : memref<64x128xf32, #tpu.memory_space<vmem>>, vector<1x16xf32>,
        %swap3A_213 = vector.shape_cast %swap3A_212 : vector<1x16xf32> to vector<16xf32>
        %swap3A_214 = vector.shape_cast %mul3A_209 : vector<16xf32> to vector<1x16xf32>
        tpu.vector_store %arg12[%swap3A_210, %swap3A_211], %swap3A_214 {strides = array<i32>} : memref<64x128xf32, #tpu.memory_space<vmem>>, vector<1x16xf32>,
        %get3A_215 = arith.index_cast %add3A_179 : i32 to index
        %get3A_216 = arith.constant 48 : index
        %get3A_217 = tpu.vector_load %arg12[%get3A_215, %get3A_216] {strides = array<i32>} : memref<64x128xf32, #tpu.memory_space<vmem>>, vector<1x16xf32>,
        %get3A_218 = vector.shape_cast %get3A_217 : vector<1x16xf32> to vector<16xf32>
        %mul3A_219 = vector.broadcast %squeeze3A_181 : f32 to vector<16xf32>
        %mul3A_220 = arith.mulf %get3A_218, %mul3A_219 : vector<16xf32>
        %swap3A_221 = arith.index_cast %add3A_179 : i32 to index
        %swap3A_222 = arith.constant 48 : index
        %swap3A_223 = tpu.vector_load %arg12[%swap3A_221, %swap3A_222] {strides = array<i32>} : memref<64x128xf32, #tpu.memory_space<vmem>>, vector<1x16xf32>,
        %swap3A_224 = vector.shape_cast %swap3A_223 : vector<1x16xf32> to vector<16xf32>
        %swap3A_225 = vector.shape_cast %mul3A_220 : vector<16xf32> to vector<1x16xf32>
        tpu.vector_store %arg12[%swap3A_221, %swap3A_222], %swap3A_225 {strides = array<i32>} : memref<64x128xf32, #tpu.memory_space<vmem>>, vector<1x16xf32>,
        %mul3A_226 = arith.constant 16 : i32
        %mul3A_227 = arith.muli %scan3A_121, %mul3A_226 : i32
        %add3A_228 = arith.constant 2 : i32
        %add3A_229 = arith.addi %mul3A_227, %add3A_228 : i32
        %slice3A_230 = vector.extract_strided_slice %get3A_128 {offsets = [2], sizes = [1], strides = [1]} : vector<16xf32> to vector<1xf32>
        %squeeze3A_231 = vector.extract %slice3A_230[0] : f32 from vector<1xf32>
        %get3A_232 = arith.index_cast %add3A_229 : i32 to index
        %get3A_233 = arith.constant 0 : index
        %get3A_234 = tpu.vector_load %arg12[%get3A_232, %get3A_233] {strides = array<i32>} : memref<64x128xf32, #tpu.memory_space<vmem>>, vector<1x16xf32>,
        %get3A_235 = vector.shape_cast %get3A_234 : vector<1x16xf32> to vector<16xf32>
        %mul3A_236 = vector.broadcast %squeeze3A_231 : f32 to vector<16xf32>
        %mul3A_237 = arith.mulf %get3A_235, %mul3A_236 : vector<16xf32>
        %swap3A_238 = arith.index_cast %add3A_229 : i32 to index
        %swap3A_239 = arith.constant 0 : index
        %swap3A_240 = tpu.vector_load %arg12[%swap3A_238, %swap3A_239] {strides = array<i32>} : memref<64x128xf32, #tpu.memory_space<vmem>>, vector<1x16xf32>,
        %swap3A_241 = vector.shape_cast %swap3A_240 : vector<1x16xf32> to vector<16xf32>
        %swap3A_242 = vector.shape_cast %mul3A_237 : vector<16xf32> to vector<1x16xf32>
        tpu.vector_store %arg12[%swap3A_238, %swap3A_239], %swap3A_242 {strides = array<i32>} : memref<64x128xf32, #tpu.memory_space<vmem>>, vector<1x16xf32>,
        %get3A_243 = arith.index_cast %add3A_229 : i32 to index
        %get3A_244 = arith.constant 16 : index
        %get3A_245 = tpu.vector_load %arg12[%get3A_243, %get3A_244] {strides = array<i32>} : memref<64x128xf32, #tpu.memory_space<vmem>>, vector<1x16xf32>,
        %get3A_246 = vector.shape_cast %get3A_245 : vector<1x16xf32> to vector<16xf32>
        %mul3A_247 = vector.broadcast %squeeze3A_231 : f32 to vector<16xf32>
        %mul3A_248 = arith.mulf %get3A_246, %mul3A_247 : vector<16xf32>
        %swap3A_249 = arith.index_cast %add3A_229 : i32 to index
        %swap3A_250 = arith.constant 16 : index
        %swap3A_251 = tpu.vector_load %arg12[%swap3A_249, %swap3A_250] {strides = array<i32>} : memref<64x128xf32, #tpu.memory_space<vmem>>, vector<1x16xf32>,
        %swap3A_252 = vector.shape_cast %swap3A_251 : vector<1x16xf32> to vector<16xf32>
        %swap3A_253 = vector.shape_cast %mul3A_248 : vector<16xf32> to vector<1x16xf32>
        tpu.vector_store %arg12[%swap3A_249, %swap3A_250], %swap3A_253 {strides = array<i32>} : memref<64x128xf32, #tpu.memory_space<vmem>>, vector<1x16xf32>,
        %get3A_254 = arith.index_cast %add3A_229 : i32 to index
        %get3A_255 = arith.constant 32 : index
        %get3A_256 = tpu.vector_load %arg12[%get3A_254, %get3A_255] {strides = array<i32>} : memref<64x128xf32, #tpu.memory_space<vmem>>, vector<1x16xf32>,
        %get3A_257 = vector.shape_cast %get3A_256 : vector<1x16xf32> to vector<16xf32>
        %mul3A_258 = vector.broadcast %squeeze3A_231 : f32 to vector<16xf32>
        %mul3A_259 = arith.mulf %get3A_257, %mul3A_258 : vector<16xf32>
        %swap3A_260 = arith.index_cast %add3A_229 : i32 to index
        %swap3A_261 = arith.constant 32 : index
        %swap3A_262 = tpu.vector_load %arg12[%swap3A_260, %swap3A_261] {strides = array<i32>} : memref<64x128xf32, #tpu.memory_space<vmem>>, vector<1x16xf32>,
        %swap3A_263 = vector.shape_cast %swap3A_262 : vector<1x16xf32> to vector<16xf32>
        %swap3A_264 = vector.shape_cast %mul3A_259 : vector<16xf32> to vector<1x16xf32>
        tpu.vector_store %arg12[%swap3A_260, %swap3A_261], %swap3A_264 {strides = array<i32>} : memref<64x128xf32, #tpu.memory_space<vmem>>, vector<1x16xf32>,
        %get3A_265 = arith.index_cast %add3A_229 : i32 to index
        %get3A_266 = arith.constant 48 : index
        %get3A_267 = tpu.vector_load %arg12[%get3A_265, %get3A_266] {strides = array<i32>} : memref<64x128xf32, #tpu.memory_space<vmem>>, vector<1x16xf32>,
        %get3A_268 = vector.shape_cast %get3A_267 : vector<1x16xf32> to vector<16xf32>
        %mul3A_269 = vector.broadcast %squeeze3A_231 : f32 to vector<16xf32>
        %mul3A_270 = arith.mulf %get3A_268, %mul3A_269 : vector<16xf32>
        %swap3A_271 = arith.index_cast %add3A_229 : i32 to index
        %swap3A_272 = arith.constant 48 : index
        %swap3A_273 = tpu.vector_load %arg12[%swap3A_271, %swap3A_272] {strides = array<i32>} : memref<64x128xf32, #tpu.memory_space<vmem>>, vector<1x16xf32>,
        %swap3A_274 = vector.shape_cast %swap3A_273 : vector<1x16xf32> to vector<16xf32>
        %swap3A_275 = vector.shape_cast %mul3A_270 : vector<16xf32> to vector<1x16xf32>
        tpu.vector_store %arg12[%swap3A_271, %swap3A_272], %swap3A_275 {strides = array<i32>} : memref<64x128xf32, #tpu.memory_space<vmem>>, vector<1x16xf32>,
        %mul3A_276 = arith.constant 16 : i32
        %mul3A_277 = arith.muli %scan3A_121, %mul3A_276 : i32
        %add3A_278 = arith.constant 3 : i32
        %add3A_279 = arith.addi %mul3A_277, %add3A_278 : i32
        %slice3A_280 = vector.extract_strided_slice %get3A_128 {offsets = [3], sizes = [1], strides = [1]} : vector<16xf32> to vector<1xf32>
        %squeeze3A_281 = vector.extract %slice3A_280[0] : f32 from vector<1xf32>
        %get3A_282 = arith.index_cast %add3A_279 : i32 to index
        %get3A_283 = arith.constant 0 : index
        %get3A_284 = tpu.vector_load %arg12[%get3A_282, %get3A_283] {strides = array<i32>} : memref<64x128xf32, #tpu.memory_space<vmem>>, vector<1x16xf32>,
        %get3A_285 = vector.shape_cast %get3A_284 : vector<1x16xf32> to vector<16xf32>
        %mul3A_286 = vector.broadcast %squeeze3A_281 : f32 to vector<16xf32>
        %mul3A_287 = arith.mulf %get3A_285, %mul3A_286 : vector<16xf32>
        %swap3A_288 = arith.index_cast %add3A_279 : i32 to index
        %swap3A_289 = arith.constant 0 : index
        %swap3A_290 = tpu.vector_load %arg12[%swap3A_288, %swap3A_289] {strides = array<i32>} : memref<64x128xf32, #tpu.memory_space<vmem>>, vector<1x16xf32>,
        %swap3A_291 = vector.shape_cast %swap3A_290 : vector<1x16xf32> to vector<16xf32>
        %swap3A_292 = vector.shape_cast %mul3A_287 : vector<16xf32> to vector<1x16xf32>
        tpu.vector_store %arg12[%swap3A_288, %swap3A_289], %swap3A_292 {strides = array<i32>} : memref<64x128xf32, #tpu.memory_space<vmem>>, vector<1x16xf32>,
        %get3A_293 = arith.index_cast %add3A_279 : i32 to index
        %get3A_294 = arith.constant 16 : index
        %get3A_295 = tpu.vector_load %arg12[%get3A_293, %get3A_294] {strides = array<i32>} : memref<64x128xf32, #tpu.memory_space<vmem>>, vector<1x16xf32>,
        %get3A_296 = vector.shape_cast %get3A_295 : vector<1x16xf32> to vector<16xf32>
        %mul3A_297 = vector.broadcast %squeeze3A_281 : f32 to vector<16xf32>
        %mul3A_298 = arith.mulf %get3A_296, %mul3A_297 : vector<16xf32>
        %swap3A_299 = arith.index_cast %add3A_279 : i32 to index
        %swap3A_300 = arith.constant 16 : index
        %swap3A_301 = tpu.vector_load %arg12[%swap3A_299, %swap3A_300] {strides = array<i32>} : memref<64x128xf32, #tpu.memory_space<vmem>>, vector<1x16xf32>,
        %swap3A_302 = vector.shape_cast %swap3A_301 : vector<1x16xf32> to vector<16xf32>
        %swap3A_303 = vector.shape_cast %mul3A_298 : vector<16xf32> to vector<1x16xf32>
        tpu.vector_store %arg12[%swap3A_299, %swap3A_300], %swap3A_303 {strides = array<i32>} : memref<64x128xf32, #tpu.memory_space<vmem>>, vector<1x16xf32>,
        %get3A_304 = arith.index_cast %add3A_279 : i32 to index
        %get3A_305 = arith.constant 32 : index
        %get3A_306 = tpu.vector_load %arg12[%get3A_304, %get3A_305] {strides = array<i32>} : memref<64x128xf32, #tpu.memory_space<vmem>>, vector<1x16xf32>,
        %get3A_307 = vector.shape_cast %get3A_306 : vector<1x16xf32> to vector<16xf32>
        %mul3A_308 = vector.broadcast %squeeze3A_281 : f32 to vector<16xf32>
        %mul3A_309 = arith.mulf %get3A_307, %mul3A_308 : vector<16xf32>
        %swap3A_310 = arith.index_cast %add3A_279 : i32 to index
        %swap3A_311 = arith.constant 32 : index
        %swap3A_312 = tpu.vector_load %arg12[%swap3A_310, %swap3A_311] {strides = array<i32>} : memref<64x128xf32, #tpu.memory_space<vmem>>, vector<1x16xf32>,
        %swap3A_313 = vector.shape_cast %swap3A_312 : vector<1x16xf32> to vector<16xf32>
        %swap3A_314 = vector.shape_cast %mul3A_309 : vector<16xf32> to vector<1x16xf32>
        tpu.vector_store %arg12[%swap3A_310, %swap3A_311], %swap3A_314 {strides = array<i32>} : memref<64x128xf32, #tpu.memory_space<vmem>>, vector<1x16xf32>,
        %get3A_315 = arith.index_cast %add3A_279 : i32 to index
        %get3A_316 = arith.constant 48 : index
        %get3A_317 = tpu.vector_load %arg12[%get3A_315, %get3A_316] {strides = array<i32>} : memref<64x128xf32, #tpu.memory_space<vmem>>, vector<1x16xf32>,
        %get3A_318 = vector.shape_cast %get3A_317 : vector<1x16xf32> to vector<16xf32>
        %mul3A_319 = vector.broadcast %squeeze3A_281 : f32 to vector<16xf32>
        %mul3A_320 = arith.mulf %get3A_318, %mul3A_319 : vector<16xf32>
        %swap3A_321 = arith.index_cast %add3A_279 : i32 to index
        %swap3A_322 = arith.constant 48 : index
        %swap3A_323 = tpu.vector_load %arg12[%swap3A_321, %swap3A_322] {strides = array<i32>} : memref<64x128xf32, #tpu.memory_space<vmem>>, vector<1x16xf32>,
        %swap3A_324 = vector.shape_cast %swap3A_323 : vector<1x16xf32> to vector<16xf32>
        %swap3A_325 = vector.shape_cast %mul3A_320 : vector<16xf32> to vector<1x16xf32>
        tpu.vector_store %arg12[%swap3A_321, %swap3A_322], %swap3A_325 {strides = array<i32>} : memref<64x128xf32, #tpu.memory_space<vmem>>, vector<1x16xf32>,
        %mul3A_326 = arith.constant 16 : i32
        %mul3A_327 = arith.muli %scan3A_121, %mul3A_326 : i32
        %add3A_328 = arith.constant 4 : i32
        %add3A_329 = arith.addi %mul3A_327, %add3A_328 : i32
        %slice3A_330 = vector.extract_strided_slice %get3A_128 {offsets = [4], sizes = [1], strides = [1]} : vector<16xf32> to vector<1xf32>
        %squeeze3A_331 = vector.extract %slice3A_330[0] : f32 from vector<1xf32>
        %get3A_332 = arith.index_cast %add3A_329 : i32 to index
        %get3A_333 = arith.constant 0 : index
        %get3A_334 = tpu.vector_load %arg12[%get3A_332, %get3A_333] {strides = array<i32>} : memref<64x128xf32, #tpu.memory_space<vmem>>, vector<1x16xf32>,
        %get3A_335 = vector.shape_cast %get3A_334 : vector<1x16xf32> to vector<16xf32>
        %mul3A_336 = vector.broadcast %squeeze3A_331 : f32 to vector<16xf32>
        %mul3A_337 = arith.mulf %get3A_335, %mul3A_336 : vector<16xf32>
        %swap3A_338 = arith.index_cast %add3A_329 : i32 to index
        %swap3A_339 = arith.constant 0 : index
        %swap3A_340 = tpu.vector_load %arg12[%swap3A_338, %swap3A_339] {strides = array<i32>} : memref<64x128xf32, #tpu.memory_space<vmem>>, vector<1x16xf32>,
        %swap3A_341 = vector.shape_cast %swap3A_340 : vector<1x16xf32> to vector<16xf32>
        %swap3A_342 = vector.shape_cast %mul3A_337 : vector<16xf32> to vector<1x16xf32>
        tpu.vector_store %arg12[%swap3A_338, %swap3A_339], %swap3A_342 {strides = array<i32>} : memref<64x128xf32, #tpu.memory_space<vmem>>, vector<1x16xf32>,
        %get3A_343 = arith.index_cast %add3A_329 : i32 to index
        %get3A_344 = arith.constant 16 : index
        %get3A_345 = tpu.vector_load %arg12[%get3A_343, %get3A_344] {strides = array<i32>} : memref<64x128xf32, #tpu.memory_space<vmem>>, vector<1x16xf32>,
        %get3A_346 = vector.shape_cast %get3A_345 : vector<1x16xf32> to vector<16xf32>
        %mul3A_347 = vector.broadcast %squeeze3A_331 : f32 to vector<16xf32>
        %mul3A_348 = arith.mulf %get3A_346, %mul3A_347 : vector<16xf32>
        %swap3A_349 = arith.index_cast %add3A_329 : i32 to index
        %swap3A_350 = arith.constant 16 : index
        %swap3A_351 = tpu.vector_load %arg12[%swap3A_349, %swap3A_350] {strides = array<i32>} : memref<64x128xf32, #tpu.memory_space<vmem>>, vector<1x16xf32>,
        %swap3A_352 = vector.shape_cast %swap3A_351 : vector<1x16xf32> to vector<16xf32>
        %swap3A_353 = vector.shape_cast %mul3A_348 : vector<16xf32> to vector<1x16xf32>
        tpu.vector_store %arg12[%swap3A_349, %swap3A_350], %swap3A_353 {strides = array<i32>} : memref<64x128xf32, #tpu.memory_space<vmem>>, vector<1x16xf32>,
        %get3A_354 = arith.index_cast %add3A_329 : i32 to index
        %get3A_355 = arith.constant 32 : index
        %get3A_356 = tpu.vector_load %arg12[%get3A_354, %get3A_355] {strides = array<i32>} : memref<64x128xf32, #tpu.memory_space<vmem>>, vector<1x16xf32>,
        %get3A_357 = vector.shape_cast %get3A_356 : vector<1x16xf32> to vector<16xf32>
        %mul3A_358 = vector.broadcast %squeeze3A_331 : f32 to vector<16xf32>
        %mul3A_359 = arith.mulf %get3A_357, %mul3A_358 : vector<16xf32>
        %swap3A_360 = arith.index_cast %add3A_329 : i32 to index
        %swap3A_361 = arith.constant 32 : index
        %swap3A_362 = tpu.vector_load %arg12[%swap3A_360, %swap3A_361] {strides = array<i32>} : memref<64x128xf32, #tpu.memory_space<vmem>>, vector<1x16xf32>,
        %swap3A_363 = vector.shape_cast %swap3A_362 : vector<1x16xf32> to vector<16xf32>
        %swap3A_364 = vector.shape_cast %mul3A_359 : vector<16xf32> to vector<1x16xf32>
        tpu.vector_store %arg12[%swap3A_360, %swap3A_361], %swap3A_364 {strides = array<i32>} : memref<64x128xf32, #tpu.memory_space<vmem>>, vector<1x16xf32>,
        %get3A_365 = arith.index_cast %add3A_329 : i32 to index
        %get3A_366 = arith.constant 48 : index
        %get3A_367 = tpu.vector_load %arg12[%get3A_365, %get3A_366] {strides = array<i32>} : memref<64x128xf32, #tpu.memory_space<vmem>>, vector<1x16xf32>,
        %get3A_368 = vector.shape_cast %get3A_367 : vector<1x16xf32> to vector<16xf32>
        %mul3A_369 = vector.broadcast %squeeze3A_331 : f32 to vector<16xf32>
        %mul3A_370 = arith.mulf %get3A_368, %mul3A_369 : vector<16xf32>
        %swap3A_371 = arith.index_cast %add3A_329 : i32 to index
        %swap3A_372 = arith.constant 48 : index
        %swap3A_373 = tpu.vector_load %arg12[%swap3A_371, %swap3A_372] {strides = array<i32>} : memref<64x128xf32, #tpu.memory_space<vmem>>, vector<1x16xf32>,
        %swap3A_374 = vector.shape_cast %swap3A_373 : vector<1x16xf32> to vector<16xf32>
        %swap3A_375 = vector.shape_cast %mul3A_370 : vector<16xf32> to vector<1x16xf32>
        tpu.vector_store %arg12[%swap3A_371, %swap3A_372], %swap3A_375 {strides = array<i32>} : memref<64x128xf32, #tpu.memory_space<vmem>>, vector<1x16xf32>,
        %mul3A_376 = arith.constant 16 : i32
        %mul3A_377 = arith.muli %scan3A_121, %mul3A_376 : i32
        %add3A_378 = arith.constant 5 : i32
        %add3A_379 = arith.addi %mul3A_377, %add3A_378 : i32
        %slice3A_380 = vector.extract_strided_slice %get3A_128 {offsets = [5], sizes = [1], strides = [1]} : vector<16xf32> to vector<1xf32>
        %squeeze3A_381 = vector.extract %slice3A_380[0] : f32 from vector<1xf32>
        %get3A_382 = arith.index_cast %add3A_379 : i32 to index
        %get3A_383 = arith.constant 0 : index
        %get3A_384 = tpu.vector_load %arg12[%get3A_382, %get3A_383] {strides = array<i32>} : memref<64x128xf32, #tpu.memory_space<vmem>>, vector<1x16xf32>,
        %get3A_385 = vector.shape_cast %get3A_384 : vector<1x16xf32> to vector<16xf32>
        %mul3A_386 = vector.broadcast %squeeze3A_381 : f32 to vector<16xf32>
        %mul3A_387 = arith.mulf %get3A_385, %mul3A_386 : vector<16xf32>
        %swap3A_388 = arith.index_cast %add3A_379 : i32 to index
        %swap3A_389 = arith.constant 0 : index
        %swap3A_390 = tpu.vector_load %arg12[%swap3A_388, %swap3A_389] {strides = array<i32>} : memref<64x128xf32, #tpu.memory_space<vmem>>, vector<1x16xf32>,
        %swap3A_391 = vector.shape_cast %swap3A_390 : vector<1x16xf32> to vector<16xf32>
        %swap3A_392 = vector.shape_cast %mul3A_387 : vector<16xf32> to vector<1x16xf32>
        tpu.vector_store %arg12[%swap3A_388, %swap3A_389], %swap3A_392 {strides = array<i32>} : memref<64x128xf32, #tpu.memory_space<vmem>>, vector<1x16xf32>,
        %get3A_393 = arith.index_cast %add3A_379 : i32 to index
        %get3A_394 = arith.constant 16 : index
        %get3A_395 = tpu.vector_load %arg12[%get3A_393, %get3A_394] {strides = array<i32>} : memref<64x128xf32, #tpu.memory_space<vmem>>, vector<1x16xf32>,
        %get3A_396 = vector.shape_cast %get3A_395 : vector<1x16xf32> to vector<16xf32>
        %mul3A_397 = vector.broadcast %squeeze3A_381 : f32 to vector<16xf32>
        %mul3A_398 = arith.mulf %get3A_396, %mul3A_397 : vector<16xf32>
        %swap3A_399 = arith.index_cast %add3A_379 : i32 to index
        %swap3A_400 = arith.constant 16 : index
        %swap3A_401 = tpu.vector_load %arg12[%swap3A_399, %swap3A_400] {strides = array<i32>} : memref<64x128xf32, #tpu.memory_space<vmem>>, vector<1x16xf32>,
        %swap3A_402 = vector.shape_cast %swap3A_401 : vector<1x16xf32> to vector<16xf32>
        %swap3A_403 = vector.shape_cast %mul3A_398 : vector<16xf32> to vector<1x16xf32>
        tpu.vector_store %arg12[%swap3A_399, %swap3A_400], %swap3A_403 {strides = array<i32>} : memref<64x128xf32, #tpu.memory_space<vmem>>, vector<1x16xf32>,
        %get3A_404 = arith.index_cast %add3A_379 : i32 to index
        %get3A_405 = arith.constant 32 : index
        %get3A_406 = tpu.vector_load %arg12[%get3A_404, %get3A_405] {strides = array<i32>} : memref<64x128xf32, #tpu.memory_space<vmem>>, vector<1x16xf32>,
        %get3A_407 = vector.shape_cast %get3A_406 : vector<1x16xf32> to vector<16xf32>
        %mul3A_408 = vector.broadcast %squeeze3A_381 : f32 to vector<16xf32>
        %mul3A_409 = arith.mulf %get3A_407, %mul3A_408 : vector<16xf32>
        %swap3A_410 = arith.index_cast %add3A_379 : i32 to index
        %swap3A_411 = arith.constant 32 : index
        %swap3A_412 = tpu.vector_load %arg12[%swap3A_410, %swap3A_411] {strides = array<i32>} : memref<64x128xf32, #tpu.memory_space<vmem>>, vector<1x16xf32>,
        %swap3A_413 = vector.shape_cast %swap3A_412 : vector<1x16xf32> to vector<16xf32>
        %swap3A_414 = vector.shape_cast %mul3A_409 : vector<16xf32> to vector<1x16xf32>
        tpu.vector_store %arg12[%swap3A_410, %swap3A_411], %swap3A_414 {strides = array<i32>} : memref<64x128xf32, #tpu.memory_space<vmem>>, vector<1x16xf32>,
        %get3A_415 = arith.index_cast %add3A_379 : i32 to index
        %get3A_416 = arith.constant 48 : index
        %get3A_417 = tpu.vector_load %arg12[%get3A_415, %get3A_416] {strides = array<i32>} : memref<64x128xf32, #tpu.memory_space<vmem>>, vector<1x16xf32>,
        %get3A_418 = vector.shape_cast %get3A_417 : vector<1x16xf32> to vector<16xf32>
        %mul3A_419 = vector.broadcast %squeeze3A_381 : f32 to vector<16xf32>
        %mul3A_420 = arith.mulf %get3A_418, %mul3A_419 : vector<16xf32>
        %swap3A_421 = arith.index_cast %add3A_379 : i32 to index
        %swap3A_422 = arith.constant 48 : index
        %swap3A_423 = tpu.vector_load %arg12[%swap3A_421, %swap3A_422] {strides = array<i32>} : memref<64x128xf32, #tpu.memory_space<vmem>>, vector<1x16xf32>,
        %swap3A_424 = vector.shape_cast %swap3A_423 : vector<1x16xf32> to vector<16xf32>
        %swap3A_425 = vector.shape_cast %mul3A_420 : vector<16xf32> to vector<1x16xf32>
        tpu.vector_store %arg12[%swap3A_421, %swap3A_422], %swap3A_425 {strides = array<i32>} : memref<64x128xf32, #tpu.memory_space<vmem>>, vector<1x16xf32>,
        %mul3A_426 = arith.constant 16 : i32
        %mul3A_427 = arith.muli %scan3A_121, %mul3A_426 : i32
        %add3A_428 = arith.constant 6 : i32
        %add3A_429 = arith.addi %mul3A_427, %add3A_428 : i32
        %slice3A_430 = vector.extract_strided_slice %get3A_128 {offsets = [6], sizes = [1], strides = [1]} : vector<16xf32> to vector<1xf32>
        %squeeze3A_431 = vector.extract %slice3A_430[0] : f32 from vector<1xf32>
        %get3A_432 = arith.index_cast %add3A_429 : i32 to index
        %get3A_433 = arith.constant 0 : index
        %get3A_434 = tpu.vector_load %arg12[%get3A_432, %get3A_433] {strides = array<i32>} : memref<64x128xf32, #tpu.memory_space<vmem>>, vector<1x16xf32>,
        %get3A_435 = vector.shape_cast %get3A_434 : vector<1x16xf32> to vector<16xf32>
        %mul3A_436 = vector.broadcast %squeeze3A_431 : f32 to vector<16xf32>
        %mul3A_437 = arith.mulf %get3A_435, %mul3A_436 : vector<16xf32>
        %swap3A_438 = arith.index_cast %add3A_429 : i32 to index
        %swap3A_439 = arith.constant 0 : index
        %swap3A_440 = tpu.vector_load %arg12[%swap3A_438, %swap3A_439] {strides = array<i32>} : memref<64x128xf32, #tpu.memory_space<vmem>>, vector<1x16xf32>,
        %swap3A_441 = vector.shape_cast %swap3A_440 : vector<1x16xf32> to vector<16xf32>
        %swap3A_442 = vector.shape_cast %mul3A_437 : vector<16xf32> to vector<1x16xf32>
        tpu.vector_store %arg12[%swap3A_438, %swap3A_439], %swap3A_442 {strides = array<i32>} : memref<64x128xf32, #tpu.memory_space<vmem>>, vector<1x16xf32>,
        %get3A_443 = arith.index_cast %add3A_429 : i32 to index
        %get3A_444 = arith.constant 16 : index
        %get3A_445 = tpu.vector_load %arg12[%get3A_443, %get3A_444] {strides = array<i32>} : memref<64x128xf32, #tpu.memory_space<vmem>>, vector<1x16xf32>,
        %get3A_446 = vector.shape_cast %get3A_445 : vector<1x16xf32> to vector<16xf32>
        %mul3A_447 = vector.broadcast %squeeze3A_431 : f32 to vector<16xf32>
        %mul3A_448 = arith.mulf %get3A_446, %mul3A_447 : vector<16xf32>
        %swap3A_449 = arith.index_cast %add3A_429 : i32 to index
        %swap3A_450 = arith.constant 16 : index
        %swap3A_451 = tpu.vector_load %arg12[%swap3A_449, %swap3A_450] {strides = array<i32>} : memref<64x128xf32, #tpu.memory_space<vmem>>, vector<1x16xf32>,
        %swap3A_452 = vector.shape_cast %swap3A_451 : vector<1x16xf32> to vector<16xf32>
        %swap3A_453 = vector.shape_cast %mul3A_448 : vector<16xf32> to vector<1x16xf32>
        tpu.vector_store %arg12[%swap3A_449, %swap3A_450], %swap3A_453 {strides = array<i32>} : memref<64x128xf32, #tpu.memory_space<vmem>>, vector<1x16xf32>,
        %get3A_454 = arith.index_cast %add3A_429 : i32 to index
        %get3A_455 = arith.constant 32 : index
        %get3A_456 = tpu.vector_load %arg12[%get3A_454, %get3A_455] {strides = array<i32>} : memref<64x128xf32, #tpu.memory_space<vmem>>, vector<1x16xf32>,
        %get3A_457 = vector.shape_cast %get3A_456 : vector<1x16xf32> to vector<16xf32>
        %mul3A_458 = vector.broadcast %squeeze3A_431 : f32 to vector<16xf32>
        %mul3A_459 = arith.mulf %get3A_457, %mul3A_458 : vector<16xf32>
        %swap3A_460 = arith.index_cast %add3A_429 : i32 to index
        %swap3A_461 = arith.constant 32 : index
        %swap3A_462 = tpu.vector_load %arg12[%swap3A_460, %swap3A_461] {strides = array<i32>} : memref<64x128xf32, #tpu.memory_space<vmem>>, vector<1x16xf32>,
        %swap3A_463 = vector.shape_cast %swap3A_462 : vector<1x16xf32> to vector<16xf32>
        %swap3A_464 = vector.shape_cast %mul3A_459 : vector<16xf32> to vector<1x16xf32>
        tpu.vector_store %arg12[%swap3A_460, %swap3A_461], %swap3A_464 {strides = array<i32>} : memref<64x128xf32, #tpu.memory_space<vmem>>, vector<1x16xf32>,
        %get3A_465 = arith.index_cast %add3A_429 : i32 to index
        %get3A_466 = arith.constant 48 : index
        %get3A_467 = tpu.vector_load %arg12[%get3A_465, %get3A_466] {strides = array<i32>} : memref<64x128xf32, #tpu.memory_space<vmem>>, vector<1x16xf32>,
        %get3A_468 = vector.shape_cast %get3A_467 : vector<1x16xf32> to vector<16xf32>
        %mul3A_469 = vector.broadcast %squeeze3A_431 : f32 to vector<16xf32>
        %mul3A_470 = arith.mulf %get3A_468, %mul3A_469 : vector<16xf32>
        %swap3A_471 = arith.index_cast %add3A_429 : i32 to index
        %swap3A_472 = arith.constant 48 : index
        %swap3A_473 = tpu.vector_load %arg12[%swap3A_471, %swap3A_472] {strides = array<i32>} : memref<64x128xf32, #tpu.memory_space<vmem>>, vector<1x16xf32>,
        %swap3A_474 = vector.shape_cast %swap3A_473 : vector<1x16xf32> to vector<16xf32>
        %swap3A_475 = vector.shape_cast %mul3A_470 : vector<16xf32> to vector<1x16xf32>
        tpu.vector_store %arg12[%swap3A_471, %swap3A_472], %swap3A_475 {strides = array<i32>} : memref<64x128xf32, #tpu.memory_space<vmem>>, vector<1x16xf32>,
        %mul3A_476 = arith.constant 16 : i32
        %mul3A_477 = arith.muli %scan3A_121, %mul3A_476 : i32
        %add3A_478 = arith.constant 7 : i32
        %add3A_479 = arith.addi %mul3A_477, %add3A_478 : i32
        %slice3A_480 = vector.extract_strided_slice %get3A_128 {offsets = [7], sizes = [1], strides = [1]} : vector<16xf32> to vector<1xf32>
        %squeeze3A_481 = vector.extract %slice3A_480[0] : f32 from vector<1xf32>
        %get3A_482 = arith.index_cast %add3A_479 : i32 to index
        %get3A_483 = arith.constant 0 : index
        %get3A_484 = tpu.vector_load %arg12[%get3A_482, %get3A_483] {strides = array<i32>} : memref<64x128xf32, #tpu.memory_space<vmem>>, vector<1x16xf32>,
        %get3A_485 = vector.shape_cast %get3A_484 : vector<1x16xf32> to vector<16xf32>
        %mul3A_486 = vector.broadcast %squeeze3A_481 : f32 to vector<16xf32>
        %mul3A_487 = arith.mulf %get3A_485, %mul3A_486 : vector<16xf32>
        %swap3A_488 = arith.index_cast %add3A_479 : i32 to index
        %swap3A_489 = arith.constant 0 : index
        %swap3A_490 = tpu.vector_load %arg12[%swap3A_488, %swap3A_489] {strides = array<i32>} : memref<64x128xf32, #tpu.memory_space<vmem>>, vector<1x16xf32>,
        %swap3A_491 = vector.shape_cast %swap3A_490 : vector<1x16xf32> to vector<16xf32>
        %swap3A_492 = vector.shape_cast %mul3A_487 : vector<16xf32> to vector<1x16xf32>
        tpu.vector_store %arg12[%swap3A_488, %swap3A_489], %swap3A_492 {strides = array<i32>} : memref<64x128xf32, #tpu.memory_space<vmem>>, vector<1x16xf32>,
        %get3A_493 = arith.index_cast %add3A_479 : i32 to index
        %get3A_494 = arith.constant 16 : index
        %get3A_495 = tpu.vector_load %arg12[%get3A_493, %get3A_494] {strides = array<i32>} : memref<64x128xf32, #tpu.memory_space<vmem>>, vector<1x16xf32>,
        %get3A_496 = vector.shape_cast %get3A_495 : vector<1x16xf32> to vector<16xf32>
        %mul3A_497 = vector.broadcast %squeeze3A_481 : f32 to vector<16xf32>
        %mul3A_498 = arith.mulf %get3A_496, %mul3A_497 : vector<16xf32>
        %swap3A_499 = arith.index_cast %add3A_479 : i32 to index
        %swap3A_500 = arith.constant 16 : index
        %swap3A_501 = tpu.vector_load %arg12[%swap3A_499, %swap3A_500] {strides = array<i32>} : memref<64x128xf32, #tpu.memory_space<vmem>>, vector<1x16xf32>,
        %swap3A_502 = vector.shape_cast %swap3A_501 : vector<1x16xf32> to vector<16xf32>
        %swap3A_503 = vector.shape_cast %mul3A_498 : vector<16xf32> to vector<1x16xf32>
        tpu.vector_store %arg12[%swap3A_499, %swap3A_500], %swap3A_503 {strides = array<i32>} : memref<64x128xf32, #tpu.memory_space<vmem>>, vector<1x16xf32>,
        %get3A_504 = arith.index_cast %add3A_479 : i32 to index
        %get3A_505 = arith.constant 32 : index
        %get3A_506 = tpu.vector_load %arg12[%get3A_504, %get3A_505] {strides = array<i32>} : memref<64x128xf32, #tpu.memory_space<vmem>>, vector<1x16xf32>,
        %get3A_507 = vector.shape_cast %get3A_506 : vector<1x16xf32> to vector<16xf32>
        %mul3A_508 = vector.broadcast %squeeze3A_481 : f32 to vector<16xf32>
        %mul3A_509 = arith.mulf %get3A_507, %mul3A_508 : vector<16xf32>
        %swap3A_510 = arith.index_cast %add3A_479 : i32 to index
        %swap3A_511 = arith.constant 32 : index
        %swap3A_512 = tpu.vector_load %arg12[%swap3A_510, %swap3A_511] {strides = array<i32>} : memref<64x128xf32, #tpu.memory_space<vmem>>, vector<1x16xf32>,
        %swap3A_513 = vector.shape_cast %swap3A_512 : vector<1x16xf32> to vector<16xf32>
        %swap3A_514 = vector.shape_cast %mul3A_509 : vector<16xf32> to vector<1x16xf32>
        tpu.vector_store %arg12[%swap3A_510, %swap3A_511], %swap3A_514 {strides = array<i32>} : memref<64x128xf32, #tpu.memory_space<vmem>>, vector<1x16xf32>,
        %get3A_515 = arith.index_cast %add3A_479 : i32 to index
        %get3A_516 = arith.constant 48 : index
        %get3A_517 = tpu.vector_load %arg12[%get3A_515, %get3A_516] {strides = array<i32>} : memref<64x128xf32, #tpu.memory_space<vmem>>, vector<1x16xf32>,
        %get3A_518 = vector.shape_cast %get3A_517 : vector<1x16xf32> to vector<16xf32>
        %mul3A_519 = vector.broadcast %squeeze3A_481 : f32 to vector<16xf32>
        %mul3A_520 = arith.mulf %get3A_518, %mul3A_519 : vector<16xf32>
        %swap3A_521 = arith.index_cast %add3A_479 : i32 to index
        %swap3A_522 = arith.constant 48 : index
        %swap3A_523 = tpu.vector_load %arg12[%swap3A_521, %swap3A_522] {strides = array<i32>} : memref<64x128xf32, #tpu.memory_space<vmem>>, vector<1x16xf32>,
        %swap3A_524 = vector.shape_cast %swap3A_523 : vector<1x16xf32> to vector<16xf32>
        %swap3A_525 = vector.shape_cast %mul3A_520 : vector<16xf32> to vector<1x16xf32>
        tpu.vector_store %arg12[%swap3A_521, %swap3A_522], %swap3A_525 {strides = array<i32>} : memref<64x128xf32, #tpu.memory_space<vmem>>, vector<1x16xf32>,
        %mul3A_526 = arith.constant 16 : i32
        %mul3A_527 = arith.muli %scan3A_121, %mul3A_526 : i32
        %add3A_528 = arith.constant 8 : i32
        %add3A_529 = arith.addi %mul3A_527, %add3A_528 : i32
        %slice3A_530 = vector.extract_strided_slice %get3A_128 {offsets = [8], sizes = [1], strides = [1]} : vector<16xf32> to vector<1xf32>
        %squeeze3A_531 = vector.extract %slice3A_530[0] : f32 from vector<1xf32>
        %get3A_532 = arith.index_cast %add3A_529 : i32 to index
        %get3A_533 = arith.constant 0 : index
        %get3A_534 = tpu.vector_load %arg12[%get3A_532, %get3A_533] {strides = array<i32>} : memref<64x128xf32, #tpu.memory_space<vmem>>, vector<1x16xf32>,
        %get3A_535 = vector.shape_cast %get3A_534 : vector<1x16xf32> to vector<16xf32>
        %mul3A_536 = vector.broadcast %squeeze3A_531 : f32 to vector<16xf32>
        %mul3A_537 = arith.mulf %get3A_535, %mul3A_536 : vector<16xf32>
        %swap3A_538 = arith.index_cast %add3A_529 : i32 to index
        %swap3A_539 = arith.constant 0 : index
        %swap3A_540 = tpu.vector_load %arg12[%swap3A_538, %swap3A_539] {strides = array<i32>} : memref<64x128xf32, #tpu.memory_space<vmem>>, vector<1x16xf32>,
        %swap3A_541 = vector.shape_cast %swap3A_540 : vector<1x16xf32> to vector<16xf32>
        %swap3A_542 = vector.shape_cast %mul3A_537 : vector<16xf32> to vector<1x16xf32>
        tpu.vector_store %arg12[%swap3A_538, %swap3A_539], %swap3A_542 {strides = array<i32>} : memref<64x128xf32, #tpu.memory_space<vmem>>, vector<1x16xf32>,
        %get3A_543 = arith.index_cast %add3A_529 : i32 to index
        %get3A_544 = arith.constant 16 : index
        %get3A_545 = tpu.vector_load %arg12[%get3A_543, %get3A_544] {strides = array<i32>} : memref<64x128xf32, #tpu.memory_space<vmem>>, vector<1x16xf32>,
        %get3A_546 = vector.shape_cast %get3A_545 : vector<1x16xf32> to vector<16xf32>
        %mul3A_547 = vector.broadcast %squeeze3A_531 : f32 to vector<16xf32>
        %mul3A_548 = arith.mulf %get3A_546, %mul3A_547 : vector<16xf32>
        %swap3A_549 = arith.index_cast %add3A_529 : i32 to index
        %swap3A_550 = arith.constant 16 : index
        %swap3A_551 = tpu.vector_load %arg12[%swap3A_549, %swap3A_550] {strides = array<i32>} : memref<64x128xf32, #tpu.memory_space<vmem>>, vector<1x16xf32>,
        %swap3A_552 = vector.shape_cast %swap3A_551 : vector<1x16xf32> to vector<16xf32>
        %swap3A_553 = vector.shape_cast %mul3A_548 : vector<16xf32> to vector<1x16xf32>
        tpu.vector_store %arg12[%swap3A_549, %swap3A_550], %swap3A_553 {strides = array<i32>} : memref<64x128xf32, #tpu.memory_space<vmem>>, vector<1x16xf32>,
        %get3A_554 = arith.index_cast %add3A_529 : i32 to index
        %get3A_555 = arith.constant 32 : index
        %get3A_556 = tpu.vector_load %arg12[%get3A_554, %get3A_555] {strides = array<i32>} : memref<64x128xf32, #tpu.memory_space<vmem>>, vector<1x16xf32>,
        %get3A_557 = vector.shape_cast %get3A_556 : vector<1x16xf32> to vector<16xf32>
        %mul3A_558 = vector.broadcast %squeeze3A_531 : f32 to vector<16xf32>
        %mul3A_559 = arith.mulf %get3A_557, %mul3A_558 : vector<16xf32>
        %swap3A_560 = arith.index_cast %add3A_529 : i32 to index
        %swap3A_561 = arith.constant 32 : index
        %swap3A_562 = tpu.vector_load %arg12[%swap3A_560, %swap3A_561] {strides = array<i32>} : memref<64x128xf32, #tpu.memory_space<vmem>>, vector<1x16xf32>,
        %swap3A_563 = vector.shape_cast %swap3A_562 : vector<1x16xf32> to vector<16xf32>
        %swap3A_564 = vector.shape_cast %mul3A_559 : vector<16xf32> to vector<1x16xf32>
        tpu.vector_store %arg12[%swap3A_560, %swap3A_561], %swap3A_564 {strides = array<i32>} : memref<64x128xf32, #tpu.memory_space<vmem>>, vector<1x16xf32>,
        %get3A_565 = arith.index_cast %add3A_529 : i32 to index
        %get3A_566 = arith.constant 48 : index
        %get3A_567 = tpu.vector_load %arg12[%get3A_565, %get3A_566] {strides = array<i32>} : memref<64x128xf32, #tpu.memory_space<vmem>>, vector<1x16xf32>,
        %get3A_568 = vector.shape_cast %get3A_567 : vector<1x16xf32> to vector<16xf32>
        %mul3A_569 = vector.broadcast %squeeze3A_531 : f32 to vector<16xf32>
        %mul3A_570 = arith.mulf %get3A_568, %mul3A_569 : vector<16xf32>
        %swap3A_571 = arith.index_cast %add3A_529 : i32 to index
        %swap3A_572 = arith.constant 48 : index
        %swap3A_573 = tpu.vector_load %arg12[%swap3A_571, %swap3A_572] {strides = array<i32>} : memref<64x128xf32, #tpu.memory_space<vmem>>, vector<1x16xf32>,
        %swap3A_574 = vector.shape_cast %swap3A_573 : vector<1x16xf32> to vector<16xf32>
        %swap3A_575 = vector.shape_cast %mul3A_570 : vector<16xf32> to vector<1x16xf32>
        tpu.vector_store %arg12[%swap3A_571, %swap3A_572], %swap3A_575 {strides = array<i32>} : memref<64x128xf32, #tpu.memory_space<vmem>>, vector<1x16xf32>,
        %mul3A_576 = arith.constant 16 : i32
        %mul3A_577 = arith.muli %scan3A_121, %mul3A_576 : i32
        %add3A_578 = arith.constant 9 : i32
        %add3A_579 = arith.addi %mul3A_577, %add3A_578 : i32
        %slice3A_580 = vector.extract_strided_slice %get3A_128 {offsets = [9], sizes = [1], strides = [1]} : vector<16xf32> to vector<1xf32>
        %squeeze3A_581 = vector.extract %slice3A_580[0] : f32 from vector<1xf32>
        %get3A_582 = arith.index_cast %add3A_579 : i32 to index
        %get3A_583 = arith.constant 0 : index
        %get3A_584 = tpu.vector_load %arg12[%get3A_582, %get3A_583] {strides = array<i32>} : memref<64x128xf32, #tpu.memory_space<vmem>>, vector<1x16xf32>,
        %get3A_585 = vector.shape_cast %get3A_584 : vector<1x16xf32> to vector<16xf32>
        %mul3A_586 = vector.broadcast %squeeze3A_581 : f32 to vector<16xf32>
        %mul3A_587 = arith.mulf %get3A_585, %mul3A_586 : vector<16xf32>
        %swap3A_588 = arith.index_cast %add3A_579 : i32 to index
        %swap3A_589 = arith.constant 0 : index
        %swap3A_590 = tpu.vector_load %arg12[%swap3A_588, %swap3A_589] {strides = array<i32>} : memref<64x128xf32, #tpu.memory_space<vmem>>, vector<1x16xf32>,
        %swap3A_591 = vector.shape_cast %swap3A_590 : vector<1x16xf32> to vector<16xf32>
        %swap3A_592 = vector.shape_cast %mul3A_587 : vector<16xf32> to vector<1x16xf32>
        tpu.vector_store %arg12[%swap3A_588, %swap3A_589], %swap3A_592 {strides = array<i32>} : memref<64x128xf32, #tpu.memory_space<vmem>>, vector<1x16xf32>,
        %get3A_593 = arith.index_cast %add3A_579 : i32 to index
        %get3A_594 = arith.constant 16 : index
        %get3A_595 = tpu.vector_load %arg12[%get3A_593, %get3A_594] {strides = array<i32>} : memref<64x128xf32, #tpu.memory_space<vmem>>, vector<1x16xf32>,
        %get3A_596 = vector.shape_cast %get3A_595 : vector<1x16xf32> to vector<16xf32>
        %mul3A_597 = vector.broadcast %squeeze3A_581 : f32 to vector<16xf32>
        %mul3A_598 = arith.mulf %get3A_596, %mul3A_597 : vector<16xf32>
        %swap3A_599 = arith.index_cast %add3A_579 : i32 to index
        %swap3A_600 = arith.constant 16 : index
        %swap3A_601 = tpu.vector_load %arg12[%swap3A_599, %swap3A_600] {strides = array<i32>} : memref<64x128xf32, #tpu.memory_space<vmem>>, vector<1x16xf32>,
        %swap3A_602 = vector.shape_cast %swap3A_601 : vector<1x16xf32> to vector<16xf32>
        %swap3A_603 = vector.shape_cast %mul3A_598 : vector<16xf32> to vector<1x16xf32>
        tpu.vector_store %arg12[%swap3A_599, %swap3A_600], %swap3A_603 {strides = array<i32>} : memref<64x128xf32, #tpu.memory_space<vmem>>, vector<1x16xf32>,
        %get3A_604 = arith.index_cast %add3A_579 : i32 to index
        %get3A_605 = arith.constant 32 : index
        %get3A_606 = tpu.vector_load %arg12[%get3A_604, %get3A_605] {strides = array<i32>} : memref<64x128xf32, #tpu.memory_space<vmem>>, vector<1x16xf32>,
        %get3A_607 = vector.shape_cast %get3A_606 : vector<1x16xf32> to vector<16xf32>
        %mul3A_608 = vector.broadcast %squeeze3A_581 : f32 to vector<16xf32>
        %mul3A_609 = arith.mulf %get3A_607, %mul3A_608 : vector<16xf32>
        %swap3A_610 = arith.index_cast %add3A_579 : i32 to index
        %swap3A_611 = arith.constant 32 : index
        %swap3A_612 = tpu.vector_load %arg12[%swap3A_610, %swap3A_611] {strides = array<i32>} : memref<64x128xf32, #tpu.memory_space<vmem>>, vector<1x16xf32>,
        %swap3A_613 = vector.shape_cast %swap3A_612 : vector<1x16xf32> to vector<16xf32>
        %swap3A_614 = vector.shape_cast %mul3A_609 : vector<16xf32> to vector<1x16xf32>
        tpu.vector_store %arg12[%swap3A_610, %swap3A_611], %swap3A_614 {strides = array<i32>} : memref<64x128xf32, #tpu.memory_space<vmem>>, vector<1x16xf32>,
        %get3A_615 = arith.index_cast %add3A_579 : i32 to index
        %get3A_616 = arith.constant 48 : index
        %get3A_617 = tpu.vector_load %arg12[%get3A_615, %get3A_616] {strides = array<i32>} : memref<64x128xf32, #tpu.memory_space<vmem>>, vector<1x16xf32>,
        %get3A_618 = vector.shape_cast %get3A_617 : vector<1x16xf32> to vector<16xf32>
        %mul3A_619 = vector.broadcast %squeeze3A_581 : f32 to vector<16xf32>
        %mul3A_620 = arith.mulf %get3A_618, %mul3A_619 : vector<16xf32>
        %swap3A_621 = arith.index_cast %add3A_579 : i32 to index
        %swap3A_622 = arith.constant 48 : index
        %swap3A_623 = tpu.vector_load %arg12[%swap3A_621, %swap3A_622] {strides = array<i32>} : memref<64x128xf32, #tpu.memory_space<vmem>>, vector<1x16xf32>,
        %swap3A_624 = vector.shape_cast %swap3A_623 : vector<1x16xf32> to vector<16xf32>
        %swap3A_625 = vector.shape_cast %mul3A_620 : vector<16xf32> to vector<1x16xf32>
        tpu.vector_store %arg12[%swap3A_621, %swap3A_622], %swap3A_625 {strides = array<i32>} : memref<64x128xf32, #tpu.memory_space<vmem>>, vector<1x16xf32>,
        %mul3A_626 = arith.constant 16 : i32
        %mul3A_627 = arith.muli %scan3A_121, %mul3A_626 : i32
        %add3A_628 = arith.constant 10 : i32
        %add3A_629 = arith.addi %mul3A_627, %add3A_628 : i32
        %slice3A_630 = vector.extract_strided_slice %get3A_128 {offsets = [10], sizes = [1], strides = [1]} : vector<16xf32> to vector<1xf32>
        %squeeze3A_631 = vector.extract %slice3A_630[0] : f32 from vector<1xf32>
        %get3A_632 = arith.index_cast %add3A_629 : i32 to index
        %get3A_633 = arith.constant 0 : index
        %get3A_634 = tpu.vector_load %arg12[%get3A_632, %get3A_633] {strides = array<i32>} : memref<64x128xf32, #tpu.memory_space<vmem>>, vector<1x16xf32>,
        %get3A_635 = vector.shape_cast %get3A_634 : vector<1x16xf32> to vector<16xf32>
        %mul3A_636 = vector.broadcast %squeeze3A_631 : f32 to vector<16xf32>
        %mul3A_637 = arith.mulf %get3A_635, %mul3A_636 : vector<16xf32>
        %swap3A_638 = arith.index_cast %add3A_629 : i32 to index
        %swap3A_639 = arith.constant 0 : index
        %swap3A_640 = tpu.vector_load %arg12[%swap3A_638, %swap3A_639] {strides = array<i32>} : memref<64x128xf32, #tpu.memory_space<vmem>>, vector<1x16xf32>,
        %swap3A_641 = vector.shape_cast %swap3A_640 : vector<1x16xf32> to vector<16xf32>
        %swap3A_642 = vector.shape_cast %mul3A_637 : vector<16xf32> to vector<1x16xf32>
        tpu.vector_store %arg12[%swap3A_638, %swap3A_639], %swap3A_642 {strides = array<i32>} : memref<64x128xf32, #tpu.memory_space<vmem>>, vector<1x16xf32>,
        %get3A_643 = arith.index_cast %add3A_629 : i32 to index
        %get3A_644 = arith.constant 16 : index
        %get3A_645 = tpu.vector_load %arg12[%get3A_643, %get3A_644] {strides = array<i32>} : memref<64x128xf32, #tpu.memory_space<vmem>>, vector<1x16xf32>,
        %get3A_646 = vector.shape_cast %get3A_645 : vector<1x16xf32> to vector<16xf32>
        %mul3A_647 = vector.broadcast %squeeze3A_631 : f32 to vector<16xf32>
        %mul3A_648 = arith.mulf %get3A_646, %mul3A_647 : vector<16xf32>
        %swap3A_649 = arith.index_cast %add3A_629 : i32 to index
        %swap3A_650 = arith.constant 16 : index
        %swap3A_651 = tpu.vector_load %arg12[%swap3A_649, %swap3A_650] {strides = array<i32>} : memref<64x128xf32, #tpu.memory_space<vmem>>, vector<1x16xf32>,
        %swap3A_652 = vector.shape_cast %swap3A_651 : vector<1x16xf32> to vector<16xf32>
        %swap3A_653 = vector.shape_cast %mul3A_648 : vector<16xf32> to vector<1x16xf32>
        tpu.vector_store %arg12[%swap3A_649, %swap3A_650], %swap3A_653 {strides = array<i32>} : memref<64x128xf32, #tpu.memory_space<vmem>>, vector<1x16xf32>,
        %get3A_654 = arith.index_cast %add3A_629 : i32 to index
        %get3A_655 = arith.constant 32 : index
        %get3A_656 = tpu.vector_load %arg12[%get3A_654, %get3A_655] {strides = array<i32>} : memref<64x128xf32, #tpu.memory_space<vmem>>, vector<1x16xf32>,
        %get3A_657 = vector.shape_cast %get3A_656 : vector<1x16xf32> to vector<16xf32>
        %mul3A_658 = vector.broadcast %squeeze3A_631 : f32 to vector<16xf32>
        %mul3A_659 = arith.mulf %get3A_657, %mul3A_658 : vector<16xf32>
        %swap3A_660 = arith.index_cast %add3A_629 : i32 to index
        %swap3A_661 = arith.constant 32 : index
        %swap3A_662 = tpu.vector_load %arg12[%swap3A_660, %swap3A_661] {strides = array<i32>} : memref<64x128xf32, #tpu.memory_space<vmem>>, vector<1x16xf32>,
        %swap3A_663 = vector.shape_cast %swap3A_662 : vector<1x16xf32> to vector<16xf32>
        %swap3A_664 = vector.shape_cast %mul3A_659 : vector<16xf32> to vector<1x16xf32>
        tpu.vector_store %arg12[%swap3A_660, %swap3A_661], %swap3A_664 {strides = array<i32>} : memref<64x128xf32, #tpu.memory_space<vmem>>, vector<1x16xf32>,
        %get3A_665 = arith.index_cast %add3A_629 : i32 to index
        %get3A_666 = arith.constant 48 : index
        %get3A_667 = tpu.vector_load %arg12[%get3A_665, %get3A_666] {strides = array<i32>} : memref<64x128xf32, #tpu.memory_space<vmem>>, vector<1x16xf32>,
        %get3A_668 = vector.shape_cast %get3A_667 : vector<1x16xf32> to vector<16xf32>
        %mul3A_669 = vector.broadcast %squeeze3A_631 : f32 to vector<16xf32>
        %mul3A_670 = arith.mulf %get3A_668, %mul3A_669 : vector<16xf32>
        %swap3A_671 = arith.index_cast %add3A_629 : i32 to index
        %swap3A_672 = arith.constant 48 : index
        %swap3A_673 = tpu.vector_load %arg12[%swap3A_671, %swap3A_672] {strides = array<i32>} : memref<64x128xf32, #tpu.memory_space<vmem>>, vector<1x16xf32>,
        %swap3A_674 = vector.shape_cast %swap3A_673 : vector<1x16xf32> to vector<16xf32>
        %swap3A_675 = vector.shape_cast %mul3A_670 : vector<16xf32> to vector<1x16xf32>
        tpu.vector_store %arg12[%swap3A_671, %swap3A_672], %swap3A_675 {strides = array<i32>} : memref<64x128xf32, #tpu.memory_space<vmem>>, vector<1x16xf32>,
        %mul3A_676 = arith.constant 16 : i32
        %mul3A_677 = arith.muli %scan3A_121, %mul3A_676 : i32
        %add3A_678 = arith.constant 11 : i32
        %add3A_679 = arith.addi %mul3A_677, %add3A_678 : i32
        %slice3A_680 = vector.extract_strided_slice %get3A_128 {offsets = [11], sizes = [1], strides = [1]} : vector<16xf32> to vector<1xf32>
        %squeeze3A_681 = vector.extract %slice3A_680[0] : f32 from vector<1xf32>
        %get3A_682 = arith.index_cast %add3A_679 : i32 to index
        %get3A_683 = arith.constant 0 : index
        %get3A_684 = tpu.vector_load %arg12[%get3A_682, %get3A_683] {strides = array<i32>} : memref<64x128xf32, #tpu.memory_space<vmem>>, vector<1x16xf32>,
        %get3A_685 = vector.shape_cast %get3A_684 : vector<1x16xf32> to vector<16xf32>
        %mul3A_686 = vector.broadcast %squeeze3A_681 : f32 to vector<16xf32>
        %mul3A_687 = arith.mulf %get3A_685, %mul3A_686 : vector<16xf32>
        %swap3A_688 = arith.index_cast %add3A_679 : i32 to index
        %swap3A_689 = arith.constant 0 : index
        %swap3A_690 = tpu.vector_load %arg12[%swap3A_688, %swap3A_689] {strides = array<i32>} : memref<64x128xf32, #tpu.memory_space<vmem>>, vector<1x16xf32>,
        %swap3A_691 = vector.shape_cast %swap3A_690 : vector<1x16xf32> to vector<16xf32>
        %swap3A_692 = vector.shape_cast %mul3A_687 : vector<16xf32> to vector<1x16xf32>
        tpu.vector_store %arg12[%swap3A_688, %swap3A_689], %swap3A_692 {strides = array<i32>} : memref<64x128xf32, #tpu.memory_space<vmem>>, vector<1x16xf32>,
        %get3A_693 = arith.index_cast %add3A_679 : i32 to index
        %get3A_694 = arith.constant 16 : index
        %get3A_695 = tpu.vector_load %arg12[%get3A_693, %get3A_694] {strides = array<i32>} : memref<64x128xf32, #tpu.memory_space<vmem>>, vector<1x16xf32>,
        %get3A_696 = vector.shape_cast %get3A_695 : vector<1x16xf32> to vector<16xf32>
        %mul3A_697 = vector.broadcast %squeeze3A_681 : f32 to vector<16xf32>
        %mul3A_698 = arith.mulf %get3A_696, %mul3A_697 : vector<16xf32>
        %swap3A_699 = arith.index_cast %add3A_679 : i32 to index
        %swap3A_700 = arith.constant 16 : index
        %swap3A_701 = tpu.vector_load %arg12[%swap3A_699, %swap3A_700] {strides = array<i32>} : memref<64x128xf32, #tpu.memory_space<vmem>>, vector<1x16xf32>,
        %swap3A_702 = vector.shape_cast %swap3A_701 : vector<1x16xf32> to vector<16xf32>
        %swap3A_703 = vector.shape_cast %mul3A_698 : vector<16xf32> to vector<1x16xf32>
        tpu.vector_store %arg12[%swap3A_699, %swap3A_700], %swap3A_703 {strides = array<i32>} : memref<64x128xf32, #tpu.memory_space<vmem>>, vector<1x16xf32>,
        %get3A_704 = arith.index_cast %add3A_679 : i32 to index
        %get3A_705 = arith.constant 32 : index
        %get3A_706 = tpu.vector_load %arg12[%get3A_704, %get3A_705] {strides = array<i32>} : memref<64x128xf32, #tpu.memory_space<vmem>>, vector<1x16xf32>,
        %get3A_707 = vector.shape_cast %get3A_706 : vector<1x16xf32> to vector<16xf32>
        %mul3A_708 = vector.broadcast %squeeze3A_681 : f32 to vector<16xf32>
        %mul3A_709 = arith.mulf %get3A_707, %mul3A_708 : vector<16xf32>
        %swap3A_710 = arith.index_cast %add3A_679 : i32 to index
        %swap3A_711 = arith.constant 32 : index
        %swap3A_712 = tpu.vector_load %arg12[%swap3A_710, %swap3A_711] {strides = array<i32>} : memref<64x128xf32, #tpu.memory_space<vmem>>, vector<1x16xf32>,
        %swap3A_713 = vector.shape_cast %swap3A_712 : vector<1x16xf32> to vector<16xf32>
        %swap3A_714 = vector.shape_cast %mul3A_709 : vector<16xf32> to vector<1x16xf32>
        tpu.vector_store %arg12[%swap3A_710, %swap3A_711], %swap3A_714 {strides = array<i32>} : memref<64x128xf32, #tpu.memory_space<vmem>>, vector<1x16xf32>,
        %get3A_715 = arith.index_cast %add3A_679 : i32 to index
        %get3A_716 = arith.constant 48 : index
        %get3A_717 = tpu.vector_load %arg12[%get3A_715, %get3A_716] {strides = array<i32>} : memref<64x128xf32, #tpu.memory_space<vmem>>, vector<1x16xf32>,
        %get3A_718 = vector.shape_cast %get3A_717 : vector<1x16xf32> to vector<16xf32>
        %mul3A_719 = vector.broadcast %squeeze3A_681 : f32 to vector<16xf32>
        %mul3A_720 = arith.mulf %get3A_718, %mul3A_719 : vector<16xf32>
        %swap3A_721 = arith.index_cast %add3A_679 : i32 to index
        %swap3A_722 = arith.constant 48 : index
        %swap3A_723 = tpu.vector_load %arg12[%swap3A_721, %swap3A_722] {strides = array<i32>} : memref<64x128xf32, #tpu.memory_space<vmem>>, vector<1x16xf32>,
        %swap3A_724 = vector.shape_cast %swap3A_723 : vector<1x16xf32> to vector<16xf32>
        %swap3A_725 = vector.shape_cast %mul3A_720 : vector<16xf32> to vector<1x16xf32>
        tpu.vector_store %arg12[%swap3A_721, %swap3A_722], %swap3A_725 {strides = array<i32>} : memref<64x128xf32, #tpu.memory_space<vmem>>, vector<1x16xf32>,
        %mul3A_726 = arith.constant 16 : i32
        %mul3A_727 = arith.muli %scan3A_121, %mul3A_726 : i32
        %add3A_728 = arith.constant 12 : i32
        %add3A_729 = arith.addi %mul3A_727, %add3A_728 : i32
        %slice3A_730 = vector.extract_strided_slice %get3A_128 {offsets = [12], sizes = [1], strides = [1]} : vector<16xf32> to vector<1xf32>
        %squeeze3A_731 = vector.extract %slice3A_730[0] : f32 from vector<1xf32>
        %get3A_732 = arith.index_cast %add3A_729 : i32 to index
        %get3A_733 = arith.constant 0 : index
        %get3A_734 = tpu.vector_load %arg12[%get3A_732, %get3A_733] {strides = array<i32>} : memref<64x128xf32, #tpu.memory_space<vmem>>, vector<1x16xf32>,
        %get3A_735 = vector.shape_cast %get3A_734 : vector<1x16xf32> to vector<16xf32>
        %mul3A_736 = vector.broadcast %squeeze3A_731 : f32 to vector<16xf32>
        %mul3A_737 = arith.mulf %get3A_735, %mul3A_736 : vector<16xf32>
        %swap3A_738 = arith.index_cast %add3A_729 : i32 to index
        %swap3A_739 = arith.constant 0 : index
        %swap3A_740 = tpu.vector_load %arg12[%swap3A_738, %swap3A_739] {strides = array<i32>} : memref<64x128xf32, #tpu.memory_space<vmem>>, vector<1x16xf32>,
        %swap3A_741 = vector.shape_cast %swap3A_740 : vector<1x16xf32> to vector<16xf32>
        %swap3A_742 = vector.shape_cast %mul3A_737 : vector<16xf32> to vector<1x16xf32>
        tpu.vector_store %arg12[%swap3A_738, %swap3A_739], %swap3A_742 {strides = array<i32>} : memref<64x128xf32, #tpu.memory_space<vmem>>, vector<1x16xf32>,
        %get3A_743 = arith.index_cast %add3A_729 : i32 to index
        %get3A_744 = arith.constant 16 : index
        %get3A_745 = tpu.vector_load %arg12[%get3A_743, %get3A_744] {strides = array<i32>} : memref<64x128xf32, #tpu.memory_space<vmem>>, vector<1x16xf32>,
        %get3A_746 = vector.shape_cast %get3A_745 : vector<1x16xf32> to vector<16xf32>
        %mul3A_747 = vector.broadcast %squeeze3A_731 : f32 to vector<16xf32>
        %mul3A_748 = arith.mulf %get3A_746, %mul3A_747 : vector<16xf32>
        %swap3A_749 = arith.index_cast %add3A_729 : i32 to index
        %swap3A_750 = arith.constant 16 : index
        %swap3A_751 = tpu.vector_load %arg12[%swap3A_749, %swap3A_750] {strides = array<i32>} : memref<64x128xf32, #tpu.memory_space<vmem>>, vector<1x16xf32>,
        %swap3A_752 = vector.shape_cast %swap3A_751 : vector<1x16xf32> to vector<16xf32>
        %swap3A_753 = vector.shape_cast %mul3A_748 : vector<16xf32> to vector<1x16xf32>
        tpu.vector_store %arg12[%swap3A_749, %swap3A_750], %swap3A_753 {strides = array<i32>} : memref<64x128xf32, #tpu.memory_space<vmem>>, vector<1x16xf32>,
        %get3A_754 = arith.index_cast %add3A_729 : i32 to index
        %get3A_755 = arith.constant 32 : index
        %get3A_756 = tpu.vector_load %arg12[%get3A_754, %get3A_755] {strides = array<i32>} : memref<64x128xf32, #tpu.memory_space<vmem>>, vector<1x16xf32>,
        %get3A_757 = vector.shape_cast %get3A_756 : vector<1x16xf32> to vector<16xf32>
        %mul3A_758 = vector.broadcast %squeeze3A_731 : f32 to vector<16xf32>
        %mul3A_759 = arith.mulf %get3A_757, %mul3A_758 : vector<16xf32>
        %swap3A_760 = arith.index_cast %add3A_729 : i32 to index
        %swap3A_761 = arith.constant 32 : index
        %swap3A_762 = tpu.vector_load %arg12[%swap3A_760, %swap3A_761] {strides = array<i32>} : memref<64x128xf32, #tpu.memory_space<vmem>>, vector<1x16xf32>,
        %swap3A_763 = vector.shape_cast %swap3A_762 : vector<1x16xf32> to vector<16xf32>
        %swap3A_764 = vector.shape_cast %mul3A_759 : vector<16xf32> to vector<1x16xf32>
        tpu.vector_store %arg12[%swap3A_760, %swap3A_761], %swap3A_764 {strides = array<i32>} : memref<64x128xf32, #tpu.memory_space<vmem>>, vector<1x16xf32>,
        %get3A_765 = arith.index_cast %add3A_729 : i32 to index
        %get3A_766 = arith.constant 48 : index
        %get3A_767 = tpu.vector_load %arg12[%get3A_765, %get3A_766] {strides = array<i32>} : memref<64x128xf32, #tpu.memory_space<vmem>>, vector<1x16xf32>,
        %get3A_768 = vector.shape_cast %get3A_767 : vector<1x16xf32> to vector<16xf32>
        %mul3A_769 = vector.broadcast %squeeze3A_731 : f32 to vector<16xf32>
        %mul3A_770 = arith.mulf %get3A_768, %mul3A_769 : vector<16xf32>
        %swap3A_771 = arith.index_cast %add3A_729 : i32 to index
        %swap3A_772 = arith.constant 48 : index
        %swap3A_773 = tpu.vector_load %arg12[%swap3A_771, %swap3A_772] {strides = array<i32>} : memref<64x128xf32, #tpu.memory_space<vmem>>, vector<1x16xf32>,
        %swap3A_774 = vector.shape_cast %swap3A_773 : vector<1x16xf32> to vector<16xf32>
        %swap3A_775 = vector.shape_cast %mul3A_770 : vector<16xf32> to vector<1x16xf32>
        tpu.vector_store %arg12[%swap3A_771, %swap3A_772], %swap3A_775 {strides = array<i32>} : memref<64x128xf32, #tpu.memory_space<vmem>>, vector<1x16xf32>,
        %mul3A_776 = arith.constant 16 : i32
        %mul3A_777 = arith.muli %scan3A_121, %mul3A_776 : i32
        %add3A_778 = arith.constant 13 : i32
        %add3A_779 = arith.addi %mul3A_777, %add3A_778 : i32
        %slice3A_780 = vector.extract_strided_slice %get3A_128 {offsets = [13], sizes = [1], strides = [1]} : vector<16xf32> to vector<1xf32>
        %squeeze3A_781 = vector.extract %slice3A_780[0] : f32 from vector<1xf32>
        %get3A_782 = arith.index_cast %add3A_779 : i32 to index
        %get3A_783 = arith.constant 0 : index
        %get3A_784 = tpu.vector_load %arg12[%get3A_782, %get3A_783] {strides = array<i32>} : memref<64x128xf32, #tpu.memory_space<vmem>>, vector<1x16xf32>,
        %get3A_785 = vector.shape_cast %get3A_784 : vector<1x16xf32> to vector<16xf32>
        %mul3A_786 = vector.broadcast %squeeze3A_781 : f32 to vector<16xf32>
        %mul3A_787 = arith.mulf %get3A_785, %mul3A_786 : vector<16xf32>
        %swap3A_788 = arith.index_cast %add3A_779 : i32 to index
        %swap3A_789 = arith.constant 0 : index
        %swap3A_790 = tpu.vector_load %arg12[%swap3A_788, %swap3A_789] {strides = array<i32>} : memref<64x128xf32, #tpu.memory_space<vmem>>, vector<1x16xf32>,
        %swap3A_791 = vector.shape_cast %swap3A_790 : vector<1x16xf32> to vector<16xf32>
        %swap3A_792 = vector.shape_cast %mul3A_787 : vector<16xf32> to vector<1x16xf32>
        tpu.vector_store %arg12[%swap3A_788, %swap3A_789], %swap3A_792 {strides = array<i32>} : memref<64x128xf32, #tpu.memory_space<vmem>>, vector<1x16xf32>,
        %get3A_793 = arith.index_cast %add3A_779 : i32 to index
        %get3A_794 = arith.constant 16 : index
        %get3A_795 = tpu.vector_load %arg12[%get3A_793, %get3A_794] {strides = array<i32>} : memref<64x128xf32, #tpu.memory_space<vmem>>, vector<1x16xf32>,
        %get3A_796 = vector.shape_cast %get3A_795 : vector<1x16xf32> to vector<16xf32>
        %mul3A_797 = vector.broadcast %squeeze3A_781 : f32 to vector<16xf32>
        %mul3A_798 = arith.mulf %get3A_796, %mul3A_797 : vector<16xf32>
        %swap3A_799 = arith.index_cast %add3A_779 : i32 to index
        %swap3A_800 = arith.constant 16 : index
        %swap3A_801 = tpu.vector_load %arg12[%swap3A_799, %swap3A_800] {strides = array<i32>} : memref<64x128xf32, #tpu.memory_space<vmem>>, vector<1x16xf32>,
        %swap3A_802 = vector.shape_cast %swap3A_801 : vector<1x16xf32> to vector<16xf32>
        %swap3A_803 = vector.shape_cast %mul3A_798 : vector<16xf32> to vector<1x16xf32>
        tpu.vector_store %arg12[%swap3A_799, %swap3A_800], %swap3A_803 {strides = array<i32>} : memref<64x128xf32, #tpu.memory_space<vmem>>, vector<1x16xf32>,
        %get3A_804 = arith.index_cast %add3A_779 : i32 to index
        %get3A_805 = arith.constant 32 : index
        %get3A_806 = tpu.vector_load %arg12[%get3A_804, %get3A_805] {strides = array<i32>} : memref<64x128xf32, #tpu.memory_space<vmem>>, vector<1x16xf32>,
        %get3A_807 = vector.shape_cast %get3A_806 : vector<1x16xf32> to vector<16xf32>
        %mul3A_808 = vector.broadcast %squeeze3A_781 : f32 to vector<16xf32>
        %mul3A_809 = arith.mulf %get3A_807, %mul3A_808 : vector<16xf32>
        %swap3A_810 = arith.index_cast %add3A_779 : i32 to index
        %swap3A_811 = arith.constant 32 : index
        %swap3A_812 = tpu.vector_load %arg12[%swap3A_810, %swap3A_811] {strides = array<i32>} : memref<64x128xf32, #tpu.memory_space<vmem>>, vector<1x16xf32>,
        %swap3A_813 = vector.shape_cast %swap3A_812 : vector<1x16xf32> to vector<16xf32>
        %swap3A_814 = vector.shape_cast %mul3A_809 : vector<16xf32> to vector<1x16xf32>
        tpu.vector_store %arg12[%swap3A_810, %swap3A_811], %swap3A_814 {strides = array<i32>} : memref<64x128xf32, #tpu.memory_space<vmem>>, vector<1x16xf32>,
        %get3A_815 = arith.index_cast %add3A_779 : i32 to index
        %get3A_816 = arith.constant 48 : index
        %get3A_817 = tpu.vector_load %arg12[%get3A_815, %get3A_816] {strides = array<i32>} : memref<64x128xf32, #tpu.memory_space<vmem>>, vector<1x16xf32>,
        %get3A_818 = vector.shape_cast %get3A_817 : vector<1x16xf32> to vector<16xf32>
        %mul3A_819 = vector.broadcast %squeeze3A_781 : f32 to vector<16xf32>
        %mul3A_820 = arith.mulf %get3A_818, %mul3A_819 : vector<16xf32>
        %swap3A_821 = arith.index_cast %add3A_779 : i32 to index
        %swap3A_822 = arith.constant 48 : index
        %swap3A_823 = tpu.vector_load %arg12[%swap3A_821, %swap3A_822] {strides = array<i32>} : memref<64x128xf32, #tpu.memory_space<vmem>>, vector<1x16xf32>,
        %swap3A_824 = vector.shape_cast %swap3A_823 : vector<1x16xf32> to vector<16xf32>
        %swap3A_825 = vector.shape_cast %mul3A_820 : vector<16xf32> to vector<1x16xf32>
        tpu.vector_store %arg12[%swap3A_821, %swap3A_822], %swap3A_825 {strides = array<i32>} : memref<64x128xf32, #tpu.memory_space<vmem>>, vector<1x16xf32>,
        %mul3A_826 = arith.constant 16 : i32
        %mul3A_827 = arith.muli %scan3A_121, %mul3A_826 : i32
        %add3A_828 = arith.constant 14 : i32
        %add3A_829 = arith.addi %mul3A_827, %add3A_828 : i32
        %slice3A_830 = vector.extract_strided_slice %get3A_128 {offsets = [14], sizes = [1], strides = [1]} : vector<16xf32> to vector<1xf32>
        %squeeze3A_831 = vector.extract %slice3A_830[0] : f32 from vector<1xf32>
        %get3A_832 = arith.index_cast %add3A_829 : i32 to index
        %get3A_833 = arith.constant 0 : index
        %get3A_834 = tpu.vector_load %arg12[%get3A_832, %get3A_833] {strides = array<i32>} : memref<64x128xf32, #tpu.memory_space<vmem>>, vector<1x16xf32>,
        %get3A_835 = vector.shape_cast %get3A_834 : vector<1x16xf32> to vector<16xf32>
        %mul3A_836 = vector.broadcast %squeeze3A_831 : f32 to vector<16xf32>
        %mul3A_837 = arith.mulf %get3A_835, %mul3A_836 : vector<16xf32>
        %swap3A_838 = arith.index_cast %add3A_829 : i32 to index
        %swap3A_839 = arith.constant 0 : index
        %swap3A_840 = tpu.vector_load %arg12[%swap3A_838, %swap3A_839] {strides = array<i32>} : memref<64x128xf32, #tpu.memory_space<vmem>>, vector<1x16xf32>,
        %swap3A_841 = vector.shape_cast %swap3A_840 : vector<1x16xf32> to vector<16xf32>
        %swap3A_842 = vector.shape_cast %mul3A_837 : vector<16xf32> to vector<1x16xf32>
        tpu.vector_store %arg12[%swap3A_838, %swap3A_839], %swap3A_842 {strides = array<i32>} : memref<64x128xf32, #tpu.memory_space<vmem>>, vector<1x16xf32>,
        %get3A_843 = arith.index_cast %add3A_829 : i32 to index
        %get3A_844 = arith.constant 16 : index
        %get3A_845 = tpu.vector_load %arg12[%get3A_843, %get3A_844] {strides = array<i32>} : memref<64x128xf32, #tpu.memory_space<vmem>>, vector<1x16xf32>,
        %get3A_846 = vector.shape_cast %get3A_845 : vector<1x16xf32> to vector<16xf32>
        %mul3A_847 = vector.broadcast %squeeze3A_831 : f32 to vector<16xf32>
        %mul3A_848 = arith.mulf %get3A_846, %mul3A_847 : vector<16xf32>
        %swap3A_849 = arith.index_cast %add3A_829 : i32 to index
        %swap3A_850 = arith.constant 16 : index
        %swap3A_851 = tpu.vector_load %arg12[%swap3A_849, %swap3A_850] {strides = array<i32>} : memref<64x128xf32, #tpu.memory_space<vmem>>, vector<1x16xf32>,
        %swap3A_852 = vector.shape_cast %swap3A_851 : vector<1x16xf32> to vector<16xf32>
        %swap3A_853 = vector.shape_cast %mul3A_848 : vector<16xf32> to vector<1x16xf32>
        tpu.vector_store %arg12[%swap3A_849, %swap3A_850], %swap3A_853 {strides = array<i32>} : memref<64x128xf32, #tpu.memory_space<vmem>>, vector<1x16xf32>,
        %get3A_854 = arith.index_cast %add3A_829 : i32 to index
        %get3A_855 = arith.constant 32 : index
        %get3A_856 = tpu.vector_load %arg12[%get3A_854, %get3A_855] {strides = array<i32>} : memref<64x128xf32, #tpu.memory_space<vmem>>, vector<1x16xf32>,
        %get3A_857 = vector.shape_cast %get3A_856 : vector<1x16xf32> to vector<16xf32>
        %mul3A_858 = vector.broadcast %squeeze3A_831 : f32 to vector<16xf32>
        %mul3A_859 = arith.mulf %get3A_857, %mul3A_858 : vector<16xf32>
        %swap3A_860 = arith.index_cast %add3A_829 : i32 to index
        %swap3A_861 = arith.constant 32 : index
        %swap3A_862 = tpu.vector_load %arg12[%swap3A_860, %swap3A_861] {strides = array<i32>} : memref<64x128xf32, #tpu.memory_space<vmem>>, vector<1x16xf32>,
        %swap3A_863 = vector.shape_cast %swap3A_862 : vector<1x16xf32> to vector<16xf32>
        %swap3A_864 = vector.shape_cast %mul3A_859 : vector<16xf32> to vector<1x16xf32>
        tpu.vector_store %arg12[%swap3A_860, %swap3A_861], %swap3A_864 {strides = array<i32>} : memref<64x128xf32, #tpu.memory_space<vmem>>, vector<1x16xf32>,
        %get3A_865 = arith.index_cast %add3A_829 : i32 to index
        %get3A_866 = arith.constant 48 : index
        %get3A_867 = tpu.vector_load %arg12[%get3A_865, %get3A_866] {strides = array<i32>} : memref<64x128xf32, #tpu.memory_space<vmem>>, vector<1x16xf32>,
        %get3A_868 = vector.shape_cast %get3A_867 : vector<1x16xf32> to vector<16xf32>
        %mul3A_869 = vector.broadcast %squeeze3A_831 : f32 to vector<16xf32>
        %mul3A_870 = arith.mulf %get3A_868, %mul3A_869 : vector<16xf32>
        %swap3A_871 = arith.index_cast %add3A_829 : i32 to index
        %swap3A_872 = arith.constant 48 : index
        %swap3A_873 = tpu.vector_load %arg12[%swap3A_871, %swap3A_872] {strides = array<i32>} : memref<64x128xf32, #tpu.memory_space<vmem>>, vector<1x16xf32>,
        %swap3A_874 = vector.shape_cast %swap3A_873 : vector<1x16xf32> to vector<16xf32>
        %swap3A_875 = vector.shape_cast %mul3A_870 : vector<16xf32> to vector<1x16xf32>
        tpu.vector_store %arg12[%swap3A_871, %swap3A_872], %swap3A_875 {strides = array<i32>} : memref<64x128xf32, #tpu.memory_space<vmem>>, vector<1x16xf32>,
        %mul3A_876 = arith.constant 16 : i32
        %mul3A_877 = arith.muli %scan3A_121, %mul3A_876 : i32
        %add3A_878 = arith.constant 15 : i32
        %add3A_879 = arith.addi %mul3A_877, %add3A_878 : i32
        %slice3A_880 = vector.extract_strided_slice %get3A_128 {offsets = [15], sizes = [1], strides = [1]} : vector<16xf32> to vector<1xf32>
        %squeeze3A_881 = vector.extract %slice3A_880[0] : f32 from vector<1xf32>
        %get3A_882 = arith.index_cast %add3A_879 : i32 to index
        %get3A_883 = arith.constant 0 : index
        %get3A_884 = tpu.vector_load %arg12[%get3A_882, %get3A_883] {strides = array<i32>} : memref<64x128xf32, #tpu.memory_space<vmem>>, vector<1x16xf32>,
        %get3A_885 = vector.shape_cast %get3A_884 : vector<1x16xf32> to vector<16xf32>
        %mul3A_886 = vector.broadcast %squeeze3A_881 : f32 to vector<16xf32>
        %mul3A_887 = arith.mulf %get3A_885, %mul3A_886 : vector<16xf32>
        %swap3A_888 = arith.index_cast %add3A_879 : i32 to index
        %swap3A_889 = arith.constant 0 : index
        %swap3A_890 = tpu.vector_load %arg12[%swap3A_888, %swap3A_889] {strides = array<i32>} : memref<64x128xf32, #tpu.memory_space<vmem>>, vector<1x16xf32>,
        %swap3A_891 = vector.shape_cast %swap3A_890 : vector<1x16xf32> to vector<16xf32>
        %swap3A_892 = vector.shape_cast %mul3A_887 : vector<16xf32> to vector<1x16xf32>
        tpu.vector_store %arg12[%swap3A_888, %swap3A_889], %swap3A_892 {strides = array<i32>} : memref<64x128xf32, #tpu.memory_space<vmem>>, vector<1x16xf32>,
        %get3A_893 = arith.index_cast %add3A_879 : i32 to index
        %get3A_894 = arith.constant 16 : index
        %get3A_895 = tpu.vector_load %arg12[%get3A_893, %get3A_894] {strides = array<i32>} : memref<64x128xf32, #tpu.memory_space<vmem>>, vector<1x16xf32>,
        %get3A_896 = vector.shape_cast %get3A_895 : vector<1x16xf32> to vector<16xf32>
        %mul3A_897 = vector.broadcast %squeeze3A_881 : f32 to vector<16xf32>
        %mul3A_898 = arith.mulf %get3A_896, %mul3A_897 : vector<16xf32>
        %swap3A_899 = arith.index_cast %add3A_879 : i32 to index
        %swap3A_900 = arith.constant 16 : index
        %swap3A_901 = tpu.vector_load %arg12[%swap3A_899, %swap3A_900] {strides = array<i32>} : memref<64x128xf32, #tpu.memory_space<vmem>>, vector<1x16xf32>,
        %swap3A_902 = vector.shape_cast %swap3A_901 : vector<1x16xf32> to vector<16xf32>
        %swap3A_903 = vector.shape_cast %mul3A_898 : vector<16xf32> to vector<1x16xf32>
        tpu.vector_store %arg12[%swap3A_899, %swap3A_900], %swap3A_903 {strides = array<i32>} : memref<64x128xf32, #tpu.memory_space<vmem>>, vector<1x16xf32>,
        %get3A_904 = arith.index_cast %add3A_879 : i32 to index
        %get3A_905 = arith.constant 32 : index
        %get3A_906 = tpu.vector_load %arg12[%get3A_904, %get3A_905] {strides = array<i32>} : memref<64x128xf32, #tpu.memory_space<vmem>>, vector<1x16xf32>,
        %get3A_907 = vector.shape_cast %get3A_906 : vector<1x16xf32> to vector<16xf32>
        %mul3A_908 = vector.broadcast %squeeze3A_881 : f32 to vector<16xf32>
        %mul3A_909 = arith.mulf %get3A_907, %mul3A_908 : vector<16xf32>
        %swap3A_910 = arith.index_cast %add3A_879 : i32 to index
        %swap3A_911 = arith.constant 32 : index
        %swap3A_912 = tpu.vector_load %arg12[%swap3A_910, %swap3A_911] {strides = array<i32>} : memref<64x128xf32, #tpu.memory_space<vmem>>, vector<1x16xf32>,
        %swap3A_913 = vector.shape_cast %swap3A_912 : vector<1x16xf32> to vector<16xf32>
        %swap3A_914 = vector.shape_cast %mul3A_909 : vector<16xf32> to vector<1x16xf32>
        tpu.vector_store %arg12[%swap3A_910, %swap3A_911], %swap3A_914 {strides = array<i32>} : memref<64x128xf32, #tpu.memory_space<vmem>>, vector<1x16xf32>,
        %get3A_915 = arith.index_cast %add3A_879 : i32 to index
        %get3A_916 = arith.constant 48 : index
        %get3A_917 = tpu.vector_load %arg12[%get3A_915, %get3A_916] {strides = array<i32>} : memref<64x128xf32, #tpu.memory_space<vmem>>, vector<1x16xf32>,
        %get3A_918 = vector.shape_cast %get3A_917 : vector<1x16xf32> to vector<16xf32>
        %mul3A_919 = vector.broadcast %squeeze3A_881 : f32 to vector<16xf32>
        %mul3A_920 = arith.mulf %get3A_918, %mul3A_919 : vector<16xf32>
        %swap3A_921 = arith.index_cast %add3A_879 : i32 to index
        %swap3A_922 = arith.constant 48 : index
        %swap3A_923 = tpu.vector_load %arg12[%swap3A_921, %swap3A_922] {strides = array<i32>} : memref<64x128xf32, #tpu.memory_space<vmem>>, vector<1x16xf32>,
        %swap3A_924 = vector.shape_cast %swap3A_923 : vector<1x16xf32> to vector<16xf32>
        %swap3A_925 = vector.shape_cast %mul3A_920 : vector<16xf32> to vector<1x16xf32>
        tpu.vector_store %arg12[%swap3A_921, %swap3A_922], %swap3A_925 {strides = array<i32>} : memref<64x128xf32, #tpu.memory_space<vmem>>, vector<1x16xf32>,
      }
      %scan3A_120 = arith.constant 4 : i32
      "tpu.region"() ({
        %run_scoped3A = tpu.sem_alloc : memref<!tpu.dma_semaphore, #tpu.memory_space<semaphore_mem>>
        %dma_start3A_121 = arith.constant 64 : i32
        %dma_start3A_122 = tpu.memref_slice %arg9[%scan3A_79, %dma_start3A_121] : memref<80x128xi32, #tpu.memory_space<vmem>> -> memref<1x64xi32, #tpu.memory_space<vmem>>
        %dma_start3A_123 = tpu.memref_squeeze %dma_start3A_122 : memref<1x64xi32, #tpu.memory_space<vmem>> -> memref<64xi32, #tpu.memory_space<vmem>>
        %dma_start3A_124 = arith.constant 0 : i32
        %dma_start3A_125 = arith.constant 0 : i32
        %dma_start3A_126 = tpu.memref_slice %arg15[%dma_start3A_124, %dma_start3A_125] : memref<10240x128xf32, #tpu.memory_space<vmem_shared>> -> memref<10240x128xf32, #tpu.memory_space<vmem_shared>>
        tpu.enqueue_indirect_dma source(%arg12 : memref<64x128xf32, #tpu.memory_space<vmem>>) target(%dma_start3A_126 : memref<10240x128xf32, #tpu.memory_space<vmem_shared>>) offsets(%dma_start3A_123 : memref<64xi32, #tpu.memory_space<vmem>>) semaphore(%run_scoped3A : memref<!tpu.dma_semaphore, #tpu.memory_space<semaphore_mem>>) {add = true}
        %dma_wait3A_127 = arith.constant 64 : i32
        %dma_wait3A_128 = tpu.memref_slice %arg9[%scan3A_79, %dma_wait3A_127] : memref<80x128xi32, #tpu.memory_space<vmem>> -> memref<1x64xi32, #tpu.memory_space<vmem>>
        %dma_wait3A_129 = tpu.memref_squeeze %dma_wait3A_128 : memref<1x64xi32, #tpu.memory_space<vmem>> -> memref<64xi32, #tpu.memory_space<vmem>>
        %dma_wait3A_130 = arith.constant 0 : i32
        %dma_wait3A_131 = arith.constant 0 : i32
        %dma_wait3A_132 = tpu.memref_slice %arg15[%dma_wait3A_130, %dma_wait3A_131] : memref<10240x128xf32, #tpu.memory_space<vmem_shared>> -> memref<10240x128xf32, #tpu.memory_space<vmem_shared>>
        tpu.wait_indirect_dma semaphore(%run_scoped3A : memref<!tpu.dma_semaphore, #tpu.memory_space<semaphore_mem>>) src(%arg12 : memref<64x128xf32, #tpu.memory_space<vmem>>) dst(%dma_wait3A_132 : memref<10240x128xf32, #tpu.memory_space<vmem_shared>>)
        tpu.yield
      }) : () -> ()
    }
    %scan3A_31 = arith.constant 80 : i32
    %dma_wait3A = arith.constant 0 : i32
    %dma_wait3A_32 = arith.constant 0 : i32
    %dma_wait3A_33 = tpu.memref_slice %arg8[%dma_wait3A, %dma_wait3A_32] : memref<80x128xi32, #tpu.memory_space<vmem>> -> memref<1x64xi32, #tpu.memory_space<vmem>>
    %dma_wait3A_34 = tpu.memref_squeeze %dma_wait3A_33 : memref<1x64xi32, #tpu.memory_space<vmem>> -> memref<64xi32, #tpu.memory_space<vmem>>
    %dma_wait3A_35 = arith.constant 0 : i32
    %dma_wait3A_36 = arith.constant 0 : i32
    %dma_wait3A_37 = tpu.memref_slice %arg5[%dma_wait3A_35, %dma_wait3A_36] : memref<10240x128xf32, #tpu.memory_space<hbm>> -> memref<10240x128xf32, #tpu.memory_space<hbm>>
    tpu.wait_indirect_dma semaphore(%arg13 : memref<!tpu.dma_semaphore, #tpu.memory_space<semaphore_mem>>) src(%dma_wait3A_37 : memref<10240x128xf32, #tpu.memory_space<hbm>>) dst(%arg11 : memref<64x128xf32, #tpu.memory_space<vmem>>)
    %barrier3A_38 = arith.constant 0 : index
    tpu.barrier barrier_id(%barrier3A_38)
    %mul3A_39 = arith.constant 640 : i32
    %mul3A_40 = arith.muli %arg1, %mul3A_39 : i32
    %add3A_41 = arith.constant 0 : i32
    %add3A_42 = arith.addi %mul3A_40, %add3A_41 : i32
    "tpu.region"() ({
      %run_scoped3A = tpu.sem_alloc : memref<!tpu.dma_semaphore, #tpu.memory_space<semaphore_mem>>
      %dma_start3A_79 = arith.constant 0 : i32
      %dma_start3A_80 = tpu.memref_slice %arg15[%add3A_42, %dma_start3A_79] : memref<10240x128xf32, #tpu.memory_space<vmem_shared>> -> memref<64x128xf32, #tpu.memory_space<vmem_shared>>
      %dma_start3A_81 = arith.constant 0 : i32
      %dma_start3A_82 = tpu.memref_slice %arg15[%add3A_42, %dma_start3A_81] : memref<10240x128xf32, #tpu.memory_space<vmem_shared>> -> memref<64x128xf32, #tpu.memory_space<vmem_shared>>
      tpu.enqueue_dma source(%dma_start3A_82 : memref<64x128xf32, #tpu.memory_space<vmem_shared>>) target(%arg11 : memref<64x128xf32, #tpu.memory_space<vmem>>) target_semaphore(%run_scoped3A : memref<!tpu.dma_semaphore, #tpu.memory_space<semaphore_mem>>)
      %dma_wait3A_83 = arith.constant 0 : i32
      %dma_wait3A_84 = tpu.memref_slice %arg15[%add3A_42, %dma_wait3A_83] : memref<10240x128xf32, #tpu.memory_space<vmem_shared>> -> memref<64x128xf32, #tpu.memory_space<vmem_shared>>
      %dma_wait3A_85 = arith.constant 0 : i32
      %dma_wait3A_86 = tpu.memref_slice %arg15[%add3A_42, %dma_wait3A_85] : memref<10240x128xf32, #tpu.memory_space<vmem_shared>> -> memref<64x128xf32, #tpu.memory_space<vmem_shared>>
      tpu.wait_dma2 semaphore(%run_scoped3A : memref<!tpu.dma_semaphore, #tpu.memory_space<semaphore_mem>>) src(%dma_wait3A_86 : memref<64x128xf32, #tpu.memory_space<vmem_shared>>) dst(%arg11 : memref<64x128xf32, #tpu.memory_space<vmem>>)
      tpu.yield
    }) : () -> ()
    "tpu.region"() ({
      %run_scoped3A = tpu.sem_alloc : memref<!tpu.dma_semaphore, #tpu.memory_space<semaphore_mem>>
      %dma_start3A_79 = arith.constant 0 : i32
      %dma_start3A_80 = tpu.memref_slice %arg7[%arg0, %add3A_42, %dma_start3A_79] : memref<2x10240x128xf32, #tpu.memory_space<hbm>> -> memref<1x64x128xf32, #tpu.memory_space<hbm>>
      %dma_start3A_81 = tpu.memref_squeeze %dma_start3A_80 : memref<1x64x128xf32, #tpu.memory_space<hbm>> -> memref<64x128xf32, #tpu.memory_space<hbm>>
      %dma_start3A_82 = arith.constant 0 : i32
      %dma_start3A_83 = tpu.memref_slice %arg7[%arg0, %add3A_42, %dma_start3A_82] : memref<2x10240x128xf32, #tpu.memory_space<hbm>> -> memref<1x64x128xf32, #tpu.memory_space<hbm>>
      %dma_start3A_84 = tpu.memref_squeeze %dma_start3A_83 : memref<1x64x128xf32, #tpu.memory_space<hbm>> -> memref<64x128xf32, #tpu.memory_space<hbm>>
      tpu.enqueue_dma source(%arg11 : memref<64x128xf32, #tpu.memory_space<vmem>>) target(%dma_start3A_84 : memref<64x128xf32, #tpu.memory_space<hbm>>) target_semaphore(%run_scoped3A : memref<!tpu.dma_semaphore, #tpu.memory_space<semaphore_mem>>)
      %dma_wait3A_85 = arith.constant 0 : i32
      %dma_wait3A_86 = tpu.memref_slice %arg7[%arg0, %add3A_42, %dma_wait3A_85] : memref<2x10240x128xf32, #tpu.memory_space<hbm>> -> memref<1x64x128xf32, #tpu.memory_space<hbm>>
      %dma_wait3A_87 = tpu.memref_squeeze %dma_wait3A_86 : memref<1x64x128xf32, #tpu.memory_space<hbm>> -> memref<64x128xf32, #tpu.memory_space<hbm>>
      %dma_wait3A_88 = arith.constant 0 : i32
      %dma_wait3A_89 = tpu.memref_slice %arg7[%arg0, %add3A_42, %dma_wait3A_88] : memref<2x10240x128xf32, #tpu.memory_space<hbm>> -> memref<1x64x128xf32, #tpu.memory_space<hbm>>
      %dma_wait3A_90 = tpu.memref_squeeze %dma_wait3A_89 : memref<1x64x128xf32, #tpu.memory_space<hbm>> -> memref<64x128xf32, #tpu.memory_space<hbm>>
      tpu.wait_dma2 semaphore(%run_scoped3A : memref<!tpu.dma_semaphore, #tpu.memory_space<semaphore_mem>>) src(%arg11 : memref<64x128xf32, #tpu.memory_space<vmem>>) dst(%dma_wait3A_90 : memref<64x128xf32, #tpu.memory_space<hbm>>)
      tpu.yield
    }) : () -> ()
    %mul3A_43 = arith.constant 640 : i32
    %mul3A_44 = arith.muli %arg1, %mul3A_43 : i32
    %add3A_45 = arith.constant 64 : i32
    %add3A_46 = arith.addi %mul3A_44, %add3A_45 : i32
    "tpu.region"() ({
      %run_scoped3A = tpu.sem_alloc : memref<!tpu.dma_semaphore, #tpu.memory_space<semaphore_mem>>
      %dma_start3A_79 = arith.constant 0 : i32
      %dma_start3A_80 = tpu.memref_slice %arg15[%add3A_46, %dma_start3A_79] : memref<10240x128xf32, #tpu.memory_space<vmem_shared>> -> memref<64x128xf32, #tpu.memory_space<vmem_shared>>
      %dma_start3A_81 = arith.constant 0 : i32
      %dma_start3A_82 = tpu.memref_slice %arg15[%add3A_46, %dma_start3A_81] : memref<10240x128xf32, #tpu.memory_space<vmem_shared>> -> memref<64x128xf32, #tpu.memory_space<vmem_shared>>
      tpu.enqueue_dma source(%dma_start3A_82 : memref<64x128xf32, #tpu.memory_space<vmem_shared>>) target(%arg11 : memref<64x128xf32, #tpu.memory_space<vmem>>) target_semaphore(%run_scoped3A : memref<!tpu.dma_semaphore, #tpu.memory_space<semaphore_mem>>)
      %dma_wait3A_83 = arith.constant 0 : i32
      %dma_wait3A_84 = tpu.memref_slice %arg15[%add3A_46, %dma_wait3A_83] : memref<10240x128xf32, #tpu.memory_space<vmem_shared>> -> memref<64x128xf32, #tpu.memory_space<vmem_shared>>
      %dma_wait3A_85 = arith.constant 0 : i32
      %dma_wait3A_86 = tpu.memref_slice %arg15[%add3A_46, %dma_wait3A_85] : memref<10240x128xf32, #tpu.memory_space<vmem_shared>> -> memref<64x128xf32, #tpu.memory_space<vmem_shared>>
      tpu.wait_dma2 semaphore(%run_scoped3A : memref<!tpu.dma_semaphore, #tpu.memory_space<semaphore_mem>>) src(%dma_wait3A_86 : memref<64x128xf32, #tpu.memory_space<vmem_shared>>) dst(%arg11 : memref<64x128xf32, #tpu.memory_space<vmem>>)
      tpu.yield
    }) : () -> ()
    "tpu.region"() ({
      %run_scoped3A = tpu.sem_alloc : memref<!tpu.dma_semaphore, #tpu.memory_space<semaphore_mem>>
      %dma_start3A_79 = arith.constant 0 : i32
      %dma_start3A_80 = tpu.memref_slice %arg7[%arg0, %add3A_46, %dma_start3A_79] : memref<2x10240x128xf32, #tpu.memory_space<hbm>> -> memref<1x64x128xf32, #tpu.memory_space<hbm>>
      %dma_start3A_81 = tpu.memref_squeeze %dma_start3A_80 : memref<1x64x128xf32, #tpu.memory_space<hbm>> -> memref<64x128xf32, #tpu.memory_space<hbm>>
      %dma_start3A_82 = arith.constant 0 : i32
      %dma_start3A_83 = tpu.memref_slice %arg7[%arg0, %add3A_46, %dma_start3A_82] : memref<2x10240x128xf32, #tpu.memory_space<hbm>> -> memref<1x64x128xf32, #tpu.memory_space<hbm>>
      %dma_start3A_84 = tpu.memref_squeeze %dma_start3A_83 : memref<1x64x128xf32, #tpu.memory_space<hbm>> -> memref<64x128xf32, #tpu.memory_space<hbm>>
      tpu.enqueue_dma source(%arg11 : memref<64x128xf32, #tpu.memory_space<vmem>>) target(%dma_start3A_84 : memref<64x128xf32, #tpu.memory_space<hbm>>) target_semaphore(%run_scoped3A : memref<!tpu.dma_semaphore, #tpu.memory_space<semaphore_mem>>)
      %dma_wait3A_85 = arith.constant 0 : i32
      %dma_wait3A_86 = tpu.memref_slice %arg7[%arg0, %add3A_46, %dma_wait3A_85] : memref<2x10240x128xf32, #tpu.memory_space<hbm>> -> memref<1x64x128xf32, #tpu.memory_space<hbm>>
      %dma_wait3A_87 = tpu.memref_squeeze %dma_wait3A_86 : memref<1x64x128xf32, #tpu.memory_space<hbm>> -> memref<64x128xf32, #tpu.memory_space<hbm>>
      %dma_wait3A_88 = arith.constant 0 : i32
      %dma_wait3A_89 = tpu.memref_slice %arg7[%arg0, %add3A_46, %dma_wait3A_88] : memref<2x10240x128xf32, #tpu.memory_space<hbm>> -> memref<1x64x128xf32, #tpu.memory_space<hbm>>
      %dma_wait3A_90 = tpu.memref_squeeze %dma_wait3A_89 : memref<1x64x128xf32, #tpu.memory_space<hbm>> -> memref<64x128xf32, #tpu.memory_space<hbm>>
      tpu.wait_dma2 semaphore(%run_scoped3A : memref<!tpu.dma_semaphore, #tpu.memory_space<semaphore_mem>>) src(%arg11 : memref<64x128xf32, #tpu.memory_space<vmem>>) dst(%dma_wait3A_90 : memref<64x128xf32, #tpu.memory_space<hbm>>)
      tpu.yield
    }) : () -> ()
    %mul3A_47 = arith.constant 640 : i32
    %mul3A_48 = arith.muli %arg1, %mul3A_47 : i32
    %add3A_49 = arith.constant 128 : i32
    %add3A_50 = arith.addi %mul3A_48, %add3A_49 : i32
    "tpu.region"() ({
      %run_scoped3A = tpu.sem_alloc : memref<!tpu.dma_semaphore, #tpu.memory_space<semaphore_mem>>
      %dma_start3A_79 = arith.constant 0 : i32
      %dma_start3A_80 = tpu.memref_slice %arg15[%add3A_50, %dma_start3A_79] : memref<10240x128xf32, #tpu.memory_space<vmem_shared>> -> memref<64x128xf32, #tpu.memory_space<vmem_shared>>
      %dma_start3A_81 = arith.constant 0 : i32
      %dma_start3A_82 = tpu.memref_slice %arg15[%add3A_50, %dma_start3A_81] : memref<10240x128xf32, #tpu.memory_space<vmem_shared>> -> memref<64x128xf32, #tpu.memory_space<vmem_shared>>
      tpu.enqueue_dma source(%dma_start3A_82 : memref<64x128xf32, #tpu.memory_space<vmem_shared>>) target(%arg11 : memref<64x128xf32, #tpu.memory_space<vmem>>) target_semaphore(%run_scoped3A : memref<!tpu.dma_semaphore, #tpu.memory_space<semaphore_mem>>)
      %dma_wait3A_83 = arith.constant 0 : i32
      %dma_wait3A_84 = tpu.memref_slice %arg15[%add3A_50, %dma_wait3A_83] : memref<10240x128xf32, #tpu.memory_space<vmem_shared>> -> memref<64x128xf32, #tpu.memory_space<vmem_shared>>
      %dma_wait3A_85 = arith.constant 0 : i32
      %dma_wait3A_86 = tpu.memref_slice %arg15[%add3A_50, %dma_wait3A_85] : memref<10240x128xf32, #tpu.memory_space<vmem_shared>> -> memref<64x128xf32, #tpu.memory_space<vmem_shared>>
      tpu.wait_dma2 semaphore(%run_scoped3A : memref<!tpu.dma_semaphore, #tpu.memory_space<semaphore_mem>>) src(%dma_wait3A_86 : memref<64x128xf32, #tpu.memory_space<vmem_shared>>) dst(%arg11 : memref<64x128xf32, #tpu.memory_space<vmem>>)
      tpu.yield
    }) : () -> ()
    "tpu.region"() ({
      %run_scoped3A = tpu.sem_alloc : memref<!tpu.dma_semaphore, #tpu.memory_space<semaphore_mem>>
      %dma_start3A_79 = arith.constant 0 : i32
      %dma_start3A_80 = tpu.memref_slice %arg7[%arg0, %add3A_50, %dma_start3A_79] : memref<2x10240x128xf32, #tpu.memory_space<hbm>> -> memref<1x64x128xf32, #tpu.memory_space<hbm>>
      %dma_start3A_81 = tpu.memref_squeeze %dma_start3A_80 : memref<1x64x128xf32, #tpu.memory_space<hbm>> -> memref<64x128xf32, #tpu.memory_space<hbm>>
      %dma_start3A_82 = arith.constant 0 : i32
      %dma_start3A_83 = tpu.memref_slice %arg7[%arg0, %add3A_50, %dma_start3A_82] : memref<2x10240x128xf32, #tpu.memory_space<hbm>> -> memref<1x64x128xf32, #tpu.memory_space<hbm>>
      %dma_start3A_84 = tpu.memref_squeeze %dma_start3A_83 : memref<1x64x128xf32, #tpu.memory_space<hbm>> -> memref<64x128xf32, #tpu.memory_space<hbm>>
      tpu.enqueue_dma source(%arg11 : memref<64x128xf32, #tpu.memory_space<vmem>>) target(%dma_start3A_84 : memref<64x128xf32, #tpu.memory_space<hbm>>) target_semaphore(%run_scoped3A : memref<!tpu.dma_semaphore, #tpu.memory_space<semaphore_mem>>)
      %dma_wait3A_85 = arith.constant 0 : i32
      %dma_wait3A_86 = tpu.memref_slice %arg7[%arg0, %add3A_50, %dma_wait3A_85] : memref<2x10240x128xf32, #tpu.memory_space<hbm>> -> memref<1x64x128xf32, #tpu.memory_space<hbm>>
      %dma_wait3A_87 = tpu.memref_squeeze %dma_wait3A_86 : memref<1x64x128xf32, #tpu.memory_space<hbm>> -> memref<64x128xf32, #tpu.memory_space<hbm>>
      %dma_wait3A_88 = arith.constant 0 : i32
      %dma_wait3A_89 = tpu.memref_slice %arg7[%arg0, %add3A_50, %dma_wait3A_88] : memref<2x10240x128xf32, #tpu.memory_space<hbm>> -> memref<1x64x128xf32, #tpu.memory_space<hbm>>
      %dma_wait3A_90 = tpu.memref_squeeze %dma_wait3A_89 : memref<1x64x128xf32, #tpu.memory_space<hbm>> -> memref<64x128xf32, #tpu.memory_space<hbm>>
      tpu.wait_dma2 semaphore(%run_scoped3A : memref<!tpu.dma_semaphore, #tpu.memory_space<semaphore_mem>>) src(%arg11 : memref<64x128xf32, #tpu.memory_space<vmem>>) dst(%dma_wait3A_90 : memref<64x128xf32, #tpu.memory_space<hbm>>)
      tpu.yield
    }) : () -> ()
    %mul3A_51 = arith.constant 640 : i32
    %mul3A_52 = arith.muli %arg1, %mul3A_51 : i32
    %add3A_53 = arith.constant 192 : i32
    %add3A_54 = arith.addi %mul3A_52, %add3A_53 : i32
    "tpu.region"() ({
      %run_scoped3A = tpu.sem_alloc : memref<!tpu.dma_semaphore, #tpu.memory_space<semaphore_mem>>
      %dma_start3A_79 = arith.constant 0 : i32
      %dma_start3A_80 = tpu.memref_slice %arg15[%add3A_54, %dma_start3A_79] : memref<10240x128xf32, #tpu.memory_space<vmem_shared>> -> memref<64x128xf32, #tpu.memory_space<vmem_shared>>
      %dma_start3A_81 = arith.constant 0 : i32
      %dma_start3A_82 = tpu.memref_slice %arg15[%add3A_54, %dma_start3A_81] : memref<10240x128xf32, #tpu.memory_space<vmem_shared>> -> memref<64x128xf32, #tpu.memory_space<vmem_shared>>
      tpu.enqueue_dma source(%dma_start3A_82 : memref<64x128xf32, #tpu.memory_space<vmem_shared>>) target(%arg11 : memref<64x128xf32, #tpu.memory_space<vmem>>) target_semaphore(%run_scoped3A : memref<!tpu.dma_semaphore, #tpu.memory_space<semaphore_mem>>)
      %dma_wait3A_83 = arith.constant 0 : i32
      %dma_wait3A_84 = tpu.memref_slice %arg15[%add3A_54, %dma_wait3A_83] : memref<10240x128xf32, #tpu.memory_space<vmem_shared>> -> memref<64x128xf32, #tpu.memory_space<vmem_shared>>
      %dma_wait3A_85 = arith.constant 0 : i32
      %dma_wait3A_86 = tpu.memref_slice %arg15[%add3A_54, %dma_wait3A_85] : memref<10240x128xf32, #tpu.memory_space<vmem_shared>> -> memref<64x128xf32, #tpu.memory_space<vmem_shared>>
      tpu.wait_dma2 semaphore(%run_scoped3A : memref<!tpu.dma_semaphore, #tpu.memory_space<semaphore_mem>>) src(%dma_wait3A_86 : memref<64x128xf32, #tpu.memory_space<vmem_shared>>) dst(%arg11 : memref<64x128xf32, #tpu.memory_space<vmem>>)
      tpu.yield
    }) : () -> ()
    "tpu.region"() ({
      %run_scoped3A = tpu.sem_alloc : memref<!tpu.dma_semaphore, #tpu.memory_space<semaphore_mem>>
      %dma_start3A_79 = arith.constant 0 : i32
      %dma_start3A_80 = tpu.memref_slice %arg7[%arg0, %add3A_54, %dma_start3A_79] : memref<2x10240x128xf32, #tpu.memory_space<hbm>> -> memref<1x64x128xf32, #tpu.memory_space<hbm>>
      %dma_start3A_81 = tpu.memref_squeeze %dma_start3A_80 : memref<1x64x128xf32, #tpu.memory_space<hbm>> -> memref<64x128xf32, #tpu.memory_space<hbm>>
      %dma_start3A_82 = arith.constant 0 : i32
      %dma_start3A_83 = tpu.memref_slice %arg7[%arg0, %add3A_54, %dma_start3A_82] : memref<2x10240x128xf32, #tpu.memory_space<hbm>> -> memref<1x64x128xf32, #tpu.memory_space<hbm>>
      %dma_start3A_84 = tpu.memref_squeeze %dma_start3A_83 : memref<1x64x128xf32, #tpu.memory_space<hbm>> -> memref<64x128xf32, #tpu.memory_space<hbm>>
      tpu.enqueue_dma source(%arg11 : memref<64x128xf32, #tpu.memory_space<vmem>>) target(%dma_start3A_84 : memref<64x128xf32, #tpu.memory_space<hbm>>) target_semaphore(%run_scoped3A : memref<!tpu.dma_semaphore, #tpu.memory_space<semaphore_mem>>)
      %dma_wait3A_85 = arith.constant 0 : i32
      %dma_wait3A_86 = tpu.memref_slice %arg7[%arg0, %add3A_54, %dma_wait3A_85] : memref<2x10240x128xf32, #tpu.memory_space<hbm>> -> memref<1x64x128xf32, #tpu.memory_space<hbm>>
      %dma_wait3A_87 = tpu.memref_squeeze %dma_wait3A_86 : memref<1x64x128xf32, #tpu.memory_space<hbm>> -> memref<64x128xf32, #tpu.memory_space<hbm>>
      %dma_wait3A_88 = arith.constant 0 : i32
      %dma_wait3A_89 = tpu.memref_slice %arg7[%arg0, %add3A_54, %dma_wait3A_88] : memref<2x10240x128xf32, #tpu.memory_space<hbm>> -> memref<1x64x128xf32, #tpu.memory_space<hbm>>
      %dma_wait3A_90 = tpu.memref_squeeze %dma_wait3A_89 : memref<1x64x128xf32, #tpu.memory_space<hbm>> -> memref<64x128xf32, #tpu.memory_space<hbm>>
      tpu.wait_dma2 semaphore(%run_scoped3A : memref<!tpu.dma_semaphore, #tpu.memory_space<semaphore_mem>>) src(%arg11 : memref<64x128xf32, #tpu.memory_space<vmem>>) dst(%dma_wait3A_90 : memref<64x128xf32, #tpu.memory_space<hbm>>)
      tpu.yield
    }) : () -> ()
    %mul3A_55 = arith.constant 640 : i32
    %mul3A_56 = arith.muli %arg1, %mul3A_55 : i32
    %add3A_57 = arith.constant 256 : i32
    %add3A_58 = arith.addi %mul3A_56, %add3A_57 : i32
    "tpu.region"() ({
      %run_scoped3A = tpu.sem_alloc : memref<!tpu.dma_semaphore, #tpu.memory_space<semaphore_mem>>
      %dma_start3A_79 = arith.constant 0 : i32
      %dma_start3A_80 = tpu.memref_slice %arg15[%add3A_58, %dma_start3A_79] : memref<10240x128xf32, #tpu.memory_space<vmem_shared>> -> memref<64x128xf32, #tpu.memory_space<vmem_shared>>
      %dma_start3A_81 = arith.constant 0 : i32
      %dma_start3A_82 = tpu.memref_slice %arg15[%add3A_58, %dma_start3A_81] : memref<10240x128xf32, #tpu.memory_space<vmem_shared>> -> memref<64x128xf32, #tpu.memory_space<vmem_shared>>
      tpu.enqueue_dma source(%dma_start3A_82 : memref<64x128xf32, #tpu.memory_space<vmem_shared>>) target(%arg11 : memref<64x128xf32, #tpu.memory_space<vmem>>) target_semaphore(%run_scoped3A : memref<!tpu.dma_semaphore, #tpu.memory_space<semaphore_mem>>)
      %dma_wait3A_83 = arith.constant 0 : i32
      %dma_wait3A_84 = tpu.memref_slice %arg15[%add3A_58, %dma_wait3A_83] : memref<10240x128xf32, #tpu.memory_space<vmem_shared>> -> memref<64x128xf32, #tpu.memory_space<vmem_shared>>
      %dma_wait3A_85 = arith.constant 0 : i32
      %dma_wait3A_86 = tpu.memref_slice %arg15[%add3A_58, %dma_wait3A_85] : memref<10240x128xf32, #tpu.memory_space<vmem_shared>> -> memref<64x128xf32, #tpu.memory_space<vmem_shared>>
      tpu.wait_dma2 semaphore(%run_scoped3A : memref<!tpu.dma_semaphore, #tpu.memory_space<semaphore_mem>>) src(%dma_wait3A_86 : memref<64x128xf32, #tpu.memory_space<vmem_shared>>) dst(%arg11 : memref<64x128xf32, #tpu.memory_space<vmem>>)
      tpu.yield
    }) : () -> ()
    "tpu.region"() ({
      %run_scoped3A = tpu.sem_alloc : memref<!tpu.dma_semaphore, #tpu.memory_space<semaphore_mem>>
      %dma_start3A_79 = arith.constant 0 : i32
      %dma_start3A_80 = tpu.memref_slice %arg7[%arg0, %add3A_58, %dma_start3A_79] : memref<2x10240x128xf32, #tpu.memory_space<hbm>> -> memref<1x64x128xf32, #tpu.memory_space<hbm>>
      %dma_start3A_81 = tpu.memref_squeeze %dma_start3A_80 : memref<1x64x128xf32, #tpu.memory_space<hbm>> -> memref<64x128xf32, #tpu.memory_space<hbm>>
      %dma_start3A_82 = arith.constant 0 : i32
      %dma_start3A_83 = tpu.memref_slice %arg7[%arg0, %add3A_58, %dma_start3A_82] : memref<2x10240x128xf32, #tpu.memory_space<hbm>> -> memref<1x64x128xf32, #tpu.memory_space<hbm>>
      %dma_start3A_84 = tpu.memref_squeeze %dma_start3A_83 : memref<1x64x128xf32, #tpu.memory_space<hbm>> -> memref<64x128xf32, #tpu.memory_space<hbm>>
      tpu.enqueue_dma source(%arg11 : memref<64x128xf32, #tpu.memory_space<vmem>>) target(%dma_start3A_84 : memref<64x128xf32, #tpu.memory_space<hbm>>) target_semaphore(%run_scoped3A : memref<!tpu.dma_semaphore, #tpu.memory_space<semaphore_mem>>)
      %dma_wait3A_85 = arith.constant 0 : i32
      %dma_wait3A_86 = tpu.memref_slice %arg7[%arg0, %add3A_58, %dma_wait3A_85] : memref<2x10240x128xf32, #tpu.memory_space<hbm>> -> memref<1x64x128xf32, #tpu.memory_space<hbm>>
      %dma_wait3A_87 = tpu.memref_squeeze %dma_wait3A_86 : memref<1x64x128xf32, #tpu.memory_space<hbm>> -> memref<64x128xf32, #tpu.memory_space<hbm>>
      %dma_wait3A_88 = arith.constant 0 : i32
      %dma_wait3A_89 = tpu.memref_slice %arg7[%arg0, %add3A_58, %dma_wait3A_88] : memref<2x10240x128xf32, #tpu.memory_space<hbm>> -> memref<1x64x128xf32, #tpu.memory_space<hbm>>
      %dma_wait3A_90 = tpu.memref_squeeze %dma_wait3A_89 : memref<1x64x128xf32, #tpu.memory_space<hbm>> -> memref<64x128xf32, #tpu.memory_space<hbm>>
      tpu.wait_dma2 semaphore(%run_scoped3A : memref<!tpu.dma_semaphore, #tpu.memory_space<semaphore_mem>>) src(%arg11 : memref<64x128xf32, #tpu.memory_space<vmem>>) dst(%dma_wait3A_90 : memref<64x128xf32, #tpu.memory_space<hbm>>)
      tpu.yield
    }) : () -> ()
    %mul3A_59 = arith.constant 640 : i32
    %mul3A_60 = arith.muli %arg1, %mul3A_59 : i32
    %add3A_61 = arith.constant 320 : i32
    %add3A_62 = arith.addi %mul3A_60, %add3A_61 : i32
    "tpu.region"() ({
      %run_scoped3A = tpu.sem_alloc : memref<!tpu.dma_semaphore, #tpu.memory_space<semaphore_mem>>
      %dma_start3A_79 = arith.constant 0 : i32
      %dma_start3A_80 = tpu.memref_slice %arg15[%add3A_62, %dma_start3A_79] : memref<10240x128xf32, #tpu.memory_space<vmem_shared>> -> memref<64x128xf32, #tpu.memory_space<vmem_shared>>
      %dma_start3A_81 = arith.constant 0 : i32
      %dma_start3A_82 = tpu.memref_slice %arg15[%add3A_62, %dma_start3A_81] : memref<10240x128xf32, #tpu.memory_space<vmem_shared>> -> memref<64x128xf32, #tpu.memory_space<vmem_shared>>
      tpu.enqueue_dma source(%dma_start3A_82 : memref<64x128xf32, #tpu.memory_space<vmem_shared>>) target(%arg11 : memref<64x128xf32, #tpu.memory_space<vmem>>) target_semaphore(%run_scoped3A : memref<!tpu.dma_semaphore, #tpu.memory_space<semaphore_mem>>)
      %dma_wait3A_83 = arith.constant 0 : i32
      %dma_wait3A_84 = tpu.memref_slice %arg15[%add3A_62, %dma_wait3A_83] : memref<10240x128xf32, #tpu.memory_space<vmem_shared>> -> memref<64x128xf32, #tpu.memory_space<vmem_shared>>
      %dma_wait3A_85 = arith.constant 0 : i32
      %dma_wait3A_86 = tpu.memref_slice %arg15[%add3A_62, %dma_wait3A_85] : memref<10240x128xf32, #tpu.memory_space<vmem_shared>> -> memref<64x128xf32, #tpu.memory_space<vmem_shared>>
      tpu.wait_dma2 semaphore(%run_scoped3A : memref<!tpu.dma_semaphore, #tpu.memory_space<semaphore_mem>>) src(%dma_wait3A_86 : memref<64x128xf32, #tpu.memory_space<vmem_shared>>) dst(%arg11 : memref<64x128xf32, #tpu.memory_space<vmem>>)
      tpu.yield
    }) : () -> ()
    "tpu.region"() ({
      %run_scoped3A = tpu.sem_alloc : memref<!tpu.dma_semaphore, #tpu.memory_space<semaphore_mem>>
      %dma_start3A_79 = arith.constant 0 : i32
      %dma_start3A_80 = tpu.memref_slice %arg7[%arg0, %add3A_62, %dma_start3A_79] : memref<2x10240x128xf32, #tpu.memory_space<hbm>> -> memref<1x64x128xf32, #tpu.memory_space<hbm>>
      %dma_start3A_81 = tpu.memref_squeeze %dma_start3A_80 : memref<1x64x128xf32, #tpu.memory_space<hbm>> -> memref<64x128xf32, #tpu.memory_space<hbm>>
      %dma_start3A_82 = arith.constant 0 : i32
      %dma_start3A_83 = tpu.memref_slice %arg7[%arg0, %add3A_62, %dma_start3A_82] : memref<2x10240x128xf32, #tpu.memory_space<hbm>> -> memref<1x64x128xf32, #tpu.memory_space<hbm>>
      %dma_start3A_84 = tpu.memref_squeeze %dma_start3A_83 : memref<1x64x128xf32, #tpu.memory_space<hbm>> -> memref<64x128xf32, #tpu.memory_space<hbm>>
      tpu.enqueue_dma source(%arg11 : memref<64x128xf32, #tpu.memory_space<vmem>>) target(%dma_start3A_84 : memref<64x128xf32, #tpu.memory_space<hbm>>) target_semaphore(%run_scoped3A : memref<!tpu.dma_semaphore, #tpu.memory_space<semaphore_mem>>)
      %dma_wait3A_85 = arith.constant 0 : i32
      %dma_wait3A_86 = tpu.memref_slice %arg7[%arg0, %add3A_62, %dma_wait3A_85] : memref<2x10240x128xf32, #tpu.memory_space<hbm>> -> memref<1x64x128xf32, #tpu.memory_space<hbm>>
      %dma_wait3A_87 = tpu.memref_squeeze %dma_wait3A_86 : memref<1x64x128xf32, #tpu.memory_space<hbm>> -> memref<64x128xf32, #tpu.memory_space<hbm>>
      %dma_wait3A_88 = arith.constant 0 : i32
      %dma_wait3A_89 = tpu.memref_slice %arg7[%arg0, %add3A_62, %dma_wait3A_88] : memref<2x10240x128xf32, #tpu.memory_space<hbm>> -> memref<1x64x128xf32, #tpu.memory_space<hbm>>
      %dma_wait3A_90 = tpu.memref_squeeze %dma_wait3A_89 : memref<1x64x128xf32, #tpu.memory_space<hbm>> -> memref<64x128xf32, #tpu.memory_space<hbm>>
      tpu.wait_dma2 semaphore(%run_scoped3A : memref<!tpu.dma_semaphore, #tpu.memory_space<semaphore_mem>>) src(%arg11 : memref<64x128xf32, #tpu.memory_space<vmem>>) dst(%dma_wait3A_90 : memref<64x128xf32, #tpu.memory_space<hbm>>)
      tpu.yield
    }) : () -> ()
    %mul3A_63 = arith.constant 640 : i32
    %mul3A_64 = arith.muli %arg1, %mul3A_63 : i32
    %add3A_65 = arith.constant 384 : i32
    %add3A_66 = arith.addi %mul3A_64, %add3A_65 : i32
    "tpu.region"() ({
      %run_scoped3A = tpu.sem_alloc : memref<!tpu.dma_semaphore, #tpu.memory_space<semaphore_mem>>
      %dma_start3A_79 = arith.constant 0 : i32
      %dma_start3A_80 = tpu.memref_slice %arg15[%add3A_66, %dma_start3A_79] : memref<10240x128xf32, #tpu.memory_space<vmem_shared>> -> memref<64x128xf32, #tpu.memory_space<vmem_shared>>
      %dma_start3A_81 = arith.constant 0 : i32
      %dma_start3A_82 = tpu.memref_slice %arg15[%add3A_66, %dma_start3A_81] : memref<10240x128xf32, #tpu.memory_space<vmem_shared>> -> memref<64x128xf32, #tpu.memory_space<vmem_shared>>
      tpu.enqueue_dma source(%dma_start3A_82 : memref<64x128xf32, #tpu.memory_space<vmem_shared>>) target(%arg11 : memref<64x128xf32, #tpu.memory_space<vmem>>) target_semaphore(%run_scoped3A : memref<!tpu.dma_semaphore, #tpu.memory_space<semaphore_mem>>)
      %dma_wait3A_83 = arith.constant 0 : i32
      %dma_wait3A_84 = tpu.memref_slice %arg15[%add3A_66, %dma_wait3A_83] : memref<10240x128xf32, #tpu.memory_space<vmem_shared>> -> memref<64x128xf32, #tpu.memory_space<vmem_shared>>
      %dma_wait3A_85 = arith.constant 0 : i32
      %dma_wait3A_86 = tpu.memref_slice %arg15[%add3A_66, %dma_wait3A_85] : memref<10240x128xf32, #tpu.memory_space<vmem_shared>> -> memref<64x128xf32, #tpu.memory_space<vmem_shared>>
      tpu.wait_dma2 semaphore(%run_scoped3A : memref<!tpu.dma_semaphore, #tpu.memory_space<semaphore_mem>>) src(%dma_wait3A_86 : memref<64x128xf32, #tpu.memory_space<vmem_shared>>) dst(%arg11 : memref<64x128xf32, #tpu.memory_space<vmem>>)
      tpu.yield
    }) : () -> ()
    "tpu.region"() ({
      %run_scoped3A = tpu.sem_alloc : memref<!tpu.dma_semaphore, #tpu.memory_space<semaphore_mem>>
      %dma_start3A_79 = arith.constant 0 : i32
      %dma_start3A_80 = tpu.memref_slice %arg7[%arg0, %add3A_66, %dma_start3A_79] : memref<2x10240x128xf32, #tpu.memory_space<hbm>> -> memref<1x64x128xf32, #tpu.memory_space<hbm>>
      %dma_start3A_81 = tpu.memref_squeeze %dma_start3A_80 : memref<1x64x128xf32, #tpu.memory_space<hbm>> -> memref<64x128xf32, #tpu.memory_space<hbm>>
      %dma_start3A_82 = arith.constant 0 : i32
      %dma_start3A_83 = tpu.memref_slice %arg7[%arg0, %add3A_66, %dma_start3A_82] : memref<2x10240x128xf32, #tpu.memory_space<hbm>> -> memref<1x64x128xf32, #tpu.memory_space<hbm>>
      %dma_start3A_84 = tpu.memref_squeeze %dma_start3A_83 : memref<1x64x128xf32, #tpu.memory_space<hbm>> -> memref<64x128xf32, #tpu.memory_space<hbm>>
      tpu.enqueue_dma source(%arg11 : memref<64x128xf32, #tpu.memory_space<vmem>>) target(%dma_start3A_84 : memref<64x128xf32, #tpu.memory_space<hbm>>) target_semaphore(%run_scoped3A : memref<!tpu.dma_semaphore, #tpu.memory_space<semaphore_mem>>)
      %dma_wait3A_85 = arith.constant 0 : i32
      %dma_wait3A_86 = tpu.memref_slice %arg7[%arg0, %add3A_66, %dma_wait3A_85] : memref<2x10240x128xf32, #tpu.memory_space<hbm>> -> memref<1x64x128xf32, #tpu.memory_space<hbm>>
      %dma_wait3A_87 = tpu.memref_squeeze %dma_wait3A_86 : memref<1x64x128xf32, #tpu.memory_space<hbm>> -> memref<64x128xf32, #tpu.memory_space<hbm>>
      %dma_wait3A_88 = arith.constant 0 : i32
      %dma_wait3A_89 = tpu.memref_slice %arg7[%arg0, %add3A_66, %dma_wait3A_88] : memref<2x10240x128xf32, #tpu.memory_space<hbm>> -> memref<1x64x128xf32, #tpu.memory_space<hbm>>
      %dma_wait3A_90 = tpu.memref_squeeze %dma_wait3A_89 : memref<1x64x128xf32, #tpu.memory_space<hbm>> -> memref<64x128xf32, #tpu.memory_space<hbm>>
      tpu.wait_dma2 semaphore(%run_scoped3A : memref<!tpu.dma_semaphore, #tpu.memory_space<semaphore_mem>>) src(%arg11 : memref<64x128xf32, #tpu.memory_space<vmem>>) dst(%dma_wait3A_90 : memref<64x128xf32, #tpu.memory_space<hbm>>)
      tpu.yield
    }) : () -> ()
    %mul3A_67 = arith.constant 640 : i32
    %mul3A_68 = arith.muli %arg1, %mul3A_67 : i32
    %add3A_69 = arith.constant 448 : i32
    %add3A_70 = arith.addi %mul3A_68, %add3A_69 : i32
    "tpu.region"() ({
      %run_scoped3A = tpu.sem_alloc : memref<!tpu.dma_semaphore, #tpu.memory_space<semaphore_mem>>
      %dma_start3A_79 = arith.constant 0 : i32
      %dma_start3A_80 = tpu.memref_slice %arg15[%add3A_70, %dma_start3A_79] : memref<10240x128xf32, #tpu.memory_space<vmem_shared>> -> memref<64x128xf32, #tpu.memory_space<vmem_shared>>
      %dma_start3A_81 = arith.constant 0 : i32
      %dma_start3A_82 = tpu.memref_slice %arg15[%add3A_70, %dma_start3A_81] : memref<10240x128xf32, #tpu.memory_space<vmem_shared>> -> memref<64x128xf32, #tpu.memory_space<vmem_shared>>
      tpu.enqueue_dma source(%dma_start3A_82 : memref<64x128xf32, #tpu.memory_space<vmem_shared>>) target(%arg11 : memref<64x128xf32, #tpu.memory_space<vmem>>) target_semaphore(%run_scoped3A : memref<!tpu.dma_semaphore, #tpu.memory_space<semaphore_mem>>)
      %dma_wait3A_83 = arith.constant 0 : i32
      %dma_wait3A_84 = tpu.memref_slice %arg15[%add3A_70, %dma_wait3A_83] : memref<10240x128xf32, #tpu.memory_space<vmem_shared>> -> memref<64x128xf32, #tpu.memory_space<vmem_shared>>
      %dma_wait3A_85 = arith.constant 0 : i32
      %dma_wait3A_86 = tpu.memref_slice %arg15[%add3A_70, %dma_wait3A_85] : memref<10240x128xf32, #tpu.memory_space<vmem_shared>> -> memref<64x128xf32, #tpu.memory_space<vmem_shared>>
      tpu.wait_dma2 semaphore(%run_scoped3A : memref<!tpu.dma_semaphore, #tpu.memory_space<semaphore_mem>>) src(%dma_wait3A_86 : memref<64x128xf32, #tpu.memory_space<vmem_shared>>) dst(%arg11 : memref<64x128xf32, #tpu.memory_space<vmem>>)
      tpu.yield
    }) : () -> ()
    "tpu.region"() ({
      %run_scoped3A = tpu.sem_alloc : memref<!tpu.dma_semaphore, #tpu.memory_space<semaphore_mem>>
      %dma_start3A_79 = arith.constant 0 : i32
      %dma_start3A_80 = tpu.memref_slice %arg7[%arg0, %add3A_70, %dma_start3A_79] : memref<2x10240x128xf32, #tpu.memory_space<hbm>> -> memref<1x64x128xf32, #tpu.memory_space<hbm>>
      %dma_start3A_81 = tpu.memref_squeeze %dma_start3A_80 : memref<1x64x128xf32, #tpu.memory_space<hbm>> -> memref<64x128xf32, #tpu.memory_space<hbm>>
      %dma_start3A_82 = arith.constant 0 : i32
      %dma_start3A_83 = tpu.memref_slice %arg7[%arg0, %add3A_70, %dma_start3A_82] : memref<2x10240x128xf32, #tpu.memory_space<hbm>> -> memref<1x64x128xf32, #tpu.memory_space<hbm>>
      %dma_start3A_84 = tpu.memref_squeeze %dma_start3A_83 : memref<1x64x128xf32, #tpu.memory_space<hbm>> -> memref<64x128xf32, #tpu.memory_space<hbm>>
      tpu.enqueue_dma source(%arg11 : memref<64x128xf32, #tpu.memory_space<vmem>>) target(%dma_start3A_84 : memref<64x128xf32, #tpu.memory_space<hbm>>) target_semaphore(%run_scoped3A : memref<!tpu.dma_semaphore, #tpu.memory_space<semaphore_mem>>)
      %dma_wait3A_85 = arith.constant 0 : i32
      %dma_wait3A_86 = tpu.memref_slice %arg7[%arg0, %add3A_70, %dma_wait3A_85] : memref<2x10240x128xf32, #tpu.memory_space<hbm>> -> memref<1x64x128xf32, #tpu.memory_space<hbm>>
      %dma_wait3A_87 = tpu.memref_squeeze %dma_wait3A_86 : memref<1x64x128xf32, #tpu.memory_space<hbm>> -> memref<64x128xf32, #tpu.memory_space<hbm>>
      %dma_wait3A_88 = arith.constant 0 : i32
      %dma_wait3A_89 = tpu.memref_slice %arg7[%arg0, %add3A_70, %dma_wait3A_88] : memref<2x10240x128xf32, #tpu.memory_space<hbm>> -> memref<1x64x128xf32, #tpu.memory_space<hbm>>
      %dma_wait3A_90 = tpu.memref_squeeze %dma_wait3A_89 : memref<1x64x128xf32, #tpu.memory_space<hbm>> -> memref<64x128xf32, #tpu.memory_space<hbm>>
      tpu.wait_dma2 semaphore(%run_scoped3A : memref<!tpu.dma_semaphore, #tpu.memory_space<semaphore_mem>>) src(%arg11 : memref<64x128xf32, #tpu.memory_space<vmem>>) dst(%dma_wait3A_90 : memref<64x128xf32, #tpu.memory_space<hbm>>)
      tpu.yield
    }) : () -> ()
    %mul3A_71 = arith.constant 640 : i32
    %mul3A_72 = arith.muli %arg1, %mul3A_71 : i32
    %add3A_73 = arith.constant 512 : i32
    %add3A_74 = arith.addi %mul3A_72, %add3A_73 : i32
    "tpu.region"() ({
      %run_scoped3A = tpu.sem_alloc : memref<!tpu.dma_semaphore, #tpu.memory_space<semaphore_mem>>
      %dma_start3A_79 = arith.constant 0 : i32
      %dma_start3A_80 = tpu.memref_slice %arg15[%add3A_74, %dma_start3A_79] : memref<10240x128xf32, #tpu.memory_space<vmem_shared>> -> memref<64x128xf32, #tpu.memory_space<vmem_shared>>
      %dma_start3A_81 = arith.constant 0 : i32
      %dma_start3A_82 = tpu.memref_slice %arg15[%add3A_74, %dma_start3A_81] : memref<10240x128xf32, #tpu.memory_space<vmem_shared>> -> memref<64x128xf32, #tpu.memory_space<vmem_shared>>
      tpu.enqueue_dma source(%dma_start3A_82 : memref<64x128xf32, #tpu.memory_space<vmem_shared>>) target(%arg11 : memref<64x128xf32, #tpu.memory_space<vmem>>) target_semaphore(%run_scoped3A : memref<!tpu.dma_semaphore, #tpu.memory_space<semaphore_mem>>)
      %dma_wait3A_83 = arith.constant 0 : i32
      %dma_wait3A_84 = tpu.memref_slice %arg15[%add3A_74, %dma_wait3A_83] : memref<10240x128xf32, #tpu.memory_space<vmem_shared>> -> memref<64x128xf32, #tpu.memory_space<vmem_shared>>
      %dma_wait3A_85 = arith.constant 0 : i32
      %dma_wait3A_86 = tpu.memref_slice %arg15[%add3A_74, %dma_wait3A_85] : memref<10240x128xf32, #tpu.memory_space<vmem_shared>> -> memref<64x128xf32, #tpu.memory_space<vmem_shared>>
      tpu.wait_dma2 semaphore(%run_scoped3A : memref<!tpu.dma_semaphore, #tpu.memory_space<semaphore_mem>>) src(%dma_wait3A_86 : memref<64x128xf32, #tpu.memory_space<vmem_shared>>) dst(%arg11 : memref<64x128xf32, #tpu.memory_space<vmem>>)
      tpu.yield
    }) : () -> ()
    "tpu.region"() ({
      %run_scoped3A = tpu.sem_alloc : memref<!tpu.dma_semaphore, #tpu.memory_space<semaphore_mem>>
      %dma_start3A_79 = arith.constant 0 : i32
      %dma_start3A_80 = tpu.memref_slice %arg7[%arg0, %add3A_74, %dma_start3A_79] : memref<2x10240x128xf32, #tpu.memory_space<hbm>> -> memref<1x64x128xf32, #tpu.memory_space<hbm>>
      %dma_start3A_81 = tpu.memref_squeeze %dma_start3A_80 : memref<1x64x128xf32, #tpu.memory_space<hbm>> -> memref<64x128xf32, #tpu.memory_space<hbm>>
      %dma_start3A_82 = arith.constant 0 : i32
      %dma_start3A_83 = tpu.memref_slice %arg7[%arg0, %add3A_74, %dma_start3A_82] : memref<2x10240x128xf32, #tpu.memory_space<hbm>> -> memref<1x64x128xf32, #tpu.memory_space<hbm>>
      %dma_start3A_84 = tpu.memref_squeeze %dma_start3A_83 : memref<1x64x128xf32, #tpu.memory_space<hbm>> -> memref<64x128xf32, #tpu.memory_space<hbm>>
      tpu.enqueue_dma source(%arg11 : memref<64x128xf32, #tpu.memory_space<vmem>>) target(%dma_start3A_84 : memref<64x128xf32, #tpu.memory_space<hbm>>) target_semaphore(%run_scoped3A : memref<!tpu.dma_semaphore, #tpu.memory_space<semaphore_mem>>)
      %dma_wait3A_85 = arith.constant 0 : i32
      %dma_wait3A_86 = tpu.memref_slice %arg7[%arg0, %add3A_74, %dma_wait3A_85] : memref<2x10240x128xf32, #tpu.memory_space<hbm>> -> memref<1x64x128xf32, #tpu.memory_space<hbm>>
      %dma_wait3A_87 = tpu.memref_squeeze %dma_wait3A_86 : memref<1x64x128xf32, #tpu.memory_space<hbm>> -> memref<64x128xf32, #tpu.memory_space<hbm>>
      %dma_wait3A_88 = arith.constant 0 : i32
      %dma_wait3A_89 = tpu.memref_slice %arg7[%arg0, %add3A_74, %dma_wait3A_88] : memref<2x10240x128xf32, #tpu.memory_space<hbm>> -> memref<1x64x128xf32, #tpu.memory_space<hbm>>
      %dma_wait3A_90 = tpu.memref_squeeze %dma_wait3A_89 : memref<1x64x128xf32, #tpu.memory_space<hbm>> -> memref<64x128xf32, #tpu.memory_space<hbm>>
      tpu.wait_dma2 semaphore(%run_scoped3A : memref<!tpu.dma_semaphore, #tpu.memory_space<semaphore_mem>>) src(%arg11 : memref<64x128xf32, #tpu.memory_space<vmem>>) dst(%dma_wait3A_90 : memref<64x128xf32, #tpu.memory_space<hbm>>)
      tpu.yield
    }) : () -> ()
    %mul3A_75 = arith.constant 640 : i32
    %mul3A_76 = arith.muli %arg1, %mul3A_75 : i32
    %add3A_77 = arith.constant 576 : i32
    %add3A_78 = arith.addi %mul3A_76, %add3A_77 : i32
    "tpu.region"() ({
      %run_scoped3A = tpu.sem_alloc : memref<!tpu.dma_semaphore, #tpu.memory_space<semaphore_mem>>
      %dma_start3A_79 = arith.constant 0 : i32
      %dma_start3A_80 = tpu.memref_slice %arg15[%add3A_78, %dma_start3A_79] : memref<10240x128xf32, #tpu.memory_space<vmem_shared>> -> memref<64x128xf32, #tpu.memory_space<vmem_shared>>
      %dma_start3A_81 = arith.constant 0 : i32
      %dma_start3A_82 = tpu.memref_slice %arg15[%add3A_78, %dma_start3A_81] : memref<10240x128xf32, #tpu.memory_space<vmem_shared>> -> memref<64x128xf32, #tpu.memory_space<vmem_shared>>
      tpu.enqueue_dma source(%dma_start3A_82 : memref<64x128xf32, #tpu.memory_space<vmem_shared>>) target(%arg11 : memref<64x128xf32, #tpu.memory_space<vmem>>) target_semaphore(%run_scoped3A : memref<!tpu.dma_semaphore, #tpu.memory_space<semaphore_mem>>)
      %dma_wait3A_83 = arith.constant 0 : i32
      %dma_wait3A_84 = tpu.memref_slice %arg15[%add3A_78, %dma_wait3A_83] : memref<10240x128xf32, #tpu.memory_space<vmem_shared>> -> memref<64x128xf32, #tpu.memory_space<vmem_shared>>
      %dma_wait3A_85 = arith.constant 0 : i32
      %dma_wait3A_86 = tpu.memref_slice %arg15[%add3A_78, %dma_wait3A_85] : memref<10240x128xf32, #tpu.memory_space<vmem_shared>> -> memref<64x128xf32, #tpu.memory_space<vmem_shared>>
      tpu.wait_dma2 semaphore(%run_scoped3A : memref<!tpu.dma_semaphore, #tpu.memory_space<semaphore_mem>>) src(%dma_wait3A_86 : memref<64x128xf32, #tpu.memory_space<vmem_shared>>) dst(%arg11 : memref<64x128xf32, #tpu.memory_space<vmem>>)
      tpu.yield
    }) : () -> ()
    "tpu.region"() ({
      %run_scoped3A = tpu.sem_alloc : memref<!tpu.dma_semaphore, #tpu.memory_space<semaphore_mem>>
      %dma_start3A_79 = arith.constant 0 : i32
      %dma_start3A_80 = tpu.memref_slice %arg7[%arg0, %add3A_78, %dma_start3A_79] : memref<2x10240x128xf32, #tpu.memory_space<hbm>> -> memref<1x64x128xf32, #tpu.memory_space<hbm>>
      %dma_start3A_81 = tpu.memref_squeeze %dma_start3A_80 : memref<1x64x128xf32, #tpu.memory_space<hbm>> -> memref<64x128xf32, #tpu.memory_space<hbm>>
      %dma_start3A_82 = arith.constant 0 : i32
      %dma_start3A_83 = tpu.memref_slice %arg7[%arg0, %add3A_78, %dma_start3A_82] : memref<2x10240x128xf32, #tpu.memory_space<hbm>> -> memref<1x64x128xf32, #tpu.memory_space<hbm>>
      %dma_start3A_84 = tpu.memref_squeeze %dma_start3A_83 : memref<1x64x128xf32, #tpu.memory_space<hbm>> -> memref<64x128xf32, #tpu.memory_space<hbm>>
      tpu.enqueue_dma source(%arg11 : memref<64x128xf32, #tpu.memory_space<vmem>>) target(%dma_start3A_84 : memref<64x128xf32, #tpu.memory_space<hbm>>) target_semaphore(%run_scoped3A : memref<!tpu.dma_semaphore, #tpu.memory_space<semaphore_mem>>)
      %dma_wait3A_85 = arith.constant 0 : i32
      %dma_wait3A_86 = tpu.memref_slice %arg7[%arg0, %add3A_78, %dma_wait3A_85] : memref<2x10240x128xf32, #tpu.memory_space<hbm>> -> memref<1x64x128xf32, #tpu.memory_space<hbm>>
      %dma_wait3A_87 = tpu.memref_squeeze %dma_wait3A_86 : memref<1x64x128xf32, #tpu.memory_space<hbm>> -> memref<64x128xf32, #tpu.memory_space<hbm>>
      %dma_wait3A_88 = arith.constant 0 : i32
      %dma_wait3A_89 = tpu.memref_slice %arg7[%arg0, %add3A_78, %dma_wait3A_88] : memref<2x10240x128xf32, #tpu.memory_space<hbm>> -> memref<1x64x128xf32, #tpu.memory_space<hbm>>
      %dma_wait3A_90 = tpu.memref_squeeze %dma_wait3A_89 : memref<1x64x128xf32, #tpu.memory_space<hbm>> -> memref<64x128xf32, #tpu.memory_space<hbm>>
      tpu.wait_dma2 semaphore(%run_scoped3A : memref<!tpu.dma_semaphore, #tpu.memory_space<semaphore_mem>>) src(%arg11 : memref<64x128xf32, #tpu.memory_space<vmem>>) dst(%dma_wait3A_90 : memref<64x128xf32, #tpu.memory_space<hbm>>)
      tpu.yield
    }) : () -> ()
    return
  }
}

module attributes {stable_mosaic.version = 14 : i64} {
  func.func @body(%arg0: i32, %arg1: memref<256x128xf32, #tpu.memory_space<vmem>>, %arg2: memref<128x128xf32, #tpu.memory_space<vmem>>, %arg3: memref<32x256xf32, #tpu.memory_space<vmem>>, %arg4: memref<256x128xf32, #tpu.memory_space<vmem>>, %arg5: memref<1x256xf32, #tpu.memory_space<vmem>>) attributes {dimension_semantics = [#tpu.dimension_semantics<arbitrary>], iteration_bounds = array<i64: 40>, scalar_prefetch = 0 : i64, scratch_operands = 0 : i64, tpu.core_type = #tpu.core_type<tc>, window_params = [{transform_indices = @transform_0, window_bounds = array<i64: 256, 128>}, {pipeline_mode = #tpu.pipeline_mode<synchronous>, transform_indices = @transform_1, window_bounds = array<i64: 128, 128>}, {transform_indices = @transform_2, window_bounds = array<i64: 32, 256>}, {transform_indices = @transform_3, window_bounds = array<i64: 256, 128>}, {transform_indices = @transform_4, window_bounds = array<i64: 1, 256>}]} {
    %get3A = arith.constant 0 : index
    %get3A_0 = arith.constant 0 : index
    %get3A_1 = vector.load %arg3[%get3A, %get3A_0] : memref<32x256xf32, #tpu.memory_space<vmem>>, vector<32x256xf32>
    %reduce_sum3A = arith.constant dense<0.000000e+00> : vector<256xf32>
    %reduce_sum3A_2 = vector.multi_reduction <add>, %get3A_1, %reduce_sum3A [0] : vector<32x256xf32> to vector<256xf32>
    %add3A = arith.constant 1.000000e+00 : f32
    %add3A_3 = vector.broadcast %add3A : f32 to vector<256xf32>
    %add3A_4 = arith.addf %reduce_sum3A_2, %add3A_3 : vector<256xf32>
    %gt3A = arith.constant 0.000000e+00 : f32
    %gt3A_5 = vector.broadcast %gt3A : f32 to vector<256xf32>
    %gt3A_6 = arith.cmpf ogt, %add3A_4, %gt3A_5 : vector<256xf32>
    %rsqrt3A = math.rsqrt %add3A_4 : vector<256xf32>
    %jit3A = arith.constant 0.000000e+00 : f32
    %broadcast_in_dim3A = vector.broadcast %jit3A : f32 to vector<256xf32>
    %select_n3A = arith.select %gt3A_6, %rsqrt3A, %broadcast_in_dim3A : vector<256xi1>, vector<256xf32>
    %get3A_7 = arith.constant 0 : index
    %get3A_8 = arith.constant 0 : index
    %get3A_9 = vector.load %arg1[%get3A_7, %get3A_8] : memref<256x128xf32, #tpu.memory_space<vmem>>, vector<256x128xf32>
    %get3A_10 = arith.constant 0 : index
    %get3A_11 = arith.constant 0 : index
    %get3A_12 = vector.load %arg2[%get3A_10, %get3A_11] : memref<128x128xf32, #tpu.memory_space<vmem>>, vector<128x128xf32>
    %dot_general3A = arith.constant dense<0.000000e+00> : vector<256x128xf32>
    %dot_general3A_13 = tpu.matmul %get3A_9, %get3A_12, %dot_general3A {dimension_numbers = #tpu.dot_dimension_numbers<[1], [0], [0], [1], [0, 0, 1, 1], [], []>, transpose_lhs_hint = false} : vector<256x128xf32>, vector<128x128xf32>, vector<256x128xf32> -> vector<256x128xf32>
    %broadcast_in_dim3A_14 = vector.shape_cast %select_n3A : vector<256xf32> to vector<256x1xf32>
    %mul3A = vector.broadcast %broadcast_in_dim3A_14 : vector<256x1xf32> to vector<256x128xf32>
    %mul3A_15 = arith.mulf %dot_general3A_13, %mul3A : vector<256x128xf32>
    %swap3A = arith.constant 0 : index
    %swap3A_16 = arith.constant 0 : index
    %swap3A_17 = vector.load %arg4[%swap3A, %swap3A_16] : memref<256x128xf32, #tpu.memory_space<vmem>>, vector<256x128xf32>
    tpu.vector_store %arg4[%swap3A, %swap3A_16], %mul3A_15 {strides = array<i32>} : memref<256x128xf32, #tpu.memory_space<vmem>>, vector<256x128xf32>,
    %broadcast_in_dim3A_18 = vector.shape_cast %select_n3A : vector<256xf32> to vector<1x256xf32>
    %swap3A_19 = arith.constant 0 : index
    %swap3A_20 = arith.constant 0 : index
    %swap3A_21 = vector.load %arg5[%swap3A_19, %swap3A_20] : memref<1x256xf32, #tpu.memory_space<vmem>>, vector<1x256xf32>
    tpu.vector_store %arg5[%swap3A_19, %swap3A_20], %broadcast_in_dim3A_18 {strides = array<i32>} : memref<1x256xf32, #tpu.memory_space<vmem>>, vector<1x256xf32>,
    return
  }
  func.func @transform_0(%arg0: i32) -> (i32, i32) {
    %c0_i32 = arith.constant 0 : i32
    %c0_i32_0 = arith.constant 0 : i32
    return %arg0, %c0_i32 : i32, i32
  }
  func.func @transform_1(%arg0: i32) -> (i32, i32) {
    %c0_i32 = arith.constant 0 : i32
    %c0_i32_0 = arith.constant 0 : i32
    %c0_i32_1 = arith.constant 0 : i32
    return %c0_i32, %c0_i32_0 : i32, i32
  }
  func.func @transform_2(%arg0: i32) -> (i32, i32) {
    %c0_i32 = arith.constant 0 : i32
    %c0_i32_0 = arith.constant 0 : i32
    return %c0_i32, %arg0 : i32, i32
  }
  func.func @transform_3(%arg0: i32) -> (i32, i32) {
    %c0_i32 = arith.constant 0 : i32
    %c0_i32_0 = arith.constant 0 : i32
    return %arg0, %c0_i32 : i32, i32
  }
  func.func @transform_4(%arg0: i32) -> (i32, i32) {
    %c0_i32 = arith.constant 0 : i32
    %c0_i32_0 = arith.constant 0 : i32
    return %c0_i32, %arg0 : i32, i32
  }
}

module attributes {stable_mosaic.version = 14 : i64} {
  func.func @body(%arg0: i32, %arg1: memref<2x256x128xf32, #tpu.memory_space<vmem>>, %arg2: memref<256x128xf32, #tpu.memory_space<vmem>>, %arg3: memref<1x256xf32, #tpu.memory_space<vmem>>, %arg4: memref<1x128xf32, #tpu.memory_space<vmem>>, %arg5: memref<1x128xf32, #tpu.memory_space<vmem>>, %arg6: memref<1x256xf32, #tpu.memory_space<vmem>>) attributes {dimension_semantics = [#tpu.dimension_semantics<arbitrary>], iteration_bounds = array<i64: 40>, scalar_prefetch = 0 : i64, scratch_operands = 0 : i64, tpu.core_type = #tpu.core_type<tc>, window_params = [{transform_indices = @transform_0, window_bounds = array<i64: 2, 256, 128>}, {transform_indices = @transform_1, window_bounds = array<i64: 256, 128>}, {transform_indices = @transform_2, window_bounds = array<i64: 1, 256>}, {pipeline_mode = #tpu.pipeline_mode<synchronous>, transform_indices = @transform_3, window_bounds = array<i64: 1, 128>}, {pipeline_mode = #tpu.pipeline_mode<synchronous>, transform_indices = @transform_4, window_bounds = array<i64: 1, 128>}, {transform_indices = @transform_5, window_bounds = array<i64: 1, 256>}]} {
    %get3A = arith.constant 0 : index
    %get3A_0 = arith.constant 0 : index
    %get3A_1 = arith.constant 0 : index
    %get3A_2 = vector.load %arg1[%get3A, %get3A_0, %get3A_1] : memref<2x256x128xf32, #tpu.memory_space<vmem>>, vector<1x256x128xf32>
    %get3A_3 = vector.shape_cast %get3A_2 : vector<1x256x128xf32> to vector<256x128xf32>
    %get3A_4 = arith.constant 1 : index
    %get3A_5 = arith.constant 0 : index
    %get3A_6 = arith.constant 0 : index
    %get3A_7 = vector.load %arg1[%get3A_4, %get3A_5, %get3A_6] : memref<2x256x128xf32, #tpu.memory_space<vmem>>, vector<1x256x128xf32>
    %get3A_8 = vector.shape_cast %get3A_7 : vector<1x256x128xf32> to vector<256x128xf32>
    %add3A = arith.addf %get3A_3, %get3A_8 : vector<256x128xf32>
    %get3A_9 = arith.constant 0 : index
    %get3A_10 = arith.constant 0 : index
    %get3A_11 = vector.load %arg3[%get3A_9, %get3A_10] : memref<1x256xf32, #tpu.memory_space<vmem>>, vector<1x256xf32>
    %get3A_12 = vector.shape_cast %get3A_11 : vector<1x256xf32> to vector<256xf32>
    %broadcast_in_dim3A = vector.shape_cast %get3A_12 : vector<256xf32> to vector<256x1xf32>
    %get3A_13 = arith.constant 0 : index
    %get3A_14 = arith.constant 0 : index
    %get3A_15 = vector.load %arg2[%get3A_13, %get3A_14] : memref<256x128xf32, #tpu.memory_space<vmem>>, vector<256x128xf32>
    %add3A_16 = arith.addf %add3A, %get3A_15 : vector<256x128xf32>
    %mul3A = vector.broadcast %broadcast_in_dim3A : vector<256x1xf32> to vector<256x128xf32>
    %mul3A_17 = arith.mulf %mul3A, %add3A_16 : vector<256x128xf32>
    %get3A_18 = arith.constant 0 : index
    %get3A_19 = arith.constant 0 : index
    %get3A_20 = vector.load %arg4[%get3A_18, %get3A_19] : memref<1x128xf32, #tpu.memory_space<vmem>>, vector<1x128xf32>
    %get3A_21 = vector.shape_cast %get3A_20 : vector<1x128xf32> to vector<128xf32>
    %broadcast_in_dim3A_22 = vector.shape_cast %get3A_21 : vector<128xf32> to vector<1x128xf32>
    %add3A_23 = vector.broadcast %broadcast_in_dim3A_22 : vector<1x128xf32> to vector<256x128xf32>
    %add3A_24 = arith.addf %mul3A_17, %add3A_23 : vector<256x128xf32>
    %ge3A = arith.constant 0.000000e+00 : f32
    %ge3A_25 = vector.broadcast %ge3A : f32 to vector<256x128xf32>
    %ge3A_26 = arith.cmpf oge, %add3A_24, %ge3A_25 : vector<256x128xf32>
    %mul3A_27 = arith.constant 0.00999999977 : f32
    %mul3A_28 = vector.broadcast %mul3A_27 : f32 to vector<256x128xf32>
    %mul3A_29 = arith.mulf %mul3A_28, %add3A_24 : vector<256x128xf32>
    %select_n3A = arith.select %ge3A_26, %add3A_24, %mul3A_29 : vector<256x128xi1>, vector<256x128xf32>
    %get3A_30 = arith.constant 0 : index
    %get3A_31 = arith.constant 0 : index
    %get3A_32 = vector.load %arg5[%get3A_30, %get3A_31] : memref<1x128xf32, #tpu.memory_space<vmem>>, vector<1x128xf32>
    %get3A_33 = vector.shape_cast %get3A_32 : vector<1x128xf32> to vector<128xf32>
    %broadcast_in_dim3A_34 = vector.shape_cast %get3A_33 : vector<128xf32> to vector<1x128xf32>
    %mul3A_35 = vector.broadcast %broadcast_in_dim3A_34 : vector<1x128xf32> to vector<256x128xf32>
    %mul3A_36 = arith.mulf %select_n3A, %mul3A_35 : vector<256x128xf32>
    %reduce_sum3A = arith.constant dense<0.000000e+00> : vector<256xf32>
    %reduce_sum3A_37 = vector.multi_reduction <add>, %mul3A_36, %reduce_sum3A [1] : vector<256x128xf32> to vector<256xf32>
    %mul3A_38 = arith.mulf %get3A_12, %reduce_sum3A_37 : vector<256xf32>
    %broadcast_in_dim3A_39 = vector.shape_cast %mul3A_38 : vector<256xf32> to vector<1x256xf32>
    %swap3A = arith.constant 0 : index
    %swap3A_40 = arith.constant 0 : index
    %swap3A_41 = vector.load %arg6[%swap3A, %swap3A_40] : memref<1x256xf32, #tpu.memory_space<vmem>>, vector<1x256xf32>
    tpu.vector_store %arg6[%swap3A, %swap3A_40], %broadcast_in_dim3A_39 {strides = array<i32>} : memref<1x256xf32, #tpu.memory_space<vmem>>, vector<1x256xf32>,
    return
  }
  func.func @transform_0(%arg0: i32) -> (i32, i32, i32) {
    %c0_i32 = arith.constant 0 : i32
    %c0_i32_0 = arith.constant 0 : i32
    %c0_i32_1 = arith.constant 0 : i32
    return %c0_i32, %arg0, %c0_i32_0 : i32, i32, i32
  }
  func.func @transform_1(%arg0: i32) -> (i32, i32) {
    %c0_i32 = arith.constant 0 : i32
    %c0_i32_0 = arith.constant 0 : i32
    return %arg0, %c0_i32 : i32, i32
  }
  func.func @transform_2(%arg0: i32) -> (i32, i32) {
    %c0_i32 = arith.constant 0 : i32
    %c0_i32_0 = arith.constant 0 : i32
    return %c0_i32, %arg0 : i32, i32
  }
  func.func @transform_3(%arg0: i32) -> (i32, i32) {
    %c0_i32 = arith.constant 0 : i32
    %c0_i32_0 = arith.constant 0 : i32
    %c0_i32_1 = arith.constant 0 : i32
    return %c0_i32, %c0_i32_0 : i32, i32
  }
  func.func @transform_4(%arg0: i32) -> (i32, i32) {
    %c0_i32 = arith.constant 0 : i32
    %c0_i32_0 = arith.constant 0 : i32
    %c0_i32_1 = arith.constant 0 : i32
    return %c0_i32, %c0_i32_0 : i32, i32
  }
  func.func @transform_5(%arg0: i32) -> (i32, i32) {
    %c0_i32 = arith.constant 0 : i32
    %c0_i32_0 = arith.constant 0 : i32
    return %c0_i32, %arg0 : i32, i32
  }
}

module attributes {stable_mosaic.version = 14 : i64} {
  func.func @body(%arg0: i32, %arg1: memref<1x32x2000xf32, #tpu.memory_space<vmem>>, %arg2: memref<1x1x2000xf32, #tpu.memory_space<vmem>>, %arg3: memref<1x1x2000xf32, #tpu.memory_space<vmem>>, %arg4: memref<1x1xf32, #tpu.memory_space<vmem>>, %arg5: memref<2000x128xf32, #tpu.memory_space<vmem>>, %arg6: memref<1x128xf32, #tpu.memory_space<vmem>>, %arg7: memref<128x10xf32, #tpu.memory_space<vmem>>, %arg8: memref<1x10xf32, #tpu.memory_space<vmem>>, %arg9: memref<1x10xf32, #tpu.memory_space<vmem>>, %arg10: memref<8x128xf32, #tpu.memory_space<vmem>>) attributes {dimension_semantics = [#tpu.dimension_semantics<arbitrary>], iteration_bounds = array<i64: 5>, scalar_prefetch = 0 : i64, scratch_operands = 1 : i64, tpu.core_type = #tpu.core_type<tc>, window_params = [{transform_indices = @transform_0, window_bounds = array<i64: 1, 32, 2000>}, {transform_indices = @transform_1, window_bounds = array<i64: 1, 1, 2000>}, {transform_indices = @transform_2, window_bounds = array<i64: 1, 1, 2000>}, {pipeline_mode = #tpu.pipeline_mode<synchronous>, transform_indices = @transform_3, window_bounds = array<i64: 1, 1>}, {transform_indices = @transform_4, window_bounds = array<i64: 2000, 128>}, {pipeline_mode = #tpu.pipeline_mode<synchronous>, transform_indices = @transform_5, window_bounds = array<i64: 1, 128>}, {pipeline_mode = #tpu.pipeline_mode<synchronous>, transform_indices = @transform_6, window_bounds = array<i64: 128, 10>}, {pipeline_mode = #tpu.pipeline_mode<synchronous>, transform_indices = @transform_7, window_bounds = array<i64: 1, 10>}, {pipeline_mode = #tpu.pipeline_mode<synchronous>, transform_indices = @transform_8, window_bounds = array<i64: 1, 10>}]} {
    %get3A = arith.constant 0 : index
    %get3A_0 = arith.constant 0 : index
    %get3A_1 = arith.constant 0 : index
    %get3A_2 = vector.load %arg1[%get3A, %get3A_0, %get3A_1] : memref<1x32x2000xf32, #tpu.memory_space<vmem>>, vector<1x32x2000xf32>
    %get3A_3 = vector.shape_cast %get3A_2 : vector<1x32x2000xf32> to vector<32x2000xf32>
    %reduce_sum3A = arith.constant dense<0.000000e+00> : vector<2000xf32>
    %reduce_sum3A_4 = vector.multi_reduction <add>, %get3A_3, %reduce_sum3A [0] : vector<32x2000xf32> to vector<2000xf32>
    %get3A_5 = arith.constant 0 : index
    %get3A_6 = arith.constant 0 : index
    %get3A_7 = arith.constant 0 : index
    %get3A_8 = vector.load %arg3[%get3A_5, %get3A_6, %get3A_7] : memref<1x1x2000xf32, #tpu.memory_space<vmem>>, vector<1x1x2000xf32>
    %get3A_9 = vector.shape_cast %get3A_8 : vector<1x1x2000xf32> to vector<2000xf32>
    %get3A_10 = arith.constant 0 : index
    %get3A_11 = arith.constant 0 : index
    %get3A_12 = arith.constant 0 : index
    %get3A_13 = vector.load %arg2[%get3A_10, %get3A_11, %get3A_12] : memref<1x1x2000xf32, #tpu.memory_space<vmem>>, vector<1x1x2000xf32>
    %get3A_14 = vector.shape_cast %get3A_13 : vector<1x1x2000xf32> to vector<2000xf32>
    %add3A = arith.addf %reduce_sum3A_4, %get3A_14 : vector<2000xf32>
    %mul3A = arith.mulf %get3A_9, %add3A : vector<2000xf32>
    %get3A_15 = arith.constant 0 : index
    %get3A_16 = arith.constant 0 : index
    %get3A_17 = vector.load %arg4[%get3A_15, %get3A_16] : memref<1x1xf32, #tpu.memory_space<vmem>>, vector<1x1xf32>
    %get3A_18 = vector.extract %get3A_17[0, 0] : f32 from vector<1x1xf32>
    %add3A_19 = vector.broadcast %get3A_18 : f32 to vector<2000xf32>
    %add3A_20 = arith.addf %mul3A, %add3A_19 : vector<2000xf32>
    %ge3A = arith.constant 0.000000e+00 : f32
    %ge3A_21 = vector.broadcast %ge3A : f32 to vector<2000xf32>
    %ge3A_22 = arith.cmpf oge, %add3A_20, %ge3A_21 : vector<2000xf32>
    %mul3A_23 = arith.constant 0.00999999977 : f32
    %mul3A_24 = vector.broadcast %mul3A_23 : f32 to vector<2000xf32>
    %mul3A_25 = arith.mulf %mul3A_24, %add3A_20 : vector<2000xf32>
    %select_n3A = arith.select %ge3A_22, %add3A_20, %mul3A_25 : vector<2000xi1>, vector<2000xf32>
    %broadcast_in_dim3A = vector.shape_cast %select_n3A : vector<2000xf32> to vector<1x2000xf32>
    %get3A_26 = arith.constant 0 : index
    %get3A_27 = arith.constant 0 : index
    %get3A_28 = vector.load %arg5[%get3A_26, %get3A_27] : memref<2000x128xf32, #tpu.memory_space<vmem>>, vector<2000x128xf32>
    %dot_general3A = arith.constant dense<0.000000e+00> : vector<1x128xf32>
    %dot_general3A_29 = tpu.matmul %broadcast_in_dim3A, %get3A_28, %dot_general3A {dimension_numbers = #tpu.dot_dimension_numbers<[1], [0], [0], [1], [0, 0, 1, 1], [], []>, transpose_lhs_hint = false} : vector<1x2000xf32>, vector<2000x128xf32>, vector<1x128xf32> -> vector<1x128xf32>
    %eq3A = arith.constant 0 : i32
    %eq3A_30 = arith.cmpi eq, %arg0, %eq3A : i32
    %convert_element_type3A = arith.extui %eq3A_30 : i1 to i32
    %cond3A = arith.constant 0 : i32
    %cond3A_31 = arith.cmpi ne, %convert_element_type3A, %cond3A : i32
    scf.if %cond3A_31 {
      %swap3A = arith.constant 0 : index
      %swap3A_41 = arith.constant 0 : index
      %swap3A_42 = vector.load %arg10[%swap3A, %swap3A_41] : memref<8x128xf32, #tpu.memory_space<vmem>>, vector<1x128xf32>
      tpu.vector_store %arg10[%swap3A, %swap3A_41], %dot_general3A_29 {strides = array<i32>} : memref<8x128xf32, #tpu.memory_space<vmem>>, vector<1x128xf32>,
    } else {
    }
    %gt3A = arith.constant 0 : i32
    %gt3A_32 = arith.cmpi sgt, %arg0, %gt3A : i32
    %convert_element_type3A_33 = arith.extui %gt3A_32 : i1 to i32
    %cond3A_34 = arith.constant 0 : i32
    %cond3A_35 = arith.cmpi ne, %convert_element_type3A_33, %cond3A_34 : i32
    scf.if %cond3A_35 {
      %get3A_41 = arith.constant 0 : index
      %get3A_42 = arith.constant 0 : index
      %get3A_43 = vector.load %arg10[%get3A_41, %get3A_42] : memref<8x128xf32, #tpu.memory_space<vmem>>, vector<1x128xf32>
      %add3A_44 = arith.addf %get3A_43, %dot_general3A_29 : vector<1x128xf32>
      %swap3A = arith.constant 0 : index
      %swap3A_45 = arith.constant 0 : index
      %swap3A_46 = vector.load %arg10[%swap3A, %swap3A_45] : memref<8x128xf32, #tpu.memory_space<vmem>>, vector<1x128xf32>
      tpu.vector_store %arg10[%swap3A, %swap3A_45], %add3A_44 {strides = array<i32>} : memref<8x128xf32, #tpu.memory_space<vmem>>, vector<1x128xf32>,
    } else {
    }
    %eq3A_36 = arith.constant 4 : i32
    %eq3A_37 = arith.cmpi eq, %arg0, %eq3A_36 : i32
    %convert_element_type3A_38 = arith.extui %eq3A_37 : i1 to i32
    %cond3A_39 = arith.constant 0 : i32
    %cond3A_40 = arith.cmpi ne, %convert_element_type3A_38, %cond3A_39 : i32
    scf.if %cond3A_40 {
      %get3A_41 = arith.constant 0 : index
      %get3A_42 = arith.constant 0 : index
      %get3A_43 = vector.load %arg10[%get3A_41, %get3A_42] : memref<8x128xf32, #tpu.memory_space<vmem>>, vector<1x128xf32>
      %get3A_44 = arith.constant 0 : index
      %get3A_45 = arith.constant 0 : index
      %get3A_46 = vector.load %arg6[%get3A_44, %get3A_45] : memref<1x128xf32, #tpu.memory_space<vmem>>, vector<1x128xf32>
      %add3A_47 = arith.addf %get3A_43, %get3A_46 : vector<1x128xf32>
      %ge3A_48 = arith.constant 0.000000e+00 : f32
      %ge3A_49 = vector.broadcast %ge3A_48 : f32 to vector<1x128xf32>
      %ge3A_50 = arith.cmpf oge, %add3A_47, %ge3A_49 : vector<1x128xf32>
      %mul3A_51 = arith.constant 0.00999999977 : f32
      %mul3A_52 = vector.broadcast %mul3A_51 : f32 to vector<1x128xf32>
      %mul3A_53 = arith.mulf %mul3A_52, %add3A_47 : vector<1x128xf32>
      %select_n3A_54 = arith.select %ge3A_50, %add3A_47, %mul3A_53 : vector<1x128xi1>, vector<1x128xf32>
      %get3A_55 = arith.constant 0 : index
      %get3A_56 = arith.constant 0 : index
      %get3A_57 = vector.load %arg7[%get3A_55, %get3A_56] : memref<128x10xf32, #tpu.memory_space<vmem>>, vector<128x10xf32>
      %dot_general3A_58 = arith.constant dense<0.000000e+00> : vector<1x10xf32>
      %dot_general3A_59 = tpu.matmul %select_n3A_54, %get3A_57, %dot_general3A_58 {dimension_numbers = #tpu.dot_dimension_numbers<[1], [0], [0], [1], [0, 0, 1, 1], [], []>, transpose_lhs_hint = false} : vector<1x128xf32>, vector<128x10xf32>, vector<1x10xf32> -> vector<1x10xf32>
      %get3A_60 = arith.constant 0 : index
      %get3A_61 = arith.constant 0 : index
      %get3A_62 = vector.load %arg8[%get3A_60, %get3A_61] : memref<1x10xf32, #tpu.memory_space<vmem>>, vector<1x10xf32>
      %add3A_63 = arith.addf %dot_general3A_59, %get3A_62 : vector<1x10xf32>
      %ge3A_64 = arith.constant 0.000000e+00 : f32
      %ge3A_65 = vector.broadcast %ge3A_64 : f32 to vector<1x10xf32>
      %ge3A_66 = arith.cmpf oge, %add3A_63, %ge3A_65 : vector<1x10xf32>
      %mul3A_67 = arith.constant 0.00999999977 : f32
      %mul3A_68 = vector.broadcast %mul3A_67 : f32 to vector<1x10xf32>
      %mul3A_69 = arith.mulf %mul3A_68, %add3A_63 : vector<1x10xf32>
      %select_n3A_70 = arith.select %ge3A_66, %add3A_63, %mul3A_69 : vector<1x10xi1>, vector<1x10xf32>
      %reduce_max3A = arith.constant dense<0xFF800000> : vector<1xf32>
      %reduce_max3A_71 = vector.multi_reduction <maximumf>, %select_n3A_70, %reduce_max3A [1] : vector<1x10xf32> to vector<1xf32>
      %broadcast_in_dim3A_72 = vector.shape_cast %reduce_max3A_71 : vector<1xf32> to vector<1x1xf32>
      %sub3A = vector.broadcast %broadcast_in_dim3A_72 : vector<1x1xf32> to vector<1x10xf32>
      %sub3A_73 = arith.subf %select_n3A_70, %sub3A : vector<1x10xf32>
      %exp3A = math.exp %sub3A_73 : vector<1x10xf32>
      %reduce_sum3A_74 = arith.constant dense<0.000000e+00> : vector<1xf32>
      %reduce_sum3A_75 = vector.multi_reduction <add>, %exp3A, %reduce_sum3A_74 [1] : vector<1x10xf32> to vector<1xf32>
      %broadcast_in_dim3A_76 = vector.shape_cast %reduce_sum3A_75 : vector<1xf32> to vector<1x1xf32>
      %div3A = vector.broadcast %broadcast_in_dim3A_76 : vector<1x1xf32> to vector<1x10xf32>
      %div3A_77 = arith.divf %exp3A, %div3A : vector<1x10xf32>
      %swap3A = arith.constant 0 : index
      %swap3A_78 = arith.constant 0 : index
      %swap3A_79 = vector.load %arg9[%swap3A, %swap3A_78] : memref<1x10xf32, #tpu.memory_space<vmem>>, vector<1x10xf32>
      tpu.vector_store %arg9[%swap3A, %swap3A_78], %div3A_77 {strides = array<i32>} : memref<1x10xf32, #tpu.memory_space<vmem>>, vector<1x10xf32>,
    } else {
    }
    return
  }
  func.func @transform_0(%arg0: i32) -> (i32, i32, i32) {
    %c0_i32 = arith.constant 0 : i32
    %c0_i32_0 = arith.constant 0 : i32
    %c0_i32_1 = arith.constant 0 : i32
    return %arg0, %c0_i32, %c0_i32_0 : i32, i32, i32
  }
  func.func @transform_1(%arg0: i32) -> (i32, i32, i32) {
    %c0_i32 = arith.constant 0 : i32
    %c0_i32_0 = arith.constant 0 : i32
    %c0_i32_1 = arith.constant 0 : i32
    return %arg0, %c0_i32, %c0_i32_0 : i32, i32, i32
  }
  func.func @transform_2(%arg0: i32) -> (i32, i32, i32) {
    %c0_i32 = arith.constant 0 : i32
    %c0_i32_0 = arith.constant 0 : i32
    %c0_i32_1 = arith.constant 0 : i32
    return %arg0, %c0_i32, %c0_i32_0 : i32, i32, i32
  }
  func.func @transform_3(%arg0: i32) -> (i32, i32) {
    %c0_i32 = arith.constant 0 : i32
    %c0_i32_0 = arith.constant 0 : i32
    %c0_i32_1 = arith.constant 0 : i32
    return %c0_i32, %c0_i32_0 : i32, i32
  }
  func.func @transform_4(%arg0: i32) -> (i32, i32) {
    %c0_i32 = arith.constant 0 : i32
    %c0_i32_0 = arith.constant 0 : i32
    return %arg0, %c0_i32 : i32, i32
  }
  func.func @transform_5(%arg0: i32) -> (i32, i32) {
    %c0_i32 = arith.constant 0 : i32
    %c0_i32_0 = arith.constant 0 : i32
    %c0_i32_1 = arith.constant 0 : i32
    return %c0_i32, %c0_i32_0 : i32, i32
  }
  func.func @transform_6(%arg0: i32) -> (i32, i32) {
    %c0_i32 = arith.constant 0 : i32
    %c0_i32_0 = arith.constant 0 : i32
    %c0_i32_1 = arith.constant 0 : i32
    return %c0_i32, %c0_i32_0 : i32, i32
  }
  func.func @transform_7(%arg0: i32) -> (i32, i32) {
    %c0_i32 = arith.constant 0 : i32
    %c0_i32_0 = arith.constant 0 : i32
    %c0_i32_1 = arith.constant 0 : i32
    return %c0_i32, %c0_i32_0 : i32, i32
  }
  func.func @transform_8(%arg0: i32) -> (i32, i32) {
    %c0_i32 = arith.constant 0 : i32
    %c0_i32_0 = arith.constant 0 : i32
    %c0_i32_1 = arith.constant 0 : i32
    return %c0_i32, %c0_i32_0 : i32, i32
  }
}

</mosaic_0001>

<sc_bundles>
// kernel: kernel.11.cloned.1.call-start
scs
__scs_entry_jumppad:
0x0: {  	(pc) =	sbr.rel $0x88, $3  }
0x1: {  	(tag) =	ssettag $0x0;
	lr =	simm.s32 $0x1  }
0x2: {  	[smem:$0x3F96] =	sst lr;
	_ =	strace $0xD0000000  }
0x3: {  	_ = 	snop  }
0x4: {  	_ = 	snop  }
0x5: {  	_ = 	snop  }
0x6: {  	_ = 	snop  }
0x7: {  	_ = 	snop  }
__scs_overlays_trampoline_lowered:
0x8: {  	[smem:$0x3FA5] =	sst s0  }
0x9: {  	[smem:$0x3FA6] =	sst s1  }
0xa: {  	[smem:$0x3FA7] =	sst s2  }
0xb: {  	[smem:$0x3FA8] =	sst s3  }
0xc: {  	[smem:$0x3FA9] =	sst s4  }
0xd: {  	[smem:$0x3FAA] =	sst s5  }
0xe: {  	[smem:$0x3FAB] =	sst s6  }
0xf: {  	[smem:$0x3FAC] =	sst s7  }
0x10: {  	[smem:$0x3FAD] =	sst s8  }
0x11: {  	[smem:$0x3FAE] =	sst s9;
	s0 =	simm.s32 @!p0 $0x0  }
0x12: {  	s1 =	sld [smem:$0x3F94];
	s0 =	simm.s32 @p0 $0x1  }
0x13: {  	[smem:$0x3FAF] =	sst s0;
	s0 =	simm.s32 @!p1 $0x0  }
0x14: {  	s2 =	sld [smem:$0x3F93];
	s0 =	simm.s32 @p1 $0x1  }
0x15: {  	[smem:$0x3FB0] =	sst s0;
	s0 =	simm.s32 @!p2 $0x0  }
0x16: {  	s3 =	sld [smem:$0x3FDB];
	s0 =	simm.s32 @p2 $0x1  }
0x17: {  	s4 =	simm.s32 $0x1BF5;
	[smem:$0x3FB2] =	sst s0  }
0x18: {  	s0 =	sld [smem:$0x3F95];
	_ =	swait.ge [sflag:s4], $0x0  }
0x19: {  	s7 =	sld [smem:$0x3F96]  }
0x1a: {  	s8 =	sadd.s32 $0xFFFFE003, lr  }
0x1b: {  	s9 =	sadd.s32 $0xFFFFFEF7, lr;
	s5 =	simm.s32 $0xFFFFFFFF;
	p2 =	slt.u32 s8, $0xFFFFF086  }
0x1c: {  	p1 =	slt.u32 s9, $0xF7A;
	s5 =	simm.s32 @!p2 $0x0  }
0x1d: {  	s5 =	simm.s32 @p1 $0x1;
	p0 =	seq.s32 s7, s2  }
0x1e: {  	s7 =	smul.u32 @!p0 $0xF7A, s2;
	p2 =	seq.s32 @!p0 s5, $0x0  }
0x1f: {  	s9 =	smul.u32 $0xF7A, s1;
	s8 =	simm.s32 @!p0 $0x1BF5;
	p2 =	por !p2, p0  }
0x20: {  	[sflag:s8] =	ssyncset.s32 @!p0 $0xFFFFF086;
	s6 =	sadd.s32 @!p0 s3, s7;
	s7 =	simm.s32 @!p0 $0x108  }
0x21: {  	s3 =	sadd.s32 s3, s9;
	s6 =	sadd.s32 @!p0 $0x88, s6;
	s7 =	simm.s32 @p2 $0x1082  }
0x22: {  	[simem:s7], [sflag:s8] =	dma.local @!p0 [hbm:s6], $0xF7A  }
0x23: {  	s9 =	sor.u32 $0xD0000000, s2;
	s6 =	simm.s32 $0x108;
	_ =	swait.ge @!p0 [sflag:s8], $0x0  }
0x24: {  	s3 =	sadd.s32 $0x88, s3;
	s6 =	simm.s32 @!p1 $0x1082;
	[sflag:s4] =	ssyncset.s32 $0xFFFFF086  }
0x25: {  	[simem:s6], [sflag:s4] =	dma.local [hbm:s3], $0xF7A  }
0x26: {  	[smem:$0x3F96] =	sst s1;
	(tag) =	ssettag s2;
	_ =	strace s9  }
0x27: {  	s1 =	sld [smem:$0x3FA6]  }
0x28: {  	s2 =	sld [smem:$0x3FA7]  }
0x29: {  	s4 =	sld [smem:$0x3FA9]  }
0x2a: {  	p0 =	seq.s32 s5, $0x0;
	s5 =	sld [smem:$0x3FAA]  }
0x2b: {  	s6 =	sld [smem:$0x3FAB]  }
0x2c: {  	s7 =	sld [smem:$0x3FAC]  }
0x2d: {  	s3 =	simm.s32 $0x108;
	s8 =	sld [smem:$0x3FAD]  }
0x2e: {  	s3 =	simm.s32 @!p0 $0x1082;
	s9 =	sld [smem:$0x3FAE]  }
0x2f: {  	lr =	sadd.s32 s0, s3;
	s0 =	sld [smem:$0x3FA5]  }
0x30: {  	s3 =	sld [smem:$0x3FA8]  }
0x31: {  	[smem:$0x3FB1] =	sst s10  }
0x32: {  	s10 =	sld [smem:$0x3FAF];
	_ =	sdelay $0x3  }
0x33: {  	p0 =	seq.s32 s10, $0x1;
	s10 =	sld [smem:$0x3FB1];
	_ =	sdelay $0x3  }
0x34: {  	[smem:$0x3FB1] =	sst s10  }
0x35: {  	s10 =	sld [smem:$0x3FB0];
	_ =	sdelay $0x3  }
0x36: {  	p1 =	seq.s32 s10, $0x1;
	s10 =	sld [smem:$0x3FB1];
	_ =	sdelay $0x3  }
0x37: {  	[smem:$0x3FB1] =	sst s10  }
0x38: {  	s10 =	sld [smem:$0x3FB2]  }
0x39: {  	_ = 	snop;
	(pc) =	sbr.ind lr, $3  }
0x3a: {  	_ = 	snop  }
0x3b: {  	_ = 	snop  }
0x3c: {  	p2 =	seq.s32 s10, $0x1;
	s10 =	sld [smem:$0x3FB1]  }
0x3d: {  	_ =	shalt  }
0x3e: {  	_ =	shalt  }
0x3f: {  	_ =	shalt  }
0x40: {  	_ =	shalt  }
0x41: {  	_ =	shalt  }
0x42: {  	_ =	shalt  }
0x43: {  	_ =	shalt  }
0x44: {  	_ =	shalt  }
0x45: {  	_ =	shalt  }
0x46: {  	_ =	shalt  }
0x47: {  	_ =	shalt  }
0x48: {  	_ =	shalt  }
0x49: {  	_ =	shalt  }
0x4a: {  	_ =	shalt  }
0x4b: {  	_ =	shalt  }
0x4c: {  	_ =	shalt  }
0x4d: {  	_ =	shalt  }
0x4e: {  	_ =	shalt  }
0x4f: {  	_ =	shalt  }
0x50: {  	_ =	shalt  }
0x51: {  	_ =	shalt  }
0x52: {  	_ =	shalt  }
0x53: {  	_ =	shalt  }
0x54: {  	_ =	shalt  }
0x55: {  	_ =	shalt  }
0x56: {  	_ =	shalt  }
0x57: {  	_ =	shalt  }
0x58: {  	_ =	shalt  }
0x59: {  	_ =	shalt  }
0x5a: {  	_ =	shalt  }
0x5b: {  	_ =	shalt  }
0x5c: {  	_ =	shalt  }
0x5d: {  	_ =	shalt  }
0x5e: {  	_ =	shalt  }
0x5f: {  	_ =	shalt  }
0x60: {  	_ =	shalt  }
0x61: {  	_ =	shalt  }
0x62: {  	_ =	shalt  }
0x63: {  	_ =	shalt  }
0x64: {  	_ =	shalt  }
0x65: {  	_ =	shalt  }
0x66: {  	_ =	shalt  }
0x67: {  	_ =	shalt  }
0x68: {  	_ =	shalt  }
0x69: {  	_ =	shalt  }
0x6a: {  	_ =	shalt  }
0x6b: {  	_ =	shalt  }
0x6c: {  	_ =	shalt  }
0x6d: {  	_ =	shalt  }
0x6e: {  	_ =	shalt  }
0x6f: {  	_ =	shalt  }
0x70: {  	_ =	shalt  }
0x71: {  	_ =	shalt  }
0x72: {  	_ =	shalt  }
0x73: {  	_ =	shalt  }
0x74: {  	_ =	shalt  }
0x75: {  	_ =	shalt  }
0x76: {  	_ =	shalt  }
0x77: {  	_ =	shalt  }
0x78: {  	_ =	shalt  }
0x79: {  	_ =	shalt  }
0x7a: {  	_ =	shalt  }
0x7b: {  	_ =	shalt  }
0x7c: {  	_ =	shalt  }
0x7d: {  	_ =	shalt  }
0x7e: {  	_ =	shalt  }
0x7f: {  	_ =	shalt  }
0x80: {  	_ =	shalt  }
0x81: {  	_ =	shalt  }
0x82: {  	_ =	shalt  }
0x83: {  	_ =	shalt  }
0x84: {  	_ =	shalt  }
0x85: {  	_ =	shalt  }
0x86: {  	_ =	shalt  }
0x87: {  	_ =	shalt  }
.Lfunc_end0:
.L_simem_size_0:
called_computation.1_lowered:
.L_overlay_start_0:
0x88: {  	s2 =	sld [smem:$0x3FD9]  }
0x89: {  	s3 =	sld [smem:$0x3FFE];
	_ =	sdelay $0x1  }
0x8a: {  	s1 =	srdreg.scid  }
0x8b: {  	s0 =	sand.u32 $0x1, s1  }
0x8c: {  	s16 =	sshll.u32 s0, $0xA;
	s2 =	sadd.s32 s3, s2  }
0x8d: {  	s2 =	sadd.s32 s2, s16  }
0x8e: {  	[smem:$0x3FBD] =	sst s2  }
0x8f: {  	_ = 	snop  }
0x90: {  	(tm) =	ssettm $0x1  }
0x91: {  	s17 =	sld [smem:$0x3FFB];
	_ =	sdelay $0x3  }
0x92: {  	_ =	strace s17  }
0x93: {  	s2 =	sld [smem:$0x3FFC];
	_ =	sdelay $0x3  }
0x94: {  	_ =	strace s2  }
0x95: {  	s2 =	sld [smem:$0x3FFD];
	_ =	sdelay $0x3  }
0x96: {  	_ =	strace s2  }
0x97: {  	_ =	strace $0x8FFFFFFF  }
0x98: {  	s18 =	sld [smem:$0x3FDB];
	_ =	sdelay $0x1  }
0x99: {  	s19 =	simm.s32 $_scs_section_size  }
0x9a: {  	s4 =	simm.s32 $_size__tile_overlayer_lowered;
	s5 =	simm.s32 $_tile_overlayer_lowered  }
0x9b: {  	s22 =	simm.s32 $0x1BFF;
	s21 =	sshll.u32 s5, $0x1;
	s2 =	sadd.s32 s19, s18  }
0x9c: {  	s6 =	simm.s32 $0x0;
	s20 =	sshll.u32 s4, $0x1;
	s4 =	sadd.s32 s21, s2  }
0x9d: {  	[timem:s6], [sflag:s22] =	dma.local [hbm:s4], s20  }
0x9e: {  	_ =	swait.ge [sflag:s22], s20  }
0x9f: {  	s3 =	ssub.s32 $0x0, s20;
	[sflag:s22] =	ssyncset.done $0x0  }
0xa0: {  	[sflag:s22] =	ssyncadd.s32 s3;
	_ =	sdelay $0x1  }
0xa1: {  	s23 =	simm.s32 $0x1B8B  }
0xa2: {  	_ =	swait.ge [sflag:s23], $0x1  }
0xa3: {  	[sflag:s23] =	ssyncset.done $0x0  }
0xa4: {  	s25 =	simm.s32 $0x1B8E;
	s24 =	sld [smem:$0x3FFE];
	[sflag:s23] =	ssyncadd.s32 $0xFFFFFFFF  }
0xa5: {  	s26 =	simm.s32 $execute0_lowered;
	[smem:$0x3FD2] =	sst s25  }
0xa6: {  	s4 =	sshll.u32 s26, $0x1;
	_ =	strace $0x80000049;
	[dreg:$0x1] =	wrdreg $0xFFFFFFFF  }
0xa7: {  	s28 =	simm.s32 $_size_execute0_lowered;
	s2 =	sadd.s32 s2, s4;
	[dreg:$0x0] =	wrdreg $0x0  }
0xa8: {  	s4 =	sshll.u32 s28, $0x1;
	[dreg:$0x2] =	wrdreg s2  }
0xa9: {  	[dreg:$0x3] =	wrdreg s4  }
0xaa: {  	[dreg:$0x4] =	wrdreg $0xC0  }
0xab: {  	_ =	task [dreg:s6], $0x5FFFF  }
0xac: {  	[dreg:$0x1] =	wrdreg $0xFFFFFFFF  }
0xad: {  	[dreg:$0x0] =	wrdreg $0x60  }
0xae: {  	[dreg:$0x2] =	wrdreg s24  }
0xaf: {  	[dreg:$0x3] =	wrdreg $0xB8000  }
0xb0: {  	[dreg:$0x4] =	wrdreg $0x9  }
0xb1: {  	_ =	task.clear_ibuf [dreg:s6], $0x5FFFF;
	_ =	strace $0x90000049  }
0xb2: {  	s29 =	simm.s32 $0x9;
	_ =	strace $0x8000004B  }
0xb3: {  	_ =	swait.ge [sflag:s29], $0x1  }
0xb4: {  	[sflag:s29] =	ssyncadd.s32 $0xFFFFFFFF  }
0xb5: {  	_ =	strace $0x9000004B  }
0xb6: {  	_ =	sfence  }
0xb7: {  	s30 =	sld [smem:$0x0];
	_ =	sdelay $0x2  }
0xb8: {  	s31 =	sshll.u32 s1, $0xD;
	s1 =	sshrl.u32 s1, $0x2  }
0xb9: {  	s3 =	sand.u32 $0x4000, s31;
	s1 =	sadd.s32 s1, s30  }
0xba: {  	s0 =	sor.u32 s3, s0;
	s1 =	sshll.u32 s1, $0x11  }
0xbb: {  	s0 =	sor.u32 s1, s0  }
0xbc: {  	s0 =	sadd.s32 $0x8F2B, s0  }
0xbd: {  	[sflag:s0] =	ssyncadd.remote.s32 $0x1  }
0xbe: {  	_ =	sfence.sel $0xFFFF  }
0xbf: {  	[dreg:$0x0] =	wrdreg $0xFFFFFFFF;
	(pc) =	sbr.abs _section_cstart, $3  }
0xc0: {  	[dreg:$0x1] =	wrdreg $0xFFFFFFFF  }
0xc1: {  	_ =	task.clear_ibuf [dreg:s6], $0x2FFFF;
	_ =	strace $0x9FFFFFFF  }
0xc2: {  	(tm) =	ssettm $0x7FFFFFFF  }
0xc3: {  	_ =	shalt  }
tec
execute0_lowered:
.L_overlay_start_1:
0x0: {  	(tag) =	ssettag $0x1  }
0x1: {  	s0 =	rddreg [dreg:$0x0]  }
0x2: {  	s2 =	rddreg [dreg:$0x1]  }
0x3: {  	s1 =	srdreg.scid;
	s14 =	stileid.u32  }
0x4: {  	s31 =	simm.s32 $0x3;
	s1 =	sand.u32 $0x1, s1;
	s3 =	sshll.u32 s14, $0x1  }
0x5: {  	s5 =	smul.u32 $0x14000, s14;
	s7 =	sadd.s32 $0x49A00, s0;
	s4 =	ssub.s32 $0x2, s1  }
0x6: {  	s3 =	sor.u32 s1, s3;
	s1 =	smul.u32 $0x140000, s1;
	s6 =	sshrl.u32 s4, $0x1  }
0x7: {  	s3 =	smul.u32 $0x500, s3;
	s8 =	sadd.s32 $0x8000, s5;
	s10 =	sadd.s32 $0xC000, s5  }
0x8: {  	s11 =	sor.u32 $0x2000, s5;
	s13 =	sadd.s32 $0x10000, s5;
	s16 =	sadd.s32 $0x6000, s5  }
0x9: {  	s28 =	sadd.s32 $0xE000, s5;
	s4 =	ssub.s32 s4, s6;
	s6 =	sadd.s32 $0x4000, s5  }
0xa: {  	s9 =	sadd.s32 s5, s1;
	s22 =	sadd.s32 s1, s11;
	s24 =	sadd.s32 s1, s16  }
0xb: {  	s26 =	sadd.s32 s1, s8;
	s17 =	sadd.s32 s1, s10;
	s19 =	sadd.s32 s1, s28  }
0xc: {  	s20 =	sadd.s32 s1, s13;
	s28 =	sadd.s32 s28, s2;
	s9 =	sshrl.u32 s9, $0x3  }
0xd: {  	s12 =	sadd.s32 s1, s6;
	s25 =	sshrl.u32 s24, $0x3;
	s21 =	sshrl.u32 s20, $0x3  }
0xe: {  	s3 =	sadd.s32 s3, s0;
	s20 =	sadd.s32 s6, s2;
	s30 =	smax.u32 s4, $0x1  }
0xf: {  	s4 =	simm.s32 $0x9800;
	s6 =	simm.s32 $0x0;
	s9 =	sadd.s32 s7, s9  }
0x10: {  	s23 =	sshrl.u32 s12, $0x3;
	s12 =	sshrl.u32 s26, $0x3;
	s26 =	sadd.s32 $0xA000, s5  }
0x11: {  	s5 =	sadd.s32 $0x12000, s5;
	s24 =	sadd.s32 $0x17200, s3;
	[dreg:$0x3] =	wrdreg s9  }
0x12: {  	s9 =	sshrl.u32 s22, $0x3;
	s15 =	sadd.s32 s1, s26;
	s1 =	sadd.s32 s1, s5  }
0x13: {  	s22 =	smul.u32 $0x50000, s14;
	s14 =	sadd.s32 $0x21200, s0;
	s26 =	sadd.s32 s26, s2  }
0x14: {  	s29 =	sadd.s32 s5, s2;
	s5 =	simm.s32 $0x2;
	s9 =	sadd.s32 s7, s9  }
0x15: {  	s1 =	sshrl.u32 s1, $0x3;
	[dreg:$0x4] =	wrdreg s9;
	s9 =	sadd.s32 s7, s23  }
0x16: {  	s1 =	sadd.s32 s7, s1;
	s23 =	sshrl.u32 s22, $0x2;
	[dreg:$0x5] =	wrdreg s9  }
0x17: {  	s22 =	sadd.s32 s10, s2;
	s9 =	sadd.s32 s7, s25;
	[dreg:$0xc] =	wrdreg s1  }
0x18: {  	s25 =	sadd.s32 $0xD200, s3;
	[dreg:$0x6] =	wrdreg s9;
	s9 =	sadd.s32 s7, s12  }
0x19: {  	s1 =	simm.s32 $0x7800;
	s12 =	sshrl.u32 s17, $0x3;
	[dreg:$0x7] =	wrdreg s9  }
0x1a: {  	s9 =	sshrl.u32 s15, $0x3;
	s18 =	sadd.s32 s7, s12;
	s12 =	simm.s32 $0x0  }
0x1b: {  	s15 =	sadd.s32 $0x49200, s0;
	s9 =	sadd.s32 s7, s9;
	[dreg:$0x9] =	wrdreg s18  }
0x1c: {  	s0 =	simm.s32 $0x40;
	[dreg:$0x8] =	wrdreg s9;
	s9 =	sshrl.u32 s19, $0x3  }
0x1d: {  	[smem:$0x7FF] =	sst s12;
	s18 =	sadd.s32 $0x3200, s3;
	s9 =	sadd.s32 s7, s9  }
0x1e: {  	s3 =	simm.s32 $0x1;
	[dreg:$0xa] =	wrdreg s9;
	s9 =	sadd.s32 s7, s21  }
0x1f: {  	s19 =	sadd.s32 s23, s2;
	s23 =	sadd.s32 s13, s2;
	[dreg:$0xb] =	wrdreg s9  }
0x20: {  	s21 =	sadd.s32 s8, s2;
	_ =	strace $0x8000004A;
	[dreg:$0xd] =	wrdreg s24  }
0x21: {  	[dreg:$0xe] =	wrdreg s25;
	s24 =	sadd.s32 s11, s2;
	s25 =	sadd.s32 s16, s2  }
.LBB2_1:
0x22: {  	s7 =	rddreg [dreg:$0xd]  }
0x23: {  	[tilespmem:s12], [sflag:$0x3] =	stream.linear.gather [hbm4b:s7+s12], $0x2800, $0x38;
	[tilespmem:$0x1F800] =	vst v63  }
0x24: {  	_ =	swait.ge [sflag:s31], $0x2800  }
0x25: {  	[sflag:s31] =	ssyncset.done $0x0  }
0x26: {  	s8 =	simm.s32 $0x2800;
	s9 =	rddreg [dreg:$0xe];
	[sflag:s31] =	ssyncadd.s32 $0xFFFFD800  }
0x27: {  	[tilespmem:s8], [sflag:$0x3] =	stream.linear.gather [hbm4b:s9+s12], $0x2800, $0x38;
	[tilespmem:$0x1F800] =	vst v63  }
0x28: {  	_ =	swait.ge [sflag:s31], $0x2800  }
0x29: {  	[sflag:s31] =	ssyncset.done $0x0  }
0x2a: {  	s7 =	simm.s32 $0x5000;
	[sflag:s31] =	ssyncadd.s32 $0xFFFFD800  }
0x2b: {  	[tilespmem:s7], [sflag:$0x3] =	stream.linear.gather [hbm4b:s18+s12], $0x2800, $0x38;
	[tilespmem:$0x1F800] =	vst v63  }
0x2c: {  	s10 =	stileid.u32;
	_ =	swait.ge [sflag:s31], $0x2800  }
0x2d: {  	s8 =	sshll.u32 s10, $0x6;
	[sflag:s31] =	ssyncset.done $0x0  }
0x2e: {  	s9 =	sshrl.u32 s19, $0x3;
	s8 =	sor.u32 $0x1C03, s8;
	[sflag:s31] =	ssyncadd.s32 $0xFFFFD800  }
0x2f: {  	[spmem:s9], [sflag:s8] =	dma.local [hbm:s15], $0x800  }
0x30: {  	_ =	swait.ge [sflag:s31], $0x800  }
0x31: {  	[sflag:s31] =	ssyncset.done $0x0  }
0x32: {  	s11 =	sshrl.u32 s20, $0x3;
	[sflag:s31] =	ssyncadd.s32 $0xFFFFF800  }
0x33: {  	[spmem:s11], [sflag:s8] =	dma.local [hbm:s15], $0x800  }
0x34: {  	_ =	swait.ge [sflag:s31], $0x800  }
0x35: {  	[sflag:s31] =	ssyncset.done $0x0  }
0x36: {  	s13 =	sshrl.u32 s21, $0x3;
	[sflag:s31] =	ssyncadd.s32 $0xFFFFF800  }
0x37: {  	[spmem:s13], [sflag:s8] =	dma.local [hbm:s15], $0x800  }
0x38: {  	_ =	swait.ge [sflag:s31], $0x800  }
0x39: {  	[sflag:s31] =	ssyncset.done $0x0  }
0x3a: {  	s16 =	sshrl.u32 s22, $0x3;
	[sflag:s31] =	ssyncadd.s32 $0xFFFFF800  }
0x3b: {  	[spmem:s16], [sflag:s8] =	dma.local [hbm:s15], $0x800  }
0x3c: {  	_ =	swait.ge [sflag:s31], $0x800  }
0x3d: {  	[sflag:s31] =	ssyncset.done $0x0  }
0x3e: {  	s17 =	sshrl.u32 s23, $0x3;
	[sflag:s31] =	ssyncadd.s32 $0xFFFFF800  }
0x3f: {  	[spmem:s17], [sflag:s8] =	dma.local [hbm:s15], $0x800  }
0x40: {  	_ =	swait.ge [sflag:s31], $0x800  }
0x41: {  	[sflag:s31] =	ssyncset.done $0x0  }
0x42: {  	[sflag:s31] =	ssyncadd.s32 $0xFFFFF800  }
0x43: {  	s10 =	simm.s32 $0x0;
	s8 =	simm.s32 $0x5040;
	[bflag:$0x0] =	sbarrier.arrive $0xFFFF  }
0x44: {  	[tilespmem:s1], [sflag:$0x1] =	stream.indirect.gather [hbm4b:s14+s0], $0x80, s12, s0, $0xb8;
	[tilespmem:$0x1F800] =	vst v63  }
.LBB2_2:
0x45: {  	_ =	swait.ge [sflag:s3], $0x2000;
	v0 =	vmov s7  }
0x46: {  	s11 =	sshll.u32 s10, $0x7;
	s13 =	simm.s32 $0x0;
	[sflag:s3] =	ssyncset.done $0x0  }
0x47: {  	s16 =	simm.s32 $0x7C00;
	s9 =	sor.u32 $0x40, s11;
	[sflag:s3] =	ssyncadd.s32 $0xFFFFE000  }
0x48: {  	[tilespmem:s4], [sflag:$0x2] =	stream.indirect.gather [hbm4b:s14+s0], $0x80, s9, s0, $0xb8;
	[tilespmem:$0x1F800] =	vst v63  }
.LBB2_3:
0x49: {  	s17 =	sshra.s32 s13, $0x2  }
0x4a: {  	v1 =	vld.idx.msk [tilespmem:v0+s17+$0x0 ss:$0x1], $0xffff;
	_ =	sdelay $0x1  }
0x4b: {  	v2 =	vld [tilespmem:s16+$0xFFFFFC00]  }
0x4c: {  	v3 =	vld [tilespmem:s16+$0xFFFFFC80]  }
0x4d: {  	v12 =	vld [tilespmem:s16+$0xFFFFFF00]  }
0x4e: {  	v4 =	vld [tilespmem:s16+$0xFFFFFD00];
	v5 =	vbroadcast v1, $0x0  }
0x4f: {  	v6 =	vld [tilespmem:s16+$0xFFFFFD80];
	v7 =	vbroadcast v1, $0x1  }
0x50: {  	v8 =	vld [tilespmem:s16+$0xFFFFFE00];
	v57 =	vbroadcast v1, $0x6;
	v2 =	vmul.f32 v5, v2  }
0x51: {  	v10 =	vld [tilespmem:s16+$0xFFFFFE80];
	v9 =	vbroadcast v1, $0x2;
	v3 =	vmul.f32 v3, v7  }
0x52: {  	v13 =	vld [tilespmem:s16+$0xFFFFFF80];
	v11 =	vbroadcast v1, $0x3;
	v12 =	vmul.f32 v12, v57;
	[tilespmem:s16+$0xFFFFFC00] =	vst v2  }
0x53: {  	v14 =	vld [tilespmem:s16+$0xFFFFFC10];
	v55 =	vbroadcast v1, $0x4;
	v2 =	vmul.f32 v4, v9;
	[tilespmem:s16+$0xFFFFFC80] =	vst v3  }
0x54: {  	v15 =	vld [tilespmem:s16+$0xFFFFFC90];
	v56 =	vbroadcast v1, $0x5;
	v3 =	vmul.f32 v6, v11;
	[tilespmem:s16+$0xFFFFFF00] =	vst v12  }
0x55: {  	v16 =	vld [tilespmem:s16+$0xFFFFFD10];
	v58 =	vbroadcast v1, $0x7;
	[tilespmem:s16+$0xFFFFFD00] =	vst v2;
	v2 =	vmul.f32 v8, v55  }
0x56: {  	v62 =	vld [tilespmem:s16+$0xFFFFFF90];
	[tilespmem:s16+$0xFFFFFD80] =	vst v3;
	v3 =	vmul.f32 v10, v56  }
0x57: {  	v13 =	vmul.f32 v13, v58;
	[tilespmem:s16+$0xFFFFFE00] =	vst v2;
	v2 =	vld [tilespmem:s16+$0xFFFFFD90]  }
0x58: {  	v14 =	vmul.f32 v14, v5;
	[tilespmem:s16+$0xFFFFFE80] =	vst v3;
	v3 =	vld [tilespmem:s16+$0xFFFFFE10]  }
0x59: {  	v59 =	vld [tilespmem:s16+$0xFFFFFE90];
	v15 =	vmul.f32 v15, v7;
	[tilespmem:s16+$0xFFFFFF80] =	vst v13  }
0x5a: {  	v60 =	vld [tilespmem:s16+$0xFFFFFF10];
	v61 =	vmul.f32 v16, v9;
	[tilespmem:s16+$0xFFFFFC10] =	vst v14  }
0x5b: {  	v63 =	vld [tilespmem:s16+$0xFFFFFC20];
	v16 =	vmul.f32 v62, v58;
	[tilespmem:s16+$0xFFFFFC90] =	vst v15  }
0x5c: {  	v20 =	vld [tilespmem:s16+$0xFFFFFCA0];
	[tilespmem:s16+$0xFFFFFD10] =	vst v61;
	v2 =	vmul.f32 v2, v11  }
0x5d: {  	v23 =	vld [tilespmem:s16+$0xFFFFFF20];
	[tilespmem:s16+$0xFFFFFF90] =	vst v16;
	v3 =	vmul.f32 v3, v55  }
0x5e: {  	v12 =	vmul.f32 v59, v56;
	[tilespmem:s16+$0xFFFFFD90] =	vst v2;
	v2 =	vld [tilespmem:s16+$0xFFFFFD20]  }
0x5f: {  	v13 =	vmul.f32 v60, v57;
	[tilespmem:s16+$0xFFFFFE10] =	vst v3;
	v3 =	vld [tilespmem:s16+$0xFFFFFDA0]  }
0x60: {  	v25 =	vld [tilespmem:s16+$0xFFFFFC30];
	v15 =	vmul.f32 v63, v5;
	[tilespmem:s16+$0xFFFFFE90] =	vst v12  }
0x61: {  	v21 =	vld [tilespmem:s16+$0xFFFFFE20];
	v14 =	vmul.f32 v20, v7;
	[tilespmem:s16+$0xFFFFFF10] =	vst v13  }
0x62: {  	v22 =	vld [tilespmem:s16+$0xFFFFFEA0];
	v16 =	vmul.f32 v23, v57;
	[tilespmem:s16+$0xFFFFFC20] =	vst v15  }
0x63: {  	v24 =	vld [tilespmem:s16+$0xFFFFFFA0];
	[tilespmem:s16+$0xFFFFFCA0] =	vst v14;
	v2 =	vmul.f32 v2, v9  }
0x64: {  	v44 =	vld [tilespmem:s16+$0x10];
	[tilespmem:s16+$0xFFFFFF20] =	vst v16;
	v3 =	vmul.f32 v3, v11  }
0x65: {  	v5 =	vmul.f32 v25, v5;
	[tilespmem:s16+$0xFFFFFD20] =	vst v2;
	v2 =	vld [tilespmem:s16+$0xFFFFFCB0]  }
0x66: {  	v12 =	vmul.f32 v21, v55;
	[tilespmem:s16+$0xFFFFFDA0] =	vst v3;
	v3 =	vld [tilespmem:s16+$0xFFFFFD30]  }
0x67: {  	v26 =	vld [tilespmem:s16+$0xFFFFFDB0];
	v34 =	vbroadcast v1, $0x8;
	v13 =	vmul.f32 v22, v56;
	[tilespmem:s16+$0xFFFFFC30] =	vst v5  }
0x68: {  	v27 =	vld [tilespmem:s16+$0xFFFFFE30];
	v15 =	vmul.f32 v24, v58;
	[tilespmem:s16+$0xFFFFFE20] =	vst v12  }
0x69: {  	v28 =	vld [tilespmem:s16+$0xFFFFFEB0];
	v14 =	vmul.f32 v44, v34;
	[tilespmem:s16+$0xFFFFFEA0] =	vst v13  }
0x6a: {  	v29 =	vld [tilespmem:s16+$0xFFFFFF30];
	[tilespmem:s16+$0xFFFFFFA0] =	vst v15;
	v2 =	vmul.f32 v2, v7  }
0x6b: {  	v30 =	vld [tilespmem:s16+$0xFFFFFFB0];
	[tilespmem:s16+$0x10] =	vst v14;
	v3 =	vmul.f32 v3, v9  }
0x6c: {  	v31 =	vld [tilespmem:s16+$0x0];
	[tilespmem:s16+$0xFFFFFCB0] =	vst v2;
	v2 =	vmul.f32 v26, v11  }
0x6d: {  	v32 =	vld [tilespmem:s16+$0x80];
	[tilespmem:s16+$0xFFFFFD30] =	vst v3;
	v3 =	vmul.f32 v27, v55  }
0x6e: {  	v33 =	vld [tilespmem:s16+$0x100];
	[tilespmem:s16+$0xFFFFFDB0] =	vst v2;
	v2 =	vmul.f32 v28, v56  }
0x6f: {  	v35 =	vld [tilespmem:s16+$0x180];
	v36 =	vbroadcast v1, $0x9;
	[tilespmem:s16+$0xFFFFFE30] =	vst v3;
	v3 =	vmul.f32 v29, v57  }
0x70: {  	v37 =	vld [tilespmem:s16+$0x200];
	v38 =	vbroadcast v1, $0xA;
	[tilespmem:s16+$0xFFFFFEB0] =	vst v2;
	v2 =	vmul.f32 v30, v58  }
0x71: {  	v41 =	vld [tilespmem:s16+$0x300];
	v40 =	vbroadcast v1, $0xB;
	[tilespmem:s16+$0xFFFFFF30] =	vst v3;
	v3 =	vmul.f32 v31, v34  }
0x72: {  	v43 =	vld [tilespmem:s16+$0x380];
	v42 =	vbroadcast v1, $0xC;
	[tilespmem:s16+$0xFFFFFFB0] =	vst v2;
	v2 =	vmul.f32 v32, v36  }
0x73: {  	v46 =	vld [tilespmem:s16+$0x90];
	v45 =	vbroadcast v1, $0xD;
	[tilespmem:s16+$0x0] =	vst v3;
	v3 =	vmul.f32 v33, v38  }
0x74: {  	v51 =	vld [tilespmem:s16+$0x390];
	v47 =	vbroadcast v1, $0xE;
	[tilespmem:s16+$0x80] =	vst v2;
	v2 =	vmul.f32 v35, v40  }
0x75: {  	v49 =	vld [tilespmem:s16+$0x290];
	v1 =	vbroadcast v1, $0xF;
	[tilespmem:s16+$0x100] =	vst v3;
	v3 =	vmul.f32 v37, v42  }
0x76: {  	v12 =	vmul.f32 v41, v47;
	[tilespmem:s16+$0x180] =	vst v2;
	v2 =	vld [tilespmem:s16+$0x110]  }
0x77: {  	v13 =	vmul.f32 v43, v1;
	[tilespmem:s16+$0x200] =	vst v3;
	v3 =	vld [tilespmem:s16+$0x190]  }
0x78: {  	v50 =	vld [tilespmem:s16+$0x310];
	v15 =	vmul.f32 v46, v36;
	[tilespmem:s16+$0x300] =	vst v12  }
0x79: {  	v52 =	vld [tilespmem:s16+$0x20];
	v14 =	vmul.f32 v51, v1;
	[tilespmem:s16+$0x380] =	vst v13  }
0x7a: {  	v39 =	vld [tilespmem:s16+$0x280];
	[tilespmem:s16+$0x90] =	vst v15;
	v12 =	vmul.f32 v49, v45  }
0x7b: {  	v54 =	vld [tilespmem:s16+$0x220];
	[tilespmem:s16+$0x390] =	vst v14;
	v2 =	vmul.f32 v2, v38  }
0x7c: {  	v48 =	vld [tilespmem:s16+$0x210];
	[tilespmem:s16+$0x290] =	vst v12;
	v3 =	vmul.f32 v3, v40  }
0x7d: {  	v13 =	vmul.f32 v50, v47;
	[tilespmem:s16+$0x110] =	vst v2;
	v2 =	vld [tilespmem:s16+$0xA0]  }
0x7e: {  	v15 =	vmul.f32 v52, v34;
	[tilespmem:s16+$0x190] =	vst v3;
	v3 =	vld [tilespmem:s16+$0x120]  }
0x7f: {  	v53 =	vld [tilespmem:s16+$0x1A0];
	[tilespmem:s16+$0x310] =	vst v13;
	v11 =	vmul.f32 v39, v45  }
0x80: {  	[tilespmem:s16+$0x20] =	vst v15;
	v12 =	vmul.f32 v54, v42;
	v55 =	vld [tilespmem:s16+$0x2A0]  }
0x81: {  	[tilespmem:s16+$0x280] =	vst v11;
	v11 =	vmul.f32 v48, v42;
	v56 =	vld [tilespmem:s16+$0x320]  }
0x82: {  	[tilespmem:s16+$0x220] =	vst v12;
	v57 =	vld [tilespmem:s16+$0x3A0];
	v2 =	vmul.f32 v2, v36  }
0x83: {  	v63 =	vld [tilespmem:s16+$0x3B0];
	[tilespmem:s16+$0x210] =	vst v11;
	v3 =	vmul.f32 v3, v38  }
0x84: {  	v11 =	vmul.f32 v53, v40;
	[tilespmem:s16+$0xA0] =	vst v2;
	v2 =	vld [tilespmem:s16+$0x30]  }
0x85: {  	v13 =	vmul.f32 v55, v45;
	[tilespmem:s16+$0x120] =	vst v3;
	v3 =	vld [tilespmem:s16+$0xB0]  }
0x86: {  	v58 =	vld [tilespmem:s16+$0x130];
	[tilespmem:s16+$0x1A0] =	vst v11;
	v14 =	vmul.f32 v56, v47  }
0x87: {  	v59 =	vld [tilespmem:s16+$0x1B0];
	[tilespmem:s16+$0x2A0] =	vst v13;
	v15 =	vmul.f32 v57, v1  }
0x88: {  	v60 =	vld [tilespmem:s16+$0x230];
	v1 =	vmul.f32 v63, v1;
	[tilespmem:s16+$0x320] =	vst v14  }
0x89: {  	v61 =	vld [tilespmem:s16+$0x2B0];
	[tilespmem:s16+$0x3A0] =	vst v15;
	v2 =	vmul.f32 v2, v34  }
0x8a: {  	v62 =	vld [tilespmem:s16+$0x330];
	[tilespmem:s16+$0x3B0] =	vst v1;
	v3 =	vmul.f32 v3, v36  }
0x8b: {  	[tilespmem:s16+$0x30] =	vst v2;
	v2 =	vmul.f32 v58, v38  }
0x8c: {  	p0 =	sne.s32 s13, $0xC0;
	[tilespmem:s16+$0xB0] =	vst v3;
	v3 =	vmul.f32 v59, v40  }
.Ltmp0:
0x8d: {  	[tilespmem:s16+$0x130] =	vst v2;
	v2 =	vmul.f32 v60, v42;
	(pc) =	sbr.rel @p0 .LBB2_3-.Ltmp0, $4  }
0x8e: {  	[tilespmem:s16+$0x1B0] =	vst v3;
	v3 =	vmul.f32 v61, v45  }
0x8f: {  	[tilespmem:s16+$0x230] =	vst v2;
	v2 =	vmul.f32 v62, v47  }
0x90: {  	[tilespmem:s16+$0x2B0] =	vst v3  }
0x91: {  	s13 =	sadd.s32 $0x40, s13;
	[tilespmem:s16+$0x330] =	vst v2;
	s16 =	sadd.s32 $0x800, s16  }
0x92: {  	s11 =	sadd.s32 $0x2800, s11  }
0x93: {  	[spmem:s2] =	stream.indirect.scatter.add.f32 [tilespmem:s1], [sflag:$0x3], $0x80, s11, s0, $0xb8;
	[tilespmem:$0x1F800] =	vst v63  }
0x94: {  	_ =	swait.ge [sflag:s31], $0x2000  }
0x95: {  	[sflag:s31] =	ssyncset.done $0x0  }
0x96: {  	[sflag:s31] =	ssyncadd.s32 $0xFFFFE000  }
0x97: {  	s11 =	sadd.s32 $0x1, s10;
	_ =	swait.ge [sflag:s5], $0x2000  }
0x98: {  	p0 =	seq.s32 s10, $0x4F;
	v0 =	vmov s8;
	s10 =	sshll.u32 s11, $0x7;
	[sflag:s5] =	ssyncset.done $0x0  }
0x99: {  	s10 =	simm.s32 @p0 $0x0;
	[sflag:s5] =	ssyncadd.s32 $0xFFFFE000  }
0x9a: {  	[tilespmem:s1], [sflag:$0x1] =	stream.indirect.gather [hbm4b:s14+s0], $0x80, s10, s0, $0xb8;
	[tilespmem:$0x1F800] =	vst v63  }
0x9b: {  	s13 =	simm.s32 $0x9C00;
	s10 =	simm.s32 $0x0  }
.LBB2_5:
0x9c: {  	s16 =	sshra.s32 s10, $0x2  }
0x9d: {  	v1 =	vld.idx.msk [tilespmem:v0+s16+$0x0 ss:$0x1], $0xffff;
	_ =	sdelay $0x1  }
0x9e: {  	v2 =	vld [tilespmem:s13+$0xFFFFFC00]  }
0x9f: {  	v3 =	vld [tilespmem:s13+$0xFFFFFC80]  }
0xa0: {  	v12 =	vld [tilespmem:s13+$0xFFFFFF00]  }
0xa1: {  	v4 =	vld [tilespmem:s13+$0xFFFFFD00];
	v5 =	vbroadcast v1, $0x0  }
0xa2: {  	v6 =	vld [tilespmem:s13+$0xFFFFFD80];
	v7 =	vbroadcast v1, $0x1  }
0xa3: {  	v8 =	vld [tilespmem:s13+$0xFFFFFE00];
	v57 =	vbroadcast v1, $0x6;
	v2 =	vmul.f32 v5, v2  }
0xa4: {  	v10 =	vld [tilespmem:s13+$0xFFFFFE80];
	v9 =	vbroadcast v1, $0x2;
	v3 =	vmul.f32 v3, v7  }
0xa5: {  	v13 =	vld [tilespmem:s13+$0xFFFFFF80];
	v11 =	vbroadcast v1, $0x3;
	v12 =	vmul.f32 v12, v57;
	[tilespmem:s13+$0xFFFFFC00] =	vst v2  }
0xa6: {  	v14 =	vld [tilespmem:s13+$0xFFFFFC10];
	v55 =	vbroadcast v1, $0x4;
	v2 =	vmul.f32 v4, v9;
	[tilespmem:s13+$0xFFFFFC80] =	vst v3  }
0xa7: {  	v15 =	vld [tilespmem:s13+$0xFFFFFC90];
	v56 =	vbroadcast v1, $0x5;
	v3 =	vmul.f32 v6, v11;
	[tilespmem:s13+$0xFFFFFF00] =	vst v12  }
0xa8: {  	v16 =	vld [tilespmem:s13+$0xFFFFFD10];
	v58 =	vbroadcast v1, $0x7;
	[tilespmem:s13+$0xFFFFFD00] =	vst v2;
	v2 =	vmul.f32 v8, v55  }
0xa9: {  	v62 =	vld [tilespmem:s13+$0xFFFFFF90];
	[tilespmem:s13+$0xFFFFFD80] =	vst v3;
	v3 =	vmul.f32 v10, v56  }
0xaa: {  	v13 =	vmul.f32 v13, v58;
	[tilespmem:s13+$0xFFFFFE00] =	vst v2;
	v2 =	vld [tilespmem:s13+$0xFFFFFD90]  }
0xab: {  	v14 =	vmul.f32 v14, v5;
	[tilespmem:s13+$0xFFFFFE80] =	vst v3;
	v3 =	vld [tilespmem:s13+$0xFFFFFE10]  }
0xac: {  	v59 =	vld [tilespmem:s13+$0xFFFFFE90];
	v15 =	vmul.f32 v15, v7;
	[tilespmem:s13+$0xFFFFFF80] =	vst v13  }
0xad: {  	v60 =	vld [tilespmem:s13+$0xFFFFFF10];
	v61 =	vmul.f32 v16, v9;
	[tilespmem:s13+$0xFFFFFC10] =	vst v14  }
0xae: {  	v63 =	vld [tilespmem:s13+$0xFFFFFC20];
	v16 =	vmul.f32 v62, v58;
	[tilespmem:s13+$0xFFFFFC90] =	vst v15  }
0xaf: {  	v20 =	vld [tilespmem:s13+$0xFFFFFCA0];
	[tilespmem:s13+$0xFFFFFD10] =	vst v61;
	v2 =	vmul.f32 v2, v11  }
0xb0: {  	v23 =	vld [tilespmem:s13+$0xFFFFFF20];
	[tilespmem:s13+$0xFFFFFF90] =	vst v16;
	v3 =	vmul.f32 v3, v55  }
0xb1: {  	v12 =	vmul.f32 v59, v56;
	[tilespmem:s13+$0xFFFFFD90] =	vst v2;
	v2 =	vld [tilespmem:s13+$0xFFFFFD20]  }
0xb2: {  	v13 =	vmul.f32 v60, v57;
	[tilespmem:s13+$0xFFFFFE10] =	vst v3;
	v3 =	vld [tilespmem:s13+$0xFFFFFDA0]  }
0xb3: {  	v25 =	vld [tilespmem:s13+$0xFFFFFC30];
	v15 =	vmul.f32 v63, v5;
	[tilespmem:s13+$0xFFFFFE90] =	vst v12  }
0xb4: {  	v21 =	vld [tilespmem:s13+$0xFFFFFE20];
	v14 =	vmul.f32 v20, v7;
	[tilespmem:s13+$0xFFFFFF10] =	vst v13  }
0xb5: {  	v22 =	vld [tilespmem:s13+$0xFFFFFEA0];
	v16 =	vmul.f32 v23, v57;
	[tilespmem:s13+$0xFFFFFC20] =	vst v15  }
0xb6: {  	v24 =	vld [tilespmem:s13+$0xFFFFFFA0];
	[tilespmem:s13+$0xFFFFFCA0] =	vst v14;
	v2 =	vmul.f32 v2, v9  }
0xb7: {  	v44 =	vld [tilespmem:s13+$0x10];
	[tilespmem:s13+$0xFFFFFF20] =	vst v16;
	v3 =	vmul.f32 v3, v11  }
0xb8: {  	v5 =	vmul.f32 v25, v5;
	[tilespmem:s13+$0xFFFFFD20] =	vst v2;
	v2 =	vld [tilespmem:s13+$0xFFFFFCB0]  }
0xb9: {  	v12 =	vmul.f32 v21, v55;
	[tilespmem:s13+$0xFFFFFDA0] =	vst v3;
	v3 =	vld [tilespmem:s13+$0xFFFFFD30]  }
0xba: {  	v26 =	vld [tilespmem:s13+$0xFFFFFDB0];
	v34 =	vbroadcast v1, $0x8;
	v13 =	vmul.f32 v22, v56;
	[tilespmem:s13+$0xFFFFFC30] =	vst v5  }
0xbb: {  	v27 =	vld [tilespmem:s13+$0xFFFFFE30];
	v15 =	vmul.f32 v24, v58;
	[tilespmem:s13+$0xFFFFFE20] =	vst v12  }
0xbc: {  	v28 =	vld [tilespmem:s13+$0xFFFFFEB0];
	v14 =	vmul.f32 v44, v34;
	[tilespmem:s13+$0xFFFFFEA0] =	vst v13  }
0xbd: {  	v29 =	vld [tilespmem:s13+$0xFFFFFF30];
	[tilespmem:s13+$0xFFFFFFA0] =	vst v15;
	v2 =	vmul.f32 v2, v7  }
0xbe: {  	v30 =	vld [tilespmem:s13+$0xFFFFFFB0];
	[tilespmem:s13+$0x10] =	vst v14;
	v3 =	vmul.f32 v3, v9  }
0xbf: {  	v31 =	vld [tilespmem:s13+$0x0];
	[tilespmem:s13+$0xFFFFFCB0] =	vst v2;
	v2 =	vmul.f32 v26, v11  }
0xc0: {  	v32 =	vld [tilespmem:s13+$0x80];
	[tilespmem:s13+$0xFFFFFD30] =	vst v3;
	v3 =	vmul.f32 v27, v55  }
0xc1: {  	v33 =	vld [tilespmem:s13+$0x100];
	[tilespmem:s13+$0xFFFFFDB0] =	vst v2;
	v2 =	vmul.f32 v28, v56  }
0xc2: {  	v35 =	vld [tilespmem:s13+$0x180];
	v36 =	vbroadcast v1, $0x9;
	[tilespmem:s13+$0xFFFFFE30] =	vst v3;
	v3 =	vmul.f32 v29, v57  }
0xc3: {  	v37 =	vld [tilespmem:s13+$0x200];
	v38 =	vbroadcast v1, $0xA;
	[tilespmem:s13+$0xFFFFFEB0] =	vst v2;
	v2 =	vmul.f32 v30, v58  }
0xc4: {  	v41 =	vld [tilespmem:s13+$0x300];
	v40 =	vbroadcast v1, $0xB;
	[tilespmem:s13+$0xFFFFFF30] =	vst v3;
	v3 =	vmul.f32 v31, v34  }
0xc5: {  	v43 =	vld [tilespmem:s13+$0x380];
	v42 =	vbroadcast v1, $0xC;
	[tilespmem:s13+$0xFFFFFFB0] =	vst v2;
	v2 =	vmul.f32 v32, v36  }
0xc6: {  	v46 =	vld [tilespmem:s13+$0x90];
	v45 =	vbroadcast v1, $0xD;
	[tilespmem:s13+$0x0] =	vst v3;
	v3 =	vmul.f32 v33, v38  }
0xc7: {  	v51 =	vld [tilespmem:s13+$0x390];
	v47 =	vbroadcast v1, $0xE;
	[tilespmem:s13+$0x80] =	vst v2;
	v2 =	vmul.f32 v35, v40  }
0xc8: {  	v49 =	vld [tilespmem:s13+$0x290];
	v1 =	vbroadcast v1, $0xF;
	[tilespmem:s13+$0x100] =	vst v3;
	v3 =	vmul.f32 v37, v42  }
0xc9: {  	v12 =	vmul.f32 v41, v47;
	[tilespmem:s13+$0x180] =	vst v2;
	v2 =	vld [tilespmem:s13+$0x110]  }
0xca: {  	v13 =	vmul.f32 v43, v1;
	[tilespmem:s13+$0x200] =	vst v3;
	v3 =	vld [tilespmem:s13+$0x190]  }
0xcb: {  	v50 =	vld [tilespmem:s13+$0x310];
	v15 =	vmul.f32 v46, v36;
	[tilespmem:s13+$0x300] =	vst v12  }
0xcc: {  	v52 =	vld [tilespmem:s13+$0x20];
	v14 =	vmul.f32 v51, v1;
	[tilespmem:s13+$0x380] =	vst v13  }
0xcd: {  	v39 =	vld [tilespmem:s13+$0x280];
	[tilespmem:s13+$0x90] =	vst v15;
	v12 =	vmul.f32 v49, v45  }
0xce: {  	v54 =	vld [tilespmem:s13+$0x220];
	[tilespmem:s13+$0x390] =	vst v14;
	v2 =	vmul.f32 v2, v38  }
0xcf: {  	v48 =	vld [tilespmem:s13+$0x210];
	[tilespmem:s13+$0x290] =	vst v12;
	v3 =	vmul.f32 v3, v40  }
0xd0: {  	v13 =	vmul.f32 v50, v47;
	[tilespmem:s13+$0x110] =	vst v2;
	v2 =	vld [tilespmem:s13+$0xA0]  }
0xd1: {  	v15 =	vmul.f32 v52, v34;
	[tilespmem:s13+$0x190] =	vst v3;
	v3 =	vld [tilespmem:s13+$0x120]  }
0xd2: {  	v53 =	vld [tilespmem:s13+$0x1A0];
	[tilespmem:s13+$0x310] =	vst v13;
	v11 =	vmul.f32 v39, v45  }
0xd3: {  	[tilespmem:s13+$0x20] =	vst v15;
	v12 =	vmul.f32 v54, v42;
	v55 =	vld [tilespmem:s13+$0x2A0]  }
0xd4: {  	[tilespmem:s13+$0x280] =	vst v11;
	v11 =	vmul.f32 v48, v42;
	v56 =	vld [tilespmem:s13+$0x320]  }
0xd5: {  	[tilespmem:s13+$0x220] =	vst v12;
	v57 =	vld [tilespmem:s13+$0x3A0];
	v2 =	vmul.f32 v2, v36  }
0xd6: {  	v63 =	vld [tilespmem:s13+$0x3B0];
	[tilespmem:s13+$0x210] =	vst v11;
	v3 =	vmul.f32 v3, v38  }
0xd7: {  	v11 =	vmul.f32 v53, v40;
	[tilespmem:s13+$0xA0] =	vst v2;
	v2 =	vld [tilespmem:s13+$0x30]  }
0xd8: {  	v13 =	vmul.f32 v55, v45;
	[tilespmem:s13+$0x120] =	vst v3;
	v3 =	vld [tilespmem:s13+$0xB0]  }
0xd9: {  	v58 =	vld [tilespmem:s13+$0x130];
	[tilespmem:s13+$0x1A0] =	vst v11;
	v14 =	vmul.f32 v56, v47  }
0xda: {  	v59 =	vld [tilespmem:s13+$0x1B0];
	[tilespmem:s13+$0x2A0] =	vst v13;
	v15 =	vmul.f32 v57, v1  }
0xdb: {  	v60 =	vld [tilespmem:s13+$0x230];
	v1 =	vmul.f32 v63, v1;
	[tilespmem:s13+$0x320] =	vst v14  }
0xdc: {  	v61 =	vld [tilespmem:s13+$0x2B0];
	[tilespmem:s13+$0x3A0] =	vst v15;
	v2 =	vmul.f32 v2, v34  }
0xdd: {  	v62 =	vld [tilespmem:s13+$0x330];
	[tilespmem:s13+$0x3B0] =	vst v1;
	v3 =	vmul.f32 v3, v36  }
0xde: {  	[tilespmem:s13+$0x30] =	vst v2;
	v2 =	vmul.f32 v58, v38  }
0xdf: {  	p0 =	sne.s32 s10, $0xC0;
	[tilespmem:s13+$0xB0] =	vst v3;
	v3 =	vmul.f32 v59, v40  }
.Ltmp1:
0xe0: {  	[tilespmem:s13+$0x130] =	vst v2;
	v2 =	vmul.f32 v60, v42;
	(pc) =	sbr.rel @p0 .LBB2_5-.Ltmp1, $4  }
0xe1: {  	[tilespmem:s13+$0x1B0] =	vst v3;
	v3 =	vmul.f32 v61, v45  }
0xe2: {  	[tilespmem:s13+$0x230] =	vst v2;
	v2 =	vmul.f32 v62, v47  }
0xe3: {  	[tilespmem:s13+$0x2B0] =	vst v3  }
0xe4: {  	s10 =	sadd.s32 $0x40, s10;
	[tilespmem:s13+$0x330] =	vst v2;
	s13 =	sadd.s32 $0x800, s13  }
0xe5: {  	p0 =	sne.s32 s11, $0x50  }
.Ltmp2:
0xe6: {  	s9 =	sadd.s32 $0x2800, s9;
	(pc) =	sbr.rel @p0 .LBB2_2-.Ltmp2, $4  }
0xe7: {  	[spmem:s2] =	stream.indirect.scatter.add.f32 [tilespmem:s4], [sflag:$0x3], $0x80, s9, s0, $0xb8;
	[tilespmem:$0x1F800] =	vst v63  }
0xe8: {  	_ =	swait.ge [sflag:s31], $0x2000  }
0xe9: {  	s7 =	sadd.s32 $0x80, s7;
	[sflag:s31] =	ssyncset.done $0x0  }
0xea: {  	s8 =	sadd.s32 $0x80, s8;
	s10 =	smov.u32 s11;
	[sflag:s31] =	ssyncadd.s32 $0xFFFFE000  }
0xeb: {  	_ =	swait.ge [sflag:s3], $0x2000  }
0xec: {  	[sflag:s3] =	ssyncset.done $0x0  }
0xed: {  	[sflag:s3] =	ssyncadd.s32 $0xFFFFE000  }
0xee: {  	[bflag:$0x0] =	sbarrier.arrive $0xFFFF  }
0xef: {  	[tilespmem:s1], [sflag:$0x3] =	stream.linear.gather [spmem:s19], $0x2000, $0x38;
	[tilespmem:$0x1F800] =	vst v63  }
0xf0: {  	_ =	swait.ge [sflag:s31], $0x2000  }
0xf1: {  	[sflag:s31] =	ssyncset.done $0x0  }
0xf2: {  	s7 =	rddreg [dreg:$0x3];
	[sflag:s31] =	ssyncadd.s32 $0xFFFFE000  }
0xf3: {  	[hbm4b:s7+s12] =	stream.linear.scatter [tilespmem:s1], [sflag:$0x3], $0x2000, $0x38;
	[tilespmem:$0x1F800] =	vst v63  }
0xf4: {  	_ =	swait.ge [sflag:s31], $0x2000  }
0xf5: {  	[sflag:s31] =	ssyncset.done $0x0  }
0xf6: {  	[sflag:s31] =	ssyncadd.s32 $0xFFFFE000  }
0xf7: {  	[tilespmem:s1], [sflag:$0x3] =	stream.linear.gather [spmem:s24], $0x2000, $0x38;
	[tilespmem:$0x1F800] =	vst v63  }
0xf8: {  	_ =	swait.ge [sflag:s31], $0x2000  }
0xf9: {  	[sflag:s31] =	ssyncset.done $0x0  }
0xfa: {  	s16 =	rddreg [dreg:$0x4];
	[sflag:s31] =	ssyncadd.s32 $0xFFFFE000  }
0xfb: {  	[hbm4b:s16+s12] =	stream.linear.scatter [tilespmem:s1], [sflag:$0x3], $0x2000, $0x38;
	[tilespmem:$0x1F800] =	vst v63  }
0xfc: {  	_ =	swait.ge [sflag:s31], $0x2000  }
0xfd: {  	[sflag:s31] =	ssyncset.done $0x0  }
0xfe: {  	[sflag:s31] =	ssyncadd.s32 $0xFFFFE000  }
0xff: {  	[tilespmem:s1], [sflag:$0x3] =	stream.linear.gather [spmem:s20], $0x2000, $0x38;
	[tilespmem:$0x1F800] =	vst v63  }
0x100: {  	_ =	swait.ge [sflag:s31], $0x2000  }
0x101: {  	[sflag:s31] =	ssyncset.done $0x0  }
0x102: {  	s17 =	rddreg [dreg:$0x5];
	[sflag:s31] =	ssyncadd.s32 $0xFFFFE000  }
0x103: {  	[hbm4b:s17+s12] =	stream.linear.scatter [tilespmem:s1], [sflag:$0x3], $0x2000, $0x38;
	[tilespmem:$0x1F800] =	vst v63  }
0x104: {  	_ =	swait.ge [sflag:s31], $0x2000  }
0x105: {  	[sflag:s31] =	ssyncset.done $0x0  }
0x106: {  	[sflag:s31] =	ssyncadd.s32 $0xFFFFE000  }
0x107: {  	[tilespmem:s1], [sflag:$0x3] =	stream.linear.gather [spmem:s25], $0x2000, $0x38;
	[tilespmem:$0x1F800] =	vst v63  }
0x108: {  	_ =	swait.ge [sflag:s31], $0x2000  }
0x109: {  	[sflag:s31] =	ssyncset.done $0x0  }
0x10a: {  	s8 =	rddreg [dreg:$0x6];
	[sflag:s31] =	ssyncadd.s32 $0xFFFFE000  }
0x10b: {  	[hbm4b:s8+s12] =	stream.linear.scatter [tilespmem:s1], [sflag:$0x3], $0x2000, $0x38;
	[tilespmem:$0x1F800] =	vst v63  }
0x10c: {  	_ =	swait.ge [sflag:s31], $0x2000  }
0x10d: {  	[sflag:s31] =	ssyncset.done $0x0  }
0x10e: {  	[sflag:s31] =	ssyncadd.s32 $0xFFFFE000  }
0x10f: {  	[tilespmem:s1], [sflag:$0x3] =	stream.linear.gather [spmem:s21], $0x2000, $0x38;
	[tilespmem:$0x1F800] =	vst v63  }
0x110: {  	_ =	swait.ge [sflag:s31], $0x2000  }
0x111: {  	[sflag:s31] =	ssyncset.done $0x0  }
0x112: {  	s9 =	rddreg [dreg:$0x7];
	[sflag:s31] =	ssyncadd.s32 $0xFFFFE000  }
0x113: {  	[hbm4b:s9+s12] =	stream.linear.scatter [tilespmem:s1], [sflag:$0x3], $0x2000, $0x38;
	[tilespmem:$0x1F800] =	vst v63  }
0x114: {  	_ =	swait.ge [sflag:s31], $0x2000  }
0x115: {  	[sflag:s31] =	ssyncset.done $0x0  }
0x116: {  	[sflag:s31] =	ssyncadd.s32 $0xFFFFE000  }
0x117: {  	[tilespmem:s1], [sflag:$0x3] =	stream.linear.gather [spmem:s26], $0x2000, $0x38;
	[tilespmem:$0x1F800] =	vst v63  }
0x118: {  	_ =	swait.ge [sflag:s31], $0x2000  }
0x119: {  	[sflag:s31] =	ssyncset.done $0x0  }
0x11a: {  	s10 =	rddreg [dreg:$0x8];
	[sflag:s31] =	ssyncadd.s32 $0xFFFFE000  }
0x11b: {  	[hbm4b:s10+s12] =	stream.linear.scatter [tilespmem:s1], [sflag:$0x3], $0x2000, $0x38;
	[tilespmem:$0x1F800] =	vst v63  }
0x11c: {  	_ =	swait.ge [sflag:s31], $0x2000  }
0x11d: {  	[sflag:s31] =	ssyncset.done $0x0  }
0x11e: {  	[sflag:s31] =	ssyncadd.s32 $0xFFFFE000  }
0x11f: {  	[tilespmem:s1], [sflag:$0x3] =	stream.linear.gather [spmem:s22], $0x2000, $0x38;
	[tilespmem:$0x1F800] =	vst v63  }
0x120: {  	_ =	swait.ge [sflag:s31], $0x2000  }
0x121: {  	[sflag:s31] =	ssyncset.done $0x0  }
0x122: {  	s11 =	rddreg [dreg:$0x9];
	[sflag:s31] =	ssyncadd.s32 $0xFFFFE000  }
0x123: {  	[hbm4b:s11+s12] =	stream.linear.scatter [tilespmem:s1], [sflag:$0x3], $0x2000, $0x38;
	[tilespmem:$0x1F800] =	vst v63  }
0x124: {  	_ =	swait.ge [sflag:s31], $0x2000  }
0x125: {  	[sflag:s31] =	ssyncset.done $0x0  }
0x126: {  	[sflag:s31] =	ssyncadd.s32 $0xFFFFE000  }
0x127: {  	[tilespmem:s1], [sflag:$0x3] =	stream.linear.gather [spmem:s28], $0x2000, $0x38;
	[tilespmem:$0x1F800] =	vst v63  }
0x128: {  	_ =	swait.ge [sflag:s31], $0x2000  }
0x129: {  	[sflag:s31] =	ssyncset.done $0x0  }
0x12a: {  	s13 =	rddreg [dreg:$0xa];
	[sflag:s31] =	ssyncadd.s32 $0xFFFFE000  }
0x12b: {  	[hbm4b:s13+s12] =	stream.linear.scatter [tilespmem:s1], [sflag:$0x3], $0x2000, $0x38;
	[tilespmem:$0x1F800] =	vst v63  }
0x12c: {  	_ =	swait.ge [sflag:s31], $0x2000  }
0x12d: {  	[sflag:s31] =	ssyncset.done $0x0  }
0x12e: {  	[sflag:s31] =	ssyncadd.s32 $0xFFFFE000  }
0x12f: {  	[tilespmem:s1], [sflag:$0x3] =	stream.linear.gather [spmem:s23], $0x2000, $0x38;
	[tilespmem:$0x1F800] =	vst v63  }
0x130: {  	_ =	swait.ge [sflag:s31], $0x2000  }
0x131: {  	[sflag:s31] =	ssyncset.done $0x0  }
0x132: {  	s16 =	rddreg [dreg:$0xb];
	[sflag:s31] =	ssyncadd.s32 $0xFFFFE000  }
0x133: {  	[hbm4b:s16+s12] =	stream.linear.scatter [tilespmem:s1], [sflag:$0x3], $0x2000, $0x38;
	[tilespmem:$0x1F800] =	vst v63  }
0x134: {  	_ =	swait.ge [sflag:s31], $0x2000  }
0x135: {  	[sflag:s31] =	ssyncset.done $0x0  }
0x136: {  	[sflag:s31] =	ssyncadd.s32 $0xFFFFE000  }
0x137: {  	[tilespmem:s1], [sflag:$0x3] =	stream.linear.gather [spmem:s29], $0x2000, $0x38;
	[tilespmem:$0x1F800] =	vst v63  }
0x138: {  	s6 =	sadd.s32 $0x1, s6;
	_ =	swait.ge [sflag:s31], $0x2000  }
0x139: {  	p0 =	sne.s32 s6, s30;
	[sflag:s31] =	ssyncset.done $0x0  }
.Ltmp3:
0x13a: {  	s17 =	rddreg [dreg:$0xc];
	[sflag:s31] =	ssyncadd.s32 $0xFFFFE000;
	(pc) =	sbr.rel @p0 .LBB2_1-.Ltmp3, $4  }
0x13b: {  	[hbm4b:s17+s12] =	stream.linear.scatter [tilespmem:s1], [sflag:$0x3], $0x2000, $0x38;
	[tilespmem:$0x1F800] =	vst v63  }
0x13c: {  	_ =	swait.ge [sflag:s31], $0x2000  }
0x13d: {  	[sflag:s31] =	ssyncset.done $0x0  }
0x13e: {  	[sflag:s31] =	ssyncadd.s32 $0xFFFFE000  }
0x13f: {  	_ =	sfence.sel $0x180000  }
0x140: {  	[bflag:$0x0] =	sbarrier.arrive $0xFFFF  }
0x141: {  	_ =	strace $0x9000004A  }
0x142: {  	s0 =	stileid.u32;
	[bflag:$0x2] =	sbarrier.arrive $0xFFFF  }
0x143: {  	p0 =	sne.s32 s0, $0x0;
	s0 =	rddreg [dreg:$0x2]  }
0x144: {  	s0 =	sadd.s32 @!p0 $0x100000, s0  }
0x145: {  	[sflag:s0] =	ssyncadd.tile.s32 @!p0 $0x1;
	_ =	shalt  }
.Lfunc_end2:
_tile_overlayer_lowered:
.L_overlay_start_2:
0x146: {  	(tag) =	ssettag $0x2  }
0x147: {  	s0 =	rddreg [dreg:$0x0];
	s2 =	stileid.u32  }
0x148: {  	s1 =	rddreg [dreg:$0x1];
	p0 =	sne.s32 s2, $0x0  }
0x149: {  	s3 =	rddreg [dreg:$0x2];
	[bflag:$0x3] =	sbarrier.arrive $0xFFFF;
	s2 =	simm.s32 @!p0 $0x1C03  }
0x14a: {  	[timem:s3], [sflag:s2] =	dma.local @!p0 [hbm:s0], s1  }
0x14b: {  	s0 =	simm.s32 @!p0 $0x3  }
0x14c: {  	_ =	swait.ge @!p0 [sflag:s0], s1  }
0x14d: {  	s1 =	ssub.s32 @!p0 $0x0, s1;
	[sflag:s0] =	ssyncset.done @!p0 $0x0  }
0x14e: {  	[sflag:s0] =	ssyncadd.s32 @!p0 s1  }
0x14f: {  	[bflag:$0x3] =	sbarrier.arrive $0xFFFF  }
0x150: {  	_ =	shalt  }

// kernel: kernel.14.cloned.1.call-start
scs
__scs_entry_jumppad:
0x0: {  	(pc) =	sbr.rel $0x88, $3  }
0x1: {  	(tag) =	ssettag $0x0;
	lr =	simm.s32 $0x1  }
0x2: {  	[smem:$0x3F96] =	sst lr;
	_ =	strace $0xD0000000  }
0x3: {  	_ = 	snop  }
0x4: {  	_ = 	snop  }
0x5: {  	_ = 	snop  }
0x6: {  	_ = 	snop  }
0x7: {  	_ = 	snop  }
__scs_overlays_trampoline_lowered:
0x8: {  	[smem:$0x3FA5] =	sst s0  }
0x9: {  	[smem:$0x3FA6] =	sst s1  }
0xa: {  	[smem:$0x3FA7] =	sst s2  }
0xb: {  	[smem:$0x3FA8] =	sst s3  }
0xc: {  	[smem:$0x3FA9] =	sst s4  }
0xd: {  	[smem:$0x3FAA] =	sst s5  }
0xe: {  	[smem:$0x3FAB] =	sst s6  }
0xf: {  	[smem:$0x3FAC] =	sst s7  }
0x10: {  	[smem:$0x3FAD] =	sst s8  }
0x11: {  	[smem:$0x3FAE] =	sst s9;
	s0 =	simm.s32 @!p0 $0x0  }
0x12: {  	s1 =	sld [smem:$0x3F94];
	s0 =	simm.s32 @p0 $0x1  }
0x13: {  	[smem:$0x3FAF] =	sst s0;
	s0 =	simm.s32 @!p1 $0x0  }
0x14: {  	s2 =	sld [smem:$0x3F93];
	s0 =	simm.s32 @p1 $0x1  }
0x15: {  	[smem:$0x3FB0] =	sst s0;
	s0 =	simm.s32 @!p2 $0x0  }
0x16: {  	s3 =	sld [smem:$0x3FDB];
	s0 =	simm.s32 @p2 $0x1  }
0x17: {  	s4 =	simm.s32 $0x1BF5;
	[smem:$0x3FB2] =	sst s0  }
0x18: {  	s0 =	sld [smem:$0x3F95];
	_ =	swait.ge [sflag:s4], $0x0  }
0x19: {  	s7 =	sld [smem:$0x3F96]  }
0x1a: {  	s8 =	sadd.s32 $0xFFFFE003, lr  }
0x1b: {  	s9 =	sadd.s32 $0xFFFFFEF7, lr;
	s5 =	simm.s32 $0xFFFFFFFF;
	p2 =	slt.u32 s8, $0xFFFFF086  }
0x1c: {  	p1 =	slt.u32 s9, $0xF7A;
	s5 =	simm.s32 @!p2 $0x0  }
0x1d: {  	s5 =	simm.s32 @p1 $0x1;
	p0 =	seq.s32 s7, s2  }
0x1e: {  	s7 =	smul.u32 @!p0 $0xF7A, s2;
	p2 =	seq.s32 @!p0 s5, $0x0  }
0x1f: {  	s9 =	smul.u32 $0xF7A, s1;
	s8 =	simm.s32 @!p0 $0x1BF5;
	p2 =	por !p2, p0  }
0x20: {  	[sflag:s8] =	ssyncset.s32 @!p0 $0xFFFFF086;
	s6 =	sadd.s32 @!p0 s3, s7;
	s7 =	simm.s32 @!p0 $0x108  }
0x21: {  	s3 =	sadd.s32 s3, s9;
	s6 =	sadd.s32 @!p0 $0x88, s6;
	s7 =	simm.s32 @p2 $0x1082  }
0x22: {  	[simem:s7], [sflag:s8] =	dma.local @!p0 [hbm:s6], $0xF7A  }
0x23: {  	s9 =	sor.u32 $0xD0000000, s2;
	s6 =	simm.s32 $0x108;
	_ =	swait.ge @!p0 [sflag:s8], $0x0  }
0x24: {  	s3 =	sadd.s32 $0x88, s3;
	s6 =	simm.s32 @!p1 $0x1082;
	[sflag:s4] =	ssyncset.s32 $0xFFFFF086  }
0x25: {  	[simem:s6], [sflag:s4] =	dma.local [hbm:s3], $0xF7A  }
0x26: {  	[smem:$0x3F96] =	sst s1;
	(tag) =	ssettag s2;
	_ =	strace s9  }
0x27: {  	s1 =	sld [smem:$0x3FA6]  }
0x28: {  	s2 =	sld [smem:$0x3FA7]  }
0x29: {  	s4 =	sld [smem:$0x3FA9]  }
0x2a: {  	p0 =	seq.s32 s5, $0x0;
	s5 =	sld [smem:$0x3FAA]  }
0x2b: {  	s6 =	sld [smem:$0x3FAB]  }
0x2c: {  	s7 =	sld [smem:$0x3FAC]  }
0x2d: {  	s3 =	simm.s32 $0x108;
	s8 =	sld [smem:$0x3FAD]  }
0x2e: {  	s3 =	simm.s32 @!p0 $0x1082;
	s9 =	sld [smem:$0x3FAE]  }
0x2f: {  	lr =	sadd.s32 s0, s3;
	s0 =	sld [smem:$0x3FA5]  }
0x30: {  	s3 =	sld [smem:$0x3FA8]  }
0x31: {  	[smem:$0x3FB1] =	sst s10  }
0x32: {  	s10 =	sld [smem:$0x3FAF];
	_ =	sdelay $0x3  }
0x33: {  	p0 =	seq.s32 s10, $0x1;
	s10 =	sld [smem:$0x3FB1];
	_ =	sdelay $0x3  }
0x34: {  	[smem:$0x3FB1] =	sst s10  }
0x35: {  	s10 =	sld [smem:$0x3FB0];
	_ =	sdelay $0x3  }
0x36: {  	p1 =	seq.s32 s10, $0x1;
	s10 =	sld [smem:$0x3FB1];
	_ =	sdelay $0x3  }
0x37: {  	[smem:$0x3FB1] =	sst s10  }
0x38: {  	s10 =	sld [smem:$0x3FB2]  }
0x39: {  	_ = 	snop;
	(pc) =	sbr.ind lr, $3  }
0x3a: {  	_ = 	snop  }
0x3b: {  	_ = 	snop  }
0x3c: {  	p2 =	seq.s32 s10, $0x1;
	s10 =	sld [smem:$0x3FB1]  }
0x3d: {  	_ =	shalt  }
0x3e: {  	_ =	shalt  }
0x3f: {  	_ =	shalt  }
0x40: {  	_ =	shalt  }
0x41: {  	_ =	shalt  }
0x42: {  	_ =	shalt  }
0x43: {  	_ =	shalt  }
0x44: {  	_ =	shalt  }
0x45: {  	_ =	shalt  }
0x46: {  	_ =	shalt  }
0x47: {  	_ =	shalt  }
0x48: {  	_ =	shalt  }
0x49: {  	_ =	shalt  }
0x4a: {  	_ =	shalt  }
0x4b: {  	_ =	shalt  }
0x4c: {  	_ =	shalt  }
0x4d: {  	_ =	shalt  }
0x4e: {  	_ =	shalt  }
0x4f: {  	_ =	shalt  }
0x50: {  	_ =	shalt  }
0x51: {  	_ =	shalt  }
0x52: {  	_ =	shalt  }
0x53: {  	_ =	shalt  }
0x54: {  	_ =	shalt  }
0x55: {  	_ =	shalt  }
0x56: {  	_ =	shalt  }
0x57: {  	_ =	shalt  }
0x58: {  	_ =	shalt  }
0x59: {  	_ =	shalt  }
0x5a: {  	_ =	shalt  }
0x5b: {  	_ =	shalt  }
0x5c: {  	_ =	shalt  }
0x5d: {  	_ =	shalt  }
0x5e: {  	_ =	shalt  }
0x5f: {  	_ =	shalt  }
0x60: {  	_ =	shalt  }
0x61: {  	_ =	shalt  }
0x62: {  	_ =	shalt  }
0x63: {  	_ =	shalt  }
0x64: {  	_ =	shalt  }
0x65: {  	_ =	shalt  }
0x66: {  	_ =	shalt  }
0x67: {  	_ =	shalt  }
0x68: {  	_ =	shalt  }
0x69: {  	_ =	shalt  }
0x6a: {  	_ =	shalt  }
0x6b: {  	_ =	shalt  }
0x6c: {  	_ =	shalt  }
0x6d: {  	_ =	shalt  }
0x6e: {  	_ =	shalt  }
0x6f: {  	_ =	shalt  }
0x70: {  	_ =	shalt  }
0x71: {  	_ =	shalt  }
0x72: {  	_ =	shalt  }
0x73: {  	_ =	shalt  }
0x74: {  	_ =	shalt  }
0x75: {  	_ =	shalt  }
0x76: {  	_ =	shalt  }
0x77: {  	_ =	shalt  }
0x78: {  	_ =	shalt  }
0x79: {  	_ =	shalt  }
0x7a: {  	_ =	shalt  }
0x7b: {  	_ =	shalt  }
0x7c: {  	_ =	shalt  }
0x7d: {  	_ =	shalt  }
0x7e: {  	_ =	shalt  }
0x7f: {  	_ =	shalt  }
0x80: {  	_ =	shalt  }
0x81: {  	_ =	shalt  }
0x82: {  	_ =	shalt  }
0x83: {  	_ =	shalt  }
0x84: {  	_ =	shalt  }
0x85: {  	_ =	shalt  }
0x86: {  	_ =	shalt  }
0x87: {  	_ =	shalt  }
.Lfunc_end0:
.L_simem_size_0:
called_computation.2_lowered:
.L_overlay_start_0:
0x88: {  	s2 =	sld [smem:$0x3FD9]  }
0x89: {  	s3 =	sld [smem:$0x3FFE];
	_ =	sdelay $0x1  }
0x8a: {  	s1 =	srdreg.scid  }
0x8b: {  	s0 =	sand.u32 $0x1, s1  }
0x8c: {  	s16 =	sshll.u32 s0, $0xA;
	s2 =	sadd.s32 s3, s2  }
0x8d: {  	s2 =	sadd.s32 s2, s16  }
0x8e: {  	[smem:$0x3FBD] =	sst s2  }
0x8f: {  	_ = 	snop  }
0x90: {  	(tm) =	ssettm $0x1  }
0x91: {  	s17 =	sld [smem:$0x3FFB];
	_ =	sdelay $0x3  }
0x92: {  	_ =	strace s17  }
0x93: {  	s2 =	sld [smem:$0x3FFC];
	_ =	sdelay $0x3  }
0x94: {  	_ =	strace s2  }
0x95: {  	s2 =	sld [smem:$0x3FFD];
	_ =	sdelay $0x3  }
0x96: {  	_ =	strace s2  }
0x97: {  	_ =	strace $0x8FFFFFFF  }
0x98: {  	s18 =	sld [smem:$0x3FDB];
	_ =	sdelay $0x1  }
0x99: {  	s19 =	simm.s32 $_scs_section_size  }
0x9a: {  	s4 =	simm.s32 $_size__tile_overlayer_lowered;
	s5 =	simm.s32 $_tile_overlayer_lowered  }
0x9b: {  	s22 =	simm.s32 $0x1BFF;
	s21 =	sshll.u32 s5, $0x1;
	s2 =	sadd.s32 s19, s18  }
0x9c: {  	s6 =	simm.s32 $0x0;
	s20 =	sshll.u32 s4, $0x1;
	s4 =	sadd.s32 s21, s2  }
0x9d: {  	[timem:s6], [sflag:s22] =	dma.local [hbm:s4], s20  }
0x9e: {  	_ =	swait.ge [sflag:s22], s20  }
0x9f: {  	s3 =	ssub.s32 $0x0, s20;
	[sflag:s22] =	ssyncset.done $0x0  }
0xa0: {  	[sflag:s22] =	ssyncadd.s32 s3;
	_ =	sdelay $0x1  }
0xa1: {  	s23 =	simm.s32 $0x1B8B  }
0xa2: {  	_ =	swait.ge [sflag:s23], $0x1  }
0xa3: {  	[sflag:s23] =	ssyncset.done $0x0  }
0xa4: {  	s25 =	simm.s32 $0x1B8E;
	s24 =	sld [smem:$0x3FFE];
	[sflag:s23] =	ssyncadd.s32 $0xFFFFFFFF  }
0xa5: {  	s26 =	simm.s32 $execute0_lowered;
	[smem:$0x3FD2] =	sst s25  }
0xa6: {  	s4 =	sshll.u32 s26, $0x1;
	_ =	strace $0x8000004C;
	[dreg:$0x1] =	wrdreg $0xFFFFFFFF  }
0xa7: {  	s28 =	simm.s32 $_size_execute0_lowered;
	s2 =	sadd.s32 s2, s4;
	[dreg:$0x0] =	wrdreg $0x0  }
0xa8: {  	s4 =	sshll.u32 s28, $0x1;
	[dreg:$0x2] =	wrdreg s2  }
0xa9: {  	[dreg:$0x3] =	wrdreg s4  }
0xaa: {  	[dreg:$0x4] =	wrdreg $0xC0  }
0xab: {  	_ =	task [dreg:s6], $0x5FFFF  }
0xac: {  	[dreg:$0x1] =	wrdreg $0xFFFFFFFF  }
0xad: {  	[dreg:$0x0] =	wrdreg $0x60  }
0xae: {  	[dreg:$0x2] =	wrdreg s24  }
0xaf: {  	[dreg:$0x3] =	wrdreg $0x9  }
0xb0: {  	_ =	task.clear_ibuf [dreg:s6], $0x4FFFF;
	_ =	strace $0x9000004C  }
0xb1: {  	s29 =	simm.s32 $0x9;
	_ =	strace $0x8000004E  }
0xb2: {  	_ =	swait.ge [sflag:s29], $0x1  }
0xb3: {  	[sflag:s29] =	ssyncadd.s32 $0xFFFFFFFF  }
0xb4: {  	_ =	strace $0x9000004E  }
0xb5: {  	_ =	sfence  }
0xb6: {  	s30 =	sld [smem:$0x0];
	_ =	sdelay $0x2  }
0xb7: {  	s31 =	sshll.u32 s1, $0xD;
	s1 =	sshrl.u32 s1, $0x2  }
0xb8: {  	s3 =	sand.u32 $0x4000, s31;
	s1 =	sadd.s32 s1, s30  }
0xb9: {  	s0 =	sor.u32 s3, s0;
	s1 =	sshll.u32 s1, $0x11  }
0xba: {  	s0 =	sor.u32 s1, s0  }
0xbb: {  	s0 =	sadd.s32 $0x8F2B, s0  }
0xbc: {  	[sflag:s0] =	ssyncadd.remote.s32 $0x1  }
0xbd: {  	_ =	sfence.sel $0xFFFF  }
0xbe: {  	[dreg:$0x0] =	wrdreg $0xFFFFFFFF;
	(pc) =	sbr.abs _section_cstart, $3  }
0xbf: {  	[dreg:$0x1] =	wrdreg $0xFFFFFFFF  }
0xc0: {  	_ =	task.clear_ibuf [dreg:s6], $0x2FFFF;
	_ =	strace $0x9FFFFFFF  }
0xc1: {  	(tm) =	ssettm $0x7FFFFFFF  }
tec
execute0_lowered:
.L_overlay_start_1:
0x0: {  	(tag) =	ssettag $0x1  }
0x1: {  	s1 =	srdreg.scid  }
0x2: {  	s0 =	stileid.u32;
	s4 =	rddreg [dreg:$0x0]  }
0x3: {  	s10 =	simm.s32 $0x2800;
	s11 =	simm.s32 $0x5000;
	s12 =	simm.s32 $0x7800  }
0x4: {  	s13 =	simm.s32 $0xA000;
	s14 =	simm.s32 $0x80;
	s15 =	simm.s32 $0x400  }
0x5: {  	s16 =	simm.s32 $0x0;
	s3 =	sand.u32 $0x1, s1;
	s2 =	sshll.u32 s0, $0x1  }
0x6: {  	s1 =	rddreg [dreg:$0x1];
	s7 =	sshrl.u32 s0, $0x2;
	s5 =	sor.u32 s3, s2  }
0x7: {  	s2 =	simm.s32 $0x0;
	s7 =	smul.u32 $0x14000, s7;
	s31 =	ssub.s32 $0x2, s3  }
0x8: {  	s3 =	sadd.s32 $0x21200, s4;
	s6 =	smul.u32 $0x500, s5;
	s5 =	sshll.u32 s5, $0x7  }
0x9: {  	[smem:$0x7FF] =	sst s2;
	s8 =	sshrl.u32 s31, $0x1;
	s5 =	sand.u32 $0x380, s5  }
0xa: {  	_ =	strace $0x8000004D;
	s8 =	ssub.s32 s31, s8;
	s5 =	sor.u32 s7, s5  }
0xb: {  	s6 =	sadd.s32 s6, s4;
	s8 =	smax.u32 s8, $0x1;
	s5 =	sshrl.u32 s5, $0x3  }
0xc: {  	s9 =	sadd.s32 s5, s4;
	s4 =	sadd.s32 $0x17200, s6;
	s5 =	sadd.s32 $0xD200, s6  }
0xd: {  	v0 =	vimm.f32 $0.0e+00;
	s6 =	sadd.s32 $0x3200, s6;
	s7 =	sadd.s32 $0x21800, s9;
	s9 =	simm.s32 $0x1  }
.LBB2_1:
0xe: {  	[tilespmem:s2], [sflag:$0x1] =	stream.linear.gather [hbm4b:s4+s2], $0x2800, $0x38;
	[tilespmem:$0xC800] =	vst v63  }
0xf: {  	_ =	swait.ge [sflag:s9], $0x2800  }
0x10: {  	[sflag:s9] =	ssyncset.done $0x0  }
0x11: {  	[sflag:s9] =	ssyncadd.s32 $0xFFFFD800  }
0x12: {  	[tilespmem:s10], [sflag:$0x1] =	stream.linear.gather [hbm4b:s5+s2], $0x2800, $0x38;
	[tilespmem:$0xC800] =	vst v63  }
0x13: {  	_ =	swait.ge [sflag:s9], $0x2800  }
0x14: {  	[sflag:s9] =	ssyncset.done $0x0  }
0x15: {  	[sflag:s9] =	ssyncadd.s32 $0xFFFFD800  }
0x16: {  	[tilespmem:s11], [sflag:$0x1] =	stream.linear.gather [hbm4b:s6+s2], $0x2800, $0x38;
	[tilespmem:$0xC800] =	vst v63  }
0x17: {  	_ =	swait.ge [sflag:s9], $0x2800  }
0x18: {  	[sflag:s9] =	ssyncset.done $0x0  }
0x19: {  	[sflag:s9] =	ssyncadd.s32 $0xFFFFD800  }
0x1a: {  	[tilespmem:s12], [sflag:$0x1] =	stream.linear.gather [hbm4b:s3+s2], $0x2800, $0x38;
	[tilespmem:$0xC800] =	vst v63  }
0x1b: {  	_ =	swait.ge [sflag:s9], $0x2800  }
0x1c: {  	[sflag:s9] =	ssyncset.done $0x0  }
0x1d: {  	s17 =	simm.s32 $0x0;
	[sflag:s9] =	ssyncadd.s32 $0xFFFFD800  }
.LBB2_2:
0x1e: {  	p0 =	sne.s32 s17, $0x9FC0  }
.Ltmp0:
0x1f: {  	_ = 	snop;
	(pc) =	sbr.rel @p0 .LBB2_2-.Ltmp0, $3  }
0x20: {  	_ =	sdelay $0x1  }
0x21: {  	s18 =	sshra.s32 s17, $0x2  }
0x22: {  	s17 =	sadd.s32 $0x40, s17;
	[tilespmem:s18+$0xA000] =	vst v0  }
0x23: {  	s17 =	simm.s32 $0x0  }
.LBB2_4:
0x24: {  	s18 =	sshra.s32 s17, $0x2  }
0x25: {  	v1 =	vld [tilespmem:s18+$0x0];
	_ =	sdelay $0x5  }
0x26: {  	v2 =	vld [tilespmem:s18+$0x2800]  }
0x27: {  	v3 =	vld [tilespmem:s18+$0x5000]  }
0x28: {  	v1 =	vld.idx.msk [tilespmem:v1+s12+$0x0], $0xffff;
	_ =	sdelay $0x4  }
0x29: {  	v1 =	vmul.f32 v3, v1;
	_ =	sdelay $0x1  }
0x2a: {  	[tilespmem:v2+s13+$0x0] =	vst.idx.add.f32.msk $0xffff, v1  }
0x2b: {  	v1 =	vld [tilespmem:s18+$0x10];
	_ =	sdelay $0x5  }
0x2c: {  	v2 =	vld [tilespmem:s18+$0x2810]  }
0x2d: {  	v3 =	vld [tilespmem:s18+$0x5010]  }
0x2e: {  	v1 =	vld.idx.msk [tilespmem:v1+s12+$0x0], $0xffff;
	_ =	sdelay $0x4  }
0x2f: {  	v1 =	vmul.f32 v3, v1;
	_ =	sdelay $0x1  }
0x30: {  	[tilespmem:v2+s13+$0x0] =	vst.idx.add.f32.msk $0xffff, v1  }
0x31: {  	v1 =	vld [tilespmem:s18+$0x20];
	_ =	sdelay $0x5  }
0x32: {  	v2 =	vld [tilespmem:s18+$0x2820]  }
0x33: {  	v3 =	vld [tilespmem:s18+$0x5020]  }
0x34: {  	v1 =	vld.idx.msk [tilespmem:v1+s12+$0x0], $0xffff;
	_ =	sdelay $0x4  }
0x35: {  	v1 =	vmul.f32 v3, v1;
	_ =	sdelay $0x1  }
0x36: {  	[tilespmem:v2+s13+$0x0] =	vst.idx.add.f32.msk $0xffff, v1  }
0x37: {  	v1 =	vld [tilespmem:s18+$0x30];
	_ =	sdelay $0x5  }
0x38: {  	v2 =	vld [tilespmem:s18+$0x2830]  }
0x39: {  	v3 =	vld [tilespmem:s18+$0x5030]  }
0x3a: {  	v1 =	vld.idx.msk [tilespmem:v1+s12+$0x0], $0xffff;
	_ =	sdelay $0x4  }
0x3b: {  	v1 =	vmul.f32 v3, v1;
	_ =	sdelay $0x1  }
0x3c: {  	[tilespmem:v2+s13+$0x0] =	vst.idx.add.f32.msk $0xffff, v1  }
0x3d: {  	v1 =	vld [tilespmem:s18+$0x40];
	_ =	sdelay $0x5  }
0x3e: {  	v2 =	vld [tilespmem:s18+$0x2840]  }
0x3f: {  	v3 =	vld [tilespmem:s18+$0x5040]  }
0x40: {  	v1 =	vld.idx.msk [tilespmem:v1+s12+$0x0], $0xffff;
	_ =	sdelay $0x4  }
0x41: {  	v1 =	vmul.f32 v3, v1;
	_ =	sdelay $0x1  }
0x42: {  	[tilespmem:v2+s13+$0x0] =	vst.idx.add.f32.msk $0xffff, v1  }
0x43: {  	v1 =	vld [tilespmem:s18+$0x50];
	_ =	sdelay $0x5  }
0x44: {  	v2 =	vld [tilespmem:s18+$0x2850]  }
0x45: {  	v3 =	vld [tilespmem:s18+$0x5050]  }
0x46: {  	v1 =	vld.idx.msk [tilespmem:v1+s12+$0x0], $0xffff;
	_ =	sdelay $0x4  }
0x47: {  	v1 =	vmul.f32 v3, v1;
	_ =	sdelay $0x1  }
0x48: {  	[tilespmem:v2+s13+$0x0] =	vst.idx.add.f32.msk $0xffff, v1  }
0x49: {  	v1 =	vld [tilespmem:s18+$0x60];
	_ =	sdelay $0x5  }
0x4a: {  	v2 =	vld [tilespmem:s18+$0x2860]  }
0x4b: {  	v3 =	vld [tilespmem:s18+$0x5060]  }
0x4c: {  	v1 =	vld.idx.msk [tilespmem:v1+s12+$0x0], $0xffff;
	_ =	sdelay $0x4  }
0x4d: {  	v1 =	vmul.f32 v3, v1;
	_ =	sdelay $0x1  }
0x4e: {  	[tilespmem:v2+s13+$0x0] =	vst.idx.add.f32.msk $0xffff, v1  }
0x4f: {  	v1 =	vld [tilespmem:s18+$0x70];
	_ =	sdelay $0x5  }
0x50: {  	v2 =	vld [tilespmem:s18+$0x2870]  }
0x51: {  	v3 =	vld [tilespmem:s18+$0x5070]  }
0x52: {  	v1 =	vld.idx.msk [tilespmem:v1+s12+$0x0], $0xffff;
	_ =	sdelay $0x1  }
0x53: {  	p0 =	sne.s32 s17, $0x9E00  }
.Ltmp1:
0x54: {  	_ = 	snop;
	(pc) =	sbr.rel @p0 .LBB2_4-.Ltmp1, $3  }
0x55: {  	_ = 	snop  }
0x56: {  	v1 =	vmul.f32 v3, v1;
	_ =	sdelay $0x1  }
0x57: {  	s17 =	sadd.s32 $0x200, s17;
	[tilespmem:v2+s13+$0x0] =	vst.idx.add.f32.msk $0xffff, v1  }
0x58: {  	s16 =	sadd.s32 $0x1, s16  }
0x59: {  	p0 =	sne.s32 s16, s8  }
.Ltmp2:
0x5a: {  	_ = 	snop;
	(pc) =	sbr.rel @p0 .LBB2_1-.Ltmp2, $4  }
0x5b: {  	[hbm4b:s7+s14] =	stream.strided.scatter [tilespmem:s13], [sflag:$0x1], $0x2800, s15, s14, $0x38;
	[tilespmem:$0xC800] =	vst v63  }
0x5c: {  	_ =	swait.ge [sflag:s9], $0x2800  }
0x5d: {  	[sflag:s9] =	ssyncset.done $0x0  }
0x5e: {  	[sflag:s9] =	ssyncadd.s32 $0xFFFFD800  }
0x5f: {  	_ =	sfence.sel $0x180000  }
0x60: {  	[bflag:$0x0] =	sbarrier.arrive $0xFFFF  }
0x61: {  	p0 =	sne.s32 s0, $0x0;
	_ =	strace $0x9000004D  }
0x62: {  	s0 =	sadd.s32 @!p0 $0x100000, s1;
	[bflag:$0x2] =	sbarrier.arrive $0xFFFF  }
0x63: {  	[sflag:s0] =	ssyncadd.tile.s32 @!p0 $0x1;
	_ =	shalt  }
.Lfunc_end2:
_tile_overlayer_lowered:
.L_overlay_start_2:
0x64: {  	(tag) =	ssettag $0x2  }
0x65: {  	s0 =	rddreg [dreg:$0x0];
	s2 =	stileid.u32  }
0x66: {  	s1 =	rddreg [dreg:$0x1];
	p0 =	sne.s32 s2, $0x0  }
0x67: {  	s3 =	rddreg [dreg:$0x2];
	[bflag:$0x3] =	sbarrier.arrive $0xFFFF;
	s2 =	simm.s32 @!p0 $0x1C01  }
0x68: {  	[timem:s3], [sflag:s2] =	dma.local @!p0 [hbm:s0], s1  }
0x69: {  	s0 =	simm.s32 @!p0 $0x1  }
0x6a: {  	_ =	swait.ge @!p0 [sflag:s0], s1  }
0x6b: {  	s1 =	ssub.s32 @!p0 $0x0, s1;
	[sflag:s0] =	ssyncset.done @!p0 $0x0  }
0x6c: {  	[sflag:s0] =	ssyncadd.s32 @!p0 s1  }
0x6d: {  	[bflag:$0x3] =	sbarrier.arrive $0xFFFF  }
0x6e: {  	_ =	shalt  }

// kernel: kernel.8.cloned.1.call-start
scs
__scs_entry_jumppad:
0x0: {  	(pc) =	sbr.rel $0x88, $3  }
0x1: {  	(tag) =	ssettag $0x0;
	lr =	simm.s32 $0x1  }
0x2: {  	[smem:$0x3F96] =	sst lr;
	_ =	strace $0xD0000000  }
0x3: {  	_ = 	snop  }
0x4: {  	_ = 	snop  }
0x5: {  	_ = 	snop  }
0x6: {  	_ = 	snop  }
0x7: {  	_ = 	snop  }
__scs_overlays_trampoline_lowered:
0x8: {  	[smem:$0x3FA5] =	sst s0  }
0x9: {  	[smem:$0x3FA6] =	sst s1  }
0xa: {  	[smem:$0x3FA7] =	sst s2  }
0xb: {  	[smem:$0x3FA8] =	sst s3  }
0xc: {  	[smem:$0x3FA9] =	sst s4  }
0xd: {  	[smem:$0x3FAA] =	sst s5  }
0xe: {  	[smem:$0x3FAB] =	sst s6  }
0xf: {  	[smem:$0x3FAC] =	sst s7  }
0x10: {  	[smem:$0x3FAD] =	sst s8  }
0x11: {  	[smem:$0x3FAE] =	sst s9;
	s0 =	simm.s32 @!p0 $0x0  }
0x12: {  	s1 =	sld [smem:$0x3F94];
	s0 =	simm.s32 @p0 $0x1  }
0x13: {  	[smem:$0x3FAF] =	sst s0;
	s0 =	simm.s32 @!p1 $0x0  }
0x14: {  	s2 =	sld [smem:$0x3F93];
	s0 =	simm.s32 @p1 $0x1  }
0x15: {  	[smem:$0x3FB0] =	sst s0;
	s0 =	simm.s32 @!p2 $0x0  }
0x16: {  	s3 =	sld [smem:$0x3FDB];
	s0 =	simm.s32 @p2 $0x1  }
0x17: {  	s4 =	simm.s32 $0x1BF5;
	[smem:$0x3FB2] =	sst s0  }
0x18: {  	s0 =	sld [smem:$0x3F95];
	_ =	swait.ge [sflag:s4], $0x0  }
0x19: {  	s7 =	sld [smem:$0x3F96]  }
0x1a: {  	s8 =	sadd.s32 $0xFFFFE003, lr  }
0x1b: {  	s9 =	sadd.s32 $0xFFFFFEF7, lr;
	s5 =	simm.s32 $0xFFFFFFFF;
	p2 =	slt.u32 s8, $0xFFFFF086  }
0x1c: {  	p1 =	slt.u32 s9, $0xF7A;
	s5 =	simm.s32 @!p2 $0x0  }
0x1d: {  	s5 =	simm.s32 @p1 $0x1;
	p0 =	seq.s32 s7, s2  }
0x1e: {  	s7 =	smul.u32 @!p0 $0xF7A, s2;
	p2 =	seq.s32 @!p0 s5, $0x0  }
0x1f: {  	s9 =	smul.u32 $0xF7A, s1;
	s8 =	simm.s32 @!p0 $0x1BF5;
	p2 =	por !p2, p0  }
0x20: {  	[sflag:s8] =	ssyncset.s32 @!p0 $0xFFFFF086;
	s6 =	sadd.s32 @!p0 s3, s7;
	s7 =	simm.s32 @!p0 $0x108  }
0x21: {  	s3 =	sadd.s32 s3, s9;
	s6 =	sadd.s32 @!p0 $0x88, s6;
	s7 =	simm.s32 @p2 $0x1082  }
0x22: {  	[simem:s7], [sflag:s8] =	dma.local @!p0 [hbm:s6], $0xF7A  }
0x23: {  	s9 =	sor.u32 $0xD0000000, s2;
	s6 =	simm.s32 $0x108;
	_ =	swait.ge @!p0 [sflag:s8], $0x0  }
0x24: {  	s3 =	sadd.s32 $0x88, s3;
	s6 =	simm.s32 @!p1 $0x1082;
	[sflag:s4] =	ssyncset.s32 $0xFFFFF086  }
0x25: {  	[simem:s6], [sflag:s4] =	dma.local [hbm:s3], $0xF7A  }
0x26: {  	[smem:$0x3F96] =	sst s1;
	(tag) =	ssettag s2;
	_ =	strace s9  }
0x27: {  	s1 =	sld [smem:$0x3FA6]  }
0x28: {  	s2 =	sld [smem:$0x3FA7]  }
0x29: {  	s4 =	sld [smem:$0x3FA9]  }
0x2a: {  	p0 =	seq.s32 s5, $0x0;
	s5 =	sld [smem:$0x3FAA]  }
0x2b: {  	s6 =	sld [smem:$0x3FAB]  }
0x2c: {  	s7 =	sld [smem:$0x3FAC]  }
0x2d: {  	s3 =	simm.s32 $0x108;
	s8 =	sld [smem:$0x3FAD]  }
0x2e: {  	s3 =	simm.s32 @!p0 $0x1082;
	s9 =	sld [smem:$0x3FAE]  }
0x2f: {  	lr =	sadd.s32 s0, s3;
	s0 =	sld [smem:$0x3FA5]  }
0x30: {  	s3 =	sld [smem:$0x3FA8]  }
0x31: {  	[smem:$0x3FB1] =	sst s10  }
0x32: {  	s10 =	sld [smem:$0x3FAF];
	_ =	sdelay $0x3  }
0x33: {  	p0 =	seq.s32 s10, $0x1;
	s10 =	sld [smem:$0x3FB1];
	_ =	sdelay $0x3  }
0x34: {  	[smem:$0x3FB1] =	sst s10  }
0x35: {  	s10 =	sld [smem:$0x3FB0];
	_ =	sdelay $0x3  }
0x36: {  	p1 =	seq.s32 s10, $0x1;
	s10 =	sld [smem:$0x3FB1];
	_ =	sdelay $0x3  }
0x37: {  	[smem:$0x3FB1] =	sst s10  }
0x38: {  	s10 =	sld [smem:$0x3FB2]  }
0x39: {  	_ = 	snop;
	(pc) =	sbr.ind lr, $3  }
0x3a: {  	_ = 	snop  }
0x3b: {  	_ = 	snop  }
0x3c: {  	p2 =	seq.s32 s10, $0x1;
	s10 =	sld [smem:$0x3FB1]  }
0x3d: {  	_ =	shalt  }
0x3e: {  	_ =	shalt  }
0x3f: {  	_ =	shalt  }
0x40: {  	_ =	shalt  }
0x41: {  	_ =	shalt  }
0x42: {  	_ =	shalt  }
0x43: {  	_ =	shalt  }
0x44: {  	_ =	shalt  }
0x45: {  	_ =	shalt  }
0x46: {  	_ =	shalt  }
0x47: {  	_ =	shalt  }
0x48: {  	_ =	shalt  }
0x49: {  	_ =	shalt  }
0x4a: {  	_ =	shalt  }
0x4b: {  	_ =	shalt  }
0x4c: {  	_ =	shalt  }
0x4d: {  	_ =	shalt  }
0x4e: {  	_ =	shalt  }
0x4f: {  	_ =	shalt  }
0x50: {  	_ =	shalt  }
0x51: {  	_ =	shalt  }
0x52: {  	_ =	shalt  }
0x53: {  	_ =	shalt  }
0x54: {  	_ =	shalt  }
0x55: {  	_ =	shalt  }
0x56: {  	_ =	shalt  }
0x57: {  	_ =	shalt  }
0x58: {  	_ =	shalt  }
0x59: {  	_ =	shalt  }
0x5a: {  	_ =	shalt  }
0x5b: {  	_ =	shalt  }
0x5c: {  	_ =	shalt  }
0x5d: {  	_ =	shalt  }
0x5e: {  	_ =	shalt  }
0x5f: {  	_ =	shalt  }
0x60: {  	_ =	shalt  }
0x61: {  	_ =	shalt  }
0x62: {  	_ =	shalt  }
0x63: {  	_ =	shalt  }
0x64: {  	_ =	shalt  }
0x65: {  	_ =	shalt  }
0x66: {  	_ =	shalt  }
0x67: {  	_ =	shalt  }
0x68: {  	_ =	shalt  }
0x69: {  	_ =	shalt  }
0x6a: {  	_ =	shalt  }
0x6b: {  	_ =	shalt  }
0x6c: {  	_ =	shalt  }
0x6d: {  	_ =	shalt  }
0x6e: {  	_ =	shalt  }
0x6f: {  	_ =	shalt  }
0x70: {  	_ =	shalt  }
0x71: {  	_ =	shalt  }
0x72: {  	_ =	shalt  }
0x73: {  	_ =	shalt  }
0x74: {  	_ =	shalt  }
0x75: {  	_ =	shalt  }
0x76: {  	_ =	shalt  }
0x77: {  	_ =	shalt  }
0x78: {  	_ =	shalt  }
0x79: {  	_ =	shalt  }
0x7a: {  	_ =	shalt  }
0x7b: {  	_ =	shalt  }
0x7c: {  	_ =	shalt  }
0x7d: {  	_ =	shalt  }
0x7e: {  	_ =	shalt  }
0x7f: {  	_ =	shalt  }
0x80: {  	_ =	shalt  }
0x81: {  	_ =	shalt  }
0x82: {  	_ =	shalt  }
0x83: {  	_ =	shalt  }
0x84: {  	_ =	shalt  }
0x85: {  	_ =	shalt  }
0x86: {  	_ =	shalt  }
0x87: {  	_ =	shalt  }
.Lfunc_end0:
.L_simem_size_0:
called_computation_lowered:
.L_overlay_start_0:
0x88: {  	s2 =	sld [smem:$0x3FD9]  }
0x89: {  	s3 =	sld [smem:$0x3FFE];
	_ =	sdelay $0x1  }
0x8a: {  	s1 =	srdreg.scid  }
0x8b: {  	s0 =	sand.u32 $0x1, s1  }
0x8c: {  	s16 =	sshll.u32 s0, $0xA;
	s2 =	sadd.s32 s3, s2  }
0x8d: {  	s2 =	sadd.s32 s2, s16  }
0x8e: {  	[smem:$0x3FBD] =	sst s2  }
0x8f: {  	_ = 	snop  }
0x90: {  	(tm) =	ssettm $0x1  }
0x91: {  	s17 =	sld [smem:$0x3FFB];
	_ =	sdelay $0x3  }
0x92: {  	_ =	strace s17  }
0x93: {  	s2 =	sld [smem:$0x3FFC];
	_ =	sdelay $0x3  }
0x94: {  	_ =	strace s2  }
0x95: {  	s2 =	sld [smem:$0x3FFD];
	_ =	sdelay $0x3  }
0x96: {  	_ =	strace s2  }
0x97: {  	_ =	strace $0x8FFFFFFF  }
0x98: {  	s18 =	sld [smem:$0x3FDB];
	_ =	sdelay $0x1  }
0x99: {  	s19 =	simm.s32 $_scs_section_size  }
0x9a: {  	s4 =	simm.s32 $_size__tile_overlayer_lowered;
	s5 =	simm.s32 $_tile_overlayer_lowered  }
0x9b: {  	s22 =	simm.s32 $0x1BFF;
	s21 =	sshll.u32 s5, $0x1;
	s2 =	sadd.s32 s19, s18  }
0x9c: {  	s6 =	simm.s32 $0x0;
	s20 =	sshll.u32 s4, $0x1;
	s4 =	sadd.s32 s21, s2  }
0x9d: {  	[timem:s6], [sflag:s22] =	dma.local [hbm:s4], s20  }
0x9e: {  	_ =	swait.ge [sflag:s22], s20  }
0x9f: {  	s3 =	ssub.s32 $0x0, s20;
	[sflag:s22] =	ssyncset.done $0x0  }
0xa0: {  	[sflag:s22] =	ssyncadd.s32 s3;
	_ =	sdelay $0x1  }
0xa1: {  	s23 =	simm.s32 $0x1B8B  }
0xa2: {  	_ =	swait.ge [sflag:s23], $0x1  }
0xa3: {  	[sflag:s23] =	ssyncset.done $0x0  }
0xa4: {  	s25 =	simm.s32 $0x1B8E;
	s24 =	sld [smem:$0x3FFE];
	[sflag:s23] =	ssyncadd.s32 $0xFFFFFFFF  }
0xa5: {  	s26 =	simm.s32 $execute0_lowered;
	[smem:$0x3FD2] =	sst s25  }
0xa6: {  	s4 =	sshll.u32 s26, $0x1;
	_ =	strace $0x80000046;
	[dreg:$0x1] =	wrdreg $0xFFFFFFFF  }
0xa7: {  	s28 =	simm.s32 $_size_execute0_lowered;
	s2 =	sadd.s32 s2, s4;
	[dreg:$0x0] =	wrdreg $0x0  }
0xa8: {  	s4 =	sshll.u32 s28, $0x1;
	[dreg:$0x2] =	wrdreg s2  }
0xa9: {  	[dreg:$0x3] =	wrdreg s4  }
0xaa: {  	[dreg:$0x4] =	wrdreg $0xC0  }
0xab: {  	_ =	task [dreg:s6], $0x5FFFF  }
0xac: {  	[dreg:$0x1] =	wrdreg $0xFFFFFFFF  }
0xad: {  	[dreg:$0x0] =	wrdreg $0x60  }
0xae: {  	[dreg:$0x2] =	wrdreg s24  }
0xaf: {  	[dreg:$0x3] =	wrdreg $0x9  }
0xb0: {  	_ =	task.clear_ibuf [dreg:s6], $0x4FFFF;
	_ =	strace $0x90000046  }
0xb1: {  	s29 =	simm.s32 $0x9;
	_ =	strace $0x80000048  }
0xb2: {  	_ =	swait.ge [sflag:s29], $0x1  }
0xb3: {  	[sflag:s29] =	ssyncadd.s32 $0xFFFFFFFF  }
0xb4: {  	_ =	strace $0x90000048  }
0xb5: {  	_ =	sfence  }
0xb6: {  	s30 =	sld [smem:$0x0];
	_ =	sdelay $0x2  }
0xb7: {  	s31 =	sshll.u32 s1, $0xD;
	s1 =	sshrl.u32 s1, $0x2  }
0xb8: {  	s3 =	sand.u32 $0x4000, s31;
	s1 =	sadd.s32 s1, s30  }
0xb9: {  	s0 =	sor.u32 s3, s0;
	s1 =	sshll.u32 s1, $0x11  }
0xba: {  	s0 =	sor.u32 s1, s0  }
0xbb: {  	s0 =	sadd.s32 $0x8F2B, s0  }
0xbc: {  	[sflag:s0] =	ssyncadd.remote.s32 $0x1  }
0xbd: {  	_ =	sfence.sel $0xFFFF  }
0xbe: {  	[dreg:$0x0] =	wrdreg $0xFFFFFFFF;
	(pc) =	sbr.abs _section_cstart, $3  }
0xbf: {  	[dreg:$0x1] =	wrdreg $0xFFFFFFFF  }
0xc0: {  	_ =	task.clear_ibuf [dreg:s6], $0x2FFFF;
	_ =	strace $0x9FFFFFFF  }
0xc1: {  	(tm) =	ssettm $0x7FFFFFFF  }
tec
execute0_lowered:
.L_overlay_start_1:
0x0: {  	(tag) =	ssettag $0x1  }
0x1: {  	s1 =	srdreg.scid;
	s0 =	stileid.u32  }
0x2: {  	s3 =	rddreg [dreg:$0x0];
	s8 =	simm.s32 $0x2800;
	s9 =	simm.s32 $0x5000  }
0x3: {  	s10 =	simm.s32 $0x80;
	s11 =	simm.s32 $0x400;
	s12 =	simm.s32 $0x0  }
0x4: {  	s4 =	sand.u32 $0x1, s1;
	s2 =	sshll.u32 s0, $0x1;
	s1 =	rddreg [dreg:$0x1]  }
0x5: {  	s6 =	sshrl.u32 s0, $0x2;
	s5 =	sor.u32 s4, s2;
	s2 =	simm.s32 $0x0  }
0x6: {  	s6 =	smul.u32 $0x14000, s6;
	s4 =	ssub.s32 $0x2, s4;
	s7 =	sshll.u32 s5, $0x7  }
0x7: {  	[smem:$0x7FF] =	sst s2;
	s5 =	smul.u32 $0x500, s5;
	s7 =	sand.u32 $0x380, s7  }
0x8: {  	s31 =	sshrl.u32 s4, $0x1;
	_ =	strace $0x80000047;
	s6 =	sor.u32 s6, s7  }
0x9: {  	s5 =	sadd.s32 s5, s3;
	s7 =	ssub.s32 s4, s31;
	s6 =	sshrl.u32 s6, $0x3  }
0xa: {  	s4 =	sadd.s32 $0x3200, s5;
	s6 =	sadd.s32 s6, s3;
	s3 =	sadd.s32 $0xD200, s5  }
0xb: {  	v0 =	vimm.f32 $0.0e+00;
	s5 =	sadd.s32 $0x21200, s6;
	s6 =	smax.u32 s7, $0x1;
	s7 =	simm.s32 $0x1  }
.LBB2_1:
0xc: {  	[tilespmem:s2], [sflag:$0x1] =	stream.linear.gather [hbm4b:s3+s2], $0x2800, $0x38;
	[tilespmem:$0x7800] =	vst v63  }
0xd: {  	_ =	swait.ge [sflag:s7], $0x2800  }
0xe: {  	[sflag:s7] =	ssyncset.done $0x0  }
0xf: {  	[sflag:s7] =	ssyncadd.s32 $0xFFFFD800  }
0x10: {  	[tilespmem:s8], [sflag:$0x1] =	stream.linear.gather [hbm4b:s4+s2], $0x2800, $0x38;
	[tilespmem:$0x7800] =	vst v63  }
0x11: {  	_ =	swait.ge [sflag:s7], $0x2800  }
0x12: {  	[sflag:s7] =	ssyncset.done $0x0  }
0x13: {  	s13 =	simm.s32 $0x0;
	[sflag:s7] =	ssyncadd.s32 $0xFFFFD800  }
.LBB2_2:
0x14: {  	p0 =	sne.s32 s13, $0x9FC0  }
.Ltmp0:
0x15: {  	_ = 	snop;
	(pc) =	sbr.rel @p0 .LBB2_2-.Ltmp0, $3  }
0x16: {  	_ =	sdelay $0x1  }
0x17: {  	s14 =	sshra.s32 s13, $0x2  }
0x18: {  	s13 =	sadd.s32 $0x40, s13;
	[tilespmem:s14+$0x5000] =	vst v0  }
0x19: {  	s13 =	simm.s32 $0x0  }
.LBB2_4:
0x1a: {  	s14 =	sshra.s32 s13, $0x2  }
0x1b: {  	v1 =	vld [tilespmem:s14+$0x0];
	_ =	sdelay $0x2  }
0x1c: {  	v2 =	vld [tilespmem:s14+$0x2800];
	_ =	sdelay $0x4  }
0x1d: {  	[tilespmem:v1+s9+$0x0] =	vst.idx.add.f32.msk $0xffff, v2  }
0x1e: {  	v1 =	vld [tilespmem:s14+$0x10];
	_ =	sdelay $0x2  }
0x1f: {  	v2 =	vld [tilespmem:s14+$0x2810];
	_ =	sdelay $0x4  }
0x20: {  	[tilespmem:v1+s9+$0x0] =	vst.idx.add.f32.msk $0xffff, v2  }
0x21: {  	v1 =	vld [tilespmem:s14+$0x20];
	_ =	sdelay $0x2  }
0x22: {  	v2 =	vld [tilespmem:s14+$0x2820];
	_ =	sdelay $0x4  }
0x23: {  	[tilespmem:v1+s9+$0x0] =	vst.idx.add.f32.msk $0xffff, v2  }
0x24: {  	v1 =	vld [tilespmem:s14+$0x30];
	_ =	sdelay $0x2  }
0x25: {  	v2 =	vld [tilespmem:s14+$0x2830];
	_ =	sdelay $0x4  }
0x26: {  	[tilespmem:v1+s9+$0x0] =	vst.idx.add.f32.msk $0xffff, v2  }
0x27: {  	v1 =	vld [tilespmem:s14+$0x40];
	_ =	sdelay $0x2  }
0x28: {  	v2 =	vld [tilespmem:s14+$0x2840];
	_ =	sdelay $0x4  }
0x29: {  	[tilespmem:v1+s9+$0x0] =	vst.idx.add.f32.msk $0xffff, v2  }
0x2a: {  	v1 =	vld [tilespmem:s14+$0x50];
	_ =	sdelay $0x2  }
0x2b: {  	v2 =	vld [tilespmem:s14+$0x2850];
	_ =	sdelay $0x4  }
0x2c: {  	[tilespmem:v1+s9+$0x0] =	vst.idx.add.f32.msk $0xffff, v2  }
0x2d: {  	v1 =	vld [tilespmem:s14+$0x60];
	_ =	sdelay $0x2  }
0x2e: {  	v2 =	vld [tilespmem:s14+$0x2860];
	_ =	sdelay $0x4  }
0x2f: {  	[tilespmem:v1+s9+$0x0] =	vst.idx.add.f32.msk $0xffff, v2  }
0x30: {  	v1 =	vld [tilespmem:s14+$0x70];
	_ =	sdelay $0x2  }
0x31: {  	p0 =	sne.s32 s13, $0x9E00;
	v2 =	vld [tilespmem:s14+$0x2870]  }
.Ltmp1:
0x32: {  	_ = 	snop;
	(pc) =	sbr.rel @p0 .LBB2_4-.Ltmp1, $2  }
0x33: {  	_ =	sdelay $0x2  }
0x34: {  	s13 =	sadd.s32 $0x200, s13;
	[tilespmem:v1+s9+$0x0] =	vst.idx.add.f32.msk $0xffff, v2  }
0x35: {  	s12 =	sadd.s32 $0x1, s12  }
0x36: {  	p0 =	sne.s32 s12, s6  }
.Ltmp2:
0x37: {  	_ = 	snop;
	(pc) =	sbr.rel @p0 .LBB2_1-.Ltmp2, $4  }
0x38: {  	[hbm4b:s5+s10] =	stream.strided.scatter [tilespmem:s9], [sflag:$0x1], $0x2800, s11, s10, $0x38;
	[tilespmem:$0x7800] =	vst v63  }
0x39: {  	_ =	swait.ge [sflag:s7], $0x2800  }
0x3a: {  	[sflag:s7] =	ssyncset.done $0x0  }
0x3b: {  	[sflag:s7] =	ssyncadd.s32 $0xFFFFD800  }
0x3c: {  	_ =	sfence.sel $0x180000  }
0x3d: {  	[bflag:$0x0] =	sbarrier.arrive $0xFFFF  }
0x3e: {  	p0 =	sne.s32 s0, $0x0;
	_ =	strace $0x90000047  }
0x3f: {  	s0 =	sadd.s32 @!p0 $0x100000, s1;
	[bflag:$0x2] =	sbarrier.arrive $0xFFFF  }
0x40: {  	[sflag:s0] =	ssyncadd.tile.s32 @!p0 $0x1;
	_ =	shalt  }
.Lfunc_end2:
_tile_overlayer_lowered:
.L_overlay_start_2:
0x41: {  	(tag) =	ssettag $0x2  }
0x42: {  	s0 =	rddreg [dreg:$0x0];
	s2 =	stileid.u32  }
0x43: {  	s1 =	rddreg [dreg:$0x1];
	p0 =	sne.s32 s2, $0x0  }
0x44: {  	s3 =	rddreg [dreg:$0x2];
	[bflag:$0x3] =	sbarrier.arrive $0xFFFF;
	s2 =	simm.s32 @!p0 $0x1C01  }
0x45: {  	[timem:s3], [sflag:s2] =	dma.local @!p0 [hbm:s0], s1  }
0x46: {  	s0 =	simm.s32 @!p0 $0x1  }
0x47: {  	_ =	swait.ge @!p0 [sflag:s0], s1  }
0x48: {  	s1 =	ssub.s32 @!p0 $0x0, s1;
	[sflag:s0] =	ssyncset.done @!p0 $0x0  }
0x49: {  	[sflag:s0] =	ssyncadd.s32 @!p0 s1  }
0x4a: {  	[bflag:$0x3] =	sbarrier.arrive $0xFFFF  }
0x4b: {  	_ =	shalt  }

</sc_bundles>
